<compile_context>
chip_gen: v7x
topology: tpu7x:2x2x1
jax: 0.10.2.dev20260603
libtpu: 0.0.44.dev20260713+nightly
codegen_flags: <defaults>
</compile_context>

<pallas_src>
import functools

import jax
import jax.numpy as jnp
from jax import lax
from jax.experimental import pallas as pl
from jax.experimental.pallas import tpu as pltpu
from jax.experimental.pallas import tpu_sc as plsc

_NC = 2
_NS = 16
_NW = _NC * _NS
_K = 91
_ROWS = 64 * 900
_RPW = _ROWS // _NW
_CHUNK = 360
_NCHUNK = _RPW // _CHUNK
_NGROUP = (_CHUNK + 15) // 16
_THRESH = 0.3


def _body(lg, bx, wv, hv, out,
          lb0, lb1, bb0, bb1, ob0, ob1, wbuf, hbuf,
          sl0, sl1, sb0, sb1, so0, so1):
  wid = lax.axis_index("s") * _NC + lax.axis_index("c")
  row0 = wid * _RPW

  pltpu.sync_copy(wv, wbuf)
  pltpu.sync_copy(hv, hbuf)
  w_vec = wbuf[...]
  h_vec = hbuf[...]

  lbufs = [lb0, lb1]
  bbufs = [bb0, bb1]
  obufs = [ob0, ob1]
  lsems = [sl0, sl1]
  bsems = [sb0, sb1]
  osems = [so0, so1]

  def start_in(c):
    base = row0 + c * _CHUNK
    b = c % 2
    lcp = pltpu.async_copy(lg.at[pl.ds(base * _K, _CHUNK * _K)], lbufs[b],
                           lsems[b])
    bcp = pltpu.async_copy(bx.at[pl.ds(base * 4, _CHUNK * 4)], bbufs[b],
                           bsems[b])
    return (lcp, bcp)

  def compute(c):
    b = c % 2
    lb, bb, ob = lbufs[b], bbufs[b], obufs[b]

    def group(g, carry):
      base16 = jnp.minimum(g * 16, _CHUNK - 16)
      ridx = base16 + lax.iota(jnp.int32, 16)
      fidx = ridx * _K

      strands = []
      for s in range(4):
        cs = list(range(s, _K, 4))
        bv = plsc.load_gather(lb, [fidx + cs[0]])
        bi = jnp.full((16,), cs[0], jnp.int32)
        for ci in cs[1:]:
          v = plsc.load_gather(lb, [fidx + ci])
          upd = v > bv
          bv = jnp.where(upd, v, bv)
          bi = jnp.where(upd, ci, bi)
        strands.append((bv, bi))

      def comb(a, c2):
        va, ia = a
        vc, ic = c2
        upd = (vc > va) | ((vc == va) & (ic < ia))
        return jnp.where(upd, vc, va), jnp.where(upd, ic, ia)

      best, bidx = comb(comb(strands[0], strands[1]),
                        comb(strands[2], strands[3]))

      score = 1.0 / (1.0 + jnp.exp(-best))
      keep = score >= _THRESH

      bxi = ridx * 4
      cx = plsc.load_gather(bb, [bxi])
      cy = plsc.load_gather(bb, [bxi + 1])
      w_ = plsc.load_gather(bb, [bxi + 2])
      h_ = plsc.load_gather(bb, [bxi + 3])
      x = (cx - 0.5 * w_) * w_vec
      y = (cy - 0.5 * h_) * h_vec
      wo = w_ * w_vec
      ho = h_ * h_vec

      zf = jnp.zeros((16,), jnp.float32)
      oidx = ridx * 6
      cols = (bidx.astype(jnp.float32), score, x, y, wo, ho)
      for j, val in enumerate(cols):
        plsc.store_scatter(ob, [oidx + j], jnp.where(keep, val, zf))
      return 0

    lax.fori_loop(0, _NGROUP, group, 0)

  incps = [None, None]
  outcps = [None, None]
  incps[0] = start_in(0)
  for c in range(_NCHUNK):
    b = c % 2
    for cp in incps[b]:
      cp.wait()
    if c + 1 < _NCHUNK:
      incps[(c + 1) % 2] = start_in(c + 1)
    if outcps[b] is not None:
      outcps[b].wait()
    compute(c)
    base = row0 + c * _CHUNK
    outcps[b] = pltpu.async_copy(obufs[b], out.at[pl.ds(base * 6, _CHUNK * 6)],
                                 osems[b])
  for cp in outcps:
    if cp is not None:
      cp.wait()


_mesh = plsc.VectorSubcoreMesh(core_axis_name="c", subcore_axis_name="s",
                               num_cores=_NC, num_subcores=_NS)

_sc_call = pl.kernel(
    _body,
    out_type=jax.ShapeDtypeStruct((_ROWS * 6,), jnp.float32),
    mesh=_mesh,
    scratch_types=[
        pltpu.VMEM((_CHUNK * _K,), jnp.float32),
        pltpu.VMEM((_CHUNK * _K,), jnp.float32),
        pltpu.VMEM((_CHUNK * 4,), jnp.float32),
        pltpu.VMEM((_CHUNK * 4,), jnp.float32),
        pltpu.VMEM((_CHUNK * 6,), jnp.float32),
        pltpu.VMEM((_CHUNK * 6,), jnp.float32),
        pltpu.VMEM((16,), jnp.float32),
        pltpu.VMEM((16,), jnp.float32),
        pltpu.SemaphoreType.DMA,
        pltpu.SemaphoreType.DMA,
        pltpu.SemaphoreType.DMA,
        pltpu.SemaphoreType.DMA,
        pltpu.SemaphoreType.DMA,
        pltpu.SemaphoreType.DMA,
    ],
    compiler_params=pltpu.CompilerParams(needs_layout_passes=False),
)


@jax.jit
def kernel(logits, boxes, original_sizes):
  n, q, k = logits.shape
  w = original_sizes[0, 1].astype(jnp.float32)
  h = original_sizes[0, 0].astype(jnp.float32)
  wv = jnp.broadcast_to(w, (16,))
  hv = jnp.broadcast_to(h, (16,))
  out = _sc_call(logits.reshape(n * q * k), boxes.reshape(n * q * 4), wv, hv)
  return out.reshape(n, q, 6)

# --- scband reference (transcript-rebuilt; emitter-appended) ---
"""Pipeline reference for scband-detrpost-processor-23510650978378 (READ-ONLY COPY).

The authoritative reference and input builder live on the scoring server;
editing this copy changes nothing except your own understanding.
"""

import jax, jax.numpy as jnp
import numpy as np

CONFIDENCE_THRESHOLD = 0.3


def setup_inputs(seed: int = 0) -> dict:
    key = jax.random.key(seed)
    k1, k2, k3 = jax.random.split(key, 3)
    logits = jax.random.normal(k1, (64, 900, 91), dtype=jnp.float32)
    boxes = jax.random.uniform(k2, (64, 900, 4), dtype=jnp.float32)
    original_sizes = jax.random.randint(k3, (64, 2), 0, 1280, dtype=jnp.int32)
    return {"logits": logits, "boxes": boxes, "original_sizes": original_sizes}


def reference(logits, boxes, original_sizes):
    # cxcywh -> xywh (top-left x, y, w, h)
    cxcy = boxes[..., :2]
    wh = boxes[..., 2:]
    boxes_xy = jnp.concatenate([cxcy - wh * 0.5, wh], -1)
    # Original torch code builds sizes_wh from original_sizes[0] only (first image),
    # layout (w, h) repeated -> (w, h, w, h). Faithful reproduction:
    w = original_sizes[0, 1].astype(boxes.dtype)
    h = original_sizes[0, 0].astype(boxes.dtype)
    sizes_wh = jnp.stack([w, h, w, h]).reshape(1, 1, 4)
    boxes_xy = boxes_xy * sizes_wh
    scores_all = jax.nn.sigmoid(logits)
    scores = scores_all.max(-1)
    labels = scores_all.argmax(-1)
    dets = jnp.concatenate(
        [labels[..., None].astype(boxes.dtype), scores[..., None], boxes_xy], -1
    )  # (N, Q, 6) = (class_id, score, x, y, w, h)
    # Padded-dense equivalent of the per-image variable-length list: rows whose
    # score is below the confidence threshold are zeroed out.
    mask = (scores >= CONFIDENCE_THRESHOLD)[..., None]
    detections = jnp.where(mask, dets, jnp.zeros_like(dets))
    return detections

if __name__ == "__main__":
    import jax
    _d = setup_inputs()
    print(jax.jit(kernel)(*tuple(_d.values())))

</pallas_src>

<mosaic_0001>
#map = affine_map<(d0, d1) -> (0)>
module attributes {stable_mosaic.version = 14 : i64} {
  func.func @_body(%arg0: i32, %arg1: i32, %arg2: memref<5241600xf32, #tpu.memory_space<hbm>>, %arg3: memref<230400xf32, #tpu.memory_space<hbm>>, %arg4: memref<16xf32, #tpu.memory_space<hbm>>, %arg5: memref<16xf32, #tpu.memory_space<hbm>>, %arg6: memref<345600xf32, #tpu.memory_space<hbm>>, %arg7: memref<32760xf32, #tpu.memory_space<vmem>>, %arg8: memref<32760xf32, #tpu.memory_space<vmem>>, %arg9: memref<1440xf32, #tpu.memory_space<vmem>>, %arg10: memref<1440xf32, #tpu.memory_space<vmem>>, %arg11: memref<2160xf32, #tpu.memory_space<vmem>>, %arg12: memref<2160xf32, #tpu.memory_space<vmem>>, %arg13: memref<16xf32, #tpu.memory_space<vmem>>, %arg14: memref<16xf32, #tpu.memory_space<vmem>>, %arg15: memref<!tpu.dma_semaphore, #tpu.memory_space<semaphore_mem>>, %arg16: memref<!tpu.dma_semaphore, #tpu.memory_space<semaphore_mem>>, %arg17: memref<!tpu.dma_semaphore, #tpu.memory_space<semaphore_mem>>, %arg18: memref<!tpu.dma_semaphore, #tpu.memory_space<semaphore_mem>>, %arg19: memref<!tpu.dma_semaphore, #tpu.memory_space<semaphore_mem>>, %arg20: memref<!tpu.dma_semaphore, #tpu.memory_space<semaphore_mem>>) attributes {dimension_semantics = [#tpu.dimension_semantics<core_parallel>, #tpu.dimension_semantics<subcore_parallel>], iteration_bounds = array<i64: 2, 16>, scalar_prefetch = 0 : i64, scratch_operands = 14 : i64, tpu.core_type = #tpu.core_type<sc_vector_subcore>, window_params = [{transform_indices = #map}, {transform_indices = #map}, {transform_indices = #map}, {transform_indices = #map}, {transform_indices = #map}]} {
    %mul3A = arith.constant 2 : i32
    %mul3A_0 = arith.muli %arg1, %mul3A : i32
    %add3A = arith.addi %mul3A_0, %arg0 : i32
    %mul3A_1 = arith.constant 1800 : i32
    %mul3A_2 = arith.muli %add3A, %mul3A_1 : i32
    "tpu.region"() ({
      %run_scoped3A = tpu.sem_alloc : memref<!tpu.dma_semaphore, #tpu.memory_space<semaphore_mem>>
      tpu.enqueue_dma source(%arg4 : memref<16xf32, #tpu.memory_space<hbm>>) target(%arg13 : memref<16xf32, #tpu.memory_space<vmem>>) target_semaphore(%run_scoped3A : memref<!tpu.dma_semaphore, #tpu.memory_space<semaphore_mem>>)
      tpu.wait_dma2 semaphore(%run_scoped3A : memref<!tpu.dma_semaphore, #tpu.memory_space<semaphore_mem>>) src(%arg4 : memref<16xf32, #tpu.memory_space<hbm>>) dst(%arg13 : memref<16xf32, #tpu.memory_space<vmem>>)
      tpu.yield
    }) : () -> ()
    "tpu.region"() ({
      %run_scoped3A = tpu.sem_alloc : memref<!tpu.dma_semaphore, #tpu.memory_space<semaphore_mem>>
      tpu.enqueue_dma source(%arg5 : memref<16xf32, #tpu.memory_space<hbm>>) target(%arg14 : memref<16xf32, #tpu.memory_space<vmem>>) target_semaphore(%run_scoped3A : memref<!tpu.dma_semaphore, #tpu.memory_space<semaphore_mem>>)
      tpu.wait_dma2 semaphore(%run_scoped3A : memref<!tpu.dma_semaphore, #tpu.memory_space<semaphore_mem>>) src(%arg5 : memref<16xf32, #tpu.memory_space<hbm>>) dst(%arg14 : memref<16xf32, #tpu.memory_space<vmem>>)
      tpu.yield
    }) : () -> ()
    %get3A = arith.constant 0 : index
    %get3A_3 = tpu.vector_load %arg13[%get3A] {strides = array<i32>} : memref<16xf32, #tpu.memory_space<vmem>>, vector<16xf32>,
    %get3A_4 = arith.constant 0 : index
    %get3A_5 = tpu.vector_load %arg14[%get3A_4] {strides = array<i32>} : memref<16xf32, #tpu.memory_space<vmem>>, vector<16xf32>,
    %add3A_6 = arith.constant 0 : i32
    %add3A_7 = arith.addi %mul3A_2, %add3A_6 : i32
    %mul3A_8 = arith.constant 91 : i32
    %mul3A_9 = arith.muli %add3A_7, %mul3A_8 : i32
    %dma_start3A = tpu.memref_slice %arg2[%mul3A_9] : memref<5241600xf32, #tpu.memory_space<hbm>> -> memref<32760xf32, #tpu.memory_space<hbm>>
    %dma_start3A_10 = tpu.memref_slice %arg2[%mul3A_9] : memref<5241600xf32, #tpu.memory_space<hbm>> -> memref<32760xf32, #tpu.memory_space<hbm>>
    tpu.enqueue_dma source(%dma_start3A_10 : memref<32760xf32, #tpu.memory_space<hbm>>) target(%arg7 : memref<32760xf32, #tpu.memory_space<vmem>>) target_semaphore(%arg15 : memref<!tpu.dma_semaphore, #tpu.memory_space<semaphore_mem>>)
    %mul3A_11 = arith.constant 4 : i32
    %mul3A_12 = arith.muli %add3A_7, %mul3A_11 : i32
    %dma_start3A_13 = tpu.memref_slice %arg3[%mul3A_12] : memref<230400xf32, #tpu.memory_space<hbm>> -> memref<1440xf32, #tpu.memory_space<hbm>>
    %dma_start3A_14 = tpu.memref_slice %arg3[%mul3A_12] : memref<230400xf32, #tpu.memory_space<hbm>> -> memref<1440xf32, #tpu.memory_space<hbm>>
    tpu.enqueue_dma source(%dma_start3A_14 : memref<1440xf32, #tpu.memory_space<hbm>>) target(%arg9 : memref<1440xf32, #tpu.memory_space<vmem>>) target_semaphore(%arg17 : memref<!tpu.dma_semaphore, #tpu.memory_space<semaphore_mem>>)
    %dma_wait3A = tpu.memref_slice %arg2[%mul3A_9] : memref<5241600xf32, #tpu.memory_space<hbm>> -> memref<32760xf32, #tpu.memory_space<hbm>>
    %dma_wait3A_15 = tpu.memref_slice %arg2[%mul3A_9] : memref<5241600xf32, #tpu.memory_space<hbm>> -> memref<32760xf32, #tpu.memory_space<hbm>>
    tpu.wait_dma2 semaphore(%arg15 : memref<!tpu.dma_semaphore, #tpu.memory_space<semaphore_mem>>) src(%dma_wait3A_15 : memref<32760xf32, #tpu.memory_space<hbm>>) dst(%arg7 : memref<32760xf32, #tpu.memory_space<vmem>>)
    %dma_wait3A_16 = tpu.memref_slice %arg3[%mul3A_12] : memref<230400xf32, #tpu.memory_space<hbm>> -> memref<1440xf32, #tpu.memory_space<hbm>>
    %dma_wait3A_17 = tpu.memref_slice %arg3[%mul3A_12] : memref<230400xf32, #tpu.memory_space<hbm>> -> memref<1440xf32, #tpu.memory_space<hbm>>
    tpu.wait_dma2 semaphore(%arg17 : memref<!tpu.dma_semaphore, #tpu.memory_space<semaphore_mem>>) src(%dma_wait3A_17 : memref<1440xf32, #tpu.memory_space<hbm>>) dst(%arg9 : memref<1440xf32, #tpu.memory_space<vmem>>)
    %add3A_18 = arith.constant 360 : i32
    %add3A_19 = arith.addi %mul3A_2, %add3A_18 : i32
    %mul3A_20 = arith.constant 91 : i32
    %mul3A_21 = arith.muli %add3A_19, %mul3A_20 : i32
    %dma_start3A_22 = tpu.memref_slice %arg2[%mul3A_21] : memref<5241600xf32, #tpu.memory_space<hbm>> -> memref<32760xf32, #tpu.memory_space<hbm>>
    %dma_start3A_23 = tpu.memref_slice %arg2[%mul3A_21] : memref<5241600xf32, #tpu.memory_space<hbm>> -> memref<32760xf32, #tpu.memory_space<hbm>>
    tpu.enqueue_dma source(%dma_start3A_23 : memref<32760xf32, #tpu.memory_space<hbm>>) target(%arg8 : memref<32760xf32, #tpu.memory_space<vmem>>) target_semaphore(%arg16 : memref<!tpu.dma_semaphore, #tpu.memory_space<semaphore_mem>>)
    %mul3A_24 = arith.constant 4 : i32
    %mul3A_25 = arith.muli %add3A_19, %mul3A_24 : i32
    %dma_start3A_26 = tpu.memref_slice %arg3[%mul3A_25] : memref<230400xf32, #tpu.memory_space<hbm>> -> memref<1440xf32, #tpu.memory_space<hbm>>
    %dma_start3A_27 = tpu.memref_slice %arg3[%mul3A_25] : memref<230400xf32, #tpu.memory_space<hbm>> -> memref<1440xf32, #tpu.memory_space<hbm>>
    tpu.enqueue_dma source(%dma_start3A_27 : memref<1440xf32, #tpu.memory_space<hbm>>) target(%arg10 : memref<1440xf32, #tpu.memory_space<vmem>>) target_semaphore(%arg18 : memref<!tpu.dma_semaphore, #tpu.memory_space<semaphore_mem>>)
    %scan3A = arith.constant 0 : i32
    %scan3A_28 = arith.constant 0 : i32
    %scan3A_29 = arith.constant 23 : i32
    %scan3A_30 = arith.addi %scan3A_28, %scan3A_29 : i32
    %scan3A_31 = arith.constant 1 : i32
    %scan3A_32 = scf.for %scan3A_148 = %scan3A_28 to %scan3A_30 step %scan3A_31 iter_args(%scan3A_149 = %scan3A) -> (i32)  : i32 {
      %mul3A_150 = arith.constant 16 : i32
      %mul3A_151 = arith.muli %scan3A_148, %mul3A_150 : i32
      %min3A = arith.constant 344 : i32
      %min3A_152 = arith.minsi %mul3A_151, %min3A : i32
      %iota3A = tpu.iota {dimensions = array<i32: 0>} : vector<16xi32>
      %add3A_153 = vector.broadcast %min3A_152 : i32 to vector<16xi32>
      %add3A_154 = arith.addi %add3A_153, %iota3A : vector<16xi32>
      %mul3A_155 = arith.constant 91 : i32
      %mul3A_156 = vector.broadcast %mul3A_155 : i32 to vector<16xi32>
      %mul3A_157 = arith.muli %add3A_154, %mul3A_156 : vector<16xi32>
      %add3A_158 = arith.constant 0 : i32
      %add3A_159 = vector.broadcast %add3A_158 : i32 to vector<16xi32>
      %add3A_160 = arith.addi %mul3A_157, %add3A_159 : vector<16xi32>
      %gather3A = tpu.vector_load_idx %arg7[%add3A_160] : memref<32760xf32, #tpu.memory_space<vmem>>[vector<16xi32>], vector<16xf32>,
      %broadcast_in_dim3A = arith.constant 0 : i32
      %broadcast_in_dim3A_161 = vector.broadcast %broadcast_in_dim3A : i32 to vector<16xi32>
      %add3A_162 = arith.constant 4 : i32
      %add3A_163 = vector.broadcast %add3A_162 : i32 to vector<16xi32>
      %add3A_164 = arith.addi %mul3A_157, %add3A_163 : vector<16xi32>
      %gather3A_165 = tpu.vector_load_idx %arg7[%add3A_164] : memref<32760xf32, #tpu.memory_space<vmem>>[vector<16xi32>], vector<16xf32>,
      %gt3A = arith.cmpf ogt, %gather3A_165, %gather3A : vector<16xf32>
      %select_n3A = arith.select %gt3A, %gather3A_165, %gather3A : vector<16xi1>, vector<16xf32>
      %jit3A = arith.constant 4 : i32
      %broadcast_in_dim3A_166 = vector.broadcast %jit3A : i32 to vector<16xi32>
      %select_n3A_167 = arith.select %gt3A, %broadcast_in_dim3A_166, %broadcast_in_dim3A_161 : vector<16xi1>, vector<16xi32>
      %add3A_168 = arith.constant 8 : i32
      %add3A_169 = vector.broadcast %add3A_168 : i32 to vector<16xi32>
      %add3A_170 = arith.addi %mul3A_157, %add3A_169 : vector<16xi32>
      %gather3A_171 = tpu.vector_load_idx %arg7[%add3A_170] : memref<32760xf32, #tpu.memory_space<vmem>>[vector<16xi32>], vector<16xf32>,
      %gt3A_172 = arith.cmpf ogt, %gather3A_171, %select_n3A : vector<16xf32>
      %select_n3A_173 = arith.select %gt3A_172, %gather3A_171, %select_n3A : vector<16xi1>, vector<16xf32>
      %jit3A_174 = arith.constant 8 : i32
      %broadcast_in_dim3A_175 = vector.broadcast %jit3A_174 : i32 to vector<16xi32>
      %select_n3A_176 = arith.select %gt3A_172, %broadcast_in_dim3A_175, %select_n3A_167 : vector<16xi1>, vector<16xi32>
      %add3A_177 = arith.constant 12 : i32
      %add3A_178 = vector.broadcast %add3A_177 : i32 to vector<16xi32>
      %add3A_179 = arith.addi %mul3A_157, %add3A_178 : vector<16xi32>
      %gather3A_180 = tpu.vector_load_idx %arg7[%add3A_179] : memref<32760xf32, #tpu.memory_space<vmem>>[vector<16xi32>], vector<16xf32>,
      %gt3A_181 = arith.cmpf ogt, %gather3A_180, %select_n3A_173 : vector<16xf32>
      %select_n3A_182 = arith.select %gt3A_181, %gather3A_180, %select_n3A_173 : vector<16xi1>, vector<16xf32>
      %jit3A_183 = arith.constant 12 : i32
      %broadcast_in_dim3A_184 = vector.broadcast %jit3A_183 : i32 to vector<16xi32>
      %select_n3A_185 = arith.select %gt3A_181, %broadcast_in_dim3A_184, %select_n3A_176 : vector<16xi1>, vector<16xi32>
      %add3A_186 = arith.constant 16 : i32
      %add3A_187 = vector.broadcast %add3A_186 : i32 to vector<16xi32>
      %add3A_188 = arith.addi %mul3A_157, %add3A_187 : vector<16xi32>
      %gather3A_189 = tpu.vector_load_idx %arg7[%add3A_188] : memref<32760xf32, #tpu.memory_space<vmem>>[vector<16xi32>], vector<16xf32>,
      %gt3A_190 = arith.cmpf ogt, %gather3A_189, %select_n3A_182 : vector<16xf32>
      %select_n3A_191 = arith.select %gt3A_190, %gather3A_189, %select_n3A_182 : vector<16xi1>, vector<16xf32>
      %jit3A_192 = arith.constant 16 : i32
      %broadcast_in_dim3A_193 = vector.broadcast %jit3A_192 : i32 to vector<16xi32>
      %select_n3A_194 = arith.select %gt3A_190, %broadcast_in_dim3A_193, %select_n3A_185 : vector<16xi1>, vector<16xi32>
      %add3A_195 = arith.constant 20 : i32
      %add3A_196 = vector.broadcast %add3A_195 : i32 to vector<16xi32>
      %add3A_197 = arith.addi %mul3A_157, %add3A_196 : vector<16xi32>
      %gather3A_198 = tpu.vector_load_idx %arg7[%add3A_197] : memref<32760xf32, #tpu.memory_space<vmem>>[vector<16xi32>], vector<16xf32>,
      %gt3A_199 = arith.cmpf ogt, %gather3A_198, %select_n3A_191 : vector<16xf32>
      %select_n3A_200 = arith.select %gt3A_199, %gather3A_198, %select_n3A_191 : vector<16xi1>, vector<16xf32>
      %jit3A_201 = arith.constant 20 : i32
      %broadcast_in_dim3A_202 = vector.broadcast %jit3A_201 : i32 to vector<16xi32>
      %select_n3A_203 = arith.select %gt3A_199, %broadcast_in_dim3A_202, %select_n3A_194 : vector<16xi1>, vector<16xi32>
      %add3A_204 = arith.constant 24 : i32
      %add3A_205 = vector.broadcast %add3A_204 : i32 to vector<16xi32>
      %add3A_206 = arith.addi %mul3A_157, %add3A_205 : vector<16xi32>
      %gather3A_207 = tpu.vector_load_idx %arg7[%add3A_206] : memref<32760xf32, #tpu.memory_space<vmem>>[vector<16xi32>], vector<16xf32>,
      %gt3A_208 = arith.cmpf ogt, %gather3A_207, %select_n3A_200 : vector<16xf32>
      %select_n3A_209 = arith.select %gt3A_208, %gather3A_207, %select_n3A_200 : vector<16xi1>, vector<16xf32>
      %jit3A_210 = arith.constant 24 : i32
      %broadcast_in_dim3A_211 = vector.broadcast %jit3A_210 : i32 to vector<16xi32>
      %select_n3A_212 = arith.select %gt3A_208, %broadcast_in_dim3A_211, %select_n3A_203 : vector<16xi1>, vector<16xi32>
      %add3A_213 = arith.constant 28 : i32
      %add3A_214 = vector.broadcast %add3A_213 : i32 to vector<16xi32>
      %add3A_215 = arith.addi %mul3A_157, %add3A_214 : vector<16xi32>
      %gather3A_216 = tpu.vector_load_idx %arg7[%add3A_215] : memref<32760xf32, #tpu.memory_space<vmem>>[vector<16xi32>], vector<16xf32>,
      %gt3A_217 = arith.cmpf ogt, %gather3A_216, %select_n3A_209 : vector<16xf32>
      %select_n3A_218 = arith.select %gt3A_217, %gather3A_216, %select_n3A_209 : vector<16xi1>, vector<16xf32>
      %jit3A_219 = arith.constant 28 : i32
      %broadcast_in_dim3A_220 = vector.broadcast %jit3A_219 : i32 to vector<16xi32>
      %select_n3A_221 = arith.select %gt3A_217, %broadcast_in_dim3A_220, %select_n3A_212 : vector<16xi1>, vector<16xi32>
      %add3A_222 = arith.constant 32 : i32
      %add3A_223 = vector.broadcast %add3A_222 : i32 to vector<16xi32>
      %add3A_224 = arith.addi %mul3A_157, %add3A_223 : vector<16xi32>
      %gather3A_225 = tpu.vector_load_idx %arg7[%add3A_224] : memref<32760xf32, #tpu.memory_space<vmem>>[vector<16xi32>], vector<16xf32>,
      %gt3A_226 = arith.cmpf ogt, %gather3A_225, %select_n3A_218 : vector<16xf32>
      %select_n3A_227 = arith.select %gt3A_226, %gather3A_225, %select_n3A_218 : vector<16xi1>, vector<16xf32>
      %jit3A_228 = arith.constant 32 : i32
      %broadcast_in_dim3A_229 = vector.broadcast %jit3A_228 : i32 to vector<16xi32>
      %select_n3A_230 = arith.select %gt3A_226, %broadcast_in_dim3A_229, %select_n3A_221 : vector<16xi1>, vector<16xi32>
      %add3A_231 = arith.constant 36 : i32
      %add3A_232 = vector.broadcast %add3A_231 : i32 to vector<16xi32>
      %add3A_233 = arith.addi %mul3A_157, %add3A_232 : vector<16xi32>
      %gather3A_234 = tpu.vector_load_idx %arg7[%add3A_233] : memref<32760xf32, #tpu.memory_space<vmem>>[vector<16xi32>], vector<16xf32>,
      %gt3A_235 = arith.cmpf ogt, %gather3A_234, %select_n3A_227 : vector<16xf32>
      %select_n3A_236 = arith.select %gt3A_235, %gather3A_234, %select_n3A_227 : vector<16xi1>, vector<16xf32>
      %jit3A_237 = arith.constant 36 : i32
      %broadcast_in_dim3A_238 = vector.broadcast %jit3A_237 : i32 to vector<16xi32>
      %select_n3A_239 = arith.select %gt3A_235, %broadcast_in_dim3A_238, %select_n3A_230 : vector<16xi1>, vector<16xi32>
      %add3A_240 = arith.constant 40 : i32
      %add3A_241 = vector.broadcast %add3A_240 : i32 to vector<16xi32>
      %add3A_242 = arith.addi %mul3A_157, %add3A_241 : vector<16xi32>
      %gather3A_243 = tpu.vector_load_idx %arg7[%add3A_242] : memref<32760xf32, #tpu.memory_space<vmem>>[vector<16xi32>], vector<16xf32>,
      %gt3A_244 = arith.cmpf ogt, %gather3A_243, %select_n3A_236 : vector<16xf32>
      %select_n3A_245 = arith.select %gt3A_244, %gather3A_243, %select_n3A_236 : vector<16xi1>, vector<16xf32>
      %jit3A_246 = arith.constant 40 : i32
      %broadcast_in_dim3A_247 = vector.broadcast %jit3A_246 : i32 to vector<16xi32>
      %select_n3A_248 = arith.select %gt3A_244, %broadcast_in_dim3A_247, %select_n3A_239 : vector<16xi1>, vector<16xi32>
      %add3A_249 = arith.constant 44 : i32
      %add3A_250 = vector.broadcast %add3A_249 : i32 to vector<16xi32>
      %add3A_251 = arith.addi %mul3A_157, %add3A_250 : vector<16xi32>
      %gather3A_252 = tpu.vector_load_idx %arg7[%add3A_251] : memref<32760xf32, #tpu.memory_space<vmem>>[vector<16xi32>], vector<16xf32>,
      %gt3A_253 = arith.cmpf ogt, %gather3A_252, %select_n3A_245 : vector<16xf32>
      %select_n3A_254 = arith.select %gt3A_253, %gather3A_252, %select_n3A_245 : vector<16xi1>, vector<16xf32>
      %jit3A_255 = arith.constant 44 : i32
      %broadcast_in_dim3A_256 = vector.broadcast %jit3A_255 : i32 to vector<16xi32>
      %select_n3A_257 = arith.select %gt3A_253, %broadcast_in_dim3A_256, %select_n3A_248 : vector<16xi1>, vector<16xi32>
      %add3A_258 = arith.constant 48 : i32
      %add3A_259 = vector.broadcast %add3A_258 : i32 to vector<16xi32>
      %add3A_260 = arith.addi %mul3A_157, %add3A_259 : vector<16xi32>
      %gather3A_261 = tpu.vector_load_idx %arg7[%add3A_260] : memref<32760xf32, #tpu.memory_space<vmem>>[vector<16xi32>], vector<16xf32>,
      %gt3A_262 = arith.cmpf ogt, %gather3A_261, %select_n3A_254 : vector<16xf32>
      %select_n3A_263 = arith.select %gt3A_262, %gather3A_261, %select_n3A_254 : vector<16xi1>, vector<16xf32>
      %jit3A_264 = arith.constant 48 : i32
      %broadcast_in_dim3A_265 = vector.broadcast %jit3A_264 : i32 to vector<16xi32>
      %select_n3A_266 = arith.select %gt3A_262, %broadcast_in_dim3A_265, %select_n3A_257 : vector<16xi1>, vector<16xi32>
      %add3A_267 = arith.constant 52 : i32
      %add3A_268 = vector.broadcast %add3A_267 : i32 to vector<16xi32>
      %add3A_269 = arith.addi %mul3A_157, %add3A_268 : vector<16xi32>
      %gather3A_270 = tpu.vector_load_idx %arg7[%add3A_269] : memref<32760xf32, #tpu.memory_space<vmem>>[vector<16xi32>], vector<16xf32>,
      %gt3A_271 = arith.cmpf ogt, %gather3A_270, %select_n3A_263 : vector<16xf32>
      %select_n3A_272 = arith.select %gt3A_271, %gather3A_270, %select_n3A_263 : vector<16xi1>, vector<16xf32>
      %jit3A_273 = arith.constant 52 : i32
      %broadcast_in_dim3A_274 = vector.broadcast %jit3A_273 : i32 to vector<16xi32>
      %select_n3A_275 = arith.select %gt3A_271, %broadcast_in_dim3A_274, %select_n3A_266 : vector<16xi1>, vector<16xi32>
      %add3A_276 = arith.constant 56 : i32
      %add3A_277 = vector.broadcast %add3A_276 : i32 to vector<16xi32>
      %add3A_278 = arith.addi %mul3A_157, %add3A_277 : vector<16xi32>
      %gather3A_279 = tpu.vector_load_idx %arg7[%add3A_278] : memref<32760xf32, #tpu.memory_space<vmem>>[vector<16xi32>], vector<16xf32>,
      %gt3A_280 = arith.cmpf ogt, %gather3A_279, %select_n3A_272 : vector<16xf32>
      %select_n3A_281 = arith.select %gt3A_280, %gather3A_279, %select_n3A_272 : vector<16xi1>, vector<16xf32>
      %jit3A_282 = arith.constant 56 : i32
      %broadcast_in_dim3A_283 = vector.broadcast %jit3A_282 : i32 to vector<16xi32>
      %select_n3A_284 = arith.select %gt3A_280, %broadcast_in_dim3A_283, %select_n3A_275 : vector<16xi1>, vector<16xi32>
      %add3A_285 = arith.constant 60 : i32
      %add3A_286 = vector.broadcast %add3A_285 : i32 to vector<16xi32>
      %add3A_287 = arith.addi %mul3A_157, %add3A_286 : vector<16xi32>
      %gather3A_288 = tpu.vector_load_idx %arg7[%add3A_287] : memref<32760xf32, #tpu.memory_space<vmem>>[vector<16xi32>], vector<16xf32>,
      %gt3A_289 = arith.cmpf ogt, %gather3A_288, %select_n3A_281 : vector<16xf32>
      %select_n3A_290 = arith.select %gt3A_289, %gather3A_288, %select_n3A_281 : vector<16xi1>, vector<16xf32>
      %jit3A_291 = arith.constant 60 : i32
      %broadcast_in_dim3A_292 = vector.broadcast %jit3A_291 : i32 to vector<16xi32>
      %select_n3A_293 = arith.select %gt3A_289, %broadcast_in_dim3A_292, %select_n3A_284 : vector<16xi1>, vector<16xi32>
      %add3A_294 = arith.constant 64 : i32
      %add3A_295 = vector.broadcast %add3A_294 : i32 to vector<16xi32>
      %add3A_296 = arith.addi %mul3A_157, %add3A_295 : vector<16xi32>
      %gather3A_297 = tpu.vector_load_idx %arg7[%add3A_296] : memref<32760xf32, #tpu.memory_space<vmem>>[vector<16xi32>], vector<16xf32>,
      %gt3A_298 = arith.cmpf ogt, %gather3A_297, %select_n3A_290 : vector<16xf32>
      %select_n3A_299 = arith.select %gt3A_298, %gather3A_297, %select_n3A_290 : vector<16xi1>, vector<16xf32>
      %jit3A_300 = arith.constant 64 : i32
      %broadcast_in_dim3A_301 = vector.broadcast %jit3A_300 : i32 to vector<16xi32>
      %select_n3A_302 = arith.select %gt3A_298, %broadcast_in_dim3A_301, %select_n3A_293 : vector<16xi1>, vector<16xi32>
      %add3A_303 = arith.constant 68 : i32
      %add3A_304 = vector.broadcast %add3A_303 : i32 to vector<16xi32>
      %add3A_305 = arith.addi %mul3A_157, %add3A_304 : vector<16xi32>
      %gather3A_306 = tpu.vector_load_idx %arg7[%add3A_305] : memref<32760xf32, #tpu.memory_space<vmem>>[vector<16xi32>], vector<16xf32>,
      %gt3A_307 = arith.cmpf ogt, %gather3A_306, %select_n3A_299 : vector<16xf32>
      %select_n3A_308 = arith.select %gt3A_307, %gather3A_306, %select_n3A_299 : vector<16xi1>, vector<16xf32>
      %jit3A_309 = arith.constant 68 : i32
      %broadcast_in_dim3A_310 = vector.broadcast %jit3A_309 : i32 to vector<16xi32>
      %select_n3A_311 = arith.select %gt3A_307, %broadcast_in_dim3A_310, %select_n3A_302 : vector<16xi1>, vector<16xi32>
      %add3A_312 = arith.constant 72 : i32
      %add3A_313 = vector.broadcast %add3A_312 : i32 to vector<16xi32>
      %add3A_314 = arith.addi %mul3A_157, %add3A_313 : vector<16xi32>
      %gather3A_315 = tpu.vector_load_idx %arg7[%add3A_314] : memref<32760xf32, #tpu.memory_space<vmem>>[vector<16xi32>], vector<16xf32>,
      %gt3A_316 = arith.cmpf ogt, %gather3A_315, %select_n3A_308 : vector<16xf32>
      %select_n3A_317 = arith.select %gt3A_316, %gather3A_315, %select_n3A_308 : vector<16xi1>, vector<16xf32>
      %jit3A_318 = arith.constant 72 : i32
      %broadcast_in_dim3A_319 = vector.broadcast %jit3A_318 : i32 to vector<16xi32>
      %select_n3A_320 = arith.select %gt3A_316, %broadcast_in_dim3A_319, %select_n3A_311 : vector<16xi1>, vector<16xi32>
      %add3A_321 = arith.constant 76 : i32
      %add3A_322 = vector.broadcast %add3A_321 : i32 to vector<16xi32>
      %add3A_323 = arith.addi %mul3A_157, %add3A_322 : vector<16xi32>
      %gather3A_324 = tpu.vector_load_idx %arg7[%add3A_323] : memref<32760xf32, #tpu.memory_space<vmem>>[vector<16xi32>], vector<16xf32>,
      %gt3A_325 = arith.cmpf ogt, %gather3A_324, %select_n3A_317 : vector<16xf32>
      %select_n3A_326 = arith.select %gt3A_325, %gather3A_324, %select_n3A_317 : vector<16xi1>, vector<16xf32>
      %jit3A_327 = arith.constant 76 : i32
      %broadcast_in_dim3A_328 = vector.broadcast %jit3A_327 : i32 to vector<16xi32>
      %select_n3A_329 = arith.select %gt3A_325, %broadcast_in_dim3A_328, %select_n3A_320 : vector<16xi1>, vector<16xi32>
      %add3A_330 = arith.constant 80 : i32
      %add3A_331 = vector.broadcast %add3A_330 : i32 to vector<16xi32>
      %add3A_332 = arith.addi %mul3A_157, %add3A_331 : vector<16xi32>
      %gather3A_333 = tpu.vector_load_idx %arg7[%add3A_332] : memref<32760xf32, #tpu.memory_space<vmem>>[vector<16xi32>], vector<16xf32>,
      %gt3A_334 = arith.cmpf ogt, %gather3A_333, %select_n3A_326 : vector<16xf32>
      %select_n3A_335 = arith.select %gt3A_334, %gather3A_333, %select_n3A_326 : vector<16xi1>, vector<16xf32>
      %jit3A_336 = arith.constant 80 : i32
      %broadcast_in_dim3A_337 = vector.broadcast %jit3A_336 : i32 to vector<16xi32>
      %select_n3A_338 = arith.select %gt3A_334, %broadcast_in_dim3A_337, %select_n3A_329 : vector<16xi1>, vector<16xi32>
      %add3A_339 = arith.constant 84 : i32
      %add3A_340 = vector.broadcast %add3A_339 : i32 to vector<16xi32>
      %add3A_341 = arith.addi %mul3A_157, %add3A_340 : vector<16xi32>
      %gather3A_342 = tpu.vector_load_idx %arg7[%add3A_341] : memref<32760xf32, #tpu.memory_space<vmem>>[vector<16xi32>], vector<16xf32>,
      %gt3A_343 = arith.cmpf ogt, %gather3A_342, %select_n3A_335 : vector<16xf32>
      %select_n3A_344 = arith.select %gt3A_343, %gather3A_342, %select_n3A_335 : vector<16xi1>, vector<16xf32>
      %jit3A_345 = arith.constant 84 : i32
      %broadcast_in_dim3A_346 = vector.broadcast %jit3A_345 : i32 to vector<16xi32>
      %select_n3A_347 = arith.select %gt3A_343, %broadcast_in_dim3A_346, %select_n3A_338 : vector<16xi1>, vector<16xi32>
      %add3A_348 = arith.constant 88 : i32
      %add3A_349 = vector.broadcast %add3A_348 : i32 to vector<16xi32>
      %add3A_350 = arith.addi %mul3A_157, %add3A_349 : vector<16xi32>
      %gather3A_351 = tpu.vector_load_idx %arg7[%add3A_350] : memref<32760xf32, #tpu.memory_space<vmem>>[vector<16xi32>], vector<16xf32>,
      %gt3A_352 = arith.cmpf ogt, %gather3A_351, %select_n3A_344 : vector<16xf32>
      %select_n3A_353 = arith.select %gt3A_352, %gather3A_351, %select_n3A_344 : vector<16xi1>, vector<16xf32>
      %jit3A_354 = arith.constant 88 : i32
      %broadcast_in_dim3A_355 = vector.broadcast %jit3A_354 : i32 to vector<16xi32>
      %select_n3A_356 = arith.select %gt3A_352, %broadcast_in_dim3A_355, %select_n3A_347 : vector<16xi1>, vector<16xi32>
      %add3A_357 = arith.constant 1 : i32
      %add3A_358 = vector.broadcast %add3A_357 : i32 to vector<16xi32>
      %add3A_359 = arith.addi %mul3A_157, %add3A_358 : vector<16xi32>
      %gather3A_360 = tpu.vector_load_idx %arg7[%add3A_359] : memref<32760xf32, #tpu.memory_space<vmem>>[vector<16xi32>], vector<16xf32>,
      %broadcast_in_dim3A_361 = arith.constant 1 : i32
      %broadcast_in_dim3A_362 = vector.broadcast %broadcast_in_dim3A_361 : i32 to vector<16xi32>
      %add3A_363 = arith.constant 5 : i32
      %add3A_364 = vector.broadcast %add3A_363 : i32 to vector<16xi32>
      %add3A_365 = arith.addi %mul3A_157, %add3A_364 : vector<16xi32>
      %gather3A_366 = tpu.vector_load_idx %arg7[%add3A_365] : memref<32760xf32, #tpu.memory_space<vmem>>[vector<16xi32>], vector<16xf32>,
      %gt3A_367 = arith.cmpf ogt, %gather3A_366, %gather3A_360 : vector<16xf32>
      %select_n3A_368 = arith.select %gt3A_367, %gather3A_366, %gather3A_360 : vector<16xi1>, vector<16xf32>
      %jit3A_369 = arith.constant 5 : i32
      %broadcast_in_dim3A_370 = vector.broadcast %jit3A_369 : i32 to vector<16xi32>
      %select_n3A_371 = arith.select %gt3A_367, %broadcast_in_dim3A_370, %broadcast_in_dim3A_362 : vector<16xi1>, vector<16xi32>
      %add3A_372 = arith.constant 9 : i32
      %add3A_373 = vector.broadcast %add3A_372 : i32 to vector<16xi32>
      %add3A_374 = arith.addi %mul3A_157, %add3A_373 : vector<16xi32>
      %gather3A_375 = tpu.vector_load_idx %arg7[%add3A_374] : memref<32760xf32, #tpu.memory_space<vmem>>[vector<16xi32>], vector<16xf32>,
      %gt3A_376 = arith.cmpf ogt, %gather3A_375, %select_n3A_368 : vector<16xf32>
      %select_n3A_377 = arith.select %gt3A_376, %gather3A_375, %select_n3A_368 : vector<16xi1>, vector<16xf32>
      %jit3A_378 = arith.constant 9 : i32
      %broadcast_in_dim3A_379 = vector.broadcast %jit3A_378 : i32 to vector<16xi32>
      %select_n3A_380 = arith.select %gt3A_376, %broadcast_in_dim3A_379, %select_n3A_371 : vector<16xi1>, vector<16xi32>
      %add3A_381 = arith.constant 13 : i32
      %add3A_382 = vector.broadcast %add3A_381 : i32 to vector<16xi32>
      %add3A_383 = arith.addi %mul3A_157, %add3A_382 : vector<16xi32>
      %gather3A_384 = tpu.vector_load_idx %arg7[%add3A_383] : memref<32760xf32, #tpu.memory_space<vmem>>[vector<16xi32>], vector<16xf32>,
      %gt3A_385 = arith.cmpf ogt, %gather3A_384, %select_n3A_377 : vector<16xf32>
      %select_n3A_386 = arith.select %gt3A_385, %gather3A_384, %select_n3A_377 : vector<16xi1>, vector<16xf32>
      %jit3A_387 = arith.constant 13 : i32
      %broadcast_in_dim3A_388 = vector.broadcast %jit3A_387 : i32 to vector<16xi32>
      %select_n3A_389 = arith.select %gt3A_385, %broadcast_in_dim3A_388, %select_n3A_380 : vector<16xi1>, vector<16xi32>
      %add3A_390 = arith.constant 17 : i32
      %add3A_391 = vector.broadcast %add3A_390 : i32 to vector<16xi32>
      %add3A_392 = arith.addi %mul3A_157, %add3A_391 : vector<16xi32>
      %gather3A_393 = tpu.vector_load_idx %arg7[%add3A_392] : memref<32760xf32, #tpu.memory_space<vmem>>[vector<16xi32>], vector<16xf32>,
      %gt3A_394 = arith.cmpf ogt, %gather3A_393, %select_n3A_386 : vector<16xf32>
      %select_n3A_395 = arith.select %gt3A_394, %gather3A_393, %select_n3A_386 : vector<16xi1>, vector<16xf32>
      %jit3A_396 = arith.constant 17 : i32
      %broadcast_in_dim3A_397 = vector.broadcast %jit3A_396 : i32 to vector<16xi32>
      %select_n3A_398 = arith.select %gt3A_394, %broadcast_in_dim3A_397, %select_n3A_389 : vector<16xi1>, vector<16xi32>
      %add3A_399 = arith.constant 21 : i32
      %add3A_400 = vector.broadcast %add3A_399 : i32 to vector<16xi32>
      %add3A_401 = arith.addi %mul3A_157, %add3A_400 : vector<16xi32>
      %gather3A_402 = tpu.vector_load_idx %arg7[%add3A_401] : memref<32760xf32, #tpu.memory_space<vmem>>[vector<16xi32>], vector<16xf32>,
      %gt3A_403 = arith.cmpf ogt, %gather3A_402, %select_n3A_395 : vector<16xf32>
      %select_n3A_404 = arith.select %gt3A_403, %gather3A_402, %select_n3A_395 : vector<16xi1>, vector<16xf32>
      %jit3A_405 = arith.constant 21 : i32
      %broadcast_in_dim3A_406 = vector.broadcast %jit3A_405 : i32 to vector<16xi32>
      %select_n3A_407 = arith.select %gt3A_403, %broadcast_in_dim3A_406, %select_n3A_398 : vector<16xi1>, vector<16xi32>
      %add3A_408 = arith.constant 25 : i32
      %add3A_409 = vector.broadcast %add3A_408 : i32 to vector<16xi32>
      %add3A_410 = arith.addi %mul3A_157, %add3A_409 : vector<16xi32>
      %gather3A_411 = tpu.vector_load_idx %arg7[%add3A_410] : memref<32760xf32, #tpu.memory_space<vmem>>[vector<16xi32>], vector<16xf32>,
      %gt3A_412 = arith.cmpf ogt, %gather3A_411, %select_n3A_404 : vector<16xf32>
      %select_n3A_413 = arith.select %gt3A_412, %gather3A_411, %select_n3A_404 : vector<16xi1>, vector<16xf32>
      %jit3A_414 = arith.constant 25 : i32
      %broadcast_in_dim3A_415 = vector.broadcast %jit3A_414 : i32 to vector<16xi32>
      %select_n3A_416 = arith.select %gt3A_412, %broadcast_in_dim3A_415, %select_n3A_407 : vector<16xi1>, vector<16xi32>
      %add3A_417 = arith.constant 29 : i32
      %add3A_418 = vector.broadcast %add3A_417 : i32 to vector<16xi32>
      %add3A_419 = arith.addi %mul3A_157, %add3A_418 : vector<16xi32>
      %gather3A_420 = tpu.vector_load_idx %arg7[%add3A_419] : memref<32760xf32, #tpu.memory_space<vmem>>[vector<16xi32>], vector<16xf32>,
      %gt3A_421 = arith.cmpf ogt, %gather3A_420, %select_n3A_413 : vector<16xf32>
      %select_n3A_422 = arith.select %gt3A_421, %gather3A_420, %select_n3A_413 : vector<16xi1>, vector<16xf32>
      %jit3A_423 = arith.constant 29 : i32
      %broadcast_in_dim3A_424 = vector.broadcast %jit3A_423 : i32 to vector<16xi32>
      %select_n3A_425 = arith.select %gt3A_421, %broadcast_in_dim3A_424, %select_n3A_416 : vector<16xi1>, vector<16xi32>
      %add3A_426 = arith.constant 33 : i32
      %add3A_427 = vector.broadcast %add3A_426 : i32 to vector<16xi32>
      %add3A_428 = arith.addi %mul3A_157, %add3A_427 : vector<16xi32>
      %gather3A_429 = tpu.vector_load_idx %arg7[%add3A_428] : memref<32760xf32, #tpu.memory_space<vmem>>[vector<16xi32>], vector<16xf32>,
      %gt3A_430 = arith.cmpf ogt, %gather3A_429, %select_n3A_422 : vector<16xf32>
      %select_n3A_431 = arith.select %gt3A_430, %gather3A_429, %select_n3A_422 : vector<16xi1>, vector<16xf32>
      %jit3A_432 = arith.constant 33 : i32
      %broadcast_in_dim3A_433 = vector.broadcast %jit3A_432 : i32 to vector<16xi32>
      %select_n3A_434 = arith.select %gt3A_430, %broadcast_in_dim3A_433, %select_n3A_425 : vector<16xi1>, vector<16xi32>
      %add3A_435 = arith.constant 37 : i32
      %add3A_436 = vector.broadcast %add3A_435 : i32 to vector<16xi32>
      %add3A_437 = arith.addi %mul3A_157, %add3A_436 : vector<16xi32>
      %gather3A_438 = tpu.vector_load_idx %arg7[%add3A_437] : memref<32760xf32, #tpu.memory_space<vmem>>[vector<16xi32>], vector<16xf32>,
      %gt3A_439 = arith.cmpf ogt, %gather3A_438, %select_n3A_431 : vector<16xf32>
      %select_n3A_440 = arith.select %gt3A_439, %gather3A_438, %select_n3A_431 : vector<16xi1>, vector<16xf32>
      %jit3A_441 = arith.constant 37 : i32
      %broadcast_in_dim3A_442 = vector.broadcast %jit3A_441 : i32 to vector<16xi32>
      %select_n3A_443 = arith.select %gt3A_439, %broadcast_in_dim3A_442, %select_n3A_434 : vector<16xi1>, vector<16xi32>
      %add3A_444 = arith.constant 41 : i32
      %add3A_445 = vector.broadcast %add3A_444 : i32 to vector<16xi32>
      %add3A_446 = arith.addi %mul3A_157, %add3A_445 : vector<16xi32>
      %gather3A_447 = tpu.vector_load_idx %arg7[%add3A_446] : memref<32760xf32, #tpu.memory_space<vmem>>[vector<16xi32>], vector<16xf32>,
      %gt3A_448 = arith.cmpf ogt, %gather3A_447, %select_n3A_440 : vector<16xf32>
      %select_n3A_449 = arith.select %gt3A_448, %gather3A_447, %select_n3A_440 : vector<16xi1>, vector<16xf32>
      %jit3A_450 = arith.constant 41 : i32
      %broadcast_in_dim3A_451 = vector.broadcast %jit3A_450 : i32 to vector<16xi32>
      %select_n3A_452 = arith.select %gt3A_448, %broadcast_in_dim3A_451, %select_n3A_443 : vector<16xi1>, vector<16xi32>
      %add3A_453 = arith.constant 45 : i32
      %add3A_454 = vector.broadcast %add3A_453 : i32 to vector<16xi32>
      %add3A_455 = arith.addi %mul3A_157, %add3A_454 : vector<16xi32>
      %gather3A_456 = tpu.vector_load_idx %arg7[%add3A_455] : memref<32760xf32, #tpu.memory_space<vmem>>[vector<16xi32>], vector<16xf32>,
      %gt3A_457 = arith.cmpf ogt, %gather3A_456, %select_n3A_449 : vector<16xf32>
      %select_n3A_458 = arith.select %gt3A_457, %gather3A_456, %select_n3A_449 : vector<16xi1>, vector<16xf32>
      %jit3A_459 = arith.constant 45 : i32
      %broadcast_in_dim3A_460 = vector.broadcast %jit3A_459 : i32 to vector<16xi32>
      %select_n3A_461 = arith.select %gt3A_457, %broadcast_in_dim3A_460, %select_n3A_452 : vector<16xi1>, vector<16xi32>
      %add3A_462 = arith.constant 49 : i32
      %add3A_463 = vector.broadcast %add3A_462 : i32 to vector<16xi32>
      %add3A_464 = arith.addi %mul3A_157, %add3A_463 : vector<16xi32>
      %gather3A_465 = tpu.vector_load_idx %arg7[%add3A_464] : memref<32760xf32, #tpu.memory_space<vmem>>[vector<16xi32>], vector<16xf32>,
      %gt3A_466 = arith.cmpf ogt, %gather3A_465, %select_n3A_458 : vector<16xf32>
      %select_n3A_467 = arith.select %gt3A_466, %gather3A_465, %select_n3A_458 : vector<16xi1>, vector<16xf32>
      %jit3A_468 = arith.constant 49 : i32
      %broadcast_in_dim3A_469 = vector.broadcast %jit3A_468 : i32 to vector<16xi32>
      %select_n3A_470 = arith.select %gt3A_466, %broadcast_in_dim3A_469, %select_n3A_461 : vector<16xi1>, vector<16xi32>
      %add3A_471 = arith.constant 53 : i32
      %add3A_472 = vector.broadcast %add3A_471 : i32 to vector<16xi32>
      %add3A_473 = arith.addi %mul3A_157, %add3A_472 : vector<16xi32>
      %gather3A_474 = tpu.vector_load_idx %arg7[%add3A_473] : memref<32760xf32, #tpu.memory_space<vmem>>[vector<16xi32>], vector<16xf32>,
      %gt3A_475 = arith.cmpf ogt, %gather3A_474, %select_n3A_467 : vector<16xf32>
      %select_n3A_476 = arith.select %gt3A_475, %gather3A_474, %select_n3A_467 : vector<16xi1>, vector<16xf32>
      %jit3A_477 = arith.constant 53 : i32
      %broadcast_in_dim3A_478 = vector.broadcast %jit3A_477 : i32 to vector<16xi32>
      %select_n3A_479 = arith.select %gt3A_475, %broadcast_in_dim3A_478, %select_n3A_470 : vector<16xi1>, vector<16xi32>
      %add3A_480 = arith.constant 57 : i32
      %add3A_481 = vector.broadcast %add3A_480 : i32 to vector<16xi32>
      %add3A_482 = arith.addi %mul3A_157, %add3A_481 : vector<16xi32>
      %gather3A_483 = tpu.vector_load_idx %arg7[%add3A_482] : memref<32760xf32, #tpu.memory_space<vmem>>[vector<16xi32>], vector<16xf32>,
      %gt3A_484 = arith.cmpf ogt, %gather3A_483, %select_n3A_476 : vector<16xf32>
      %select_n3A_485 = arith.select %gt3A_484, %gather3A_483, %select_n3A_476 : vector<16xi1>, vector<16xf32>
      %jit3A_486 = arith.constant 57 : i32
      %broadcast_in_dim3A_487 = vector.broadcast %jit3A_486 : i32 to vector<16xi32>
      %select_n3A_488 = arith.select %gt3A_484, %broadcast_in_dim3A_487, %select_n3A_479 : vector<16xi1>, vector<16xi32>
      %add3A_489 = arith.constant 61 : i32
      %add3A_490 = vector.broadcast %add3A_489 : i32 to vector<16xi32>
      %add3A_491 = arith.addi %mul3A_157, %add3A_490 : vector<16xi32>
      %gather3A_492 = tpu.vector_load_idx %arg7[%add3A_491] : memref<32760xf32, #tpu.memory_space<vmem>>[vector<16xi32>], vector<16xf32>,
      %gt3A_493 = arith.cmpf ogt, %gather3A_492, %select_n3A_485 : vector<16xf32>
      %select_n3A_494 = arith.select %gt3A_493, %gather3A_492, %select_n3A_485 : vector<16xi1>, vector<16xf32>
      %jit3A_495 = arith.constant 61 : i32
      %broadcast_in_dim3A_496 = vector.broadcast %jit3A_495 : i32 to vector<16xi32>
      %select_n3A_497 = arith.select %gt3A_493, %broadcast_in_dim3A_496, %select_n3A_488 : vector<16xi1>, vector<16xi32>
      %add3A_498 = arith.constant 65 : i32
      %add3A_499 = vector.broadcast %add3A_498 : i32 to vector<16xi32>
      %add3A_500 = arith.addi %mul3A_157, %add3A_499 : vector<16xi32>
      %gather3A_501 = tpu.vector_load_idx %arg7[%add3A_500] : memref<32760xf32, #tpu.memory_space<vmem>>[vector<16xi32>], vector<16xf32>,
      %gt3A_502 = arith.cmpf ogt, %gather3A_501, %select_n3A_494 : vector<16xf32>
      %select_n3A_503 = arith.select %gt3A_502, %gather3A_501, %select_n3A_494 : vector<16xi1>, vector<16xf32>
      %jit3A_504 = arith.constant 65 : i32
      %broadcast_in_dim3A_505 = vector.broadcast %jit3A_504 : i32 to vector<16xi32>
      %select_n3A_506 = arith.select %gt3A_502, %broadcast_in_dim3A_505, %select_n3A_497 : vector<16xi1>, vector<16xi32>
      %add3A_507 = arith.constant 69 : i32
      %add3A_508 = vector.broadcast %add3A_507 : i32 to vector<16xi32>
      %add3A_509 = arith.addi %mul3A_157, %add3A_508 : vector<16xi32>
      %gather3A_510 = tpu.vector_load_idx %arg7[%add3A_509] : memref<32760xf32, #tpu.memory_space<vmem>>[vector<16xi32>], vector<16xf32>,
      %gt3A_511 = arith.cmpf ogt, %gather3A_510, %select_n3A_503 : vector<16xf32>
      %select_n3A_512 = arith.select %gt3A_511, %gather3A_510, %select_n3A_503 : vector<16xi1>, vector<16xf32>
      %jit3A_513 = arith.constant 69 : i32
      %broadcast_in_dim3A_514 = vector.broadcast %jit3A_513 : i32 to vector<16xi32>
      %select_n3A_515 = arith.select %gt3A_511, %broadcast_in_dim3A_514, %select_n3A_506 : vector<16xi1>, vector<16xi32>
      %add3A_516 = arith.constant 73 : i32
      %add3A_517 = vector.broadcast %add3A_516 : i32 to vector<16xi32>
      %add3A_518 = arith.addi %mul3A_157, %add3A_517 : vector<16xi32>
      %gather3A_519 = tpu.vector_load_idx %arg7[%add3A_518] : memref<32760xf32, #tpu.memory_space<vmem>>[vector<16xi32>], vector<16xf32>,
      %gt3A_520 = arith.cmpf ogt, %gather3A_519, %select_n3A_512 : vector<16xf32>
      %select_n3A_521 = arith.select %gt3A_520, %gather3A_519, %select_n3A_512 : vector<16xi1>, vector<16xf32>
      %jit3A_522 = arith.constant 73 : i32
      %broadcast_in_dim3A_523 = vector.broadcast %jit3A_522 : i32 to vector<16xi32>
      %select_n3A_524 = arith.select %gt3A_520, %broadcast_in_dim3A_523, %select_n3A_515 : vector<16xi1>, vector<16xi32>
      %add3A_525 = arith.constant 77 : i32
      %add3A_526 = vector.broadcast %add3A_525 : i32 to vector<16xi32>
      %add3A_527 = arith.addi %mul3A_157, %add3A_526 : vector<16xi32>
      %gather3A_528 = tpu.vector_load_idx %arg7[%add3A_527] : memref<32760xf32, #tpu.memory_space<vmem>>[vector<16xi32>], vector<16xf32>,
      %gt3A_529 = arith.cmpf ogt, %gather3A_528, %select_n3A_521 : vector<16xf32>
      %select_n3A_530 = arith.select %gt3A_529, %gather3A_528, %select_n3A_521 : vector<16xi1>, vector<16xf32>
      %jit3A_531 = arith.constant 77 : i32
      %broadcast_in_dim3A_532 = vector.broadcast %jit3A_531 : i32 to vector<16xi32>
      %select_n3A_533 = arith.select %gt3A_529, %broadcast_in_dim3A_532, %select_n3A_524 : vector<16xi1>, vector<16xi32>
      %add3A_534 = arith.constant 81 : i32
      %add3A_535 = vector.broadcast %add3A_534 : i32 to vector<16xi32>
      %add3A_536 = arith.addi %mul3A_157, %add3A_535 : vector<16xi32>
      %gather3A_537 = tpu.vector_load_idx %arg7[%add3A_536] : memref<32760xf32, #tpu.memory_space<vmem>>[vector<16xi32>], vector<16xf32>,
      %gt3A_538 = arith.cmpf ogt, %gather3A_537, %select_n3A_530 : vector<16xf32>
      %select_n3A_539 = arith.select %gt3A_538, %gather3A_537, %select_n3A_530 : vector<16xi1>, vector<16xf32>
      %jit3A_540 = arith.constant 81 : i32
      %broadcast_in_dim3A_541 = vector.broadcast %jit3A_540 : i32 to vector<16xi32>
      %select_n3A_542 = arith.select %gt3A_538, %broadcast_in_dim3A_541, %select_n3A_533 : vector<16xi1>, vector<16xi32>
      %add3A_543 = arith.constant 85 : i32
      %add3A_544 = vector.broadcast %add3A_543 : i32 to vector<16xi32>
      %add3A_545 = arith.addi %mul3A_157, %add3A_544 : vector<16xi32>
      %gather3A_546 = tpu.vector_load_idx %arg7[%add3A_545] : memref<32760xf32, #tpu.memory_space<vmem>>[vector<16xi32>], vector<16xf32>,
      %gt3A_547 = arith.cmpf ogt, %gather3A_546, %select_n3A_539 : vector<16xf32>
      %select_n3A_548 = arith.select %gt3A_547, %gather3A_546, %select_n3A_539 : vector<16xi1>, vector<16xf32>
      %jit3A_549 = arith.constant 85 : i32
      %broadcast_in_dim3A_550 = vector.broadcast %jit3A_549 : i32 to vector<16xi32>
      %select_n3A_551 = arith.select %gt3A_547, %broadcast_in_dim3A_550, %select_n3A_542 : vector<16xi1>, vector<16xi32>
      %add3A_552 = arith.constant 89 : i32
      %add3A_553 = vector.broadcast %add3A_552 : i32 to vector<16xi32>
      %add3A_554 = arith.addi %mul3A_157, %add3A_553 : vector<16xi32>
      %gather3A_555 = tpu.vector_load_idx %arg7[%add3A_554] : memref<32760xf32, #tpu.memory_space<vmem>>[vector<16xi32>], vector<16xf32>,
      %gt3A_556 = arith.cmpf ogt, %gather3A_555, %select_n3A_548 : vector<16xf32>
      %select_n3A_557 = arith.select %gt3A_556, %gather3A_555, %select_n3A_548 : vector<16xi1>, vector<16xf32>
      %jit3A_558 = arith.constant 89 : i32
      %broadcast_in_dim3A_559 = vector.broadcast %jit3A_558 : i32 to vector<16xi32>
      %select_n3A_560 = arith.select %gt3A_556, %broadcast_in_dim3A_559, %select_n3A_551 : vector<16xi1>, vector<16xi32>
      %add3A_561 = arith.constant 2 : i32
      %add3A_562 = vector.broadcast %add3A_561 : i32 to vector<16xi32>
      %add3A_563 = arith.addi %mul3A_157, %add3A_562 : vector<16xi32>
      %gather3A_564 = tpu.vector_load_idx %arg7[%add3A_563] : memref<32760xf32, #tpu.memory_space<vmem>>[vector<16xi32>], vector<16xf32>,
      %broadcast_in_dim3A_565 = arith.constant 2 : i32
      %broadcast_in_dim3A_566 = vector.broadcast %broadcast_in_dim3A_565 : i32 to vector<16xi32>
      %add3A_567 = arith.constant 6 : i32
      %add3A_568 = vector.broadcast %add3A_567 : i32 to vector<16xi32>
      %add3A_569 = arith.addi %mul3A_157, %add3A_568 : vector<16xi32>
      %gather3A_570 = tpu.vector_load_idx %arg7[%add3A_569] : memref<32760xf32, #tpu.memory_space<vmem>>[vector<16xi32>], vector<16xf32>,
      %gt3A_571 = arith.cmpf ogt, %gather3A_570, %gather3A_564 : vector<16xf32>
      %select_n3A_572 = arith.select %gt3A_571, %gather3A_570, %gather3A_564 : vector<16xi1>, vector<16xf32>
      %jit3A_573 = arith.constant 6 : i32
      %broadcast_in_dim3A_574 = vector.broadcast %jit3A_573 : i32 to vector<16xi32>
      %select_n3A_575 = arith.select %gt3A_571, %broadcast_in_dim3A_574, %broadcast_in_dim3A_566 : vector<16xi1>, vector<16xi32>
      %add3A_576 = arith.constant 10 : i32
      %add3A_577 = vector.broadcast %add3A_576 : i32 to vector<16xi32>
      %add3A_578 = arith.addi %mul3A_157, %add3A_577 : vector<16xi32>
      %gather3A_579 = tpu.vector_load_idx %arg7[%add3A_578] : memref<32760xf32, #tpu.memory_space<vmem>>[vector<16xi32>], vector<16xf32>,
      %gt3A_580 = arith.cmpf ogt, %gather3A_579, %select_n3A_572 : vector<16xf32>
      %select_n3A_581 = arith.select %gt3A_580, %gather3A_579, %select_n3A_572 : vector<16xi1>, vector<16xf32>
      %jit3A_582 = arith.constant 10 : i32
      %broadcast_in_dim3A_583 = vector.broadcast %jit3A_582 : i32 to vector<16xi32>
      %select_n3A_584 = arith.select %gt3A_580, %broadcast_in_dim3A_583, %select_n3A_575 : vector<16xi1>, vector<16xi32>
      %add3A_585 = arith.constant 14 : i32
      %add3A_586 = vector.broadcast %add3A_585 : i32 to vector<16xi32>
      %add3A_587 = arith.addi %mul3A_157, %add3A_586 : vector<16xi32>
      %gather3A_588 = tpu.vector_load_idx %arg7[%add3A_587] : memref<32760xf32, #tpu.memory_space<vmem>>[vector<16xi32>], vector<16xf32>,
      %gt3A_589 = arith.cmpf ogt, %gather3A_588, %select_n3A_581 : vector<16xf32>
      %select_n3A_590 = arith.select %gt3A_589, %gather3A_588, %select_n3A_581 : vector<16xi1>, vector<16xf32>
      %jit3A_591 = arith.constant 14 : i32
      %broadcast_in_dim3A_592 = vector.broadcast %jit3A_591 : i32 to vector<16xi32>
      %select_n3A_593 = arith.select %gt3A_589, %broadcast_in_dim3A_592, %select_n3A_584 : vector<16xi1>, vector<16xi32>
      %add3A_594 = arith.constant 18 : i32
      %add3A_595 = vector.broadcast %add3A_594 : i32 to vector<16xi32>
      %add3A_596 = arith.addi %mul3A_157, %add3A_595 : vector<16xi32>
      %gather3A_597 = tpu.vector_load_idx %arg7[%add3A_596] : memref<32760xf32, #tpu.memory_space<vmem>>[vector<16xi32>], vector<16xf32>,
      %gt3A_598 = arith.cmpf ogt, %gather3A_597, %select_n3A_590 : vector<16xf32>
      %select_n3A_599 = arith.select %gt3A_598, %gather3A_597, %select_n3A_590 : vector<16xi1>, vector<16xf32>
      %jit3A_600 = arith.constant 18 : i32
      %broadcast_in_dim3A_601 = vector.broadcast %jit3A_600 : i32 to vector<16xi32>
      %select_n3A_602 = arith.select %gt3A_598, %broadcast_in_dim3A_601, %select_n3A_593 : vector<16xi1>, vector<16xi32>
      %add3A_603 = arith.constant 22 : i32
      %add3A_604 = vector.broadcast %add3A_603 : i32 to vector<16xi32>
      %add3A_605 = arith.addi %mul3A_157, %add3A_604 : vector<16xi32>
      %gather3A_606 = tpu.vector_load_idx %arg7[%add3A_605] : memref<32760xf32, #tpu.memory_space<vmem>>[vector<16xi32>], vector<16xf32>,
      %gt3A_607 = arith.cmpf ogt, %gather3A_606, %select_n3A_599 : vector<16xf32>
      %select_n3A_608 = arith.select %gt3A_607, %gather3A_606, %select_n3A_599 : vector<16xi1>, vector<16xf32>
      %jit3A_609 = arith.constant 22 : i32
      %broadcast_in_dim3A_610 = vector.broadcast %jit3A_609 : i32 to vector<16xi32>
      %select_n3A_611 = arith.select %gt3A_607, %broadcast_in_dim3A_610, %select_n3A_602 : vector<16xi1>, vector<16xi32>
      %add3A_612 = arith.constant 26 : i32
      %add3A_613 = vector.broadcast %add3A_612 : i32 to vector<16xi32>
      %add3A_614 = arith.addi %mul3A_157, %add3A_613 : vector<16xi32>
      %gather3A_615 = tpu.vector_load_idx %arg7[%add3A_614] : memref<32760xf32, #tpu.memory_space<vmem>>[vector<16xi32>], vector<16xf32>,
      %gt3A_616 = arith.cmpf ogt, %gather3A_615, %select_n3A_608 : vector<16xf32>
      %select_n3A_617 = arith.select %gt3A_616, %gather3A_615, %select_n3A_608 : vector<16xi1>, vector<16xf32>
      %jit3A_618 = arith.constant 26 : i32
      %broadcast_in_dim3A_619 = vector.broadcast %jit3A_618 : i32 to vector<16xi32>
      %select_n3A_620 = arith.select %gt3A_616, %broadcast_in_dim3A_619, %select_n3A_611 : vector<16xi1>, vector<16xi32>
      %add3A_621 = arith.constant 30 : i32
      %add3A_622 = vector.broadcast %add3A_621 : i32 to vector<16xi32>
      %add3A_623 = arith.addi %mul3A_157, %add3A_622 : vector<16xi32>
      %gather3A_624 = tpu.vector_load_idx %arg7[%add3A_623] : memref<32760xf32, #tpu.memory_space<vmem>>[vector<16xi32>], vector<16xf32>,
      %gt3A_625 = arith.cmpf ogt, %gather3A_624, %select_n3A_617 : vector<16xf32>
      %select_n3A_626 = arith.select %gt3A_625, %gather3A_624, %select_n3A_617 : vector<16xi1>, vector<16xf32>
      %jit3A_627 = arith.constant 30 : i32
      %broadcast_in_dim3A_628 = vector.broadcast %jit3A_627 : i32 to vector<16xi32>
      %select_n3A_629 = arith.select %gt3A_625, %broadcast_in_dim3A_628, %select_n3A_620 : vector<16xi1>, vector<16xi32>
      %add3A_630 = arith.constant 34 : i32
      %add3A_631 = vector.broadcast %add3A_630 : i32 to vector<16xi32>
      %add3A_632 = arith.addi %mul3A_157, %add3A_631 : vector<16xi32>
      %gather3A_633 = tpu.vector_load_idx %arg7[%add3A_632] : memref<32760xf32, #tpu.memory_space<vmem>>[vector<16xi32>], vector<16xf32>,
      %gt3A_634 = arith.cmpf ogt, %gather3A_633, %select_n3A_626 : vector<16xf32>
      %select_n3A_635 = arith.select %gt3A_634, %gather3A_633, %select_n3A_626 : vector<16xi1>, vector<16xf32>
      %jit3A_636 = arith.constant 34 : i32
      %broadcast_in_dim3A_637 = vector.broadcast %jit3A_636 : i32 to vector<16xi32>
      %select_n3A_638 = arith.select %gt3A_634, %broadcast_in_dim3A_637, %select_n3A_629 : vector<16xi1>, vector<16xi32>
      %add3A_639 = arith.constant 38 : i32
      %add3A_640 = vector.broadcast %add3A_639 : i32 to vector<16xi32>
      %add3A_641 = arith.addi %mul3A_157, %add3A_640 : vector<16xi32>
      %gather3A_642 = tpu.vector_load_idx %arg7[%add3A_641] : memref<32760xf32, #tpu.memory_space<vmem>>[vector<16xi32>], vector<16xf32>,
      %gt3A_643 = arith.cmpf ogt, %gather3A_642, %select_n3A_635 : vector<16xf32>
      %select_n3A_644 = arith.select %gt3A_643, %gather3A_642, %select_n3A_635 : vector<16xi1>, vector<16xf32>
      %jit3A_645 = arith.constant 38 : i32
      %broadcast_in_dim3A_646 = vector.broadcast %jit3A_645 : i32 to vector<16xi32>
      %select_n3A_647 = arith.select %gt3A_643, %broadcast_in_dim3A_646, %select_n3A_638 : vector<16xi1>, vector<16xi32>
      %add3A_648 = arith.constant 42 : i32
      %add3A_649 = vector.broadcast %add3A_648 : i32 to vector<16xi32>
      %add3A_650 = arith.addi %mul3A_157, %add3A_649 : vector<16xi32>
      %gather3A_651 = tpu.vector_load_idx %arg7[%add3A_650] : memref<32760xf32, #tpu.memory_space<vmem>>[vector<16xi32>], vector<16xf32>,
      %gt3A_652 = arith.cmpf ogt, %gather3A_651, %select_n3A_644 : vector<16xf32>
      %select_n3A_653 = arith.select %gt3A_652, %gather3A_651, %select_n3A_644 : vector<16xi1>, vector<16xf32>
      %jit3A_654 = arith.constant 42 : i32
      %broadcast_in_dim3A_655 = vector.broadcast %jit3A_654 : i32 to vector<16xi32>
      %select_n3A_656 = arith.select %gt3A_652, %broadcast_in_dim3A_655, %select_n3A_647 : vector<16xi1>, vector<16xi32>
      %add3A_657 = arith.constant 46 : i32
      %add3A_658 = vector.broadcast %add3A_657 : i32 to vector<16xi32>
      %add3A_659 = arith.addi %mul3A_157, %add3A_658 : vector<16xi32>
      %gather3A_660 = tpu.vector_load_idx %arg7[%add3A_659] : memref<32760xf32, #tpu.memory_space<vmem>>[vector<16xi32>], vector<16xf32>,
      %gt3A_661 = arith.cmpf ogt, %gather3A_660, %select_n3A_653 : vector<16xf32>
      %select_n3A_662 = arith.select %gt3A_661, %gather3A_660, %select_n3A_653 : vector<16xi1>, vector<16xf32>
      %jit3A_663 = arith.constant 46 : i32
      %broadcast_in_dim3A_664 = vector.broadcast %jit3A_663 : i32 to vector<16xi32>
      %select_n3A_665 = arith.select %gt3A_661, %broadcast_in_dim3A_664, %select_n3A_656 : vector<16xi1>, vector<16xi32>
      %add3A_666 = arith.constant 50 : i32
      %add3A_667 = vector.broadcast %add3A_666 : i32 to vector<16xi32>
      %add3A_668 = arith.addi %mul3A_157, %add3A_667 : vector<16xi32>
      %gather3A_669 = tpu.vector_load_idx %arg7[%add3A_668] : memref<32760xf32, #tpu.memory_space<vmem>>[vector<16xi32>], vector<16xf32>,
      %gt3A_670 = arith.cmpf ogt, %gather3A_669, %select_n3A_662 : vector<16xf32>
      %select_n3A_671 = arith.select %gt3A_670, %gather3A_669, %select_n3A_662 : vector<16xi1>, vector<16xf32>
      %jit3A_672 = arith.constant 50 : i32
      %broadcast_in_dim3A_673 = vector.broadcast %jit3A_672 : i32 to vector<16xi32>
      %select_n3A_674 = arith.select %gt3A_670, %broadcast_in_dim3A_673, %select_n3A_665 : vector<16xi1>, vector<16xi32>
      %add3A_675 = arith.constant 54 : i32
      %add3A_676 = vector.broadcast %add3A_675 : i32 to vector<16xi32>
      %add3A_677 = arith.addi %mul3A_157, %add3A_676 : vector<16xi32>
      %gather3A_678 = tpu.vector_load_idx %arg7[%add3A_677] : memref<32760xf32, #tpu.memory_space<vmem>>[vector<16xi32>], vector<16xf32>,
      %gt3A_679 = arith.cmpf ogt, %gather3A_678, %select_n3A_671 : vector<16xf32>
      %select_n3A_680 = arith.select %gt3A_679, %gather3A_678, %select_n3A_671 : vector<16xi1>, vector<16xf32>
      %jit3A_681 = arith.constant 54 : i32
      %broadcast_in_dim3A_682 = vector.broadcast %jit3A_681 : i32 to vector<16xi32>
      %select_n3A_683 = arith.select %gt3A_679, %broadcast_in_dim3A_682, %select_n3A_674 : vector<16xi1>, vector<16xi32>
      %add3A_684 = arith.constant 58 : i32
      %add3A_685 = vector.broadcast %add3A_684 : i32 to vector<16xi32>
      %add3A_686 = arith.addi %mul3A_157, %add3A_685 : vector<16xi32>
      %gather3A_687 = tpu.vector_load_idx %arg7[%add3A_686] : memref<32760xf32, #tpu.memory_space<vmem>>[vector<16xi32>], vector<16xf32>,
      %gt3A_688 = arith.cmpf ogt, %gather3A_687, %select_n3A_680 : vector<16xf32>
      %select_n3A_689 = arith.select %gt3A_688, %gather3A_687, %select_n3A_680 : vector<16xi1>, vector<16xf32>
      %jit3A_690 = arith.constant 58 : i32
      %broadcast_in_dim3A_691 = vector.broadcast %jit3A_690 : i32 to vector<16xi32>
      %select_n3A_692 = arith.select %gt3A_688, %broadcast_in_dim3A_691, %select_n3A_683 : vector<16xi1>, vector<16xi32>
      %add3A_693 = arith.constant 62 : i32
      %add3A_694 = vector.broadcast %add3A_693 : i32 to vector<16xi32>
      %add3A_695 = arith.addi %mul3A_157, %add3A_694 : vector<16xi32>
      %gather3A_696 = tpu.vector_load_idx %arg7[%add3A_695] : memref<32760xf32, #tpu.memory_space<vmem>>[vector<16xi32>], vector<16xf32>,
      %gt3A_697 = arith.cmpf ogt, %gather3A_696, %select_n3A_689 : vector<16xf32>
      %select_n3A_698 = arith.select %gt3A_697, %gather3A_696, %select_n3A_689 : vector<16xi1>, vector<16xf32>
      %jit3A_699 = arith.constant 62 : i32
      %broadcast_in_dim3A_700 = vector.broadcast %jit3A_699 : i32 to vector<16xi32>
      %select_n3A_701 = arith.select %gt3A_697, %broadcast_in_dim3A_700, %select_n3A_692 : vector<16xi1>, vector<16xi32>
      %add3A_702 = arith.constant 66 : i32
      %add3A_703 = vector.broadcast %add3A_702 : i32 to vector<16xi32>
      %add3A_704 = arith.addi %mul3A_157, %add3A_703 : vector<16xi32>
      %gather3A_705 = tpu.vector_load_idx %arg7[%add3A_704] : memref<32760xf32, #tpu.memory_space<vmem>>[vector<16xi32>], vector<16xf32>,
      %gt3A_706 = arith.cmpf ogt, %gather3A_705, %select_n3A_698 : vector<16xf32>
      %select_n3A_707 = arith.select %gt3A_706, %gather3A_705, %select_n3A_698 : vector<16xi1>, vector<16xf32>
      %jit3A_708 = arith.constant 66 : i32
      %broadcast_in_dim3A_709 = vector.broadcast %jit3A_708 : i32 to vector<16xi32>
      %select_n3A_710 = arith.select %gt3A_706, %broadcast_in_dim3A_709, %select_n3A_701 : vector<16xi1>, vector<16xi32>
      %add3A_711 = arith.constant 70 : i32
      %add3A_712 = vector.broadcast %add3A_711 : i32 to vector<16xi32>
      %add3A_713 = arith.addi %mul3A_157, %add3A_712 : vector<16xi32>
      %gather3A_714 = tpu.vector_load_idx %arg7[%add3A_713] : memref<32760xf32, #tpu.memory_space<vmem>>[vector<16xi32>], vector<16xf32>,
      %gt3A_715 = arith.cmpf ogt, %gather3A_714, %select_n3A_707 : vector<16xf32>
      %select_n3A_716 = arith.select %gt3A_715, %gather3A_714, %select_n3A_707 : vector<16xi1>, vector<16xf32>
      %jit3A_717 = arith.constant 70 : i32
      %broadcast_in_dim3A_718 = vector.broadcast %jit3A_717 : i32 to vector<16xi32>
      %select_n3A_719 = arith.select %gt3A_715, %broadcast_in_dim3A_718, %select_n3A_710 : vector<16xi1>, vector<16xi32>
      %add3A_720 = arith.constant 74 : i32
      %add3A_721 = vector.broadcast %add3A_720 : i32 to vector<16xi32>
      %add3A_722 = arith.addi %mul3A_157, %add3A_721 : vector<16xi32>
      %gather3A_723 = tpu.vector_load_idx %arg7[%add3A_722] : memref<32760xf32, #tpu.memory_space<vmem>>[vector<16xi32>], vector<16xf32>,
      %gt3A_724 = arith.cmpf ogt, %gather3A_723, %select_n3A_716 : vector<16xf32>
      %select_n3A_725 = arith.select %gt3A_724, %gather3A_723, %select_n3A_716 : vector<16xi1>, vector<16xf32>
      %jit3A_726 = arith.constant 74 : i32
      %broadcast_in_dim3A_727 = vector.broadcast %jit3A_726 : i32 to vector<16xi32>
      %select_n3A_728 = arith.select %gt3A_724, %broadcast_in_dim3A_727, %select_n3A_719 : vector<16xi1>, vector<16xi32>
      %add3A_729 = arith.constant 78 : i32
      %add3A_730 = vector.broadcast %add3A_729 : i32 to vector<16xi32>
      %add3A_731 = arith.addi %mul3A_157, %add3A_730 : vector<16xi32>
      %gather3A_732 = tpu.vector_load_idx %arg7[%add3A_731] : memref<32760xf32, #tpu.memory_space<vmem>>[vector<16xi32>], vector<16xf32>,
      %gt3A_733 = arith.cmpf ogt, %gather3A_732, %select_n3A_725 : vector<16xf32>
      %select_n3A_734 = arith.select %gt3A_733, %gather3A_732, %select_n3A_725 : vector<16xi1>, vector<16xf32>
      %jit3A_735 = arith.constant 78 : i32
      %broadcast_in_dim3A_736 = vector.broadcast %jit3A_735 : i32 to vector<16xi32>
      %select_n3A_737 = arith.select %gt3A_733, %broadcast_in_dim3A_736, %select_n3A_728 : vector<16xi1>, vector<16xi32>
      %add3A_738 = arith.constant 82 : i32
      %add3A_739 = vector.broadcast %add3A_738 : i32 to vector<16xi32>
      %add3A_740 = arith.addi %mul3A_157, %add3A_739 : vector<16xi32>
      %gather3A_741 = tpu.vector_load_idx %arg7[%add3A_740] : memref<32760xf32, #tpu.memory_space<vmem>>[vector<16xi32>], vector<16xf32>,
      %gt3A_742 = arith.cmpf ogt, %gather3A_741, %select_n3A_734 : vector<16xf32>
      %select_n3A_743 = arith.select %gt3A_742, %gather3A_741, %select_n3A_734 : vector<16xi1>, vector<16xf32>
      %jit3A_744 = arith.constant 82 : i32
      %broadcast_in_dim3A_745 = vector.broadcast %jit3A_744 : i32 to vector<16xi32>
      %select_n3A_746 = arith.select %gt3A_742, %broadcast_in_dim3A_745, %select_n3A_737 : vector<16xi1>, vector<16xi32>
      %add3A_747 = arith.constant 86 : i32
      %add3A_748 = vector.broadcast %add3A_747 : i32 to vector<16xi32>
      %add3A_749 = arith.addi %mul3A_157, %add3A_748 : vector<16xi32>
      %gather3A_750 = tpu.vector_load_idx %arg7[%add3A_749] : memref<32760xf32, #tpu.memory_space<vmem>>[vector<16xi32>], vector<16xf32>,
      %gt3A_751 = arith.cmpf ogt, %gather3A_750, %select_n3A_743 : vector<16xf32>
      %select_n3A_752 = arith.select %gt3A_751, %gather3A_750, %select_n3A_743 : vector<16xi1>, vector<16xf32>
      %jit3A_753 = arith.constant 86 : i32
      %broadcast_in_dim3A_754 = vector.broadcast %jit3A_753 : i32 to vector<16xi32>
      %select_n3A_755 = arith.select %gt3A_751, %broadcast_in_dim3A_754, %select_n3A_746 : vector<16xi1>, vector<16xi32>
      %add3A_756 = arith.constant 90 : i32
      %add3A_757 = vector.broadcast %add3A_756 : i32 to vector<16xi32>
      %add3A_758 = arith.addi %mul3A_157, %add3A_757 : vector<16xi32>
      %gather3A_759 = tpu.vector_load_idx %arg7[%add3A_758] : memref<32760xf32, #tpu.memory_space<vmem>>[vector<16xi32>], vector<16xf32>,
      %gt3A_760 = arith.cmpf ogt, %gather3A_759, %select_n3A_752 : vector<16xf32>
      %select_n3A_761 = arith.select %gt3A_760, %gather3A_759, %select_n3A_752 : vector<16xi1>, vector<16xf32>
      %jit3A_762 = arith.constant 90 : i32
      %broadcast_in_dim3A_763 = vector.broadcast %jit3A_762 : i32 to vector<16xi32>
      %select_n3A_764 = arith.select %gt3A_760, %broadcast_in_dim3A_763, %select_n3A_755 : vector<16xi1>, vector<16xi32>
      %add3A_765 = arith.constant 3 : i32
      %add3A_766 = vector.broadcast %add3A_765 : i32 to vector<16xi32>
      %add3A_767 = arith.addi %mul3A_157, %add3A_766 : vector<16xi32>
      %gather3A_768 = tpu.vector_load_idx %arg7[%add3A_767] : memref<32760xf32, #tpu.memory_space<vmem>>[vector<16xi32>], vector<16xf32>,
      %broadcast_in_dim3A_769 = arith.constant 3 : i32
      %broadcast_in_dim3A_770 = vector.broadcast %broadcast_in_dim3A_769 : i32 to vector<16xi32>
      %add3A_771 = arith.constant 7 : i32
      %add3A_772 = vector.broadcast %add3A_771 : i32 to vector<16xi32>
      %add3A_773 = arith.addi %mul3A_157, %add3A_772 : vector<16xi32>
      %gather3A_774 = tpu.vector_load_idx %arg7[%add3A_773] : memref<32760xf32, #tpu.memory_space<vmem>>[vector<16xi32>], vector<16xf32>,
      %gt3A_775 = arith.cmpf ogt, %gather3A_774, %gather3A_768 : vector<16xf32>
      %select_n3A_776 = arith.select %gt3A_775, %gather3A_774, %gather3A_768 : vector<16xi1>, vector<16xf32>
      %jit3A_777 = arith.constant 7 : i32
      %broadcast_in_dim3A_778 = vector.broadcast %jit3A_777 : i32 to vector<16xi32>
      %select_n3A_779 = arith.select %gt3A_775, %broadcast_in_dim3A_778, %broadcast_in_dim3A_770 : vector<16xi1>, vector<16xi32>
      %add3A_780 = arith.constant 11 : i32
      %add3A_781 = vector.broadcast %add3A_780 : i32 to vector<16xi32>
      %add3A_782 = arith.addi %mul3A_157, %add3A_781 : vector<16xi32>
      %gather3A_783 = tpu.vector_load_idx %arg7[%add3A_782] : memref<32760xf32, #tpu.memory_space<vmem>>[vector<16xi32>], vector<16xf32>,
      %gt3A_784 = arith.cmpf ogt, %gather3A_783, %select_n3A_776 : vector<16xf32>
      %select_n3A_785 = arith.select %gt3A_784, %gather3A_783, %select_n3A_776 : vector<16xi1>, vector<16xf32>
      %jit3A_786 = arith.constant 11 : i32
      %broadcast_in_dim3A_787 = vector.broadcast %jit3A_786 : i32 to vector<16xi32>
      %select_n3A_788 = arith.select %gt3A_784, %broadcast_in_dim3A_787, %select_n3A_779 : vector<16xi1>, vector<16xi32>
      %add3A_789 = arith.constant 15 : i32
      %add3A_790 = vector.broadcast %add3A_789 : i32 to vector<16xi32>
      %add3A_791 = arith.addi %mul3A_157, %add3A_790 : vector<16xi32>
      %gather3A_792 = tpu.vector_load_idx %arg7[%add3A_791] : memref<32760xf32, #tpu.memory_space<vmem>>[vector<16xi32>], vector<16xf32>,
      %gt3A_793 = arith.cmpf ogt, %gather3A_792, %select_n3A_785 : vector<16xf32>
      %select_n3A_794 = arith.select %gt3A_793, %gather3A_792, %select_n3A_785 : vector<16xi1>, vector<16xf32>
      %jit3A_795 = arith.constant 15 : i32
      %broadcast_in_dim3A_796 = vector.broadcast %jit3A_795 : i32 to vector<16xi32>
      %select_n3A_797 = arith.select %gt3A_793, %broadcast_in_dim3A_796, %select_n3A_788 : vector<16xi1>, vector<16xi32>
      %add3A_798 = arith.constant 19 : i32
      %add3A_799 = vector.broadcast %add3A_798 : i32 to vector<16xi32>
      %add3A_800 = arith.addi %mul3A_157, %add3A_799 : vector<16xi32>
      %gather3A_801 = tpu.vector_load_idx %arg7[%add3A_800] : memref<32760xf32, #tpu.memory_space<vmem>>[vector<16xi32>], vector<16xf32>,
      %gt3A_802 = arith.cmpf ogt, %gather3A_801, %select_n3A_794 : vector<16xf32>
      %select_n3A_803 = arith.select %gt3A_802, %gather3A_801, %select_n3A_794 : vector<16xi1>, vector<16xf32>
      %jit3A_804 = arith.constant 19 : i32
      %broadcast_in_dim3A_805 = vector.broadcast %jit3A_804 : i32 to vector<16xi32>
      %select_n3A_806 = arith.select %gt3A_802, %broadcast_in_dim3A_805, %select_n3A_797 : vector<16xi1>, vector<16xi32>
      %add3A_807 = arith.constant 23 : i32
      %add3A_808 = vector.broadcast %add3A_807 : i32 to vector<16xi32>
      %add3A_809 = arith.addi %mul3A_157, %add3A_808 : vector<16xi32>
      %gather3A_810 = tpu.vector_load_idx %arg7[%add3A_809] : memref<32760xf32, #tpu.memory_space<vmem>>[vector<16xi32>], vector<16xf32>,
      %gt3A_811 = arith.cmpf ogt, %gather3A_810, %select_n3A_803 : vector<16xf32>
      %select_n3A_812 = arith.select %gt3A_811, %gather3A_810, %select_n3A_803 : vector<16xi1>, vector<16xf32>
      %jit3A_813 = arith.constant 23 : i32
      %broadcast_in_dim3A_814 = vector.broadcast %jit3A_813 : i32 to vector<16xi32>
      %select_n3A_815 = arith.select %gt3A_811, %broadcast_in_dim3A_814, %select_n3A_806 : vector<16xi1>, vector<16xi32>
      %add3A_816 = arith.constant 27 : i32
      %add3A_817 = vector.broadcast %add3A_816 : i32 to vector<16xi32>
      %add3A_818 = arith.addi %mul3A_157, %add3A_817 : vector<16xi32>
      %gather3A_819 = tpu.vector_load_idx %arg7[%add3A_818] : memref<32760xf32, #tpu.memory_space<vmem>>[vector<16xi32>], vector<16xf32>,
      %gt3A_820 = arith.cmpf ogt, %gather3A_819, %select_n3A_812 : vector<16xf32>
      %select_n3A_821 = arith.select %gt3A_820, %gather3A_819, %select_n3A_812 : vector<16xi1>, vector<16xf32>
      %jit3A_822 = arith.constant 27 : i32
      %broadcast_in_dim3A_823 = vector.broadcast %jit3A_822 : i32 to vector<16xi32>
      %select_n3A_824 = arith.select %gt3A_820, %broadcast_in_dim3A_823, %select_n3A_815 : vector<16xi1>, vector<16xi32>
      %add3A_825 = arith.constant 31 : i32
      %add3A_826 = vector.broadcast %add3A_825 : i32 to vector<16xi32>
      %add3A_827 = arith.addi %mul3A_157, %add3A_826 : vector<16xi32>
      %gather3A_828 = tpu.vector_load_idx %arg7[%add3A_827] : memref<32760xf32, #tpu.memory_space<vmem>>[vector<16xi32>], vector<16xf32>,
      %gt3A_829 = arith.cmpf ogt, %gather3A_828, %select_n3A_821 : vector<16xf32>
      %select_n3A_830 = arith.select %gt3A_829, %gather3A_828, %select_n3A_821 : vector<16xi1>, vector<16xf32>
      %jit3A_831 = arith.constant 31 : i32
      %broadcast_in_dim3A_832 = vector.broadcast %jit3A_831 : i32 to vector<16xi32>
      %select_n3A_833 = arith.select %gt3A_829, %broadcast_in_dim3A_832, %select_n3A_824 : vector<16xi1>, vector<16xi32>
      %add3A_834 = arith.constant 35 : i32
      %add3A_835 = vector.broadcast %add3A_834 : i32 to vector<16xi32>
      %add3A_836 = arith.addi %mul3A_157, %add3A_835 : vector<16xi32>
      %gather3A_837 = tpu.vector_load_idx %arg7[%add3A_836] : memref<32760xf32, #tpu.memory_space<vmem>>[vector<16xi32>], vector<16xf32>,
      %gt3A_838 = arith.cmpf ogt, %gather3A_837, %select_n3A_830 : vector<16xf32>
      %select_n3A_839 = arith.select %gt3A_838, %gather3A_837, %select_n3A_830 : vector<16xi1>, vector<16xf32>
      %jit3A_840 = arith.constant 35 : i32
      %broadcast_in_dim3A_841 = vector.broadcast %jit3A_840 : i32 to vector<16xi32>
      %select_n3A_842 = arith.select %gt3A_838, %broadcast_in_dim3A_841, %select_n3A_833 : vector<16xi1>, vector<16xi32>
      %add3A_843 = arith.constant 39 : i32
      %add3A_844 = vector.broadcast %add3A_843 : i32 to vector<16xi32>
      %add3A_845 = arith.addi %mul3A_157, %add3A_844 : vector<16xi32>
      %gather3A_846 = tpu.vector_load_idx %arg7[%add3A_845] : memref<32760xf32, #tpu.memory_space<vmem>>[vector<16xi32>], vector<16xf32>,
      %gt3A_847 = arith.cmpf ogt, %gather3A_846, %select_n3A_839 : vector<16xf32>
      %select_n3A_848 = arith.select %gt3A_847, %gather3A_846, %select_n3A_839 : vector<16xi1>, vector<16xf32>
      %jit3A_849 = arith.constant 39 : i32
      %broadcast_in_dim3A_850 = vector.broadcast %jit3A_849 : i32 to vector<16xi32>
      %select_n3A_851 = arith.select %gt3A_847, %broadcast_in_dim3A_850, %select_n3A_842 : vector<16xi1>, vector<16xi32>
      %add3A_852 = arith.constant 43 : i32
      %add3A_853 = vector.broadcast %add3A_852 : i32 to vector<16xi32>
      %add3A_854 = arith.addi %mul3A_157, %add3A_853 : vector<16xi32>
      %gather3A_855 = tpu.vector_load_idx %arg7[%add3A_854] : memref<32760xf32, #tpu.memory_space<vmem>>[vector<16xi32>], vector<16xf32>,
      %gt3A_856 = arith.cmpf ogt, %gather3A_855, %select_n3A_848 : vector<16xf32>
      %select_n3A_857 = arith.select %gt3A_856, %gather3A_855, %select_n3A_848 : vector<16xi1>, vector<16xf32>
      %jit3A_858 = arith.constant 43 : i32
      %broadcast_in_dim3A_859 = vector.broadcast %jit3A_858 : i32 to vector<16xi32>
      %select_n3A_860 = arith.select %gt3A_856, %broadcast_in_dim3A_859, %select_n3A_851 : vector<16xi1>, vector<16xi32>
      %add3A_861 = arith.constant 47 : i32
      %add3A_862 = vector.broadcast %add3A_861 : i32 to vector<16xi32>
      %add3A_863 = arith.addi %mul3A_157, %add3A_862 : vector<16xi32>
      %gather3A_864 = tpu.vector_load_idx %arg7[%add3A_863] : memref<32760xf32, #tpu.memory_space<vmem>>[vector<16xi32>], vector<16xf32>,
      %gt3A_865 = arith.cmpf ogt, %gather3A_864, %select_n3A_857 : vector<16xf32>
      %select_n3A_866 = arith.select %gt3A_865, %gather3A_864, %select_n3A_857 : vector<16xi1>, vector<16xf32>
      %jit3A_867 = arith.constant 47 : i32
      %broadcast_in_dim3A_868 = vector.broadcast %jit3A_867 : i32 to vector<16xi32>
      %select_n3A_869 = arith.select %gt3A_865, %broadcast_in_dim3A_868, %select_n3A_860 : vector<16xi1>, vector<16xi32>
      %add3A_870 = arith.constant 51 : i32
      %add3A_871 = vector.broadcast %add3A_870 : i32 to vector<16xi32>
      %add3A_872 = arith.addi %mul3A_157, %add3A_871 : vector<16xi32>
      %gather3A_873 = tpu.vector_load_idx %arg7[%add3A_872] : memref<32760xf32, #tpu.memory_space<vmem>>[vector<16xi32>], vector<16xf32>,
      %gt3A_874 = arith.cmpf ogt, %gather3A_873, %select_n3A_866 : vector<16xf32>
      %select_n3A_875 = arith.select %gt3A_874, %gather3A_873, %select_n3A_866 : vector<16xi1>, vector<16xf32>
      %jit3A_876 = arith.constant 51 : i32
      %broadcast_in_dim3A_877 = vector.broadcast %jit3A_876 : i32 to vector<16xi32>
      %select_n3A_878 = arith.select %gt3A_874, %broadcast_in_dim3A_877, %select_n3A_869 : vector<16xi1>, vector<16xi32>
      %add3A_879 = arith.constant 55 : i32
      %add3A_880 = vector.broadcast %add3A_879 : i32 to vector<16xi32>
      %add3A_881 = arith.addi %mul3A_157, %add3A_880 : vector<16xi32>
      %gather3A_882 = tpu.vector_load_idx %arg7[%add3A_881] : memref<32760xf32, #tpu.memory_space<vmem>>[vector<16xi32>], vector<16xf32>,
      %gt3A_883 = arith.cmpf ogt, %gather3A_882, %select_n3A_875 : vector<16xf32>
      %select_n3A_884 = arith.select %gt3A_883, %gather3A_882, %select_n3A_875 : vector<16xi1>, vector<16xf32>
      %jit3A_885 = arith.constant 55 : i32
      %broadcast_in_dim3A_886 = vector.broadcast %jit3A_885 : i32 to vector<16xi32>
      %select_n3A_887 = arith.select %gt3A_883, %broadcast_in_dim3A_886, %select_n3A_878 : vector<16xi1>, vector<16xi32>
      %add3A_888 = arith.constant 59 : i32
      %add3A_889 = vector.broadcast %add3A_888 : i32 to vector<16xi32>
      %add3A_890 = arith.addi %mul3A_157, %add3A_889 : vector<16xi32>
      %gather3A_891 = tpu.vector_load_idx %arg7[%add3A_890] : memref<32760xf32, #tpu.memory_space<vmem>>[vector<16xi32>], vector<16xf32>,
      %gt3A_892 = arith.cmpf ogt, %gather3A_891, %select_n3A_884 : vector<16xf32>
      %select_n3A_893 = arith.select %gt3A_892, %gather3A_891, %select_n3A_884 : vector<16xi1>, vector<16xf32>
      %jit3A_894 = arith.constant 59 : i32
      %broadcast_in_dim3A_895 = vector.broadcast %jit3A_894 : i32 to vector<16xi32>
      %select_n3A_896 = arith.select %gt3A_892, %broadcast_in_dim3A_895, %select_n3A_887 : vector<16xi1>, vector<16xi32>
      %add3A_897 = arith.constant 63 : i32
      %add3A_898 = vector.broadcast %add3A_897 : i32 to vector<16xi32>
      %add3A_899 = arith.addi %mul3A_157, %add3A_898 : vector<16xi32>
      %gather3A_900 = tpu.vector_load_idx %arg7[%add3A_899] : memref<32760xf32, #tpu.memory_space<vmem>>[vector<16xi32>], vector<16xf32>,
      %gt3A_901 = arith.cmpf ogt, %gather3A_900, %select_n3A_893 : vector<16xf32>
      %select_n3A_902 = arith.select %gt3A_901, %gather3A_900, %select_n3A_893 : vector<16xi1>, vector<16xf32>
      %jit3A_903 = arith.constant 63 : i32
      %broadcast_in_dim3A_904 = vector.broadcast %jit3A_903 : i32 to vector<16xi32>
      %select_n3A_905 = arith.select %gt3A_901, %broadcast_in_dim3A_904, %select_n3A_896 : vector<16xi1>, vector<16xi32>
      %add3A_906 = arith.constant 67 : i32
      %add3A_907 = vector.broadcast %add3A_906 : i32 to vector<16xi32>
      %add3A_908 = arith.addi %mul3A_157, %add3A_907 : vector<16xi32>
      %gather3A_909 = tpu.vector_load_idx %arg7[%add3A_908] : memref<32760xf32, #tpu.memory_space<vmem>>[vector<16xi32>], vector<16xf32>,
      %gt3A_910 = arith.cmpf ogt, %gather3A_909, %select_n3A_902 : vector<16xf32>
      %select_n3A_911 = arith.select %gt3A_910, %gather3A_909, %select_n3A_902 : vector<16xi1>, vector<16xf32>
      %jit3A_912 = arith.constant 67 : i32
      %broadcast_in_dim3A_913 = vector.broadcast %jit3A_912 : i32 to vector<16xi32>
      %select_n3A_914 = arith.select %gt3A_910, %broadcast_in_dim3A_913, %select_n3A_905 : vector<16xi1>, vector<16xi32>
      %add3A_915 = arith.constant 71 : i32
      %add3A_916 = vector.broadcast %add3A_915 : i32 to vector<16xi32>
      %add3A_917 = arith.addi %mul3A_157, %add3A_916 : vector<16xi32>
      %gather3A_918 = tpu.vector_load_idx %arg7[%add3A_917] : memref<32760xf32, #tpu.memory_space<vmem>>[vector<16xi32>], vector<16xf32>,
      %gt3A_919 = arith.cmpf ogt, %gather3A_918, %select_n3A_911 : vector<16xf32>
      %select_n3A_920 = arith.select %gt3A_919, %gather3A_918, %select_n3A_911 : vector<16xi1>, vector<16xf32>
      %jit3A_921 = arith.constant 71 : i32
      %broadcast_in_dim3A_922 = vector.broadcast %jit3A_921 : i32 to vector<16xi32>
      %select_n3A_923 = arith.select %gt3A_919, %broadcast_in_dim3A_922, %select_n3A_914 : vector<16xi1>, vector<16xi32>
      %add3A_924 = arith.constant 75 : i32
      %add3A_925 = vector.broadcast %add3A_924 : i32 to vector<16xi32>
      %add3A_926 = arith.addi %mul3A_157, %add3A_925 : vector<16xi32>
      %gather3A_927 = tpu.vector_load_idx %arg7[%add3A_926] : memref<32760xf32, #tpu.memory_space<vmem>>[vector<16xi32>], vector<16xf32>,
      %gt3A_928 = arith.cmpf ogt, %gather3A_927, %select_n3A_920 : vector<16xf32>
      %select_n3A_929 = arith.select %gt3A_928, %gather3A_927, %select_n3A_920 : vector<16xi1>, vector<16xf32>
      %jit3A_930 = arith.constant 75 : i32
      %broadcast_in_dim3A_931 = vector.broadcast %jit3A_930 : i32 to vector<16xi32>
      %select_n3A_932 = arith.select %gt3A_928, %broadcast_in_dim3A_931, %select_n3A_923 : vector<16xi1>, vector<16xi32>
      %add3A_933 = arith.constant 79 : i32
      %add3A_934 = vector.broadcast %add3A_933 : i32 to vector<16xi32>
      %add3A_935 = arith.addi %mul3A_157, %add3A_934 : vector<16xi32>
      %gather3A_936 = tpu.vector_load_idx %arg7[%add3A_935] : memref<32760xf32, #tpu.memory_space<vmem>>[vector<16xi32>], vector<16xf32>,
      %gt3A_937 = arith.cmpf ogt, %gather3A_936, %select_n3A_929 : vector<16xf32>
      %select_n3A_938 = arith.select %gt3A_937, %gather3A_936, %select_n3A_929 : vector<16xi1>, vector<16xf32>
      %jit3A_939 = arith.constant 79 : i32
      %broadcast_in_dim3A_940 = vector.broadcast %jit3A_939 : i32 to vector<16xi32>
      %select_n3A_941 = arith.select %gt3A_937, %broadcast_in_dim3A_940, %select_n3A_932 : vector<16xi1>, vector<16xi32>
      %add3A_942 = arith.constant 83 : i32
      %add3A_943 = vector.broadcast %add3A_942 : i32 to vector<16xi32>
      %add3A_944 = arith.addi %mul3A_157, %add3A_943 : vector<16xi32>
      %gather3A_945 = tpu.vector_load_idx %arg7[%add3A_944] : memref<32760xf32, #tpu.memory_space<vmem>>[vector<16xi32>], vector<16xf32>,
      %gt3A_946 = arith.cmpf ogt, %gather3A_945, %select_n3A_938 : vector<16xf32>
      %select_n3A_947 = arith.select %gt3A_946, %gather3A_945, %select_n3A_938 : vector<16xi1>, vector<16xf32>
      %jit3A_948 = arith.constant 83 : i32
      %broadcast_in_dim3A_949 = vector.broadcast %jit3A_948 : i32 to vector<16xi32>
      %select_n3A_950 = arith.select %gt3A_946, %broadcast_in_dim3A_949, %select_n3A_941 : vector<16xi1>, vector<16xi32>
      %add3A_951 = arith.constant 87 : i32
      %add3A_952 = vector.broadcast %add3A_951 : i32 to vector<16xi32>
      %add3A_953 = arith.addi %mul3A_157, %add3A_952 : vector<16xi32>
      %gather3A_954 = tpu.vector_load_idx %arg7[%add3A_953] : memref<32760xf32, #tpu.memory_space<vmem>>[vector<16xi32>], vector<16xf32>,
      %gt3A_955 = arith.cmpf ogt, %gather3A_954, %select_n3A_947 : vector<16xf32>
      %select_n3A_956 = arith.select %gt3A_955, %gather3A_954, %select_n3A_947 : vector<16xi1>, vector<16xf32>
      %jit3A_957 = arith.constant 87 : i32
      %broadcast_in_dim3A_958 = vector.broadcast %jit3A_957 : i32 to vector<16xi32>
      %select_n3A_959 = arith.select %gt3A_955, %broadcast_in_dim3A_958, %select_n3A_950 : vector<16xi1>, vector<16xi32>
      %gt3A_960 = arith.cmpf ogt, %select_n3A_557, %select_n3A_353 : vector<16xf32>
      %eq3A = arith.cmpf oeq, %select_n3A_557, %select_n3A_353 : vector<16xf32>
      %lt3A = arith.cmpi slt, %select_n3A_560, %select_n3A_356 : vector<16xi32>
      %and3A = arith.andi %eq3A, %lt3A : vector<16xi1>
      %or3A = arith.ori %gt3A_960, %and3A : vector<16xi1>
      %select_n3A_961 = arith.select %or3A, %select_n3A_557, %select_n3A_353 : vector<16xi1>, vector<16xf32>
      %select_n3A_962 = arith.select %or3A, %select_n3A_560, %select_n3A_356 : vector<16xi1>, vector<16xi32>
      %gt3A_963 = arith.cmpf ogt, %select_n3A_956, %select_n3A_761 : vector<16xf32>
      %eq3A_964 = arith.cmpf oeq, %select_n3A_956, %select_n3A_761 : vector<16xf32>
      %lt3A_965 = arith.cmpi slt, %select_n3A_959, %select_n3A_764 : vector<16xi32>
      %and3A_966 = arith.andi %eq3A_964, %lt3A_965 : vector<16xi1>
      %or3A_967 = arith.ori %gt3A_963, %and3A_966 : vector<16xi1>
      %select_n3A_968 = arith.select %or3A_967, %select_n3A_956, %select_n3A_761 : vector<16xi1>, vector<16xf32>
      %select_n3A_969 = arith.select %or3A_967, %select_n3A_959, %select_n3A_764 : vector<16xi1>, vector<16xi32>
      %gt3A_970 = arith.cmpf ogt, %select_n3A_968, %select_n3A_961 : vector<16xf32>
      %eq3A_971 = arith.cmpf oeq, %select_n3A_968, %select_n3A_961 : vector<16xf32>
      %lt3A_972 = arith.cmpi slt, %select_n3A_969, %select_n3A_962 : vector<16xi32>
      %and3A_973 = arith.andi %eq3A_971, %lt3A_972 : vector<16xi1>
      %or3A_974 = arith.ori %gt3A_970, %and3A_973 : vector<16xi1>
      %select_n3A_975 = arith.select %or3A_974, %select_n3A_968, %select_n3A_961 : vector<16xi1>, vector<16xf32>
      %select_n3A_976 = arith.select %or3A_974, %select_n3A_969, %select_n3A_962 : vector<16xi1>, vector<16xi32>
      %neg3A = arith.constant 0.000000e+00 : f32
      %neg3A_977 = vector.broadcast %neg3A : f32 to vector<16xf32>
      %neg3A_978 = arith.subf %neg3A_977, %select_n3A_975 : vector<16xf32>
      %exp3A = math.exp %neg3A_978 : vector<16xf32>
      %add3A_979 = arith.constant 1.000000e+00 : f32
      %add3A_980 = vector.broadcast %add3A_979 : f32 to vector<16xf32>
      %add3A_981 = arith.addf %add3A_980, %exp3A : vector<16xf32>
      %div3A = arith.constant 1.000000e+00 : f32
      %div3A_982 = vector.broadcast %div3A : f32 to vector<16xf32>
      %div3A_983 = arith.divf %div3A_982, %add3A_981 : vector<16xf32>
      %ge3A = arith.constant 3.000000e-01 : f32
      %ge3A_984 = vector.broadcast %ge3A : f32 to vector<16xf32>
      %ge3A_985 = arith.cmpf oge, %div3A_983, %ge3A_984 : vector<16xf32>
      %mul3A_986 = arith.constant 4 : i32
      %mul3A_987 = vector.broadcast %mul3A_986 : i32 to vector<16xi32>
      %mul3A_988 = arith.muli %add3A_154, %mul3A_987 : vector<16xi32>
      %gather3A_989 = tpu.vector_load_idx %arg9[%mul3A_988] : memref<1440xf32, #tpu.memory_space<vmem>>[vector<16xi32>], vector<16xf32>,
      %add3A_990 = arith.constant 1 : i32
      %add3A_991 = vector.broadcast %add3A_990 : i32 to vector<16xi32>
      %add3A_992 = arith.addi %mul3A_988, %add3A_991 : vector<16xi32>
      %gather3A_993 = tpu.vector_load_idx %arg9[%add3A_992] : memref<1440xf32, #tpu.memory_space<vmem>>[vector<16xi32>], vector<16xf32>,
      %add3A_994 = arith.constant 2 : i32
      %add3A_995 = vector.broadcast %add3A_994 : i32 to vector<16xi32>
      %add3A_996 = arith.addi %mul3A_988, %add3A_995 : vector<16xi32>
      %gather3A_997 = tpu.vector_load_idx %arg9[%add3A_996] : memref<1440xf32, #tpu.memory_space<vmem>>[vector<16xi32>], vector<16xf32>,
      %add3A_998 = arith.constant 3 : i32
      %add3A_999 = vector.broadcast %add3A_998 : i32 to vector<16xi32>
      %add3A_1000 = arith.addi %mul3A_988, %add3A_999 : vector<16xi32>
      %gather3A_1001 = tpu.vector_load_idx %arg9[%add3A_1000] : memref<1440xf32, #tpu.memory_space<vmem>>[vector<16xi32>], vector<16xf32>,
      %mul3A_1002 = arith.constant 5.000000e-01 : f32
      %mul3A_1003 = vector.broadcast %mul3A_1002 : f32 to vector<16xf32>
      %mul3A_1004 = arith.mulf %mul3A_1003, %gather3A_997 : vector<16xf32>
      %sub3A = arith.subf %gather3A_989, %mul3A_1004 : vector<16xf32>
      %mul3A_1005 = arith.mulf %sub3A, %get3A_3 : vector<16xf32>
      %mul3A_1006 = arith.constant 5.000000e-01 : f32
      %mul3A_1007 = vector.broadcast %mul3A_1006 : f32 to vector<16xf32>
      %mul3A_1008 = arith.mulf %mul3A_1007, %gather3A_1001 : vector<16xf32>
      %sub3A_1009 = arith.subf %gather3A_993, %mul3A_1008 : vector<16xf32>
      %mul3A_1010 = arith.mulf %sub3A_1009, %get3A_5 : vector<16xf32>
      %mul3A_1011 = arith.mulf %gather3A_997, %get3A_3 : vector<16xf32>
      %mul3A_1012 = arith.mulf %gather3A_1001, %get3A_5 : vector<16xf32>
      %broadcast_in_dim3A_1013 = arith.constant 0.000000e+00 : f32
      %broadcast_in_dim3A_1014 = vector.broadcast %broadcast_in_dim3A_1013 : f32 to vector<16xf32>
      %mul3A_1015 = arith.constant 6 : i32
      %mul3A_1016 = vector.broadcast %mul3A_1015 : i32 to vector<16xi32>
      %mul3A_1017 = arith.muli %add3A_154, %mul3A_1016 : vector<16xi32>
      %convert_element_type3A = arith.sitofp %select_n3A_976 : vector<16xi32> to vector<16xf32>
      %add3A_1018 = arith.constant 0 : i32
      %add3A_1019 = vector.broadcast %add3A_1018 : i32 to vector<16xi32>
      %add3A_1020 = arith.addi %mul3A_1017, %add3A_1019 : vector<16xi32>
      %select_n3A_1021 = arith.select %ge3A_985, %convert_element_type3A, %broadcast_in_dim3A_1014 : vector<16xi1>, vector<16xf32>
      tpu.vector_store_idx %arg11[%add3A_1020], %select_n3A_1021 : memref<2160xf32, #tpu.memory_space<vmem>>[vector<16xi32>], vector<16xf32>,
      %add3A_1022 = arith.constant 1 : i32
      %add3A_1023 = vector.broadcast %add3A_1022 : i32 to vector<16xi32>
      %add3A_1024 = arith.addi %mul3A_1017, %add3A_1023 : vector<16xi32>
      %select_n3A_1025 = arith.select %ge3A_985, %div3A_983, %broadcast_in_dim3A_1014 : vector<16xi1>, vector<16xf32>
      tpu.vector_store_idx %arg11[%add3A_1024], %select_n3A_1025 : memref<2160xf32, #tpu.memory_space<vmem>>[vector<16xi32>], vector<16xf32>,
      %add3A_1026 = arith.constant 2 : i32
      %add3A_1027 = vector.broadcast %add3A_1026 : i32 to vector<16xi32>
      %add3A_1028 = arith.addi %mul3A_1017, %add3A_1027 : vector<16xi32>
      %select_n3A_1029 = arith.select %ge3A_985, %mul3A_1005, %broadcast_in_dim3A_1014 : vector<16xi1>, vector<16xf32>
      tpu.vector_store_idx %arg11[%add3A_1028], %select_n3A_1029 : memref<2160xf32, #tpu.memory_space<vmem>>[vector<16xi32>], vector<16xf32>,
      %add3A_1030 = arith.constant 3 : i32
      %add3A_1031 = vector.broadcast %add3A_1030 : i32 to vector<16xi32>
      %add3A_1032 = arith.addi %mul3A_1017, %add3A_1031 : vector<16xi32>
      %select_n3A_1033 = arith.select %ge3A_985, %mul3A_1010, %broadcast_in_dim3A_1014 : vector<16xi1>, vector<16xf32>
      tpu.vector_store_idx %arg11[%add3A_1032], %select_n3A_1033 : memref<2160xf32, #tpu.memory_space<vmem>>[vector<16xi32>], vector<16xf32>,
      %add3A_1034 = arith.constant 4 : i32
      %add3A_1035 = vector.broadcast %add3A_1034 : i32 to vector<16xi32>
      %add3A_1036 = arith.addi %mul3A_1017, %add3A_1035 : vector<16xi32>
      %select_n3A_1037 = arith.select %ge3A_985, %mul3A_1011, %broadcast_in_dim3A_1014 : vector<16xi1>, vector<16xf32>
      tpu.vector_store_idx %arg11[%add3A_1036], %select_n3A_1037 : memref<2160xf32, #tpu.memory_space<vmem>>[vector<16xi32>], vector<16xf32>,
      %add3A_1038 = arith.constant 5 : i32
      %add3A_1039 = vector.broadcast %add3A_1038 : i32 to vector<16xi32>
      %add3A_1040 = arith.addi %mul3A_1017, %add3A_1039 : vector<16xi32>
      %select_n3A_1041 = arith.select %ge3A_985, %mul3A_1012, %broadcast_in_dim3A_1014 : vector<16xi1>, vector<16xf32>
      tpu.vector_store_idx %arg11[%add3A_1040], %select_n3A_1041 : memref<2160xf32, #tpu.memory_space<vmem>>[vector<16xi32>], vector<16xf32>,
      %scan3A_1042 = arith.constant 0 : i32
      scf.yield %scan3A_1042 : i32
    }
    %scan3A_33 = arith.constant 23 : i32
    %add3A_34 = arith.constant 0 : i32
    %add3A_35 = arith.addi %mul3A_2, %add3A_34 : i32
    %mul3A_36 = arith.constant 6 : i32
    %mul3A_37 = arith.muli %add3A_35, %mul3A_36 : i32
    %dma_start3A_38 = tpu.memref_slice %arg6[%mul3A_37] : memref<345600xf32, #tpu.memory_space<hbm>> -> memref<2160xf32, #tpu.memory_space<hbm>>
    %dma_start3A_39 = tpu.memref_slice %arg6[%mul3A_37] : memref<345600xf32, #tpu.memory_space<hbm>> -> memref<2160xf32, #tpu.memory_space<hbm>>
    tpu.enqueue_dma source(%arg11 : memref<2160xf32, #tpu.memory_space<vmem>>) target(%dma_start3A_39 : memref<2160xf32, #tpu.memory_space<hbm>>) target_semaphore(%arg19 : memref<!tpu.dma_semaphore, #tpu.memory_space<semaphore_mem>>)
    %dma_wait3A_40 = tpu.memref_slice %arg2[%mul3A_21] : memref<5241600xf32, #tpu.memory_space<hbm>> -> memref<32760xf32, #tpu.memory_space<hbm>>
    %dma_wait3A_41 = tpu.memref_slice %arg2[%mul3A_21] : memref<5241600xf32, #tpu.memory_space<hbm>> -> memref<32760xf32, #tpu.memory_space<hbm>>
    tpu.wait_dma2 semaphore(%arg16 : memref<!tpu.dma_semaphore, #tpu.memory_space<semaphore_mem>>) src(%dma_wait3A_41 : memref<32760xf32, #tpu.memory_space<hbm>>) dst(%arg8 : memref<32760xf32, #tpu.memory_space<vmem>>)
    %dma_wait3A_42 = tpu.memref_slice %arg3[%mul3A_25] : memref<230400xf32, #tpu.memory_space<hbm>> -> memref<1440xf32, #tpu.memory_space<hbm>>
    %dma_wait3A_43 = tpu.memref_slice %arg3[%mul3A_25] : memref<230400xf32, #tpu.memory_space<hbm>> -> memref<1440xf32, #tpu.memory_space<hbm>>
    tpu.wait_dma2 semaphore(%arg18 : memref<!tpu.dma_semaphore, #tpu.memory_space<semaphore_mem>>) src(%dma_wait3A_43 : memref<1440xf32, #tpu.memory_space<hbm>>) dst(%arg10 : memref<1440xf32, #tpu.memory_space<vmem>>)
    %add3A_44 = arith.constant 720 : i32
    %add3A_45 = arith.addi %mul3A_2, %add3A_44 : i32
    %mul3A_46 = arith.constant 91 : i32
    %mul3A_47 = arith.muli %add3A_45, %mul3A_46 : i32
    %dma_start3A_48 = tpu.memref_slice %arg2[%mul3A_47] : memref<5241600xf32, #tpu.memory_space<hbm>> -> memref<32760xf32, #tpu.memory_space<hbm>>
    %dma_start3A_49 = tpu.memref_slice %arg2[%mul3A_47] : memref<5241600xf32, #tpu.memory_space<hbm>> -> memref<32760xf32, #tpu.memory_space<hbm>>
    tpu.enqueue_dma source(%dma_start3A_49 : memref<32760xf32, #tpu.memory_space<hbm>>) target(%arg7 : memref<32760xf32, #tpu.memory_space<vmem>>) target_semaphore(%arg15 : memref<!tpu.dma_semaphore, #tpu.memory_space<semaphore_mem>>)
    %mul3A_50 = arith.constant 4 : i32
    %mul3A_51 = arith.muli %add3A_45, %mul3A_50 : i32
    %dma_start3A_52 = tpu.memref_slice %arg3[%mul3A_51] : memref<230400xf32, #tpu.memory_space<hbm>> -> memref<1440xf32, #tpu.memory_space<hbm>>
    %dma_start3A_53 = tpu.memref_slice %arg3[%mul3A_51] : memref<230400xf32, #tpu.memory_space<hbm>> -> memref<1440xf32, #tpu.memory_space<hbm>>
    tpu.enqueue_dma source(%dma_start3A_53 : memref<1440xf32, #tpu.memory_space<hbm>>) target(%arg9 : memref<1440xf32, #tpu.memory_space<vmem>>) target_semaphore(%arg17 : memref<!tpu.dma_semaphore, #tpu.memory_space<semaphore_mem>>)
    %scan3A_54 = arith.constant 0 : i32
    %scan3A_55 = arith.constant 0 : i32
    %scan3A_56 = arith.constant 23 : i32
    %scan3A_57 = arith.addi %scan3A_55, %scan3A_56 : i32
    %scan3A_58 = arith.constant 1 : i32
    %scan3A_59 = scf.for %scan3A_148 = %scan3A_55 to %scan3A_57 step %scan3A_58 iter_args(%scan3A_149 = %scan3A_54) -> (i32)  : i32 {
      %mul3A_150 = arith.constant 16 : i32
      %mul3A_151 = arith.muli %scan3A_148, %mul3A_150 : i32
      %min3A = arith.constant 344 : i32
      %min3A_152 = arith.minsi %mul3A_151, %min3A : i32
      %iota3A = tpu.iota {dimensions = array<i32: 0>} : vector<16xi32>
      %add3A_153 = vector.broadcast %min3A_152 : i32 to vector<16xi32>
      %add3A_154 = arith.addi %add3A_153, %iota3A : vector<16xi32>
      %mul3A_155 = arith.constant 91 : i32
      %mul3A_156 = vector.broadcast %mul3A_155 : i32 to vector<16xi32>
      %mul3A_157 = arith.muli %add3A_154, %mul3A_156 : vector<16xi32>
      %add3A_158 = arith.constant 0 : i32
      %add3A_159 = vector.broadcast %add3A_158 : i32 to vector<16xi32>
      %add3A_160 = arith.addi %mul3A_157, %add3A_159 : vector<16xi32>
      %gather3A = tpu.vector_load_idx %arg8[%add3A_160] : memref<32760xf32, #tpu.memory_space<vmem>>[vector<16xi32>], vector<16xf32>,
      %broadcast_in_dim3A = arith.constant 0 : i32
      %broadcast_in_dim3A_161 = vector.broadcast %broadcast_in_dim3A : i32 to vector<16xi32>
      %add3A_162 = arith.constant 4 : i32
      %add3A_163 = vector.broadcast %add3A_162 : i32 to vector<16xi32>
      %add3A_164 = arith.addi %mul3A_157, %add3A_163 : vector<16xi32>
      %gather3A_165 = tpu.vector_load_idx %arg8[%add3A_164] : memref<32760xf32, #tpu.memory_space<vmem>>[vector<16xi32>], vector<16xf32>,
      %gt3A = arith.cmpf ogt, %gather3A_165, %gather3A : vector<16xf32>
      %select_n3A = arith.select %gt3A, %gather3A_165, %gather3A : vector<16xi1>, vector<16xf32>
      %jit3A = arith.constant 4 : i32
      %broadcast_in_dim3A_166 = vector.broadcast %jit3A : i32 to vector<16xi32>
      %select_n3A_167 = arith.select %gt3A, %broadcast_in_dim3A_166, %broadcast_in_dim3A_161 : vector<16xi1>, vector<16xi32>
      %add3A_168 = arith.constant 8 : i32
      %add3A_169 = vector.broadcast %add3A_168 : i32 to vector<16xi32>
      %add3A_170 = arith.addi %mul3A_157, %add3A_169 : vector<16xi32>
      %gather3A_171 = tpu.vector_load_idx %arg8[%add3A_170] : memref<32760xf32, #tpu.memory_space<vmem>>[vector<16xi32>], vector<16xf32>,
      %gt3A_172 = arith.cmpf ogt, %gather3A_171, %select_n3A : vector<16xf32>
      %select_n3A_173 = arith.select %gt3A_172, %gather3A_171, %select_n3A : vector<16xi1>, vector<16xf32>
      %jit3A_174 = arith.constant 8 : i32
      %broadcast_in_dim3A_175 = vector.broadcast %jit3A_174 : i32 to vector<16xi32>
      %select_n3A_176 = arith.select %gt3A_172, %broadcast_in_dim3A_175, %select_n3A_167 : vector<16xi1>, vector<16xi32>
      %add3A_177 = arith.constant 12 : i32
      %add3A_178 = vector.broadcast %add3A_177 : i32 to vector<16xi32>
      %add3A_179 = arith.addi %mul3A_157, %add3A_178 : vector<16xi32>
      %gather3A_180 = tpu.vector_load_idx %arg8[%add3A_179] : memref<32760xf32, #tpu.memory_space<vmem>>[vector<16xi32>], vector<16xf32>,
      %gt3A_181 = arith.cmpf ogt, %gather3A_180, %select_n3A_173 : vector<16xf32>
      %select_n3A_182 = arith.select %gt3A_181, %gather3A_180, %select_n3A_173 : vector<16xi1>, vector<16xf32>
      %jit3A_183 = arith.constant 12 : i32
      %broadcast_in_dim3A_184 = vector.broadcast %jit3A_183 : i32 to vector<16xi32>
      %select_n3A_185 = arith.select %gt3A_181, %broadcast_in_dim3A_184, %select_n3A_176 : vector<16xi1>, vector<16xi32>
      %add3A_186 = arith.constant 16 : i32
      %add3A_187 = vector.broadcast %add3A_186 : i32 to vector<16xi32>
      %add3A_188 = arith.addi %mul3A_157, %add3A_187 : vector<16xi32>
      %gather3A_189 = tpu.vector_load_idx %arg8[%add3A_188] : memref<32760xf32, #tpu.memory_space<vmem>>[vector<16xi32>], vector<16xf32>,
      %gt3A_190 = arith.cmpf ogt, %gather3A_189, %select_n3A_182 : vector<16xf32>
      %select_n3A_191 = arith.select %gt3A_190, %gather3A_189, %select_n3A_182 : vector<16xi1>, vector<16xf32>
      %jit3A_192 = arith.constant 16 : i32
      %broadcast_in_dim3A_193 = vector.broadcast %jit3A_192 : i32 to vector<16xi32>
      %select_n3A_194 = arith.select %gt3A_190, %broadcast_in_dim3A_193, %select_n3A_185 : vector<16xi1>, vector<16xi32>
      %add3A_195 = arith.constant 20 : i32
      %add3A_196 = vector.broadcast %add3A_195 : i32 to vector<16xi32>
      %add3A_197 = arith.addi %mul3A_157, %add3A_196 : vector<16xi32>
      %gather3A_198 = tpu.vector_load_idx %arg8[%add3A_197] : memref<32760xf32, #tpu.memory_space<vmem>>[vector<16xi32>], vector<16xf32>,
      %gt3A_199 = arith.cmpf ogt, %gather3A_198, %select_n3A_191 : vector<16xf32>
      %select_n3A_200 = arith.select %gt3A_199, %gather3A_198, %select_n3A_191 : vector<16xi1>, vector<16xf32>
      %jit3A_201 = arith.constant 20 : i32
      %broadcast_in_dim3A_202 = vector.broadcast %jit3A_201 : i32 to vector<16xi32>
      %select_n3A_203 = arith.select %gt3A_199, %broadcast_in_dim3A_202, %select_n3A_194 : vector<16xi1>, vector<16xi32>
      %add3A_204 = arith.constant 24 : i32
      %add3A_205 = vector.broadcast %add3A_204 : i32 to vector<16xi32>
      %add3A_206 = arith.addi %mul3A_157, %add3A_205 : vector<16xi32>
      %gather3A_207 = tpu.vector_load_idx %arg8[%add3A_206] : memref<32760xf32, #tpu.memory_space<vmem>>[vector<16xi32>], vector<16xf32>,
      %gt3A_208 = arith.cmpf ogt, %gather3A_207, %select_n3A_200 : vector<16xf32>
      %select_n3A_209 = arith.select %gt3A_208, %gather3A_207, %select_n3A_200 : vector<16xi1>, vector<16xf32>
      %jit3A_210 = arith.constant 24 : i32
      %broadcast_in_dim3A_211 = vector.broadcast %jit3A_210 : i32 to vector<16xi32>
      %select_n3A_212 = arith.select %gt3A_208, %broadcast_in_dim3A_211, %select_n3A_203 : vector<16xi1>, vector<16xi32>
      %add3A_213 = arith.constant 28 : i32
      %add3A_214 = vector.broadcast %add3A_213 : i32 to vector<16xi32>
      %add3A_215 = arith.addi %mul3A_157, %add3A_214 : vector<16xi32>
      %gather3A_216 = tpu.vector_load_idx %arg8[%add3A_215] : memref<32760xf32, #tpu.memory_space<vmem>>[vector<16xi32>], vector<16xf32>,
      %gt3A_217 = arith.cmpf ogt, %gather3A_216, %select_n3A_209 : vector<16xf32>
      %select_n3A_218 = arith.select %gt3A_217, %gather3A_216, %select_n3A_209 : vector<16xi1>, vector<16xf32>
      %jit3A_219 = arith.constant 28 : i32
      %broadcast_in_dim3A_220 = vector.broadcast %jit3A_219 : i32 to vector<16xi32>
      %select_n3A_221 = arith.select %gt3A_217, %broadcast_in_dim3A_220, %select_n3A_212 : vector<16xi1>, vector<16xi32>
      %add3A_222 = arith.constant 32 : i32
      %add3A_223 = vector.broadcast %add3A_222 : i32 to vector<16xi32>
      %add3A_224 = arith.addi %mul3A_157, %add3A_223 : vector<16xi32>
      %gather3A_225 = tpu.vector_load_idx %arg8[%add3A_224] : memref<32760xf32, #tpu.memory_space<vmem>>[vector<16xi32>], vector<16xf32>,
      %gt3A_226 = arith.cmpf ogt, %gather3A_225, %select_n3A_218 : vector<16xf32>
      %select_n3A_227 = arith.select %gt3A_226, %gather3A_225, %select_n3A_218 : vector<16xi1>, vector<16xf32>
      %jit3A_228 = arith.constant 32 : i32
      %broadcast_in_dim3A_229 = vector.broadcast %jit3A_228 : i32 to vector<16xi32>
      %select_n3A_230 = arith.select %gt3A_226, %broadcast_in_dim3A_229, %select_n3A_221 : vector<16xi1>, vector<16xi32>
      %add3A_231 = arith.constant 36 : i32
      %add3A_232 = vector.broadcast %add3A_231 : i32 to vector<16xi32>
      %add3A_233 = arith.addi %mul3A_157, %add3A_232 : vector<16xi32>
      %gather3A_234 = tpu.vector_load_idx %arg8[%add3A_233] : memref<32760xf32, #tpu.memory_space<vmem>>[vector<16xi32>], vector<16xf32>,
      %gt3A_235 = arith.cmpf ogt, %gather3A_234, %select_n3A_227 : vector<16xf32>
      %select_n3A_236 = arith.select %gt3A_235, %gather3A_234, %select_n3A_227 : vector<16xi1>, vector<16xf32>
      %jit3A_237 = arith.constant 36 : i32
      %broadcast_in_dim3A_238 = vector.broadcast %jit3A_237 : i32 to vector<16xi32>
      %select_n3A_239 = arith.select %gt3A_235, %broadcast_in_dim3A_238, %select_n3A_230 : vector<16xi1>, vector<16xi32>
      %add3A_240 = arith.constant 40 : i32
      %add3A_241 = vector.broadcast %add3A_240 : i32 to vector<16xi32>
      %add3A_242 = arith.addi %mul3A_157, %add3A_241 : vector<16xi32>
      %gather3A_243 = tpu.vector_load_idx %arg8[%add3A_242] : memref<32760xf32, #tpu.memory_space<vmem>>[vector<16xi32>], vector<16xf32>,
      %gt3A_244 = arith.cmpf ogt, %gather3A_243, %select_n3A_236 : vector<16xf32>
      %select_n3A_245 = arith.select %gt3A_244, %gather3A_243, %select_n3A_236 : vector<16xi1>, vector<16xf32>
      %jit3A_246 = arith.constant 40 : i32
      %broadcast_in_dim3A_247 = vector.broadcast %jit3A_246 : i32 to vector<16xi32>
      %select_n3A_248 = arith.select %gt3A_244, %broadcast_in_dim3A_247, %select_n3A_239 : vector<16xi1>, vector<16xi32>
      %add3A_249 = arith.constant 44 : i32
      %add3A_250 = vector.broadcast %add3A_249 : i32 to vector<16xi32>
      %add3A_251 = arith.addi %mul3A_157, %add3A_250 : vector<16xi32>
      %gather3A_252 = tpu.vector_load_idx %arg8[%add3A_251] : memref<32760xf32, #tpu.memory_space<vmem>>[vector<16xi32>], vector<16xf32>,
      %gt3A_253 = arith.cmpf ogt, %gather3A_252, %select_n3A_245 : vector<16xf32>
      %select_n3A_254 = arith.select %gt3A_253, %gather3A_252, %select_n3A_245 : vector<16xi1>, vector<16xf32>
      %jit3A_255 = arith.constant 44 : i32
      %broadcast_in_dim3A_256 = vector.broadcast %jit3A_255 : i32 to vector<16xi32>
      %select_n3A_257 = arith.select %gt3A_253, %broadcast_in_dim3A_256, %select_n3A_248 : vector<16xi1>, vector<16xi32>
      %add3A_258 = arith.constant 48 : i32
      %add3A_259 = vector.broadcast %add3A_258 : i32 to vector<16xi32>
      %add3A_260 = arith.addi %mul3A_157, %add3A_259 : vector<16xi32>
      %gather3A_261 = tpu.vector_load_idx %arg8[%add3A_260] : memref<32760xf32, #tpu.memory_space<vmem>>[vector<16xi32>], vector<16xf32>,
      %gt3A_262 = arith.cmpf ogt, %gather3A_261, %select_n3A_254 : vector<16xf32>
      %select_n3A_263 = arith.select %gt3A_262, %gather3A_261, %select_n3A_254 : vector<16xi1>, vector<16xf32>
      %jit3A_264 = arith.constant 48 : i32
      %broadcast_in_dim3A_265 = vector.broadcast %jit3A_264 : i32 to vector<16xi32>
      %select_n3A_266 = arith.select %gt3A_262, %broadcast_in_dim3A_265, %select_n3A_257 : vector<16xi1>, vector<16xi32>
      %add3A_267 = arith.constant 52 : i32
      %add3A_268 = vector.broadcast %add3A_267 : i32 to vector<16xi32>
      %add3A_269 = arith.addi %mul3A_157, %add3A_268 : vector<16xi32>
      %gather3A_270 = tpu.vector_load_idx %arg8[%add3A_269] : memref<32760xf32, #tpu.memory_space<vmem>>[vector<16xi32>], vector<16xf32>,
      %gt3A_271 = arith.cmpf ogt, %gather3A_270, %select_n3A_263 : vector<16xf32>
      %select_n3A_272 = arith.select %gt3A_271, %gather3A_270, %select_n3A_263 : vector<16xi1>, vector<16xf32>
      %jit3A_273 = arith.constant 52 : i32
      %broadcast_in_dim3A_274 = vector.broadcast %jit3A_273 : i32 to vector<16xi32>
      %select_n3A_275 = arith.select %gt3A_271, %broadcast_in_dim3A_274, %select_n3A_266 : vector<16xi1>, vector<16xi32>
      %add3A_276 = arith.constant 56 : i32
      %add3A_277 = vector.broadcast %add3A_276 : i32 to vector<16xi32>
      %add3A_278 = arith.addi %mul3A_157, %add3A_277 : vector<16xi32>
      %gather3A_279 = tpu.vector_load_idx %arg8[%add3A_278] : memref<32760xf32, #tpu.memory_space<vmem>>[vector<16xi32>], vector<16xf32>,
      %gt3A_280 = arith.cmpf ogt, %gather3A_279, %select_n3A_272 : vector<16xf32>
      %select_n3A_281 = arith.select %gt3A_280, %gather3A_279, %select_n3A_272 : vector<16xi1>, vector<16xf32>
      %jit3A_282 = arith.constant 56 : i32
      %broadcast_in_dim3A_283 = vector.broadcast %jit3A_282 : i32 to vector<16xi32>
      %select_n3A_284 = arith.select %gt3A_280, %broadcast_in_dim3A_283, %select_n3A_275 : vector<16xi1>, vector<16xi32>
      %add3A_285 = arith.constant 60 : i32
      %add3A_286 = vector.broadcast %add3A_285 : i32 to vector<16xi32>
      %add3A_287 = arith.addi %mul3A_157, %add3A_286 : vector<16xi32>
      %gather3A_288 = tpu.vector_load_idx %arg8[%add3A_287] : memref<32760xf32, #tpu.memory_space<vmem>>[vector<16xi32>], vector<16xf32>,
      %gt3A_289 = arith.cmpf ogt, %gather3A_288, %select_n3A_281 : vector<16xf32>
      %select_n3A_290 = arith.select %gt3A_289, %gather3A_288, %select_n3A_281 : vector<16xi1>, vector<16xf32>
      %jit3A_291 = arith.constant 60 : i32
      %broadcast_in_dim3A_292 = vector.broadcast %jit3A_291 : i32 to vector<16xi32>
      %select_n3A_293 = arith.select %gt3A_289, %broadcast_in_dim3A_292, %select_n3A_284 : vector<16xi1>, vector<16xi32>
      %add3A_294 = arith.constant 64 : i32
      %add3A_295 = vector.broadcast %add3A_294 : i32 to vector<16xi32>
      %add3A_296 = arith.addi %mul3A_157, %add3A_295 : vector<16xi32>
      %gather3A_297 = tpu.vector_load_idx %arg8[%add3A_296] : memref<32760xf32, #tpu.memory_space<vmem>>[vector<16xi32>], vector<16xf32>,
      %gt3A_298 = arith.cmpf ogt, %gather3A_297, %select_n3A_290 : vector<16xf32>
      %select_n3A_299 = arith.select %gt3A_298, %gather3A_297, %select_n3A_290 : vector<16xi1>, vector<16xf32>
      %jit3A_300 = arith.constant 64 : i32
      %broadcast_in_dim3A_301 = vector.broadcast %jit3A_300 : i32 to vector<16xi32>
      %select_n3A_302 = arith.select %gt3A_298, %broadcast_in_dim3A_301, %select_n3A_293 : vector<16xi1>, vector<16xi32>
      %add3A_303 = arith.constant 68 : i32
      %add3A_304 = vector.broadcast %add3A_303 : i32 to vector<16xi32>
      %add3A_305 = arith.addi %mul3A_157, %add3A_304 : vector<16xi32>
      %gather3A_306 = tpu.vector_load_idx %arg8[%add3A_305] : memref<32760xf32, #tpu.memory_space<vmem>>[vector<16xi32>], vector<16xf32>,
      %gt3A_307 = arith.cmpf ogt, %gather3A_306, %select_n3A_299 : vector<16xf32>
      %select_n3A_308 = arith.select %gt3A_307, %gather3A_306, %select_n3A_299 : vector<16xi1>, vector<16xf32>
      %jit3A_309 = arith.constant 68 : i32
      %broadcast_in_dim3A_310 = vector.broadcast %jit3A_309 : i32 to vector<16xi32>
      %select_n3A_311 = arith.select %gt3A_307, %broadcast_in_dim3A_310, %select_n3A_302 : vector<16xi1>, vector<16xi32>
      %add3A_312 = arith.constant 72 : i32
      %add3A_313 = vector.broadcast %add3A_312 : i32 to vector<16xi32>
      %add3A_314 = arith.addi %mul3A_157, %add3A_313 : vector<16xi32>
      %gather3A_315 = tpu.vector_load_idx %arg8[%add3A_314] : memref<32760xf32, #tpu.memory_space<vmem>>[vector<16xi32>], vector<16xf32>,
      %gt3A_316 = arith.cmpf ogt, %gather3A_315, %select_n3A_308 : vector<16xf32>
      %select_n3A_317 = arith.select %gt3A_316, %gather3A_315, %select_n3A_308 : vector<16xi1>, vector<16xf32>
      %jit3A_318 = arith.constant 72 : i32
      %broadcast_in_dim3A_319 = vector.broadcast %jit3A_318 : i32 to vector<16xi32>
      %select_n3A_320 = arith.select %gt3A_316, %broadcast_in_dim3A_319, %select_n3A_311 : vector<16xi1>, vector<16xi32>
      %add3A_321 = arith.constant 76 : i32
      %add3A_322 = vector.broadcast %add3A_321 : i32 to vector<16xi32>
      %add3A_323 = arith.addi %mul3A_157, %add3A_322 : vector<16xi32>
      %gather3A_324 = tpu.vector_load_idx %arg8[%add3A_323] : memref<32760xf32, #tpu.memory_space<vmem>>[vector<16xi32>], vector<16xf32>,
      %gt3A_325 = arith.cmpf ogt, %gather3A_324, %select_n3A_317 : vector<16xf32>
      %select_n3A_326 = arith.select %gt3A_325, %gather3A_324, %select_n3A_317 : vector<16xi1>, vector<16xf32>
      %jit3A_327 = arith.constant 76 : i32
      %broadcast_in_dim3A_328 = vector.broadcast %jit3A_327 : i32 to vector<16xi32>
      %select_n3A_329 = arith.select %gt3A_325, %broadcast_in_dim3A_328, %select_n3A_320 : vector<16xi1>, vector<16xi32>
      %add3A_330 = arith.constant 80 : i32
      %add3A_331 = vector.broadcast %add3A_330 : i32 to vector<16xi32>
      %add3A_332 = arith.addi %mul3A_157, %add3A_331 : vector<16xi32>
      %gather3A_333 = tpu.vector_load_idx %arg8[%add3A_332] : memref<32760xf32, #tpu.memory_space<vmem>>[vector<16xi32>], vector<16xf32>,
      %gt3A_334 = arith.cmpf ogt, %gather3A_333, %select_n3A_326 : vector<16xf32>
      %select_n3A_335 = arith.select %gt3A_334, %gather3A_333, %select_n3A_326 : vector<16xi1>, vector<16xf32>
      %jit3A_336 = arith.constant 80 : i32
      %broadcast_in_dim3A_337 = vector.broadcast %jit3A_336 : i32 to vector<16xi32>
      %select_n3A_338 = arith.select %gt3A_334, %broadcast_in_dim3A_337, %select_n3A_329 : vector<16xi1>, vector<16xi32>
      %add3A_339 = arith.constant 84 : i32
      %add3A_340 = vector.broadcast %add3A_339 : i32 to vector<16xi32>
      %add3A_341 = arith.addi %mul3A_157, %add3A_340 : vector<16xi32>
      %gather3A_342 = tpu.vector_load_idx %arg8[%add3A_341] : memref<32760xf32, #tpu.memory_space<vmem>>[vector<16xi32>], vector<16xf32>,
      %gt3A_343 = arith.cmpf ogt, %gather3A_342, %select_n3A_335 : vector<16xf32>
      %select_n3A_344 = arith.select %gt3A_343, %gather3A_342, %select_n3A_335 : vector<16xi1>, vector<16xf32>
      %jit3A_345 = arith.constant 84 : i32
      %broadcast_in_dim3A_346 = vector.broadcast %jit3A_345 : i32 to vector<16xi32>
      %select_n3A_347 = arith.select %gt3A_343, %broadcast_in_dim3A_346, %select_n3A_338 : vector<16xi1>, vector<16xi32>
      %add3A_348 = arith.constant 88 : i32
      %add3A_349 = vector.broadcast %add3A_348 : i32 to vector<16xi32>
      %add3A_350 = arith.addi %mul3A_157, %add3A_349 : vector<16xi32>
      %gather3A_351 = tpu.vector_load_idx %arg8[%add3A_350] : memref<32760xf32, #tpu.memory_space<vmem>>[vector<16xi32>], vector<16xf32>,
      %gt3A_352 = arith.cmpf ogt, %gather3A_351, %select_n3A_344 : vector<16xf32>
      %select_n3A_353 = arith.select %gt3A_352, %gather3A_351, %select_n3A_344 : vector<16xi1>, vector<16xf32>
      %jit3A_354 = arith.constant 88 : i32
      %broadcast_in_dim3A_355 = vector.broadcast %jit3A_354 : i32 to vector<16xi32>
      %select_n3A_356 = arith.select %gt3A_352, %broadcast_in_dim3A_355, %select_n3A_347 : vector<16xi1>, vector<16xi32>
      %add3A_357 = arith.constant 1 : i32
      %add3A_358 = vector.broadcast %add3A_357 : i32 to vector<16xi32>
      %add3A_359 = arith.addi %mul3A_157, %add3A_358 : vector<16xi32>
      %gather3A_360 = tpu.vector_load_idx %arg8[%add3A_359] : memref<32760xf32, #tpu.memory_space<vmem>>[vector<16xi32>], vector<16xf32>,
      %broadcast_in_dim3A_361 = arith.constant 1 : i32
      %broadcast_in_dim3A_362 = vector.broadcast %broadcast_in_dim3A_361 : i32 to vector<16xi32>
      %add3A_363 = arith.constant 5 : i32
      %add3A_364 = vector.broadcast %add3A_363 : i32 to vector<16xi32>
      %add3A_365 = arith.addi %mul3A_157, %add3A_364 : vector<16xi32>
      %gather3A_366 = tpu.vector_load_idx %arg8[%add3A_365] : memref<32760xf32, #tpu.memory_space<vmem>>[vector<16xi32>], vector<16xf32>,
      %gt3A_367 = arith.cmpf ogt, %gather3A_366, %gather3A_360 : vector<16xf32>
      %select_n3A_368 = arith.select %gt3A_367, %gather3A_366, %gather3A_360 : vector<16xi1>, vector<16xf32>
      %jit3A_369 = arith.constant 5 : i32
      %broadcast_in_dim3A_370 = vector.broadcast %jit3A_369 : i32 to vector<16xi32>
      %select_n3A_371 = arith.select %gt3A_367, %broadcast_in_dim3A_370, %broadcast_in_dim3A_362 : vector<16xi1>, vector<16xi32>
      %add3A_372 = arith.constant 9 : i32
      %add3A_373 = vector.broadcast %add3A_372 : i32 to vector<16xi32>
      %add3A_374 = arith.addi %mul3A_157, %add3A_373 : vector<16xi32>
      %gather3A_375 = tpu.vector_load_idx %arg8[%add3A_374] : memref<32760xf32, #tpu.memory_space<vmem>>[vector<16xi32>], vector<16xf32>,
      %gt3A_376 = arith.cmpf ogt, %gather3A_375, %select_n3A_368 : vector<16xf32>
      %select_n3A_377 = arith.select %gt3A_376, %gather3A_375, %select_n3A_368 : vector<16xi1>, vector<16xf32>
      %jit3A_378 = arith.constant 9 : i32
      %broadcast_in_dim3A_379 = vector.broadcast %jit3A_378 : i32 to vector<16xi32>
      %select_n3A_380 = arith.select %gt3A_376, %broadcast_in_dim3A_379, %select_n3A_371 : vector<16xi1>, vector<16xi32>
      %add3A_381 = arith.constant 13 : i32
      %add3A_382 = vector.broadcast %add3A_381 : i32 to vector<16xi32>
      %add3A_383 = arith.addi %mul3A_157, %add3A_382 : vector<16xi32>
      %gather3A_384 = tpu.vector_load_idx %arg8[%add3A_383] : memref<32760xf32, #tpu.memory_space<vmem>>[vector<16xi32>], vector<16xf32>,
      %gt3A_385 = arith.cmpf ogt, %gather3A_384, %select_n3A_377 : vector<16xf32>
      %select_n3A_386 = arith.select %gt3A_385, %gather3A_384, %select_n3A_377 : vector<16xi1>, vector<16xf32>
      %jit3A_387 = arith.constant 13 : i32
      %broadcast_in_dim3A_388 = vector.broadcast %jit3A_387 : i32 to vector<16xi32>
      %select_n3A_389 = arith.select %gt3A_385, %broadcast_in_dim3A_388, %select_n3A_380 : vector<16xi1>, vector<16xi32>
      %add3A_390 = arith.constant 17 : i32
      %add3A_391 = vector.broadcast %add3A_390 : i32 to vector<16xi32>
      %add3A_392 = arith.addi %mul3A_157, %add3A_391 : vector<16xi32>
      %gather3A_393 = tpu.vector_load_idx %arg8[%add3A_392] : memref<32760xf32, #tpu.memory_space<vmem>>[vector<16xi32>], vector<16xf32>,
      %gt3A_394 = arith.cmpf ogt, %gather3A_393, %select_n3A_386 : vector<16xf32>
      %select_n3A_395 = arith.select %gt3A_394, %gather3A_393, %select_n3A_386 : vector<16xi1>, vector<16xf32>
      %jit3A_396 = arith.constant 17 : i32
      %broadcast_in_dim3A_397 = vector.broadcast %jit3A_396 : i32 to vector<16xi32>
      %select_n3A_398 = arith.select %gt3A_394, %broadcast_in_dim3A_397, %select_n3A_389 : vector<16xi1>, vector<16xi32>
      %add3A_399 = arith.constant 21 : i32
      %add3A_400 = vector.broadcast %add3A_399 : i32 to vector<16xi32>
      %add3A_401 = arith.addi %mul3A_157, %add3A_400 : vector<16xi32>
      %gather3A_402 = tpu.vector_load_idx %arg8[%add3A_401] : memref<32760xf32, #tpu.memory_space<vmem>>[vector<16xi32>], vector<16xf32>,
      %gt3A_403 = arith.cmpf ogt, %gather3A_402, %select_n3A_395 : vector<16xf32>
      %select_n3A_404 = arith.select %gt3A_403, %gather3A_402, %select_n3A_395 : vector<16xi1>, vector<16xf32>
      %jit3A_405 = arith.constant 21 : i32
      %broadcast_in_dim3A_406 = vector.broadcast %jit3A_405 : i32 to vector<16xi32>
      %select_n3A_407 = arith.select %gt3A_403, %broadcast_in_dim3A_406, %select_n3A_398 : vector<16xi1>, vector<16xi32>
      %add3A_408 = arith.constant 25 : i32
      %add3A_409 = vector.broadcast %add3A_408 : i32 to vector<16xi32>
      %add3A_410 = arith.addi %mul3A_157, %add3A_409 : vector<16xi32>
      %gather3A_411 = tpu.vector_load_idx %arg8[%add3A_410] : memref<32760xf32, #tpu.memory_space<vmem>>[vector<16xi32>], vector<16xf32>,
      %gt3A_412 = arith.cmpf ogt, %gather3A_411, %select_n3A_404 : vector<16xf32>
      %select_n3A_413 = arith.select %gt3A_412, %gather3A_411, %select_n3A_404 : vector<16xi1>, vector<16xf32>
      %jit3A_414 = arith.constant 25 : i32
      %broadcast_in_dim3A_415 = vector.broadcast %jit3A_414 : i32 to vector<16xi32>
      %select_n3A_416 = arith.select %gt3A_412, %broadcast_in_dim3A_415, %select_n3A_407 : vector<16xi1>, vector<16xi32>
      %add3A_417 = arith.constant 29 : i32
      %add3A_418 = vector.broadcast %add3A_417 : i32 to vector<16xi32>
      %add3A_419 = arith.addi %mul3A_157, %add3A_418 : vector<16xi32>
      %gather3A_420 = tpu.vector_load_idx %arg8[%add3A_419] : memref<32760xf32, #tpu.memory_space<vmem>>[vector<16xi32>], vector<16xf32>,
      %gt3A_421 = arith.cmpf ogt, %gather3A_420, %select_n3A_413 : vector<16xf32>
      %select_n3A_422 = arith.select %gt3A_421, %gather3A_420, %select_n3A_413 : vector<16xi1>, vector<16xf32>
      %jit3A_423 = arith.constant 29 : i32
      %broadcast_in_dim3A_424 = vector.broadcast %jit3A_423 : i32 to vector<16xi32>
      %select_n3A_425 = arith.select %gt3A_421, %broadcast_in_dim3A_424, %select_n3A_416 : vector<16xi1>, vector<16xi32>
      %add3A_426 = arith.constant 33 : i32
      %add3A_427 = vector.broadcast %add3A_426 : i32 to vector<16xi32>
      %add3A_428 = arith.addi %mul3A_157, %add3A_427 : vector<16xi32>
      %gather3A_429 = tpu.vector_load_idx %arg8[%add3A_428] : memref<32760xf32, #tpu.memory_space<vmem>>[vector<16xi32>], vector<16xf32>,
      %gt3A_430 = arith.cmpf ogt, %gather3A_429, %select_n3A_422 : vector<16xf32>
      %select_n3A_431 = arith.select %gt3A_430, %gather3A_429, %select_n3A_422 : vector<16xi1>, vector<16xf32>
      %jit3A_432 = arith.constant 33 : i32
      %broadcast_in_dim3A_433 = vector.broadcast %jit3A_432 : i32 to vector<16xi32>
      %select_n3A_434 = arith.select %gt3A_430, %broadcast_in_dim3A_433, %select_n3A_425 : vector<16xi1>, vector<16xi32>
      %add3A_435 = arith.constant 37 : i32
      %add3A_436 = vector.broadcast %add3A_435 : i32 to vector<16xi32>
      %add3A_437 = arith.addi %mul3A_157, %add3A_436 : vector<16xi32>
      %gather3A_438 = tpu.vector_load_idx %arg8[%add3A_437] : memref<32760xf32, #tpu.memory_space<vmem>>[vector<16xi32>], vector<16xf32>,
      %gt3A_439 = arith.cmpf ogt, %gather3A_438, %select_n3A_431 : vector<16xf32>
      %select_n3A_440 = arith.select %gt3A_439, %gather3A_438, %select_n3A_431 : vector<16xi1>, vector<16xf32>
      %jit3A_441 = arith.constant 37 : i32
      %broadcast_in_dim3A_442 = vector.broadcast %jit3A_441 : i32 to vector<16xi32>
      %select_n3A_443 = arith.select %gt3A_439, %broadcast_in_dim3A_442, %select_n3A_434 : vector<16xi1>, vector<16xi32>
      %add3A_444 = arith.constant 41 : i32
      %add3A_445 = vector.broadcast %add3A_444 : i32 to vector<16xi32>
      %add3A_446 = arith.addi %mul3A_157, %add3A_445 : vector<16xi32>
      %gather3A_447 = tpu.vector_load_idx %arg8[%add3A_446] : memref<32760xf32, #tpu.memory_space<vmem>>[vector<16xi32>], vector<16xf32>,
      %gt3A_448 = arith.cmpf ogt, %gather3A_447, %select_n3A_440 : vector<16xf32>
      %select_n3A_449 = arith.select %gt3A_448, %gather3A_447, %select_n3A_440 : vector<16xi1>, vector<16xf32>
      %jit3A_450 = arith.constant 41 : i32
      %broadcast_in_dim3A_451 = vector.broadcast %jit3A_450 : i32 to vector<16xi32>
      %select_n3A_452 = arith.select %gt3A_448, %broadcast_in_dim3A_451, %select_n3A_443 : vector<16xi1>, vector<16xi32>
      %add3A_453 = arith.constant 45 : i32
      %add3A_454 = vector.broadcast %add3A_453 : i32 to vector<16xi32>
      %add3A_455 = arith.addi %mul3A_157, %add3A_454 : vector<16xi32>
      %gather3A_456 = tpu.vector_load_idx %arg8[%add3A_455] : memref<32760xf32, #tpu.memory_space<vmem>>[vector<16xi32>], vector<16xf32>,
      %gt3A_457 = arith.cmpf ogt, %gather3A_456, %select_n3A_449 : vector<16xf32>
      %select_n3A_458 = arith.select %gt3A_457, %gather3A_456, %select_n3A_449 : vector<16xi1>, vector<16xf32>
      %jit3A_459 = arith.constant 45 : i32
      %broadcast_in_dim3A_460 = vector.broadcast %jit3A_459 : i32 to vector<16xi32>
      %select_n3A_461 = arith.select %gt3A_457, %broadcast_in_dim3A_460, %select_n3A_452 : vector<16xi1>, vector<16xi32>
      %add3A_462 = arith.constant 49 : i32
      %add3A_463 = vector.broadcast %add3A_462 : i32 to vector<16xi32>
      %add3A_464 = arith.addi %mul3A_157, %add3A_463 : vector<16xi32>
      %gather3A_465 = tpu.vector_load_idx %arg8[%add3A_464] : memref<32760xf32, #tpu.memory_space<vmem>>[vector<16xi32>], vector<16xf32>,
      %gt3A_466 = arith.cmpf ogt, %gather3A_465, %select_n3A_458 : vector<16xf32>
      %select_n3A_467 = arith.select %gt3A_466, %gather3A_465, %select_n3A_458 : vector<16xi1>, vector<16xf32>
      %jit3A_468 = arith.constant 49 : i32
      %broadcast_in_dim3A_469 = vector.broadcast %jit3A_468 : i32 to vector<16xi32>
      %select_n3A_470 = arith.select %gt3A_466, %broadcast_in_dim3A_469, %select_n3A_461 : vector<16xi1>, vector<16xi32>
      %add3A_471 = arith.constant 53 : i32
      %add3A_472 = vector.broadcast %add3A_471 : i32 to vector<16xi32>
      %add3A_473 = arith.addi %mul3A_157, %add3A_472 : vector<16xi32>
      %gather3A_474 = tpu.vector_load_idx %arg8[%add3A_473] : memref<32760xf32, #tpu.memory_space<vmem>>[vector<16xi32>], vector<16xf32>,
      %gt3A_475 = arith.cmpf ogt, %gather3A_474, %select_n3A_467 : vector<16xf32>
      %select_n3A_476 = arith.select %gt3A_475, %gather3A_474, %select_n3A_467 : vector<16xi1>, vector<16xf32>
      %jit3A_477 = arith.constant 53 : i32
      %broadcast_in_dim3A_478 = vector.broadcast %jit3A_477 : i32 to vector<16xi32>
      %select_n3A_479 = arith.select %gt3A_475, %broadcast_in_dim3A_478, %select_n3A_470 : vector<16xi1>, vector<16xi32>
      %add3A_480 = arith.constant 57 : i32
      %add3A_481 = vector.broadcast %add3A_480 : i32 to vector<16xi32>
      %add3A_482 = arith.addi %mul3A_157, %add3A_481 : vector<16xi32>
      %gather3A_483 = tpu.vector_load_idx %arg8[%add3A_482] : memref<32760xf32, #tpu.memory_space<vmem>>[vector<16xi32>], vector<16xf32>,
      %gt3A_484 = arith.cmpf ogt, %gather3A_483, %select_n3A_476 : vector<16xf32>
      %select_n3A_485 = arith.select %gt3A_484, %gather3A_483, %select_n3A_476 : vector<16xi1>, vector<16xf32>
      %jit3A_486 = arith.constant 57 : i32
      %broadcast_in_dim3A_487 = vector.broadcast %jit3A_486 : i32 to vector<16xi32>
      %select_n3A_488 = arith.select %gt3A_484, %broadcast_in_dim3A_487, %select_n3A_479 : vector<16xi1>, vector<16xi32>
      %add3A_489 = arith.constant 61 : i32
      %add3A_490 = vector.broadcast %add3A_489 : i32 to vector<16xi32>
      %add3A_491 = arith.addi %mul3A_157, %add3A_490 : vector<16xi32>
      %gather3A_492 = tpu.vector_load_idx %arg8[%add3A_491] : memref<32760xf32, #tpu.memory_space<vmem>>[vector<16xi32>], vector<16xf32>,
      %gt3A_493 = arith.cmpf ogt, %gather3A_492, %select_n3A_485 : vector<16xf32>
      %select_n3A_494 = arith.select %gt3A_493, %gather3A_492, %select_n3A_485 : vector<16xi1>, vector<16xf32>
      %jit3A_495 = arith.constant 61 : i32
      %broadcast_in_dim3A_496 = vector.broadcast %jit3A_495 : i32 to vector<16xi32>
      %select_n3A_497 = arith.select %gt3A_493, %broadcast_in_dim3A_496, %select_n3A_488 : vector<16xi1>, vector<16xi32>
      %add3A_498 = arith.constant 65 : i32
      %add3A_499 = vector.broadcast %add3A_498 : i32 to vector<16xi32>
      %add3A_500 = arith.addi %mul3A_157, %add3A_499 : vector<16xi32>
      %gather3A_501 = tpu.vector_load_idx %arg8[%add3A_500] : memref<32760xf32, #tpu.memory_space<vmem>>[vector<16xi32>], vector<16xf32>,
      %gt3A_502 = arith.cmpf ogt, %gather3A_501, %select_n3A_494 : vector<16xf32>
      %select_n3A_503 = arith.select %gt3A_502, %gather3A_501, %select_n3A_494 : vector<16xi1>, vector<16xf32>
      %jit3A_504 = arith.constant 65 : i32
      %broadcast_in_dim3A_505 = vector.broadcast %jit3A_504 : i32 to vector<16xi32>
      %select_n3A_506 = arith.select %gt3A_502, %broadcast_in_dim3A_505, %select_n3A_497 : vector<16xi1>, vector<16xi32>
      %add3A_507 = arith.constant 69 : i32
      %add3A_508 = vector.broadcast %add3A_507 : i32 to vector<16xi32>
      %add3A_509 = arith.addi %mul3A_157, %add3A_508 : vector<16xi32>
      %gather3A_510 = tpu.vector_load_idx %arg8[%add3A_509] : memref<32760xf32, #tpu.memory_space<vmem>>[vector<16xi32>], vector<16xf32>,
      %gt3A_511 = arith.cmpf ogt, %gather3A_510, %select_n3A_503 : vector<16xf32>
      %select_n3A_512 = arith.select %gt3A_511, %gather3A_510, %select_n3A_503 : vector<16xi1>, vector<16xf32>
      %jit3A_513 = arith.constant 69 : i32
      %broadcast_in_dim3A_514 = vector.broadcast %jit3A_513 : i32 to vector<16xi32>
      %select_n3A_515 = arith.select %gt3A_511, %broadcast_in_dim3A_514, %select_n3A_506 : vector<16xi1>, vector<16xi32>
      %add3A_516 = arith.constant 73 : i32
      %add3A_517 = vector.broadcast %add3A_516 : i32 to vector<16xi32>
      %add3A_518 = arith.addi %mul3A_157, %add3A_517 : vector<16xi32>
      %gather3A_519 = tpu.vector_load_idx %arg8[%add3A_518] : memref<32760xf32, #tpu.memory_space<vmem>>[vector<16xi32>], vector<16xf32>,
      %gt3A_520 = arith.cmpf ogt, %gather3A_519, %select_n3A_512 : vector<16xf32>
      %select_n3A_521 = arith.select %gt3A_520, %gather3A_519, %select_n3A_512 : vector<16xi1>, vector<16xf32>
      %jit3A_522 = arith.constant 73 : i32
      %broadcast_in_dim3A_523 = vector.broadcast %jit3A_522 : i32 to vector<16xi32>
      %select_n3A_524 = arith.select %gt3A_520, %broadcast_in_dim3A_523, %select_n3A_515 : vector<16xi1>, vector<16xi32>
      %add3A_525 = arith.constant 77 : i32
      %add3A_526 = vector.broadcast %add3A_525 : i32 to vector<16xi32>
      %add3A_527 = arith.addi %mul3A_157, %add3A_526 : vector<16xi32>
      %gather3A_528 = tpu.vector_load_idx %arg8[%add3A_527] : memref<32760xf32, #tpu.memory_space<vmem>>[vector<16xi32>], vector<16xf32>,
      %gt3A_529 = arith.cmpf ogt, %gather3A_528, %select_n3A_521 : vector<16xf32>
      %select_n3A_530 = arith.select %gt3A_529, %gather3A_528, %select_n3A_521 : vector<16xi1>, vector<16xf32>
      %jit3A_531 = arith.constant 77 : i32
      %broadcast_in_dim3A_532 = vector.broadcast %jit3A_531 : i32 to vector<16xi32>
      %select_n3A_533 = arith.select %gt3A_529, %broadcast_in_dim3A_532, %select_n3A_524 : vector<16xi1>, vector<16xi32>
      %add3A_534 = arith.constant 81 : i32
      %add3A_535 = vector.broadcast %add3A_534 : i32 to vector<16xi32>
      %add3A_536 = arith.addi %mul3A_157, %add3A_535 : vector<16xi32>
      %gather3A_537 = tpu.vector_load_idx %arg8[%add3A_536] : memref<32760xf32, #tpu.memory_space<vmem>>[vector<16xi32>], vector<16xf32>,
      %gt3A_538 = arith.cmpf ogt, %gather3A_537, %select_n3A_530 : vector<16xf32>
      %select_n3A_539 = arith.select %gt3A_538, %gather3A_537, %select_n3A_530 : vector<16xi1>, vector<16xf32>
      %jit3A_540 = arith.constant 81 : i32
      %broadcast_in_dim3A_541 = vector.broadcast %jit3A_540 : i32 to vector<16xi32>
      %select_n3A_542 = arith.select %gt3A_538, %broadcast_in_dim3A_541, %select_n3A_533 : vector<16xi1>, vector<16xi32>
      %add3A_543 = arith.constant 85 : i32
      %add3A_544 = vector.broadcast %add3A_543 : i32 to vector<16xi32>
      %add3A_545 = arith.addi %mul3A_157, %add3A_544 : vector<16xi32>
      %gather3A_546 = tpu.vector_load_idx %arg8[%add3A_545] : memref<32760xf32, #tpu.memory_space<vmem>>[vector<16xi32>], vector<16xf32>,
      %gt3A_547 = arith.cmpf ogt, %gather3A_546, %select_n3A_539 : vector<16xf32>
      %select_n3A_548 = arith.select %gt3A_547, %gather3A_546, %select_n3A_539 : vector<16xi1>, vector<16xf32>
      %jit3A_549 = arith.constant 85 : i32
      %broadcast_in_dim3A_550 = vector.broadcast %jit3A_549 : i32 to vector<16xi32>
      %select_n3A_551 = arith.select %gt3A_547, %broadcast_in_dim3A_550, %select_n3A_542 : vector<16xi1>, vector<16xi32>
      %add3A_552 = arith.constant 89 : i32
      %add3A_553 = vector.broadcast %add3A_552 : i32 to vector<16xi32>
      %add3A_554 = arith.addi %mul3A_157, %add3A_553 : vector<16xi32>
      %gather3A_555 = tpu.vector_load_idx %arg8[%add3A_554] : memref<32760xf32, #tpu.memory_space<vmem>>[vector<16xi32>], vector<16xf32>,
      %gt3A_556 = arith.cmpf ogt, %gather3A_555, %select_n3A_548 : vector<16xf32>
      %select_n3A_557 = arith.select %gt3A_556, %gather3A_555, %select_n3A_548 : vector<16xi1>, vector<16xf32>
      %jit3A_558 = arith.constant 89 : i32
      %broadcast_in_dim3A_559 = vector.broadcast %jit3A_558 : i32 to vector<16xi32>
      %select_n3A_560 = arith.select %gt3A_556, %broadcast_in_dim3A_559, %select_n3A_551 : vector<16xi1>, vector<16xi32>
      %add3A_561 = arith.constant 2 : i32
      %add3A_562 = vector.broadcast %add3A_561 : i32 to vector<16xi32>
      %add3A_563 = arith.addi %mul3A_157, %add3A_562 : vector<16xi32>
      %gather3A_564 = tpu.vector_load_idx %arg8[%add3A_563] : memref<32760xf32, #tpu.memory_space<vmem>>[vector<16xi32>], vector<16xf32>,
      %broadcast_in_dim3A_565 = arith.constant 2 : i32
      %broadcast_in_dim3A_566 = vector.broadcast %broadcast_in_dim3A_565 : i32 to vector<16xi32>
      %add3A_567 = arith.constant 6 : i32
      %add3A_568 = vector.broadcast %add3A_567 : i32 to vector<16xi32>
      %add3A_569 = arith.addi %mul3A_157, %add3A_568 : vector<16xi32>
      %gather3A_570 = tpu.vector_load_idx %arg8[%add3A_569] : memref<32760xf32, #tpu.memory_space<vmem>>[vector<16xi32>], vector<16xf32>,
      %gt3A_571 = arith.cmpf ogt, %gather3A_570, %gather3A_564 : vector<16xf32>
      %select_n3A_572 = arith.select %gt3A_571, %gather3A_570, %gather3A_564 : vector<16xi1>, vector<16xf32>
      %jit3A_573 = arith.constant 6 : i32
      %broadcast_in_dim3A_574 = vector.broadcast %jit3A_573 : i32 to vector<16xi32>
      %select_n3A_575 = arith.select %gt3A_571, %broadcast_in_dim3A_574, %broadcast_in_dim3A_566 : vector<16xi1>, vector<16xi32>
      %add3A_576 = arith.constant 10 : i32
      %add3A_577 = vector.broadcast %add3A_576 : i32 to vector<16xi32>
      %add3A_578 = arith.addi %mul3A_157, %add3A_577 : vector<16xi32>
      %gather3A_579 = tpu.vector_load_idx %arg8[%add3A_578] : memref<32760xf32, #tpu.memory_space<vmem>>[vector<16xi32>], vector<16xf32>,
      %gt3A_580 = arith.cmpf ogt, %gather3A_579, %select_n3A_572 : vector<16xf32>
      %select_n3A_581 = arith.select %gt3A_580, %gather3A_579, %select_n3A_572 : vector<16xi1>, vector<16xf32>
      %jit3A_582 = arith.constant 10 : i32
      %broadcast_in_dim3A_583 = vector.broadcast %jit3A_582 : i32 to vector<16xi32>
      %select_n3A_584 = arith.select %gt3A_580, %broadcast_in_dim3A_583, %select_n3A_575 : vector<16xi1>, vector<16xi32>
      %add3A_585 = arith.constant 14 : i32
      %add3A_586 = vector.broadcast %add3A_585 : i32 to vector<16xi32>
      %add3A_587 = arith.addi %mul3A_157, %add3A_586 : vector<16xi32>
      %gather3A_588 = tpu.vector_load_idx %arg8[%add3A_587] : memref<32760xf32, #tpu.memory_space<vmem>>[vector<16xi32>], vector<16xf32>,
      %gt3A_589 = arith.cmpf ogt, %gather3A_588, %select_n3A_581 : vector<16xf32>
      %select_n3A_590 = arith.select %gt3A_589, %gather3A_588, %select_n3A_581 : vector<16xi1>, vector<16xf32>
      %jit3A_591 = arith.constant 14 : i32
      %broadcast_in_dim3A_592 = vector.broadcast %jit3A_591 : i32 to vector<16xi32>
      %select_n3A_593 = arith.select %gt3A_589, %broadcast_in_dim3A_592, %select_n3A_584 : vector<16xi1>, vector<16xi32>
      %add3A_594 = arith.constant 18 : i32
      %add3A_595 = vector.broadcast %add3A_594 : i32 to vector<16xi32>
      %add3A_596 = arith.addi %mul3A_157, %add3A_595 : vector<16xi32>
      %gather3A_597 = tpu.vector_load_idx %arg8[%add3A_596] : memref<32760xf32, #tpu.memory_space<vmem>>[vector<16xi32>], vector<16xf32>,
      %gt3A_598 = arith.cmpf ogt, %gather3A_597, %select_n3A_590 : vector<16xf32>
      %select_n3A_599 = arith.select %gt3A_598, %gather3A_597, %select_n3A_590 : vector<16xi1>, vector<16xf32>
      %jit3A_600 = arith.constant 18 : i32
      %broadcast_in_dim3A_601 = vector.broadcast %jit3A_600 : i32 to vector<16xi32>
      %select_n3A_602 = arith.select %gt3A_598, %broadcast_in_dim3A_601, %select_n3A_593 : vector<16xi1>, vector<16xi32>
      %add3A_603 = arith.constant 22 : i32
      %add3A_604 = vector.broadcast %add3A_603 : i32 to vector<16xi32>
      %add3A_605 = arith.addi %mul3A_157, %add3A_604 : vector<16xi32>
      %gather3A_606 = tpu.vector_load_idx %arg8[%add3A_605] : memref<32760xf32, #tpu.memory_space<vmem>>[vector<16xi32>], vector<16xf32>,
      %gt3A_607 = arith.cmpf ogt, %gather3A_606, %select_n3A_599 : vector<16xf32>
      %select_n3A_608 = arith.select %gt3A_607, %gather3A_606, %select_n3A_599 : vector<16xi1>, vector<16xf32>
      %jit3A_609 = arith.constant 22 : i32
      %broadcast_in_dim3A_610 = vector.broadcast %jit3A_609 : i32 to vector<16xi32>
      %select_n3A_611 = arith.select %gt3A_607, %broadcast_in_dim3A_610, %select_n3A_602 : vector<16xi1>, vector<16xi32>
      %add3A_612 = arith.constant 26 : i32
      %add3A_613 = vector.broadcast %add3A_612 : i32 to vector<16xi32>
      %add3A_614 = arith.addi %mul3A_157, %add3A_613 : vector<16xi32>
      %gather3A_615 = tpu.vector_load_idx %arg8[%add3A_614] : memref<32760xf32, #tpu.memory_space<vmem>>[vector<16xi32>], vector<16xf32>,
      %gt3A_616 = arith.cmpf ogt, %gather3A_615, %select_n3A_608 : vector<16xf32>
      %select_n3A_617 = arith.select %gt3A_616, %gather3A_615, %select_n3A_608 : vector<16xi1>, vector<16xf32>
      %jit3A_618 = arith.constant 26 : i32
      %broadcast_in_dim3A_619 = vector.broadcast %jit3A_618 : i32 to vector<16xi32>
      %select_n3A_620 = arith.select %gt3A_616, %broadcast_in_dim3A_619, %select_n3A_611 : vector<16xi1>, vector<16xi32>
      %add3A_621 = arith.constant 30 : i32
      %add3A_622 = vector.broadcast %add3A_621 : i32 to vector<16xi32>
      %add3A_623 = arith.addi %mul3A_157, %add3A_622 : vector<16xi32>
      %gather3A_624 = tpu.vector_load_idx %arg8[%add3A_623] : memref<32760xf32, #tpu.memory_space<vmem>>[vector<16xi32>], vector<16xf32>,
      %gt3A_625 = arith.cmpf ogt, %gather3A_624, %select_n3A_617 : vector<16xf32>
      %select_n3A_626 = arith.select %gt3A_625, %gather3A_624, %select_n3A_617 : vector<16xi1>, vector<16xf32>
      %jit3A_627 = arith.constant 30 : i32
      %broadcast_in_dim3A_628 = vector.broadcast %jit3A_627 : i32 to vector<16xi32>
      %select_n3A_629 = arith.select %gt3A_625, %broadcast_in_dim3A_628, %select_n3A_620 : vector<16xi1>, vector<16xi32>
      %add3A_630 = arith.constant 34 : i32
      %add3A_631 = vector.broadcast %add3A_630 : i32 to vector<16xi32>
      %add3A_632 = arith.addi %mul3A_157, %add3A_631 : vector<16xi32>
      %gather3A_633 = tpu.vector_load_idx %arg8[%add3A_632] : memref<32760xf32, #tpu.memory_space<vmem>>[vector<16xi32>], vector<16xf32>,
      %gt3A_634 = arith.cmpf ogt, %gather3A_633, %select_n3A_626 : vector<16xf32>
      %select_n3A_635 = arith.select %gt3A_634, %gather3A_633, %select_n3A_626 : vector<16xi1>, vector<16xf32>
      %jit3A_636 = arith.constant 34 : i32
      %broadcast_in_dim3A_637 = vector.broadcast %jit3A_636 : i32 to vector<16xi32>
      %select_n3A_638 = arith.select %gt3A_634, %broadcast_in_dim3A_637, %select_n3A_629 : vector<16xi1>, vector<16xi32>
      %add3A_639 = arith.constant 38 : i32
      %add3A_640 = vector.broadcast %add3A_639 : i32 to vector<16xi32>
      %add3A_641 = arith.addi %mul3A_157, %add3A_640 : vector<16xi32>
      %gather3A_642 = tpu.vector_load_idx %arg8[%add3A_641] : memref<32760xf32, #tpu.memory_space<vmem>>[vector<16xi32>], vector<16xf32>,
      %gt3A_643 = arith.cmpf ogt, %gather3A_642, %select_n3A_635 : vector<16xf32>
      %select_n3A_644 = arith.select %gt3A_643, %gather3A_642, %select_n3A_635 : vector<16xi1>, vector<16xf32>
      %jit3A_645 = arith.constant 38 : i32
      %broadcast_in_dim3A_646 = vector.broadcast %jit3A_645 : i32 to vector<16xi32>
      %select_n3A_647 = arith.select %gt3A_643, %broadcast_in_dim3A_646, %select_n3A_638 : vector<16xi1>, vector<16xi32>
      %add3A_648 = arith.constant 42 : i32
      %add3A_649 = vector.broadcast %add3A_648 : i32 to vector<16xi32>
      %add3A_650 = arith.addi %mul3A_157, %add3A_649 : vector<16xi32>
      %gather3A_651 = tpu.vector_load_idx %arg8[%add3A_650] : memref<32760xf32, #tpu.memory_space<vmem>>[vector<16xi32>], vector<16xf32>,
      %gt3A_652 = arith.cmpf ogt, %gather3A_651, %select_n3A_644 : vector<16xf32>
      %select_n3A_653 = arith.select %gt3A_652, %gather3A_651, %select_n3A_644 : vector<16xi1>, vector<16xf32>
      %jit3A_654 = arith.constant 42 : i32
      %broadcast_in_dim3A_655 = vector.broadcast %jit3A_654 : i32 to vector<16xi32>
      %select_n3A_656 = arith.select %gt3A_652, %broadcast_in_dim3A_655, %select_n3A_647 : vector<16xi1>, vector<16xi32>
      %add3A_657 = arith.constant 46 : i32
      %add3A_658 = vector.broadcast %add3A_657 : i32 to vector<16xi32>
      %add3A_659 = arith.addi %mul3A_157, %add3A_658 : vector<16xi32>
      %gather3A_660 = tpu.vector_load_idx %arg8[%add3A_659] : memref<32760xf32, #tpu.memory_space<vmem>>[vector<16xi32>], vector<16xf32>,
      %gt3A_661 = arith.cmpf ogt, %gather3A_660, %select_n3A_653 : vector<16xf32>
      %select_n3A_662 = arith.select %gt3A_661, %gather3A_660, %select_n3A_653 : vector<16xi1>, vector<16xf32>
      %jit3A_663 = arith.constant 46 : i32
      %broadcast_in_dim3A_664 = vector.broadcast %jit3A_663 : i32 to vector<16xi32>
      %select_n3A_665 = arith.select %gt3A_661, %broadcast_in_dim3A_664, %select_n3A_656 : vector<16xi1>, vector<16xi32>
      %add3A_666 = arith.constant 50 : i32
      %add3A_667 = vector.broadcast %add3A_666 : i32 to vector<16xi32>
      %add3A_668 = arith.addi %mul3A_157, %add3A_667 : vector<16xi32>
      %gather3A_669 = tpu.vector_load_idx %arg8[%add3A_668] : memref<32760xf32, #tpu.memory_space<vmem>>[vector<16xi32>], vector<16xf32>,
      %gt3A_670 = arith.cmpf ogt, %gather3A_669, %select_n3A_662 : vector<16xf32>
      %select_n3A_671 = arith.select %gt3A_670, %gather3A_669, %select_n3A_662 : vector<16xi1>, vector<16xf32>
      %jit3A_672 = arith.constant 50 : i32
      %broadcast_in_dim3A_673 = vector.broadcast %jit3A_672 : i32 to vector<16xi32>
      %select_n3A_674 = arith.select %gt3A_670, %broadcast_in_dim3A_673, %select_n3A_665 : vector<16xi1>, vector<16xi32>
      %add3A_675 = arith.constant 54 : i32
      %add3A_676 = vector.broadcast %add3A_675 : i32 to vector<16xi32>
      %add3A_677 = arith.addi %mul3A_157, %add3A_676 : vector<16xi32>
      %gather3A_678 = tpu.vector_load_idx %arg8[%add3A_677] : memref<32760xf32, #tpu.memory_space<vmem>>[vector<16xi32>], vector<16xf32>,
      %gt3A_679 = arith.cmpf ogt, %gather3A_678, %select_n3A_671 : vector<16xf32>
      %select_n3A_680 = arith.select %gt3A_679, %gather3A_678, %select_n3A_671 : vector<16xi1>, vector<16xf32>
      %jit3A_681 = arith.constant 54 : i32
      %broadcast_in_dim3A_682 = vector.broadcast %jit3A_681 : i32 to vector<16xi32>
      %select_n3A_683 = arith.select %gt3A_679, %broadcast_in_dim3A_682, %select_n3A_674 : vector<16xi1>, vector<16xi32>
      %add3A_684 = arith.constant 58 : i32
      %add3A_685 = vector.broadcast %add3A_684 : i32 to vector<16xi32>
      %add3A_686 = arith.addi %mul3A_157, %add3A_685 : vector<16xi32>
      %gather3A_687 = tpu.vector_load_idx %arg8[%add3A_686] : memref<32760xf32, #tpu.memory_space<vmem>>[vector<16xi32>], vector<16xf32>,
      %gt3A_688 = arith.cmpf ogt, %gather3A_687, %select_n3A_680 : vector<16xf32>
      %select_n3A_689 = arith.select %gt3A_688, %gather3A_687, %select_n3A_680 : vector<16xi1>, vector<16xf32>
      %jit3A_690 = arith.constant 58 : i32
      %broadcast_in_dim3A_691 = vector.broadcast %jit3A_690 : i32 to vector<16xi32>
      %select_n3A_692 = arith.select %gt3A_688, %broadcast_in_dim3A_691, %select_n3A_683 : vector<16xi1>, vector<16xi32>
      %add3A_693 = arith.constant 62 : i32
      %add3A_694 = vector.broadcast %add3A_693 : i32 to vector<16xi32>
      %add3A_695 = arith.addi %mul3A_157, %add3A_694 : vector<16xi32>
      %gather3A_696 = tpu.vector_load_idx %arg8[%add3A_695] : memref<32760xf32, #tpu.memory_space<vmem>>[vector<16xi32>], vector<16xf32>,
      %gt3A_697 = arith.cmpf ogt, %gather3A_696, %select_n3A_689 : vector<16xf32>
      %select_n3A_698 = arith.select %gt3A_697, %gather3A_696, %select_n3A_689 : vector<16xi1>, vector<16xf32>
      %jit3A_699 = arith.constant 62 : i32
      %broadcast_in_dim3A_700 = vector.broadcast %jit3A_699 : i32 to vector<16xi32>
      %select_n3A_701 = arith.select %gt3A_697, %broadcast_in_dim3A_700, %select_n3A_692 : vector<16xi1>, vector<16xi32>
      %add3A_702 = arith.constant 66 : i32
      %add3A_703 = vector.broadcast %add3A_702 : i32 to vector<16xi32>
      %add3A_704 = arith.addi %mul3A_157, %add3A_703 : vector<16xi32>
      %gather3A_705 = tpu.vector_load_idx %arg8[%add3A_704] : memref<32760xf32, #tpu.memory_space<vmem>>[vector<16xi32>], vector<16xf32>,
      %gt3A_706 = arith.cmpf ogt, %gather3A_705, %select_n3A_698 : vector<16xf32>
      %select_n3A_707 = arith.select %gt3A_706, %gather3A_705, %select_n3A_698 : vector<16xi1>, vector<16xf32>
      %jit3A_708 = arith.constant 66 : i32
      %broadcast_in_dim3A_709 = vector.broadcast %jit3A_708 : i32 to vector<16xi32>
      %select_n3A_710 = arith.select %gt3A_706, %broadcast_in_dim3A_709, %select_n3A_701 : vector<16xi1>, vector<16xi32>
      %add3A_711 = arith.constant 70 : i32
      %add3A_712 = vector.broadcast %add3A_711 : i32 to vector<16xi32>
      %add3A_713 = arith.addi %mul3A_157, %add3A_712 : vector<16xi32>
      %gather3A_714 = tpu.vector_load_idx %arg8[%add3A_713] : memref<32760xf32, #tpu.memory_space<vmem>>[vector<16xi32>], vector<16xf32>,
      %gt3A_715 = arith.cmpf ogt, %gather3A_714, %select_n3A_707 : vector<16xf32>
      %select_n3A_716 = arith.select %gt3A_715, %gather3A_714, %select_n3A_707 : vector<16xi1>, vector<16xf32>
      %jit3A_717 = arith.constant 70 : i32
      %broadcast_in_dim3A_718 = vector.broadcast %jit3A_717 : i32 to vector<16xi32>
      %select_n3A_719 = arith.select %gt3A_715, %broadcast_in_dim3A_718, %select_n3A_710 : vector<16xi1>, vector<16xi32>
      %add3A_720 = arith.constant 74 : i32
      %add3A_721 = vector.broadcast %add3A_720 : i32 to vector<16xi32>
      %add3A_722 = arith.addi %mul3A_157, %add3A_721 : vector<16xi32>
      %gather3A_723 = tpu.vector_load_idx %arg8[%add3A_722] : memref<32760xf32, #tpu.memory_space<vmem>>[vector<16xi32>], vector<16xf32>,
      %gt3A_724 = arith.cmpf ogt, %gather3A_723, %select_n3A_716 : vector<16xf32>
      %select_n3A_725 = arith.select %gt3A_724, %gather3A_723, %select_n3A_716 : vector<16xi1>, vector<16xf32>
      %jit3A_726 = arith.constant 74 : i32
      %broadcast_in_dim3A_727 = vector.broadcast %jit3A_726 : i32 to vector<16xi32>
      %select_n3A_728 = arith.select %gt3A_724, %broadcast_in_dim3A_727, %select_n3A_719 : vector<16xi1>, vector<16xi32>
      %add3A_729 = arith.constant 78 : i32
      %add3A_730 = vector.broadcast %add3A_729 : i32 to vector<16xi32>
      %add3A_731 = arith.addi %mul3A_157, %add3A_730 : vector<16xi32>
      %gather3A_732 = tpu.vector_load_idx %arg8[%add3A_731] : memref<32760xf32, #tpu.memory_space<vmem>>[vector<16xi32>], vector<16xf32>,
      %gt3A_733 = arith.cmpf ogt, %gather3A_732, %select_n3A_725 : vector<16xf32>
      %select_n3A_734 = arith.select %gt3A_733, %gather3A_732, %select_n3A_725 : vector<16xi1>, vector<16xf32>
      %jit3A_735 = arith.constant 78 : i32
      %broadcast_in_dim3A_736 = vector.broadcast %jit3A_735 : i32 to vector<16xi32>
      %select_n3A_737 = arith.select %gt3A_733, %broadcast_in_dim3A_736, %select_n3A_728 : vector<16xi1>, vector<16xi32>
      %add3A_738 = arith.constant 82 : i32
      %add3A_739 = vector.broadcast %add3A_738 : i32 to vector<16xi32>
      %add3A_740 = arith.addi %mul3A_157, %add3A_739 : vector<16xi32>
      %gather3A_741 = tpu.vector_load_idx %arg8[%add3A_740] : memref<32760xf32, #tpu.memory_space<vmem>>[vector<16xi32>], vector<16xf32>,
      %gt3A_742 = arith.cmpf ogt, %gather3A_741, %select_n3A_734 : vector<16xf32>
      %select_n3A_743 = arith.select %gt3A_742, %gather3A_741, %select_n3A_734 : vector<16xi1>, vector<16xf32>
      %jit3A_744 = arith.constant 82 : i32
      %broadcast_in_dim3A_745 = vector.broadcast %jit3A_744 : i32 to vector<16xi32>
      %select_n3A_746 = arith.select %gt3A_742, %broadcast_in_dim3A_745, %select_n3A_737 : vector<16xi1>, vector<16xi32>
      %add3A_747 = arith.constant 86 : i32
      %add3A_748 = vector.broadcast %add3A_747 : i32 to vector<16xi32>
      %add3A_749 = arith.addi %mul3A_157, %add3A_748 : vector<16xi32>
      %gather3A_750 = tpu.vector_load_idx %arg8[%add3A_749] : memref<32760xf32, #tpu.memory_space<vmem>>[vector<16xi32>], vector<16xf32>,
      %gt3A_751 = arith.cmpf ogt, %gather3A_750, %select_n3A_743 : vector<16xf32>
      %select_n3A_752 = arith.select %gt3A_751, %gather3A_750, %select_n3A_743 : vector<16xi1>, vector<16xf32>
      %jit3A_753 = arith.constant 86 : i32
      %broadcast_in_dim3A_754 = vector.broadcast %jit3A_753 : i32 to vector<16xi32>
      %select_n3A_755 = arith.select %gt3A_751, %broadcast_in_dim3A_754, %select_n3A_746 : vector<16xi1>, vector<16xi32>
      %add3A_756 = arith.constant 90 : i32
      %add3A_757 = vector.broadcast %add3A_756 : i32 to vector<16xi32>
      %add3A_758 = arith.addi %mul3A_157, %add3A_757 : vector<16xi32>
      %gather3A_759 = tpu.vector_load_idx %arg8[%add3A_758] : memref<32760xf32, #tpu.memory_space<vmem>>[vector<16xi32>], vector<16xf32>,
      %gt3A_760 = arith.cmpf ogt, %gather3A_759, %select_n3A_752 : vector<16xf32>
      %select_n3A_761 = arith.select %gt3A_760, %gather3A_759, %select_n3A_752 : vector<16xi1>, vector<16xf32>
      %jit3A_762 = arith.constant 90 : i32
      %broadcast_in_dim3A_763 = vector.broadcast %jit3A_762 : i32 to vector<16xi32>
      %select_n3A_764 = arith.select %gt3A_760, %broadcast_in_dim3A_763, %select_n3A_755 : vector<16xi1>, vector<16xi32>
      %add3A_765 = arith.constant 3 : i32
      %add3A_766 = vector.broadcast %add3A_765 : i32 to vector<16xi32>
      %add3A_767 = arith.addi %mul3A_157, %add3A_766 : vector<16xi32>
      %gather3A_768 = tpu.vector_load_idx %arg8[%add3A_767] : memref<32760xf32, #tpu.memory_space<vmem>>[vector<16xi32>], vector<16xf32>,
      %broadcast_in_dim3A_769 = arith.constant 3 : i32
      %broadcast_in_dim3A_770 = vector.broadcast %broadcast_in_dim3A_769 : i32 to vector<16xi32>
      %add3A_771 = arith.constant 7 : i32
      %add3A_772 = vector.broadcast %add3A_771 : i32 to vector<16xi32>
      %add3A_773 = arith.addi %mul3A_157, %add3A_772 : vector<16xi32>
      %gather3A_774 = tpu.vector_load_idx %arg8[%add3A_773] : memref<32760xf32, #tpu.memory_space<vmem>>[vector<16xi32>], vector<16xf32>,
      %gt3A_775 = arith.cmpf ogt, %gather3A_774, %gather3A_768 : vector<16xf32>
      %select_n3A_776 = arith.select %gt3A_775, %gather3A_774, %gather3A_768 : vector<16xi1>, vector<16xf32>
      %jit3A_777 = arith.constant 7 : i32
      %broadcast_in_dim3A_778 = vector.broadcast %jit3A_777 : i32 to vector<16xi32>
      %select_n3A_779 = arith.select %gt3A_775, %broadcast_in_dim3A_778, %broadcast_in_dim3A_770 : vector<16xi1>, vector<16xi32>
      %add3A_780 = arith.constant 11 : i32
      %add3A_781 = vector.broadcast %add3A_780 : i32 to vector<16xi32>
      %add3A_782 = arith.addi %mul3A_157, %add3A_781 : vector<16xi32>
      %gather3A_783 = tpu.vector_load_idx %arg8[%add3A_782] : memref<32760xf32, #tpu.memory_space<vmem>>[vector<16xi32>], vector<16xf32>,
      %gt3A_784 = arith.cmpf ogt, %gather3A_783, %select_n3A_776 : vector<16xf32>
      %select_n3A_785 = arith.select %gt3A_784, %gather3A_783, %select_n3A_776 : vector<16xi1>, vector<16xf32>
      %jit3A_786 = arith.constant 11 : i32
      %broadcast_in_dim3A_787 = vector.broadcast %jit3A_786 : i32 to vector<16xi32>
      %select_n3A_788 = arith.select %gt3A_784, %broadcast_in_dim3A_787, %select_n3A_779 : vector<16xi1>, vector<16xi32>
      %add3A_789 = arith.constant 15 : i32
      %add3A_790 = vector.broadcast %add3A_789 : i32 to vector<16xi32>
      %add3A_791 = arith.addi %mul3A_157, %add3A_790 : vector<16xi32>
      %gather3A_792 = tpu.vector_load_idx %arg8[%add3A_791] : memref<32760xf32, #tpu.memory_space<vmem>>[vector<16xi32>], vector<16xf32>,
      %gt3A_793 = arith.cmpf ogt, %gather3A_792, %select_n3A_785 : vector<16xf32>
      %select_n3A_794 = arith.select %gt3A_793, %gather3A_792, %select_n3A_785 : vector<16xi1>, vector<16xf32>
      %jit3A_795 = arith.constant 15 : i32
      %broadcast_in_dim3A_796 = vector.broadcast %jit3A_795 : i32 to vector<16xi32>
      %select_n3A_797 = arith.select %gt3A_793, %broadcast_in_dim3A_796, %select_n3A_788 : vector<16xi1>, vector<16xi32>
      %add3A_798 = arith.constant 19 : i32
      %add3A_799 = vector.broadcast %add3A_798 : i32 to vector<16xi32>
      %add3A_800 = arith.addi %mul3A_157, %add3A_799 : vector<16xi32>
      %gather3A_801 = tpu.vector_load_idx %arg8[%add3A_800] : memref<32760xf32, #tpu.memory_space<vmem>>[vector<16xi32>], vector<16xf32>,
      %gt3A_802 = arith.cmpf ogt, %gather3A_801, %select_n3A_794 : vector<16xf32>
      %select_n3A_803 = arith.select %gt3A_802, %gather3A_801, %select_n3A_794 : vector<16xi1>, vector<16xf32>
      %jit3A_804 = arith.constant 19 : i32
      %broadcast_in_dim3A_805 = vector.broadcast %jit3A_804 : i32 to vector<16xi32>
      %select_n3A_806 = arith.select %gt3A_802, %broadcast_in_dim3A_805, %select_n3A_797 : vector<16xi1>, vector<16xi32>
      %add3A_807 = arith.constant 23 : i32
      %add3A_808 = vector.broadcast %add3A_807 : i32 to vector<16xi32>
      %add3A_809 = arith.addi %mul3A_157, %add3A_808 : vector<16xi32>
      %gather3A_810 = tpu.vector_load_idx %arg8[%add3A_809] : memref<32760xf32, #tpu.memory_space<vmem>>[vector<16xi32>], vector<16xf32>,
      %gt3A_811 = arith.cmpf ogt, %gather3A_810, %select_n3A_803 : vector<16xf32>
      %select_n3A_812 = arith.select %gt3A_811, %gather3A_810, %select_n3A_803 : vector<16xi1>, vector<16xf32>
      %jit3A_813 = arith.constant 23 : i32
      %broadcast_in_dim3A_814 = vector.broadcast %jit3A_813 : i32 to vector<16xi32>
      %select_n3A_815 = arith.select %gt3A_811, %broadcast_in_dim3A_814, %select_n3A_806 : vector<16xi1>, vector<16xi32>
      %add3A_816 = arith.constant 27 : i32
      %add3A_817 = vector.broadcast %add3A_816 : i32 to vector<16xi32>
      %add3A_818 = arith.addi %mul3A_157, %add3A_817 : vector<16xi32>
      %gather3A_819 = tpu.vector_load_idx %arg8[%add3A_818] : memref<32760xf32, #tpu.memory_space<vmem>>[vector<16xi32>], vector<16xf32>,
      %gt3A_820 = arith.cmpf ogt, %gather3A_819, %select_n3A_812 : vector<16xf32>
      %select_n3A_821 = arith.select %gt3A_820, %gather3A_819, %select_n3A_812 : vector<16xi1>, vector<16xf32>
      %jit3A_822 = arith.constant 27 : i32
      %broadcast_in_dim3A_823 = vector.broadcast %jit3A_822 : i32 to vector<16xi32>
      %select_n3A_824 = arith.select %gt3A_820, %broadcast_in_dim3A_823, %select_n3A_815 : vector<16xi1>, vector<16xi32>
      %add3A_825 = arith.constant 31 : i32
      %add3A_826 = vector.broadcast %add3A_825 : i32 to vector<16xi32>
      %add3A_827 = arith.addi %mul3A_157, %add3A_826 : vector<16xi32>
      %gather3A_828 = tpu.vector_load_idx %arg8[%add3A_827] : memref<32760xf32, #tpu.memory_space<vmem>>[vector<16xi32>], vector<16xf32>,
      %gt3A_829 = arith.cmpf ogt, %gather3A_828, %select_n3A_821 : vector<16xf32>
      %select_n3A_830 = arith.select %gt3A_829, %gather3A_828, %select_n3A_821 : vector<16xi1>, vector<16xf32>
      %jit3A_831 = arith.constant 31 : i32
      %broadcast_in_dim3A_832 = vector.broadcast %jit3A_831 : i32 to vector<16xi32>
      %select_n3A_833 = arith.select %gt3A_829, %broadcast_in_dim3A_832, %select_n3A_824 : vector<16xi1>, vector<16xi32>
      %add3A_834 = arith.constant 35 : i32
      %add3A_835 = vector.broadcast %add3A_834 : i32 to vector<16xi32>
      %add3A_836 = arith.addi %mul3A_157, %add3A_835 : vector<16xi32>
      %gather3A_837 = tpu.vector_load_idx %arg8[%add3A_836] : memref<32760xf32, #tpu.memory_space<vmem>>[vector<16xi32>], vector<16xf32>,
      %gt3A_838 = arith.cmpf ogt, %gather3A_837, %select_n3A_830 : vector<16xf32>
      %select_n3A_839 = arith.select %gt3A_838, %gather3A_837, %select_n3A_830 : vector<16xi1>, vector<16xf32>
      %jit3A_840 = arith.constant 35 : i32
      %broadcast_in_dim3A_841 = vector.broadcast %jit3A_840 : i32 to vector<16xi32>
      %select_n3A_842 = arith.select %gt3A_838, %broadcast_in_dim3A_841, %select_n3A_833 : vector<16xi1>, vector<16xi32>
      %add3A_843 = arith.constant 39 : i32
      %add3A_844 = vector.broadcast %add3A_843 : i32 to vector<16xi32>
      %add3A_845 = arith.addi %mul3A_157, %add3A_844 : vector<16xi32>
      %gather3A_846 = tpu.vector_load_idx %arg8[%add3A_845] : memref<32760xf32, #tpu.memory_space<vmem>>[vector<16xi32>], vector<16xf32>,
      %gt3A_847 = arith.cmpf ogt, %gather3A_846, %select_n3A_839 : vector<16xf32>
      %select_n3A_848 = arith.select %gt3A_847, %gather3A_846, %select_n3A_839 : vector<16xi1>, vector<16xf32>
      %jit3A_849 = arith.constant 39 : i32
      %broadcast_in_dim3A_850 = vector.broadcast %jit3A_849 : i32 to vector<16xi32>
      %select_n3A_851 = arith.select %gt3A_847, %broadcast_in_dim3A_850, %select_n3A_842 : vector<16xi1>, vector<16xi32>
      %add3A_852 = arith.constant 43 : i32
      %add3A_853 = vector.broadcast %add3A_852 : i32 to vector<16xi32>
      %add3A_854 = arith.addi %mul3A_157, %add3A_853 : vector<16xi32>
      %gather3A_855 = tpu.vector_load_idx %arg8[%add3A_854] : memref<32760xf32, #tpu.memory_space<vmem>>[vector<16xi32>], vector<16xf32>,
      %gt3A_856 = arith.cmpf ogt, %gather3A_855, %select_n3A_848 : vector<16xf32>
      %select_n3A_857 = arith.select %gt3A_856, %gather3A_855, %select_n3A_848 : vector<16xi1>, vector<16xf32>
      %jit3A_858 = arith.constant 43 : i32
      %broadcast_in_dim3A_859 = vector.broadcast %jit3A_858 : i32 to vector<16xi32>
      %select_n3A_860 = arith.select %gt3A_856, %broadcast_in_dim3A_859, %select_n3A_851 : vector<16xi1>, vector<16xi32>
      %add3A_861 = arith.constant 47 : i32
      %add3A_862 = vector.broadcast %add3A_861 : i32 to vector<16xi32>
      %add3A_863 = arith.addi %mul3A_157, %add3A_862 : vector<16xi32>
      %gather3A_864 = tpu.vector_load_idx %arg8[%add3A_863] : memref<32760xf32, #tpu.memory_space<vmem>>[vector<16xi32>], vector<16xf32>,
      %gt3A_865 = arith.cmpf ogt, %gather3A_864, %select_n3A_857 : vector<16xf32>
      %select_n3A_866 = arith.select %gt3A_865, %gather3A_864, %select_n3A_857 : vector<16xi1>, vector<16xf32>
      %jit3A_867 = arith.constant 47 : i32
      %broadcast_in_dim3A_868 = vector.broadcast %jit3A_867 : i32 to vector<16xi32>
      %select_n3A_869 = arith.select %gt3A_865, %broadcast_in_dim3A_868, %select_n3A_860 : vector<16xi1>, vector<16xi32>
      %add3A_870 = arith.constant 51 : i32
      %add3A_871 = vector.broadcast %add3A_870 : i32 to vector<16xi32>
      %add3A_872 = arith.addi %mul3A_157, %add3A_871 : vector<16xi32>
      %gather3A_873 = tpu.vector_load_idx %arg8[%add3A_872] : memref<32760xf32, #tpu.memory_space<vmem>>[vector<16xi32>], vector<16xf32>,
      %gt3A_874 = arith.cmpf ogt, %gather3A_873, %select_n3A_866 : vector<16xf32>
      %select_n3A_875 = arith.select %gt3A_874, %gather3A_873, %select_n3A_866 : vector<16xi1>, vector<16xf32>
      %jit3A_876 = arith.constant 51 : i32
      %broadcast_in_dim3A_877 = vector.broadcast %jit3A_876 : i32 to vector<16xi32>
      %select_n3A_878 = arith.select %gt3A_874, %broadcast_in_dim3A_877, %select_n3A_869 : vector<16xi1>, vector<16xi32>
      %add3A_879 = arith.constant 55 : i32
      %add3A_880 = vector.broadcast %add3A_879 : i32 to vector<16xi32>
      %add3A_881 = arith.addi %mul3A_157, %add3A_880 : vector<16xi32>
      %gather3A_882 = tpu.vector_load_idx %arg8[%add3A_881] : memref<32760xf32, #tpu.memory_space<vmem>>[vector<16xi32>], vector<16xf32>,
      %gt3A_883 = arith.cmpf ogt, %gather3A_882, %select_n3A_875 : vector<16xf32>
      %select_n3A_884 = arith.select %gt3A_883, %gather3A_882, %select_n3A_875 : vector<16xi1>, vector<16xf32>
      %jit3A_885 = arith.constant 55 : i32
      %broadcast_in_dim3A_886 = vector.broadcast %jit3A_885 : i32 to vector<16xi32>
      %select_n3A_887 = arith.select %gt3A_883, %broadcast_in_dim3A_886, %select_n3A_878 : vector<16xi1>, vector<16xi32>
      %add3A_888 = arith.constant 59 : i32
      %add3A_889 = vector.broadcast %add3A_888 : i32 to vector<16xi32>
      %add3A_890 = arith.addi %mul3A_157, %add3A_889 : vector<16xi32>
      %gather3A_891 = tpu.vector_load_idx %arg8[%add3A_890] : memref<32760xf32, #tpu.memory_space<vmem>>[vector<16xi32>], vector<16xf32>,
      %gt3A_892 = arith.cmpf ogt, %gather3A_891, %select_n3A_884 : vector<16xf32>
      %select_n3A_893 = arith.select %gt3A_892, %gather3A_891, %select_n3A_884 : vector<16xi1>, vector<16xf32>
      %jit3A_894 = arith.constant 59 : i32
      %broadcast_in_dim3A_895 = vector.broadcast %jit3A_894 : i32 to vector<16xi32>
      %select_n3A_896 = arith.select %gt3A_892, %broadcast_in_dim3A_895, %select_n3A_887 : vector<16xi1>, vector<16xi32>
      %add3A_897 = arith.constant 63 : i32
      %add3A_898 = vector.broadcast %add3A_897 : i32 to vector<16xi32>
      %add3A_899 = arith.addi %mul3A_157, %add3A_898 : vector<16xi32>
      %gather3A_900 = tpu.vector_load_idx %arg8[%add3A_899] : memref<32760xf32, #tpu.memory_space<vmem>>[vector<16xi32>], vector<16xf32>,
      %gt3A_901 = arith.cmpf ogt, %gather3A_900, %select_n3A_893 : vector<16xf32>
      %select_n3A_902 = arith.select %gt3A_901, %gather3A_900, %select_n3A_893 : vector<16xi1>, vector<16xf32>
      %jit3A_903 = arith.constant 63 : i32
      %broadcast_in_dim3A_904 = vector.broadcast %jit3A_903 : i32 to vector<16xi32>
      %select_n3A_905 = arith.select %gt3A_901, %broadcast_in_dim3A_904, %select_n3A_896 : vector<16xi1>, vector<16xi32>
      %add3A_906 = arith.constant 67 : i32
      %add3A_907 = vector.broadcast %add3A_906 : i32 to vector<16xi32>
      %add3A_908 = arith.addi %mul3A_157, %add3A_907 : vector<16xi32>
      %gather3A_909 = tpu.vector_load_idx %arg8[%add3A_908] : memref<32760xf32, #tpu.memory_space<vmem>>[vector<16xi32>], vector<16xf32>,
      %gt3A_910 = arith.cmpf ogt, %gather3A_909, %select_n3A_902 : vector<16xf32>
      %select_n3A_911 = arith.select %gt3A_910, %gather3A_909, %select_n3A_902 : vector<16xi1>, vector<16xf32>
      %jit3A_912 = arith.constant 67 : i32
      %broadcast_in_dim3A_913 = vector.broadcast %jit3A_912 : i32 to vector<16xi32>
      %select_n3A_914 = arith.select %gt3A_910, %broadcast_in_dim3A_913, %select_n3A_905 : vector<16xi1>, vector<16xi32>
      %add3A_915 = arith.constant 71 : i32
      %add3A_916 = vector.broadcast %add3A_915 : i32 to vector<16xi32>
      %add3A_917 = arith.addi %mul3A_157, %add3A_916 : vector<16xi32>
      %gather3A_918 = tpu.vector_load_idx %arg8[%add3A_917] : memref<32760xf32, #tpu.memory_space<vmem>>[vector<16xi32>], vector<16xf32>,
      %gt3A_919 = arith.cmpf ogt, %gather3A_918, %select_n3A_911 : vector<16xf32>
      %select_n3A_920 = arith.select %gt3A_919, %gather3A_918, %select_n3A_911 : vector<16xi1>, vector<16xf32>
      %jit3A_921 = arith.constant 71 : i32
      %broadcast_in_dim3A_922 = vector.broadcast %jit3A_921 : i32 to vector<16xi32>
      %select_n3A_923 = arith.select %gt3A_919, %broadcast_in_dim3A_922, %select_n3A_914 : vector<16xi1>, vector<16xi32>
      %add3A_924 = arith.constant 75 : i32
      %add3A_925 = vector.broadcast %add3A_924 : i32 to vector<16xi32>
      %add3A_926 = arith.addi %mul3A_157, %add3A_925 : vector<16xi32>
      %gather3A_927 = tpu.vector_load_idx %arg8[%add3A_926] : memref<32760xf32, #tpu.memory_space<vmem>>[vector<16xi32>], vector<16xf32>,
      %gt3A_928 = arith.cmpf ogt, %gather3A_927, %select_n3A_920 : vector<16xf32>
      %select_n3A_929 = arith.select %gt3A_928, %gather3A_927, %select_n3A_920 : vector<16xi1>, vector<16xf32>
      %jit3A_930 = arith.constant 75 : i32
      %broadcast_in_dim3A_931 = vector.broadcast %jit3A_930 : i32 to vector<16xi32>
      %select_n3A_932 = arith.select %gt3A_928, %broadcast_in_dim3A_931, %select_n3A_923 : vector<16xi1>, vector<16xi32>
      %add3A_933 = arith.constant 79 : i32
      %add3A_934 = vector.broadcast %add3A_933 : i32 to vector<16xi32>
      %add3A_935 = arith.addi %mul3A_157, %add3A_934 : vector<16xi32>
      %gather3A_936 = tpu.vector_load_idx %arg8[%add3A_935] : memref<32760xf32, #tpu.memory_space<vmem>>[vector<16xi32>], vector<16xf32>,
      %gt3A_937 = arith.cmpf ogt, %gather3A_936, %select_n3A_929 : vector<16xf32>
      %select_n3A_938 = arith.select %gt3A_937, %gather3A_936, %select_n3A_929 : vector<16xi1>, vector<16xf32>
      %jit3A_939 = arith.constant 79 : i32
      %broadcast_in_dim3A_940 = vector.broadcast %jit3A_939 : i32 to vector<16xi32>
      %select_n3A_941 = arith.select %gt3A_937, %broadcast_in_dim3A_940, %select_n3A_932 : vector<16xi1>, vector<16xi32>
      %add3A_942 = arith.constant 83 : i32
      %add3A_943 = vector.broadcast %add3A_942 : i32 to vector<16xi32>
      %add3A_944 = arith.addi %mul3A_157, %add3A_943 : vector<16xi32>
      %gather3A_945 = tpu.vector_load_idx %arg8[%add3A_944] : memref<32760xf32, #tpu.memory_space<vmem>>[vector<16xi32>], vector<16xf32>,
      %gt3A_946 = arith.cmpf ogt, %gather3A_945, %select_n3A_938 : vector<16xf32>
      %select_n3A_947 = arith.select %gt3A_946, %gather3A_945, %select_n3A_938 : vector<16xi1>, vector<16xf32>
      %jit3A_948 = arith.constant 83 : i32
      %broadcast_in_dim3A_949 = vector.broadcast %jit3A_948 : i32 to vector<16xi32>
      %select_n3A_950 = arith.select %gt3A_946, %broadcast_in_dim3A_949, %select_n3A_941 : vector<16xi1>, vector<16xi32>
      %add3A_951 = arith.constant 87 : i32
      %add3A_952 = vector.broadcast %add3A_951 : i32 to vector<16xi32>
      %add3A_953 = arith.addi %mul3A_157, %add3A_952 : vector<16xi32>
      %gather3A_954 = tpu.vector_load_idx %arg8[%add3A_953] : memref<32760xf32, #tpu.memory_space<vmem>>[vector<16xi32>], vector<16xf32>,
      %gt3A_955 = arith.cmpf ogt, %gather3A_954, %select_n3A_947 : vector<16xf32>
      %select_n3A_956 = arith.select %gt3A_955, %gather3A_954, %select_n3A_947 : vector<16xi1>, vector<16xf32>
      %jit3A_957 = arith.constant 87 : i32
      %broadcast_in_dim3A_958 = vector.broadcast %jit3A_957 : i32 to vector<16xi32>
      %select_n3A_959 = arith.select %gt3A_955, %broadcast_in_dim3A_958, %select_n3A_950 : vector<16xi1>, vector<16xi32>
      %gt3A_960 = arith.cmpf ogt, %select_n3A_557, %select_n3A_353 : vector<16xf32>
      %eq3A = arith.cmpf oeq, %select_n3A_557, %select_n3A_353 : vector<16xf32>
      %lt3A = arith.cmpi slt, %select_n3A_560, %select_n3A_356 : vector<16xi32>
      %and3A = arith.andi %eq3A, %lt3A : vector<16xi1>
      %or3A = arith.ori %gt3A_960, %and3A : vector<16xi1>
      %select_n3A_961 = arith.select %or3A, %select_n3A_557, %select_n3A_353 : vector<16xi1>, vector<16xf32>
      %select_n3A_962 = arith.select %or3A, %select_n3A_560, %select_n3A_356 : vector<16xi1>, vector<16xi32>
      %gt3A_963 = arith.cmpf ogt, %select_n3A_956, %select_n3A_761 : vector<16xf32>
      %eq3A_964 = arith.cmpf oeq, %select_n3A_956, %select_n3A_761 : vector<16xf32>
      %lt3A_965 = arith.cmpi slt, %select_n3A_959, %select_n3A_764 : vector<16xi32>
      %and3A_966 = arith.andi %eq3A_964, %lt3A_965 : vector<16xi1>
      %or3A_967 = arith.ori %gt3A_963, %and3A_966 : vector<16xi1>
      %select_n3A_968 = arith.select %or3A_967, %select_n3A_956, %select_n3A_761 : vector<16xi1>, vector<16xf32>
      %select_n3A_969 = arith.select %or3A_967, %select_n3A_959, %select_n3A_764 : vector<16xi1>, vector<16xi32>
      %gt3A_970 = arith.cmpf ogt, %select_n3A_968, %select_n3A_961 : vector<16xf32>
      %eq3A_971 = arith.cmpf oeq, %select_n3A_968, %select_n3A_961 : vector<16xf32>
      %lt3A_972 = arith.cmpi slt, %select_n3A_969, %select_n3A_962 : vector<16xi32>
      %and3A_973 = arith.andi %eq3A_971, %lt3A_972 : vector<16xi1>
      %or3A_974 = arith.ori %gt3A_970, %and3A_973 : vector<16xi1>
      %select_n3A_975 = arith.select %or3A_974, %select_n3A_968, %select_n3A_961 : vector<16xi1>, vector<16xf32>
      %select_n3A_976 = arith.select %or3A_974, %select_n3A_969, %select_n3A_962 : vector<16xi1>, vector<16xi32>
      %neg3A = arith.constant 0.000000e+00 : f32
      %neg3A_977 = vector.broadcast %neg3A : f32 to vector<16xf32>
      %neg3A_978 = arith.subf %neg3A_977, %select_n3A_975 : vector<16xf32>
      %exp3A = math.exp %neg3A_978 : vector<16xf32>
      %add3A_979 = arith.constant 1.000000e+00 : f32
      %add3A_980 = vector.broadcast %add3A_979 : f32 to vector<16xf32>
      %add3A_981 = arith.addf %add3A_980, %exp3A : vector<16xf32>
      %div3A = arith.constant 1.000000e+00 : f32
      %div3A_982 = vector.broadcast %div3A : f32 to vector<16xf32>
      %div3A_983 = arith.divf %div3A_982, %add3A_981 : vector<16xf32>
      %ge3A = arith.constant 3.000000e-01 : f32
      %ge3A_984 = vector.broadcast %ge3A : f32 to vector<16xf32>
      %ge3A_985 = arith.cmpf oge, %div3A_983, %ge3A_984 : vector<16xf32>
      %mul3A_986 = arith.constant 4 : i32
      %mul3A_987 = vector.broadcast %mul3A_986 : i32 to vector<16xi32>
      %mul3A_988 = arith.muli %add3A_154, %mul3A_987 : vector<16xi32>
      %gather3A_989 = tpu.vector_load_idx %arg10[%mul3A_988] : memref<1440xf32, #tpu.memory_space<vmem>>[vector<16xi32>], vector<16xf32>,
      %add3A_990 = arith.constant 1 : i32
      %add3A_991 = vector.broadcast %add3A_990 : i32 to vector<16xi32>
      %add3A_992 = arith.addi %mul3A_988, %add3A_991 : vector<16xi32>
      %gather3A_993 = tpu.vector_load_idx %arg10[%add3A_992] : memref<1440xf32, #tpu.memory_space<vmem>>[vector<16xi32>], vector<16xf32>,
      %add3A_994 = arith.constant 2 : i32
      %add3A_995 = vector.broadcast %add3A_994 : i32 to vector<16xi32>
      %add3A_996 = arith.addi %mul3A_988, %add3A_995 : vector<16xi32>
      %gather3A_997 = tpu.vector_load_idx %arg10[%add3A_996] : memref<1440xf32, #tpu.memory_space<vmem>>[vector<16xi32>], vector<16xf32>,
      %add3A_998 = arith.constant 3 : i32
      %add3A_999 = vector.broadcast %add3A_998 : i32 to vector<16xi32>
      %add3A_1000 = arith.addi %mul3A_988, %add3A_999 : vector<16xi32>
      %gather3A_1001 = tpu.vector_load_idx %arg10[%add3A_1000] : memref<1440xf32, #tpu.memory_space<vmem>>[vector<16xi32>], vector<16xf32>,
      %mul3A_1002 = arith.constant 5.000000e-01 : f32
      %mul3A_1003 = vector.broadcast %mul3A_1002 : f32 to vector<16xf32>
      %mul3A_1004 = arith.mulf %mul3A_1003, %gather3A_997 : vector<16xf32>
      %sub3A = arith.subf %gather3A_989, %mul3A_1004 : vector<16xf32>
      %mul3A_1005 = arith.mulf %sub3A, %get3A_3 : vector<16xf32>
      %mul3A_1006 = arith.constant 5.000000e-01 : f32
      %mul3A_1007 = vector.broadcast %mul3A_1006 : f32 to vector<16xf32>
      %mul3A_1008 = arith.mulf %mul3A_1007, %gather3A_1001 : vector<16xf32>
      %sub3A_1009 = arith.subf %gather3A_993, %mul3A_1008 : vector<16xf32>
      %mul3A_1010 = arith.mulf %sub3A_1009, %get3A_5 : vector<16xf32>
      %mul3A_1011 = arith.mulf %gather3A_997, %get3A_3 : vector<16xf32>
      %mul3A_1012 = arith.mulf %gather3A_1001, %get3A_5 : vector<16xf32>
      %broadcast_in_dim3A_1013 = arith.constant 0.000000e+00 : f32
      %broadcast_in_dim3A_1014 = vector.broadcast %broadcast_in_dim3A_1013 : f32 to vector<16xf32>
      %mul3A_1015 = arith.constant 6 : i32
      %mul3A_1016 = vector.broadcast %mul3A_1015 : i32 to vector<16xi32>
      %mul3A_1017 = arith.muli %add3A_154, %mul3A_1016 : vector<16xi32>
      %convert_element_type3A = arith.sitofp %select_n3A_976 : vector<16xi32> to vector<16xf32>
      %add3A_1018 = arith.constant 0 : i32
      %add3A_1019 = vector.broadcast %add3A_1018 : i32 to vector<16xi32>
      %add3A_1020 = arith.addi %mul3A_1017, %add3A_1019 : vector<16xi32>
      %select_n3A_1021 = arith.select %ge3A_985, %convert_element_type3A, %broadcast_in_dim3A_1014 : vector<16xi1>, vector<16xf32>
      tpu.vector_store_idx %arg12[%add3A_1020], %select_n3A_1021 : memref<2160xf32, #tpu.memory_space<vmem>>[vector<16xi32>], vector<16xf32>,
      %add3A_1022 = arith.constant 1 : i32
      %add3A_1023 = vector.broadcast %add3A_1022 : i32 to vector<16xi32>
      %add3A_1024 = arith.addi %mul3A_1017, %add3A_1023 : vector<16xi32>
      %select_n3A_1025 = arith.select %ge3A_985, %div3A_983, %broadcast_in_dim3A_1014 : vector<16xi1>, vector<16xf32>
      tpu.vector_store_idx %arg12[%add3A_1024], %select_n3A_1025 : memref<2160xf32, #tpu.memory_space<vmem>>[vector<16xi32>], vector<16xf32>,
      %add3A_1026 = arith.constant 2 : i32
      %add3A_1027 = vector.broadcast %add3A_1026 : i32 to vector<16xi32>
      %add3A_1028 = arith.addi %mul3A_1017, %add3A_1027 : vector<16xi32>
      %select_n3A_1029 = arith.select %ge3A_985, %mul3A_1005, %broadcast_in_dim3A_1014 : vector<16xi1>, vector<16xf32>
      tpu.vector_store_idx %arg12[%add3A_1028], %select_n3A_1029 : memref<2160xf32, #tpu.memory_space<vmem>>[vector<16xi32>], vector<16xf32>,
      %add3A_1030 = arith.constant 3 : i32
      %add3A_1031 = vector.broadcast %add3A_1030 : i32 to vector<16xi32>
      %add3A_1032 = arith.addi %mul3A_1017, %add3A_1031 : vector<16xi32>
      %select_n3A_1033 = arith.select %ge3A_985, %mul3A_1010, %broadcast_in_dim3A_1014 : vector<16xi1>, vector<16xf32>
      tpu.vector_store_idx %arg12[%add3A_1032], %select_n3A_1033 : memref<2160xf32, #tpu.memory_space<vmem>>[vector<16xi32>], vector<16xf32>,
      %add3A_1034 = arith.constant 4 : i32
      %add3A_1035 = vector.broadcast %add3A_1034 : i32 to vector<16xi32>
      %add3A_1036 = arith.addi %mul3A_1017, %add3A_1035 : vector<16xi32>
      %select_n3A_1037 = arith.select %ge3A_985, %mul3A_1011, %broadcast_in_dim3A_1014 : vector<16xi1>, vector<16xf32>
      tpu.vector_store_idx %arg12[%add3A_1036], %select_n3A_1037 : memref<2160xf32, #tpu.memory_space<vmem>>[vector<16xi32>], vector<16xf32>,
      %add3A_1038 = arith.constant 5 : i32
      %add3A_1039 = vector.broadcast %add3A_1038 : i32 to vector<16xi32>
      %add3A_1040 = arith.addi %mul3A_1017, %add3A_1039 : vector<16xi32>
      %select_n3A_1041 = arith.select %ge3A_985, %mul3A_1012, %broadcast_in_dim3A_1014 : vector<16xi1>, vector<16xf32>
      tpu.vector_store_idx %arg12[%add3A_1040], %select_n3A_1041 : memref<2160xf32, #tpu.memory_space<vmem>>[vector<16xi32>], vector<16xf32>,
      %scan3A_1042 = arith.constant 0 : i32
      scf.yield %scan3A_1042 : i32
    }
    %scan3A_60 = arith.constant 23 : i32
    %add3A_61 = arith.constant 360 : i32
    %add3A_62 = arith.addi %mul3A_2, %add3A_61 : i32
    %mul3A_63 = arith.constant 6 : i32
    %mul3A_64 = arith.muli %add3A_62, %mul3A_63 : i32
    %dma_start3A_65 = tpu.memref_slice %arg6[%mul3A_64] : memref<345600xf32, #tpu.memory_space<hbm>> -> memref<2160xf32, #tpu.memory_space<hbm>>
    %dma_start3A_66 = tpu.memref_slice %arg6[%mul3A_64] : memref<345600xf32, #tpu.memory_space<hbm>> -> memref<2160xf32, #tpu.memory_space<hbm>>
    tpu.enqueue_dma source(%arg12 : memref<2160xf32, #tpu.memory_space<vmem>>) target(%dma_start3A_66 : memref<2160xf32, #tpu.memory_space<hbm>>) target_semaphore(%arg20 : memref<!tpu.dma_semaphore, #tpu.memory_space<semaphore_mem>>)
    %dma_wait3A_67 = tpu.memref_slice %arg2[%mul3A_47] : memref<5241600xf32, #tpu.memory_space<hbm>> -> memref<32760xf32, #tpu.memory_space<hbm>>
    %dma_wait3A_68 = tpu.memref_slice %arg2[%mul3A_47] : memref<5241600xf32, #tpu.memory_space<hbm>> -> memref<32760xf32, #tpu.memory_space<hbm>>
    tpu.wait_dma2 semaphore(%arg15 : memref<!tpu.dma_semaphore, #tpu.memory_space<semaphore_mem>>) src(%dma_wait3A_68 : memref<32760xf32, #tpu.memory_space<hbm>>) dst(%arg7 : memref<32760xf32, #tpu.memory_space<vmem>>)
    %dma_wait3A_69 = tpu.memref_slice %arg3[%mul3A_51] : memref<230400xf32, #tpu.memory_space<hbm>> -> memref<1440xf32, #tpu.memory_space<hbm>>
    %dma_wait3A_70 = tpu.memref_slice %arg3[%mul3A_51] : memref<230400xf32, #tpu.memory_space<hbm>> -> memref<1440xf32, #tpu.memory_space<hbm>>
    tpu.wait_dma2 semaphore(%arg17 : memref<!tpu.dma_semaphore, #tpu.memory_space<semaphore_mem>>) src(%dma_wait3A_70 : memref<1440xf32, #tpu.memory_space<hbm>>) dst(%arg9 : memref<1440xf32, #tpu.memory_space<vmem>>)
    %add3A_71 = arith.constant 1080 : i32
    %add3A_72 = arith.addi %mul3A_2, %add3A_71 : i32
    %mul3A_73 = arith.constant 91 : i32
    %mul3A_74 = arith.muli %add3A_72, %mul3A_73 : i32
    %dma_start3A_75 = tpu.memref_slice %arg2[%mul3A_74] : memref<5241600xf32, #tpu.memory_space<hbm>> -> memref<32760xf32, #tpu.memory_space<hbm>>
    %dma_start3A_76 = tpu.memref_slice %arg2[%mul3A_74] : memref<5241600xf32, #tpu.memory_space<hbm>> -> memref<32760xf32, #tpu.memory_space<hbm>>
    tpu.enqueue_dma source(%dma_start3A_76 : memref<32760xf32, #tpu.memory_space<hbm>>) target(%arg8 : memref<32760xf32, #tpu.memory_space<vmem>>) target_semaphore(%arg16 : memref<!tpu.dma_semaphore, #tpu.memory_space<semaphore_mem>>)
    %mul3A_77 = arith.constant 4 : i32
    %mul3A_78 = arith.muli %add3A_72, %mul3A_77 : i32
    %dma_start3A_79 = tpu.memref_slice %arg3[%mul3A_78] : memref<230400xf32, #tpu.memory_space<hbm>> -> memref<1440xf32, #tpu.memory_space<hbm>>
    %dma_start3A_80 = tpu.memref_slice %arg3[%mul3A_78] : memref<230400xf32, #tpu.memory_space<hbm>> -> memref<1440xf32, #tpu.memory_space<hbm>>
    tpu.enqueue_dma source(%dma_start3A_80 : memref<1440xf32, #tpu.memory_space<hbm>>) target(%arg10 : memref<1440xf32, #tpu.memory_space<vmem>>) target_semaphore(%arg18 : memref<!tpu.dma_semaphore, #tpu.memory_space<semaphore_mem>>)
    %dma_wait3A_81 = tpu.memref_slice %arg6[%mul3A_37] : memref<345600xf32, #tpu.memory_space<hbm>> -> memref<2160xf32, #tpu.memory_space<hbm>>
    %dma_wait3A_82 = tpu.memref_slice %arg6[%mul3A_37] : memref<345600xf32, #tpu.memory_space<hbm>> -> memref<2160xf32, #tpu.memory_space<hbm>>
    tpu.wait_dma2 semaphore(%arg19 : memref<!tpu.dma_semaphore, #tpu.memory_space<semaphore_mem>>) src(%arg11 : memref<2160xf32, #tpu.memory_space<vmem>>) dst(%dma_wait3A_82 : memref<2160xf32, #tpu.memory_space<hbm>>)
    %scan3A_83 = arith.constant 0 : i32
    %scan3A_84 = arith.constant 0 : i32
    %scan3A_85 = arith.constant 23 : i32
    %scan3A_86 = arith.addi %scan3A_84, %scan3A_85 : i32
    %scan3A_87 = arith.constant 1 : i32
    %scan3A_88 = scf.for %scan3A_148 = %scan3A_84 to %scan3A_86 step %scan3A_87 iter_args(%scan3A_149 = %scan3A_83) -> (i32)  : i32 {
      %mul3A_150 = arith.constant 16 : i32
      %mul3A_151 = arith.muli %scan3A_148, %mul3A_150 : i32
      %min3A = arith.constant 344 : i32
      %min3A_152 = arith.minsi %mul3A_151, %min3A : i32
      %iota3A = tpu.iota {dimensions = array<i32: 0>} : vector<16xi32>
      %add3A_153 = vector.broadcast %min3A_152 : i32 to vector<16xi32>
      %add3A_154 = arith.addi %add3A_153, %iota3A : vector<16xi32>
      %mul3A_155 = arith.constant 91 : i32
      %mul3A_156 = vector.broadcast %mul3A_155 : i32 to vector<16xi32>
      %mul3A_157 = arith.muli %add3A_154, %mul3A_156 : vector<16xi32>
      %add3A_158 = arith.constant 0 : i32
      %add3A_159 = vector.broadcast %add3A_158 : i32 to vector<16xi32>
      %add3A_160 = arith.addi %mul3A_157, %add3A_159 : vector<16xi32>
      %gather3A = tpu.vector_load_idx %arg7[%add3A_160] : memref<32760xf32, #tpu.memory_space<vmem>>[vector<16xi32>], vector<16xf32>,
      %broadcast_in_dim3A = arith.constant 0 : i32
      %broadcast_in_dim3A_161 = vector.broadcast %broadcast_in_dim3A : i32 to vector<16xi32>
      %add3A_162 = arith.constant 4 : i32
      %add3A_163 = vector.broadcast %add3A_162 : i32 to vector<16xi32>
      %add3A_164 = arith.addi %mul3A_157, %add3A_163 : vector<16xi32>
      %gather3A_165 = tpu.vector_load_idx %arg7[%add3A_164] : memref<32760xf32, #tpu.memory_space<vmem>>[vector<16xi32>], vector<16xf32>,
      %gt3A = arith.cmpf ogt, %gather3A_165, %gather3A : vector<16xf32>
      %select_n3A = arith.select %gt3A, %gather3A_165, %gather3A : vector<16xi1>, vector<16xf32>
      %jit3A = arith.constant 4 : i32
      %broadcast_in_dim3A_166 = vector.broadcast %jit3A : i32 to vector<16xi32>
      %select_n3A_167 = arith.select %gt3A, %broadcast_in_dim3A_166, %broadcast_in_dim3A_161 : vector<16xi1>, vector<16xi32>
      %add3A_168 = arith.constant 8 : i32
      %add3A_169 = vector.broadcast %add3A_168 : i32 to vector<16xi32>
      %add3A_170 = arith.addi %mul3A_157, %add3A_169 : vector<16xi32>
      %gather3A_171 = tpu.vector_load_idx %arg7[%add3A_170] : memref<32760xf32, #tpu.memory_space<vmem>>[vector<16xi32>], vector<16xf32>,
      %gt3A_172 = arith.cmpf ogt, %gather3A_171, %select_n3A : vector<16xf32>
      %select_n3A_173 = arith.select %gt3A_172, %gather3A_171, %select_n3A : vector<16xi1>, vector<16xf32>
      %jit3A_174 = arith.constant 8 : i32
      %broadcast_in_dim3A_175 = vector.broadcast %jit3A_174 : i32 to vector<16xi32>
      %select_n3A_176 = arith.select %gt3A_172, %broadcast_in_dim3A_175, %select_n3A_167 : vector<16xi1>, vector<16xi32>
      %add3A_177 = arith.constant 12 : i32
      %add3A_178 = vector.broadcast %add3A_177 : i32 to vector<16xi32>
      %add3A_179 = arith.addi %mul3A_157, %add3A_178 : vector<16xi32>
      %gather3A_180 = tpu.vector_load_idx %arg7[%add3A_179] : memref<32760xf32, #tpu.memory_space<vmem>>[vector<16xi32>], vector<16xf32>,
      %gt3A_181 = arith.cmpf ogt, %gather3A_180, %select_n3A_173 : vector<16xf32>
      %select_n3A_182 = arith.select %gt3A_181, %gather3A_180, %select_n3A_173 : vector<16xi1>, vector<16xf32>
      %jit3A_183 = arith.constant 12 : i32
      %broadcast_in_dim3A_184 = vector.broadcast %jit3A_183 : i32 to vector<16xi32>
      %select_n3A_185 = arith.select %gt3A_181, %broadcast_in_dim3A_184, %select_n3A_176 : vector<16xi1>, vector<16xi32>
      %add3A_186 = arith.constant 16 : i32
      %add3A_187 = vector.broadcast %add3A_186 : i32 to vector<16xi32>
      %add3A_188 = arith.addi %mul3A_157, %add3A_187 : vector<16xi32>
      %gather3A_189 = tpu.vector_load_idx %arg7[%add3A_188] : memref<32760xf32, #tpu.memory_space<vmem>>[vector<16xi32>], vector<16xf32>,
      %gt3A_190 = arith.cmpf ogt, %gather3A_189, %select_n3A_182 : vector<16xf32>
      %select_n3A_191 = arith.select %gt3A_190, %gather3A_189, %select_n3A_182 : vector<16xi1>, vector<16xf32>
      %jit3A_192 = arith.constant 16 : i32
      %broadcast_in_dim3A_193 = vector.broadcast %jit3A_192 : i32 to vector<16xi32>
      %select_n3A_194 = arith.select %gt3A_190, %broadcast_in_dim3A_193, %select_n3A_185 : vector<16xi1>, vector<16xi32>
      %add3A_195 = arith.constant 20 : i32
      %add3A_196 = vector.broadcast %add3A_195 : i32 to vector<16xi32>
      %add3A_197 = arith.addi %mul3A_157, %add3A_196 : vector<16xi32>
      %gather3A_198 = tpu.vector_load_idx %arg7[%add3A_197] : memref<32760xf32, #tpu.memory_space<vmem>>[vector<16xi32>], vector<16xf32>,
      %gt3A_199 = arith.cmpf ogt, %gather3A_198, %select_n3A_191 : vector<16xf32>
      %select_n3A_200 = arith.select %gt3A_199, %gather3A_198, %select_n3A_191 : vector<16xi1>, vector<16xf32>
      %jit3A_201 = arith.constant 20 : i32
      %broadcast_in_dim3A_202 = vector.broadcast %jit3A_201 : i32 to vector<16xi32>
      %select_n3A_203 = arith.select %gt3A_199, %broadcast_in_dim3A_202, %select_n3A_194 : vector<16xi1>, vector<16xi32>
      %add3A_204 = arith.constant 24 : i32
      %add3A_205 = vector.broadcast %add3A_204 : i32 to vector<16xi32>
      %add3A_206 = arith.addi %mul3A_157, %add3A_205 : vector<16xi32>
      %gather3A_207 = tpu.vector_load_idx %arg7[%add3A_206] : memref<32760xf32, #tpu.memory_space<vmem>>[vector<16xi32>], vector<16xf32>,
      %gt3A_208 = arith.cmpf ogt, %gather3A_207, %select_n3A_200 : vector<16xf32>
      %select_n3A_209 = arith.select %gt3A_208, %gather3A_207, %select_n3A_200 : vector<16xi1>, vector<16xf32>
      %jit3A_210 = arith.constant 24 : i32
      %broadcast_in_dim3A_211 = vector.broadcast %jit3A_210 : i32 to vector<16xi32>
      %select_n3A_212 = arith.select %gt3A_208, %broadcast_in_dim3A_211, %select_n3A_203 : vector<16xi1>, vector<16xi32>
      %add3A_213 = arith.constant 28 : i32
      %add3A_214 = vector.broadcast %add3A_213 : i32 to vector<16xi32>
      %add3A_215 = arith.addi %mul3A_157, %add3A_214 : vector<16xi32>
      %gather3A_216 = tpu.vector_load_idx %arg7[%add3A_215] : memref<32760xf32, #tpu.memory_space<vmem>>[vector<16xi32>], vector<16xf32>,
      %gt3A_217 = arith.cmpf ogt, %gather3A_216, %select_n3A_209 : vector<16xf32>
      %select_n3A_218 = arith.select %gt3A_217, %gather3A_216, %select_n3A_209 : vector<16xi1>, vector<16xf32>
      %jit3A_219 = arith.constant 28 : i32
      %broadcast_in_dim3A_220 = vector.broadcast %jit3A_219 : i32 to vector<16xi32>
      %select_n3A_221 = arith.select %gt3A_217, %broadcast_in_dim3A_220, %select_n3A_212 : vector<16xi1>, vector<16xi32>
      %add3A_222 = arith.constant 32 : i32
      %add3A_223 = vector.broadcast %add3A_222 : i32 to vector<16xi32>
      %add3A_224 = arith.addi %mul3A_157, %add3A_223 : vector<16xi32>
      %gather3A_225 = tpu.vector_load_idx %arg7[%add3A_224] : memref<32760xf32, #tpu.memory_space<vmem>>[vector<16xi32>], vector<16xf32>,
      %gt3A_226 = arith.cmpf ogt, %gather3A_225, %select_n3A_218 : vector<16xf32>
      %select_n3A_227 = arith.select %gt3A_226, %gather3A_225, %select_n3A_218 : vector<16xi1>, vector<16xf32>
      %jit3A_228 = arith.constant 32 : i32
      %broadcast_in_dim3A_229 = vector.broadcast %jit3A_228 : i32 to vector<16xi32>
      %select_n3A_230 = arith.select %gt3A_226, %broadcast_in_dim3A_229, %select_n3A_221 : vector<16xi1>, vector<16xi32>
      %add3A_231 = arith.constant 36 : i32
      %add3A_232 = vector.broadcast %add3A_231 : i32 to vector<16xi32>
      %add3A_233 = arith.addi %mul3A_157, %add3A_232 : vector<16xi32>
      %gather3A_234 = tpu.vector_load_idx %arg7[%add3A_233] : memref<32760xf32, #tpu.memory_space<vmem>>[vector<16xi32>], vector<16xf32>,
      %gt3A_235 = arith.cmpf ogt, %gather3A_234, %select_n3A_227 : vector<16xf32>
      %select_n3A_236 = arith.select %gt3A_235, %gather3A_234, %select_n3A_227 : vector<16xi1>, vector<16xf32>
      %jit3A_237 = arith.constant 36 : i32
      %broadcast_in_dim3A_238 = vector.broadcast %jit3A_237 : i32 to vector<16xi32>
      %select_n3A_239 = arith.select %gt3A_235, %broadcast_in_dim3A_238, %select_n3A_230 : vector<16xi1>, vector<16xi32>
      %add3A_240 = arith.constant 40 : i32
      %add3A_241 = vector.broadcast %add3A_240 : i32 to vector<16xi32>
      %add3A_242 = arith.addi %mul3A_157, %add3A_241 : vector<16xi32>
      %gather3A_243 = tpu.vector_load_idx %arg7[%add3A_242] : memref<32760xf32, #tpu.memory_space<vmem>>[vector<16xi32>], vector<16xf32>,
      %gt3A_244 = arith.cmpf ogt, %gather3A_243, %select_n3A_236 : vector<16xf32>
      %select_n3A_245 = arith.select %gt3A_244, %gather3A_243, %select_n3A_236 : vector<16xi1>, vector<16xf32>
      %jit3A_246 = arith.constant 40 : i32
      %broadcast_in_dim3A_247 = vector.broadcast %jit3A_246 : i32 to vector<16xi32>
      %select_n3A_248 = arith.select %gt3A_244, %broadcast_in_dim3A_247, %select_n3A_239 : vector<16xi1>, vector<16xi32>
      %add3A_249 = arith.constant 44 : i32
      %add3A_250 = vector.broadcast %add3A_249 : i32 to vector<16xi32>
      %add3A_251 = arith.addi %mul3A_157, %add3A_250 : vector<16xi32>
      %gather3A_252 = tpu.vector_load_idx %arg7[%add3A_251] : memref<32760xf32, #tpu.memory_space<vmem>>[vector<16xi32>], vector<16xf32>,
      %gt3A_253 = arith.cmpf ogt, %gather3A_252, %select_n3A_245 : vector<16xf32>
      %select_n3A_254 = arith.select %gt3A_253, %gather3A_252, %select_n3A_245 : vector<16xi1>, vector<16xf32>
      %jit3A_255 = arith.constant 44 : i32
      %broadcast_in_dim3A_256 = vector.broadcast %jit3A_255 : i32 to vector<16xi32>
      %select_n3A_257 = arith.select %gt3A_253, %broadcast_in_dim3A_256, %select_n3A_248 : vector<16xi1>, vector<16xi32>
      %add3A_258 = arith.constant 48 : i32
      %add3A_259 = vector.broadcast %add3A_258 : i32 to vector<16xi32>
      %add3A_260 = arith.addi %mul3A_157, %add3A_259 : vector<16xi32>
      %gather3A_261 = tpu.vector_load_idx %arg7[%add3A_260] : memref<32760xf32, #tpu.memory_space<vmem>>[vector<16xi32>], vector<16xf32>,
      %gt3A_262 = arith.cmpf ogt, %gather3A_261, %select_n3A_254 : vector<16xf32>
      %select_n3A_263 = arith.select %gt3A_262, %gather3A_261, %select_n3A_254 : vector<16xi1>, vector<16xf32>
      %jit3A_264 = arith.constant 48 : i32
      %broadcast_in_dim3A_265 = vector.broadcast %jit3A_264 : i32 to vector<16xi32>
      %select_n3A_266 = arith.select %gt3A_262, %broadcast_in_dim3A_265, %select_n3A_257 : vector<16xi1>, vector<16xi32>
      %add3A_267 = arith.constant 52 : i32
      %add3A_268 = vector.broadcast %add3A_267 : i32 to vector<16xi32>
      %add3A_269 = arith.addi %mul3A_157, %add3A_268 : vector<16xi32>
      %gather3A_270 = tpu.vector_load_idx %arg7[%add3A_269] : memref<32760xf32, #tpu.memory_space<vmem>>[vector<16xi32>], vector<16xf32>,
      %gt3A_271 = arith.cmpf ogt, %gather3A_270, %select_n3A_263 : vector<16xf32>
      %select_n3A_272 = arith.select %gt3A_271, %gather3A_270, %select_n3A_263 : vector<16xi1>, vector<16xf32>
      %jit3A_273 = arith.constant 52 : i32
      %broadcast_in_dim3A_274 = vector.broadcast %jit3A_273 : i32 to vector<16xi32>
      %select_n3A_275 = arith.select %gt3A_271, %broadcast_in_dim3A_274, %select_n3A_266 : vector<16xi1>, vector<16xi32>
      %add3A_276 = arith.constant 56 : i32
      %add3A_277 = vector.broadcast %add3A_276 : i32 to vector<16xi32>
      %add3A_278 = arith.addi %mul3A_157, %add3A_277 : vector<16xi32>
      %gather3A_279 = tpu.vector_load_idx %arg7[%add3A_278] : memref<32760xf32, #tpu.memory_space<vmem>>[vector<16xi32>], vector<16xf32>,
      %gt3A_280 = arith.cmpf ogt, %gather3A_279, %select_n3A_272 : vector<16xf32>
      %select_n3A_281 = arith.select %gt3A_280, %gather3A_279, %select_n3A_272 : vector<16xi1>, vector<16xf32>
      %jit3A_282 = arith.constant 56 : i32
      %broadcast_in_dim3A_283 = vector.broadcast %jit3A_282 : i32 to vector<16xi32>
      %select_n3A_284 = arith.select %gt3A_280, %broadcast_in_dim3A_283, %select_n3A_275 : vector<16xi1>, vector<16xi32>
      %add3A_285 = arith.constant 60 : i32
      %add3A_286 = vector.broadcast %add3A_285 : i32 to vector<16xi32>
      %add3A_287 = arith.addi %mul3A_157, %add3A_286 : vector<16xi32>
      %gather3A_288 = tpu.vector_load_idx %arg7[%add3A_287] : memref<32760xf32, #tpu.memory_space<vmem>>[vector<16xi32>], vector<16xf32>,
      %gt3A_289 = arith.cmpf ogt, %gather3A_288, %select_n3A_281 : vector<16xf32>
      %select_n3A_290 = arith.select %gt3A_289, %gather3A_288, %select_n3A_281 : vector<16xi1>, vector<16xf32>
      %jit3A_291 = arith.constant 60 : i32
      %broadcast_in_dim3A_292 = vector.broadcast %jit3A_291 : i32 to vector<16xi32>
      %select_n3A_293 = arith.select %gt3A_289, %broadcast_in_dim3A_292, %select_n3A_284 : vector<16xi1>, vector<16xi32>
      %add3A_294 = arith.constant 64 : i32
      %add3A_295 = vector.broadcast %add3A_294 : i32 to vector<16xi32>
      %add3A_296 = arith.addi %mul3A_157, %add3A_295 : vector<16xi32>
      %gather3A_297 = tpu.vector_load_idx %arg7[%add3A_296] : memref<32760xf32, #tpu.memory_space<vmem>>[vector<16xi32>], vector<16xf32>,
      %gt3A_298 = arith.cmpf ogt, %gather3A_297, %select_n3A_290 : vector<16xf32>
      %select_n3A_299 = arith.select %gt3A_298, %gather3A_297, %select_n3A_290 : vector<16xi1>, vector<16xf32>
      %jit3A_300 = arith.constant 64 : i32
      %broadcast_in_dim3A_301 = vector.broadcast %jit3A_300 : i32 to vector<16xi32>
      %select_n3A_302 = arith.select %gt3A_298, %broadcast_in_dim3A_301, %select_n3A_293 : vector<16xi1>, vector<16xi32>
      %add3A_303 = arith.constant 68 : i32
      %add3A_304 = vector.broadcast %add3A_303 : i32 to vector<16xi32>
      %add3A_305 = arith.addi %mul3A_157, %add3A_304 : vector<16xi32>
      %gather3A_306 = tpu.vector_load_idx %arg7[%add3A_305] : memref<32760xf32, #tpu.memory_space<vmem>>[vector<16xi32>], vector<16xf32>,
      %gt3A_307 = arith.cmpf ogt, %gather3A_306, %select_n3A_299 : vector<16xf32>
      %select_n3A_308 = arith.select %gt3A_307, %gather3A_306, %select_n3A_299 : vector<16xi1>, vector<16xf32>
      %jit3A_309 = arith.constant 68 : i32
      %broadcast_in_dim3A_310 = vector.broadcast %jit3A_309 : i32 to vector<16xi32>
      %select_n3A_311 = arith.select %gt3A_307, %broadcast_in_dim3A_310, %select_n3A_302 : vector<16xi1>, vector<16xi32>
      %add3A_312 = arith.constant 72 : i32
      %add3A_313 = vector.broadcast %add3A_312 : i32 to vector<16xi32>
      %add3A_314 = arith.addi %mul3A_157, %add3A_313 : vector<16xi32>
      %gather3A_315 = tpu.vector_load_idx %arg7[%add3A_314] : memref<32760xf32, #tpu.memory_space<vmem>>[vector<16xi32>], vector<16xf32>,
      %gt3A_316 = arith.cmpf ogt, %gather3A_315, %select_n3A_308 : vector<16xf32>
      %select_n3A_317 = arith.select %gt3A_316, %gather3A_315, %select_n3A_308 : vector<16xi1>, vector<16xf32>
      %jit3A_318 = arith.constant 72 : i32
      %broadcast_in_dim3A_319 = vector.broadcast %jit3A_318 : i32 to vector<16xi32>
      %select_n3A_320 = arith.select %gt3A_316, %broadcast_in_dim3A_319, %select_n3A_311 : vector<16xi1>, vector<16xi32>
      %add3A_321 = arith.constant 76 : i32
      %add3A_322 = vector.broadcast %add3A_321 : i32 to vector<16xi32>
      %add3A_323 = arith.addi %mul3A_157, %add3A_322 : vector<16xi32>
      %gather3A_324 = tpu.vector_load_idx %arg7[%add3A_323] : memref<32760xf32, #tpu.memory_space<vmem>>[vector<16xi32>], vector<16xf32>,
      %gt3A_325 = arith.cmpf ogt, %gather3A_324, %select_n3A_317 : vector<16xf32>
      %select_n3A_326 = arith.select %gt3A_325, %gather3A_324, %select_n3A_317 : vector<16xi1>, vector<16xf32>
      %jit3A_327 = arith.constant 76 : i32
      %broadcast_in_dim3A_328 = vector.broadcast %jit3A_327 : i32 to vector<16xi32>
      %select_n3A_329 = arith.select %gt3A_325, %broadcast_in_dim3A_328, %select_n3A_320 : vector<16xi1>, vector<16xi32>
      %add3A_330 = arith.constant 80 : i32
      %add3A_331 = vector.broadcast %add3A_330 : i32 to vector<16xi32>
      %add3A_332 = arith.addi %mul3A_157, %add3A_331 : vector<16xi32>
      %gather3A_333 = tpu.vector_load_idx %arg7[%add3A_332] : memref<32760xf32, #tpu.memory_space<vmem>>[vector<16xi32>], vector<16xf32>,
      %gt3A_334 = arith.cmpf ogt, %gather3A_333, %select_n3A_326 : vector<16xf32>
      %select_n3A_335 = arith.select %gt3A_334, %gather3A_333, %select_n3A_326 : vector<16xi1>, vector<16xf32>
      %jit3A_336 = arith.constant 80 : i32
      %broadcast_in_dim3A_337 = vector.broadcast %jit3A_336 : i32 to vector<16xi32>
      %select_n3A_338 = arith.select %gt3A_334, %broadcast_in_dim3A_337, %select_n3A_329 : vector<16xi1>, vector<16xi32>
      %add3A_339 = arith.constant 84 : i32
      %add3A_340 = vector.broadcast %add3A_339 : i32 to vector<16xi32>
      %add3A_341 = arith.addi %mul3A_157, %add3A_340 : vector<16xi32>
      %gather3A_342 = tpu.vector_load_idx %arg7[%add3A_341] : memref<32760xf32, #tpu.memory_space<vmem>>[vector<16xi32>], vector<16xf32>,
      %gt3A_343 = arith.cmpf ogt, %gather3A_342, %select_n3A_335 : vector<16xf32>
      %select_n3A_344 = arith.select %gt3A_343, %gather3A_342, %select_n3A_335 : vector<16xi1>, vector<16xf32>
      %jit3A_345 = arith.constant 84 : i32
      %broadcast_in_dim3A_346 = vector.broadcast %jit3A_345 : i32 to vector<16xi32>
      %select_n3A_347 = arith.select %gt3A_343, %broadcast_in_dim3A_346, %select_n3A_338 : vector<16xi1>, vector<16xi32>
      %add3A_348 = arith.constant 88 : i32
      %add3A_349 = vector.broadcast %add3A_348 : i32 to vector<16xi32>
      %add3A_350 = arith.addi %mul3A_157, %add3A_349 : vector<16xi32>
      %gather3A_351 = tpu.vector_load_idx %arg7[%add3A_350] : memref<32760xf32, #tpu.memory_space<vmem>>[vector<16xi32>], vector<16xf32>,
      %gt3A_352 = arith.cmpf ogt, %gather3A_351, %select_n3A_344 : vector<16xf32>
      %select_n3A_353 = arith.select %gt3A_352, %gather3A_351, %select_n3A_344 : vector<16xi1>, vector<16xf32>
      %jit3A_354 = arith.constant 88 : i32
      %broadcast_in_dim3A_355 = vector.broadcast %jit3A_354 : i32 to vector<16xi32>
      %select_n3A_356 = arith.select %gt3A_352, %broadcast_in_dim3A_355, %select_n3A_347 : vector<16xi1>, vector<16xi32>
      %add3A_357 = arith.constant 1 : i32
      %add3A_358 = vector.broadcast %add3A_357 : i32 to vector<16xi32>
      %add3A_359 = arith.addi %mul3A_157, %add3A_358 : vector<16xi32>
      %gather3A_360 = tpu.vector_load_idx %arg7[%add3A_359] : memref<32760xf32, #tpu.memory_space<vmem>>[vector<16xi32>], vector<16xf32>,
      %broadcast_in_dim3A_361 = arith.constant 1 : i32
      %broadcast_in_dim3A_362 = vector.broadcast %broadcast_in_dim3A_361 : i32 to vector<16xi32>
      %add3A_363 = arith.constant 5 : i32
      %add3A_364 = vector.broadcast %add3A_363 : i32 to vector<16xi32>
      %add3A_365 = arith.addi %mul3A_157, %add3A_364 : vector<16xi32>
      %gather3A_366 = tpu.vector_load_idx %arg7[%add3A_365] : memref<32760xf32, #tpu.memory_space<vmem>>[vector<16xi32>], vector<16xf32>,
      %gt3A_367 = arith.cmpf ogt, %gather3A_366, %gather3A_360 : vector<16xf32>
      %select_n3A_368 = arith.select %gt3A_367, %gather3A_366, %gather3A_360 : vector<16xi1>, vector<16xf32>
      %jit3A_369 = arith.constant 5 : i32
      %broadcast_in_dim3A_370 = vector.broadcast %jit3A_369 : i32 to vector<16xi32>
      %select_n3A_371 = arith.select %gt3A_367, %broadcast_in_dim3A_370, %broadcast_in_dim3A_362 : vector<16xi1>, vector<16xi32>
      %add3A_372 = arith.constant 9 : i32
      %add3A_373 = vector.broadcast %add3A_372 : i32 to vector<16xi32>
      %add3A_374 = arith.addi %mul3A_157, %add3A_373 : vector<16xi32>
      %gather3A_375 = tpu.vector_load_idx %arg7[%add3A_374] : memref<32760xf32, #tpu.memory_space<vmem>>[vector<16xi32>], vector<16xf32>,
      %gt3A_376 = arith.cmpf ogt, %gather3A_375, %select_n3A_368 : vector<16xf32>
      %select_n3A_377 = arith.select %gt3A_376, %gather3A_375, %select_n3A_368 : vector<16xi1>, vector<16xf32>
      %jit3A_378 = arith.constant 9 : i32
      %broadcast_in_dim3A_379 = vector.broadcast %jit3A_378 : i32 to vector<16xi32>
      %select_n3A_380 = arith.select %gt3A_376, %broadcast_in_dim3A_379, %select_n3A_371 : vector<16xi1>, vector<16xi32>
      %add3A_381 = arith.constant 13 : i32
      %add3A_382 = vector.broadcast %add3A_381 : i32 to vector<16xi32>
      %add3A_383 = arith.addi %mul3A_157, %add3A_382 : vector<16xi32>
      %gather3A_384 = tpu.vector_load_idx %arg7[%add3A_383] : memref<32760xf32, #tpu.memory_space<vmem>>[vector<16xi32>], vector<16xf32>,
      %gt3A_385 = arith.cmpf ogt, %gather3A_384, %select_n3A_377 : vector<16xf32>
      %select_n3A_386 = arith.select %gt3A_385, %gather3A_384, %select_n3A_377 : vector<16xi1>, vector<16xf32>
      %jit3A_387 = arith.constant 13 : i32
      %broadcast_in_dim3A_388 = vector.broadcast %jit3A_387 : i32 to vector<16xi32>
      %select_n3A_389 = arith.select %gt3A_385, %broadcast_in_dim3A_388, %select_n3A_380 : vector<16xi1>, vector<16xi32>
      %add3A_390 = arith.constant 17 : i32
      %add3A_391 = vector.broadcast %add3A_390 : i32 to vector<16xi32>
      %add3A_392 = arith.addi %mul3A_157, %add3A_391 : vector<16xi32>
      %gather3A_393 = tpu.vector_load_idx %arg7[%add3A_392] : memref<32760xf32, #tpu.memory_space<vmem>>[vector<16xi32>], vector<16xf32>,
      %gt3A_394 = arith.cmpf ogt, %gather3A_393, %select_n3A_386 : vector<16xf32>
      %select_n3A_395 = arith.select %gt3A_394, %gather3A_393, %select_n3A_386 : vector<16xi1>, vector<16xf32>
      %jit3A_396 = arith.constant 17 : i32
      %broadcast_in_dim3A_397 = vector.broadcast %jit3A_396 : i32 to vector<16xi32>
      %select_n3A_398 = arith.select %gt3A_394, %broadcast_in_dim3A_397, %select_n3A_389 : vector<16xi1>, vector<16xi32>
      %add3A_399 = arith.constant 21 : i32
      %add3A_400 = vector.broadcast %add3A_399 : i32 to vector<16xi32>
      %add3A_401 = arith.addi %mul3A_157, %add3A_400 : vector<16xi32>
      %gather3A_402 = tpu.vector_load_idx %arg7[%add3A_401] : memref<32760xf32, #tpu.memory_space<vmem>>[vector<16xi32>], vector<16xf32>,
      %gt3A_403 = arith.cmpf ogt, %gather3A_402, %select_n3A_395 : vector<16xf32>
      %select_n3A_404 = arith.select %gt3A_403, %gather3A_402, %select_n3A_395 : vector<16xi1>, vector<16xf32>
      %jit3A_405 = arith.constant 21 : i32
      %broadcast_in_dim3A_406 = vector.broadcast %jit3A_405 : i32 to vector<16xi32>
      %select_n3A_407 = arith.select %gt3A_403, %broadcast_in_dim3A_406, %select_n3A_398 : vector<16xi1>, vector<16xi32>
      %add3A_408 = arith.constant 25 : i32
      %add3A_409 = vector.broadcast %add3A_408 : i32 to vector<16xi32>
      %add3A_410 = arith.addi %mul3A_157, %add3A_409 : vector<16xi32>
      %gather3A_411 = tpu.vector_load_idx %arg7[%add3A_410] : memref<32760xf32, #tpu.memory_space<vmem>>[vector<16xi32>], vector<16xf32>,
      %gt3A_412 = arith.cmpf ogt, %gather3A_411, %select_n3A_404 : vector<16xf32>
      %select_n3A_413 = arith.select %gt3A_412, %gather3A_411, %select_n3A_404 : vector<16xi1>, vector<16xf32>
      %jit3A_414 = arith.constant 25 : i32
      %broadcast_in_dim3A_415 = vector.broadcast %jit3A_414 : i32 to vector<16xi32>
      %select_n3A_416 = arith.select %gt3A_412, %broadcast_in_dim3A_415, %select_n3A_407 : vector<16xi1>, vector<16xi32>
      %add3A_417 = arith.constant 29 : i32
      %add3A_418 = vector.broadcast %add3A_417 : i32 to vector<16xi32>
      %add3A_419 = arith.addi %mul3A_157, %add3A_418 : vector<16xi32>
      %gather3A_420 = tpu.vector_load_idx %arg7[%add3A_419] : memref<32760xf32, #tpu.memory_space<vmem>>[vector<16xi32>], vector<16xf32>,
      %gt3A_421 = arith.cmpf ogt, %gather3A_420, %select_n3A_413 : vector<16xf32>
      %select_n3A_422 = arith.select %gt3A_421, %gather3A_420, %select_n3A_413 : vector<16xi1>, vector<16xf32>
      %jit3A_423 = arith.constant 29 : i32
      %broadcast_in_dim3A_424 = vector.broadcast %jit3A_423 : i32 to vector<16xi32>
      %select_n3A_425 = arith.select %gt3A_421, %broadcast_in_dim3A_424, %select_n3A_416 : vector<16xi1>, vector<16xi32>
      %add3A_426 = arith.constant 33 : i32
      %add3A_427 = vector.broadcast %add3A_426 : i32 to vector<16xi32>
      %add3A_428 = arith.addi %mul3A_157, %add3A_427 : vector<16xi32>
      %gather3A_429 = tpu.vector_load_idx %arg7[%add3A_428] : memref<32760xf32, #tpu.memory_space<vmem>>[vector<16xi32>], vector<16xf32>,
      %gt3A_430 = arith.cmpf ogt, %gather3A_429, %select_n3A_422 : vector<16xf32>
      %select_n3A_431 = arith.select %gt3A_430, %gather3A_429, %select_n3A_422 : vector<16xi1>, vector<16xf32>
      %jit3A_432 = arith.constant 33 : i32
      %broadcast_in_dim3A_433 = vector.broadcast %jit3A_432 : i32 to vector<16xi32>
      %select_n3A_434 = arith.select %gt3A_430, %broadcast_in_dim3A_433, %select_n3A_425 : vector<16xi1>, vector<16xi32>
      %add3A_435 = arith.constant 37 : i32
      %add3A_436 = vector.broadcast %add3A_435 : i32 to vector<16xi32>
      %add3A_437 = arith.addi %mul3A_157, %add3A_436 : vector<16xi32>
      %gather3A_438 = tpu.vector_load_idx %arg7[%add3A_437] : memref<32760xf32, #tpu.memory_space<vmem>>[vector<16xi32>], vector<16xf32>,
      %gt3A_439 = arith.cmpf ogt, %gather3A_438, %select_n3A_431 : vector<16xf32>
      %select_n3A_440 = arith.select %gt3A_439, %gather3A_438, %select_n3A_431 : vector<16xi1>, vector<16xf32>
      %jit3A_441 = arith.constant 37 : i32
      %broadcast_in_dim3A_442 = vector.broadcast %jit3A_441 : i32 to vector<16xi32>
      %select_n3A_443 = arith.select %gt3A_439, %broadcast_in_dim3A_442, %select_n3A_434 : vector<16xi1>, vector<16xi32>
      %add3A_444 = arith.constant 41 : i32
      %add3A_445 = vector.broadcast %add3A_444 : i32 to vector<16xi32>
      %add3A_446 = arith.addi %mul3A_157, %add3A_445 : vector<16xi32>
      %gather3A_447 = tpu.vector_load_idx %arg7[%add3A_446] : memref<32760xf32, #tpu.memory_space<vmem>>[vector<16xi32>], vector<16xf32>,
      %gt3A_448 = arith.cmpf ogt, %gather3A_447, %select_n3A_440 : vector<16xf32>
      %select_n3A_449 = arith.select %gt3A_448, %gather3A_447, %select_n3A_440 : vector<16xi1>, vector<16xf32>
      %jit3A_450 = arith.constant 41 : i32
      %broadcast_in_dim3A_451 = vector.broadcast %jit3A_450 : i32 to vector<16xi32>
      %select_n3A_452 = arith.select %gt3A_448, %broadcast_in_dim3A_451, %select_n3A_443 : vector<16xi1>, vector<16xi32>
      %add3A_453 = arith.constant 45 : i32
      %add3A_454 = vector.broadcast %add3A_453 : i32 to vector<16xi32>
      %add3A_455 = arith.addi %mul3A_157, %add3A_454 : vector<16xi32>
      %gather3A_456 = tpu.vector_load_idx %arg7[%add3A_455] : memref<32760xf32, #tpu.memory_space<vmem>>[vector<16xi32>], vector<16xf32>,
      %gt3A_457 = arith.cmpf ogt, %gather3A_456, %select_n3A_449 : vector<16xf32>
      %select_n3A_458 = arith.select %gt3A_457, %gather3A_456, %select_n3A_449 : vector<16xi1>, vector<16xf32>
      %jit3A_459 = arith.constant 45 : i32
      %broadcast_in_dim3A_460 = vector.broadcast %jit3A_459 : i32 to vector<16xi32>
      %select_n3A_461 = arith.select %gt3A_457, %broadcast_in_dim3A_460, %select_n3A_452 : vector<16xi1>, vector<16xi32>
      %add3A_462 = arith.constant 49 : i32
      %add3A_463 = vector.broadcast %add3A_462 : i32 to vector<16xi32>
      %add3A_464 = arith.addi %mul3A_157, %add3A_463 : vector<16xi32>
      %gather3A_465 = tpu.vector_load_idx %arg7[%add3A_464] : memref<32760xf32, #tpu.memory_space<vmem>>[vector<16xi32>], vector<16xf32>,
      %gt3A_466 = arith.cmpf ogt, %gather3A_465, %select_n3A_458 : vector<16xf32>
      %select_n3A_467 = arith.select %gt3A_466, %gather3A_465, %select_n3A_458 : vector<16xi1>, vector<16xf32>
      %jit3A_468 = arith.constant 49 : i32
      %broadcast_in_dim3A_469 = vector.broadcast %jit3A_468 : i32 to vector<16xi32>
      %select_n3A_470 = arith.select %gt3A_466, %broadcast_in_dim3A_469, %select_n3A_461 : vector<16xi1>, vector<16xi32>
      %add3A_471 = arith.constant 53 : i32
      %add3A_472 = vector.broadcast %add3A_471 : i32 to vector<16xi32>
      %add3A_473 = arith.addi %mul3A_157, %add3A_472 : vector<16xi32>
      %gather3A_474 = tpu.vector_load_idx %arg7[%add3A_473] : memref<32760xf32, #tpu.memory_space<vmem>>[vector<16xi32>], vector<16xf32>,
      %gt3A_475 = arith.cmpf ogt, %gather3A_474, %select_n3A_467 : vector<16xf32>
      %select_n3A_476 = arith.select %gt3A_475, %gather3A_474, %select_n3A_467 : vector<16xi1>, vector<16xf32>
      %jit3A_477 = arith.constant 53 : i32
      %broadcast_in_dim3A_478 = vector.broadcast %jit3A_477 : i32 to vector<16xi32>
      %select_n3A_479 = arith.select %gt3A_475, %broadcast_in_dim3A_478, %select_n3A_470 : vector<16xi1>, vector<16xi32>
      %add3A_480 = arith.constant 57 : i32
      %add3A_481 = vector.broadcast %add3A_480 : i32 to vector<16xi32>
      %add3A_482 = arith.addi %mul3A_157, %add3A_481 : vector<16xi32>
      %gather3A_483 = tpu.vector_load_idx %arg7[%add3A_482] : memref<32760xf32, #tpu.memory_space<vmem>>[vector<16xi32>], vector<16xf32>,
      %gt3A_484 = arith.cmpf ogt, %gather3A_483, %select_n3A_476 : vector<16xf32>
      %select_n3A_485 = arith.select %gt3A_484, %gather3A_483, %select_n3A_476 : vector<16xi1>, vector<16xf32>
      %jit3A_486 = arith.constant 57 : i32
      %broadcast_in_dim3A_487 = vector.broadcast %jit3A_486 : i32 to vector<16xi32>
      %select_n3A_488 = arith.select %gt3A_484, %broadcast_in_dim3A_487, %select_n3A_479 : vector<16xi1>, vector<16xi32>
      %add3A_489 = arith.constant 61 : i32
      %add3A_490 = vector.broadcast %add3A_489 : i32 to vector<16xi32>
      %add3A_491 = arith.addi %mul3A_157, %add3A_490 : vector<16xi32>
      %gather3A_492 = tpu.vector_load_idx %arg7[%add3A_491] : memref<32760xf32, #tpu.memory_space<vmem>>[vector<16xi32>], vector<16xf32>,
      %gt3A_493 = arith.cmpf ogt, %gather3A_492, %select_n3A_485 : vector<16xf32>
      %select_n3A_494 = arith.select %gt3A_493, %gather3A_492, %select_n3A_485 : vector<16xi1>, vector<16xf32>
      %jit3A_495 = arith.constant 61 : i32
      %broadcast_in_dim3A_496 = vector.broadcast %jit3A_495 : i32 to vector<16xi32>
      %select_n3A_497 = arith.select %gt3A_493, %broadcast_in_dim3A_496, %select_n3A_488 : vector<16xi1>, vector<16xi32>
      %add3A_498 = arith.constant 65 : i32
      %add3A_499 = vector.broadcast %add3A_498 : i32 to vector<16xi32>
      %add3A_500 = arith.addi %mul3A_157, %add3A_499 : vector<16xi32>
      %gather3A_501 = tpu.vector_load_idx %arg7[%add3A_500] : memref<32760xf32, #tpu.memory_space<vmem>>[vector<16xi32>], vector<16xf32>,
      %gt3A_502 = arith.cmpf ogt, %gather3A_501, %select_n3A_494 : vector<16xf32>
      %select_n3A_503 = arith.select %gt3A_502, %gather3A_501, %select_n3A_494 : vector<16xi1>, vector<16xf32>
      %jit3A_504 = arith.constant 65 : i32
      %broadcast_in_dim3A_505 = vector.broadcast %jit3A_504 : i32 to vector<16xi32>
      %select_n3A_506 = arith.select %gt3A_502, %broadcast_in_dim3A_505, %select_n3A_497 : vector<16xi1>, vector<16xi32>
      %add3A_507 = arith.constant 69 : i32
      %add3A_508 = vector.broadcast %add3A_507 : i32 to vector<16xi32>
      %add3A_509 = arith.addi %mul3A_157, %add3A_508 : vector<16xi32>
      %gather3A_510 = tpu.vector_load_idx %arg7[%add3A_509] : memref<32760xf32, #tpu.memory_space<vmem>>[vector<16xi32>], vector<16xf32>,
      %gt3A_511 = arith.cmpf ogt, %gather3A_510, %select_n3A_503 : vector<16xf32>
      %select_n3A_512 = arith.select %gt3A_511, %gather3A_510, %select_n3A_503 : vector<16xi1>, vector<16xf32>
      %jit3A_513 = arith.constant 69 : i32
      %broadcast_in_dim3A_514 = vector.broadcast %jit3A_513 : i32 to vector<16xi32>
      %select_n3A_515 = arith.select %gt3A_511, %broadcast_in_dim3A_514, %select_n3A_506 : vector<16xi1>, vector<16xi32>
      %add3A_516 = arith.constant 73 : i32
      %add3A_517 = vector.broadcast %add3A_516 : i32 to vector<16xi32>
      %add3A_518 = arith.addi %mul3A_157, %add3A_517 : vector<16xi32>
      %gather3A_519 = tpu.vector_load_idx %arg7[%add3A_518] : memref<32760xf32, #tpu.memory_space<vmem>>[vector<16xi32>], vector<16xf32>,
      %gt3A_520 = arith.cmpf ogt, %gather3A_519, %select_n3A_512 : vector<16xf32>
      %select_n3A_521 = arith.select %gt3A_520, %gather3A_519, %select_n3A_512 : vector<16xi1>, vector<16xf32>
      %jit3A_522 = arith.constant 73 : i32
      %broadcast_in_dim3A_523 = vector.broadcast %jit3A_522 : i32 to vector<16xi32>
      %select_n3A_524 = arith.select %gt3A_520, %broadcast_in_dim3A_523, %select_n3A_515 : vector<16xi1>, vector<16xi32>
      %add3A_525 = arith.constant 77 : i32
      %add3A_526 = vector.broadcast %add3A_525 : i32 to vector<16xi32>
      %add3A_527 = arith.addi %mul3A_157, %add3A_526 : vector<16xi32>
      %gather3A_528 = tpu.vector_load_idx %arg7[%add3A_527] : memref<32760xf32, #tpu.memory_space<vmem>>[vector<16xi32>], vector<16xf32>,
      %gt3A_529 = arith.cmpf ogt, %gather3A_528, %select_n3A_521 : vector<16xf32>
      %select_n3A_530 = arith.select %gt3A_529, %gather3A_528, %select_n3A_521 : vector<16xi1>, vector<16xf32>
      %jit3A_531 = arith.constant 77 : i32
      %broadcast_in_dim3A_532 = vector.broadcast %jit3A_531 : i32 to vector<16xi32>
      %select_n3A_533 = arith.select %gt3A_529, %broadcast_in_dim3A_532, %select_n3A_524 : vector<16xi1>, vector<16xi32>
      %add3A_534 = arith.constant 81 : i32
      %add3A_535 = vector.broadcast %add3A_534 : i32 to vector<16xi32>
      %add3A_536 = arith.addi %mul3A_157, %add3A_535 : vector<16xi32>
      %gather3A_537 = tpu.vector_load_idx %arg7[%add3A_536] : memref<32760xf32, #tpu.memory_space<vmem>>[vector<16xi32>], vector<16xf32>,
      %gt3A_538 = arith.cmpf ogt, %gather3A_537, %select_n3A_530 : vector<16xf32>
      %select_n3A_539 = arith.select %gt3A_538, %gather3A_537, %select_n3A_530 : vector<16xi1>, vector<16xf32>
      %jit3A_540 = arith.constant 81 : i32
      %broadcast_in_dim3A_541 = vector.broadcast %jit3A_540 : i32 to vector<16xi32>
      %select_n3A_542 = arith.select %gt3A_538, %broadcast_in_dim3A_541, %select_n3A_533 : vector<16xi1>, vector<16xi32>
      %add3A_543 = arith.constant 85 : i32
      %add3A_544 = vector.broadcast %add3A_543 : i32 to vector<16xi32>
      %add3A_545 = arith.addi %mul3A_157, %add3A_544 : vector<16xi32>
      %gather3A_546 = tpu.vector_load_idx %arg7[%add3A_545] : memref<32760xf32, #tpu.memory_space<vmem>>[vector<16xi32>], vector<16xf32>,
      %gt3A_547 = arith.cmpf ogt, %gather3A_546, %select_n3A_539 : vector<16xf32>
      %select_n3A_548 = arith.select %gt3A_547, %gather3A_546, %select_n3A_539 : vector<16xi1>, vector<16xf32>
      %jit3A_549 = arith.constant 85 : i32
      %broadcast_in_dim3A_550 = vector.broadcast %jit3A_549 : i32 to vector<16xi32>
      %select_n3A_551 = arith.select %gt3A_547, %broadcast_in_dim3A_550, %select_n3A_542 : vector<16xi1>, vector<16xi32>
      %add3A_552 = arith.constant 89 : i32
      %add3A_553 = vector.broadcast %add3A_552 : i32 to vector<16xi32>
      %add3A_554 = arith.addi %mul3A_157, %add3A_553 : vector<16xi32>
      %gather3A_555 = tpu.vector_load_idx %arg7[%add3A_554] : memref<32760xf32, #tpu.memory_space<vmem>>[vector<16xi32>], vector<16xf32>,
      %gt3A_556 = arith.cmpf ogt, %gather3A_555, %select_n3A_548 : vector<16xf32>
      %select_n3A_557 = arith.select %gt3A_556, %gather3A_555, %select_n3A_548 : vector<16xi1>, vector<16xf32>
      %jit3A_558 = arith.constant 89 : i32
      %broadcast_in_dim3A_559 = vector.broadcast %jit3A_558 : i32 to vector<16xi32>
      %select_n3A_560 = arith.select %gt3A_556, %broadcast_in_dim3A_559, %select_n3A_551 : vector<16xi1>, vector<16xi32>
      %add3A_561 = arith.constant 2 : i32
      %add3A_562 = vector.broadcast %add3A_561 : i32 to vector<16xi32>
      %add3A_563 = arith.addi %mul3A_157, %add3A_562 : vector<16xi32>
      %gather3A_564 = tpu.vector_load_idx %arg7[%add3A_563] : memref<32760xf32, #tpu.memory_space<vmem>>[vector<16xi32>], vector<16xf32>,
      %broadcast_in_dim3A_565 = arith.constant 2 : i32
      %broadcast_in_dim3A_566 = vector.broadcast %broadcast_in_dim3A_565 : i32 to vector<16xi32>
      %add3A_567 = arith.constant 6 : i32
      %add3A_568 = vector.broadcast %add3A_567 : i32 to vector<16xi32>
      %add3A_569 = arith.addi %mul3A_157, %add3A_568 : vector<16xi32>
      %gather3A_570 = tpu.vector_load_idx %arg7[%add3A_569] : memref<32760xf32, #tpu.memory_space<vmem>>[vector<16xi32>], vector<16xf32>,
      %gt3A_571 = arith.cmpf ogt, %gather3A_570, %gather3A_564 : vector<16xf32>
      %select_n3A_572 = arith.select %gt3A_571, %gather3A_570, %gather3A_564 : vector<16xi1>, vector<16xf32>
      %jit3A_573 = arith.constant 6 : i32
      %broadcast_in_dim3A_574 = vector.broadcast %jit3A_573 : i32 to vector<16xi32>
      %select_n3A_575 = arith.select %gt3A_571, %broadcast_in_dim3A_574, %broadcast_in_dim3A_566 : vector<16xi1>, vector<16xi32>
      %add3A_576 = arith.constant 10 : i32
      %add3A_577 = vector.broadcast %add3A_576 : i32 to vector<16xi32>
      %add3A_578 = arith.addi %mul3A_157, %add3A_577 : vector<16xi32>
      %gather3A_579 = tpu.vector_load_idx %arg7[%add3A_578] : memref<32760xf32, #tpu.memory_space<vmem>>[vector<16xi32>], vector<16xf32>,
      %gt3A_580 = arith.cmpf ogt, %gather3A_579, %select_n3A_572 : vector<16xf32>
      %select_n3A_581 = arith.select %gt3A_580, %gather3A_579, %select_n3A_572 : vector<16xi1>, vector<16xf32>
      %jit3A_582 = arith.constant 10 : i32
      %broadcast_in_dim3A_583 = vector.broadcast %jit3A_582 : i32 to vector<16xi32>
      %select_n3A_584 = arith.select %gt3A_580, %broadcast_in_dim3A_583, %select_n3A_575 : vector<16xi1>, vector<16xi32>
      %add3A_585 = arith.constant 14 : i32
      %add3A_586 = vector.broadcast %add3A_585 : i32 to vector<16xi32>
      %add3A_587 = arith.addi %mul3A_157, %add3A_586 : vector<16xi32>
      %gather3A_588 = tpu.vector_load_idx %arg7[%add3A_587] : memref<32760xf32, #tpu.memory_space<vmem>>[vector<16xi32>], vector<16xf32>,
      %gt3A_589 = arith.cmpf ogt, %gather3A_588, %select_n3A_581 : vector<16xf32>
      %select_n3A_590 = arith.select %gt3A_589, %gather3A_588, %select_n3A_581 : vector<16xi1>, vector<16xf32>
      %jit3A_591 = arith.constant 14 : i32
      %broadcast_in_dim3A_592 = vector.broadcast %jit3A_591 : i32 to vector<16xi32>
      %select_n3A_593 = arith.select %gt3A_589, %broadcast_in_dim3A_592, %select_n3A_584 : vector<16xi1>, vector<16xi32>
      %add3A_594 = arith.constant 18 : i32
      %add3A_595 = vector.broadcast %add3A_594 : i32 to vector<16xi32>
      %add3A_596 = arith.addi %mul3A_157, %add3A_595 : vector<16xi32>
      %gather3A_597 = tpu.vector_load_idx %arg7[%add3A_596] : memref<32760xf32, #tpu.memory_space<vmem>>[vector<16xi32>], vector<16xf32>,
      %gt3A_598 = arith.cmpf ogt, %gather3A_597, %select_n3A_590 : vector<16xf32>
      %select_n3A_599 = arith.select %gt3A_598, %gather3A_597, %select_n3A_590 : vector<16xi1>, vector<16xf32>
      %jit3A_600 = arith.constant 18 : i32
      %broadcast_in_dim3A_601 = vector.broadcast %jit3A_600 : i32 to vector<16xi32>
      %select_n3A_602 = arith.select %gt3A_598, %broadcast_in_dim3A_601, %select_n3A_593 : vector<16xi1>, vector<16xi32>
      %add3A_603 = arith.constant 22 : i32
      %add3A_604 = vector.broadcast %add3A_603 : i32 to vector<16xi32>
      %add3A_605 = arith.addi %mul3A_157, %add3A_604 : vector<16xi32>
      %gather3A_606 = tpu.vector_load_idx %arg7[%add3A_605] : memref<32760xf32, #tpu.memory_space<vmem>>[vector<16xi32>], vector<16xf32>,
      %gt3A_607 = arith.cmpf ogt, %gather3A_606, %select_n3A_599 : vector<16xf32>
      %select_n3A_608 = arith.select %gt3A_607, %gather3A_606, %select_n3A_599 : vector<16xi1>, vector<16xf32>
      %jit3A_609 = arith.constant 22 : i32
      %broadcast_in_dim3A_610 = vector.broadcast %jit3A_609 : i32 to vector<16xi32>
      %select_n3A_611 = arith.select %gt3A_607, %broadcast_in_dim3A_610, %select_n3A_602 : vector<16xi1>, vector<16xi32>
      %add3A_612 = arith.constant 26 : i32
      %add3A_613 = vector.broadcast %add3A_612 : i32 to vector<16xi32>
      %add3A_614 = arith.addi %mul3A_157, %add3A_613 : vector<16xi32>
      %gather3A_615 = tpu.vector_load_idx %arg7[%add3A_614] : memref<32760xf32, #tpu.memory_space<vmem>>[vector<16xi32>], vector<16xf32>,
      %gt3A_616 = arith.cmpf ogt, %gather3A_615, %select_n3A_608 : vector<16xf32>
      %select_n3A_617 = arith.select %gt3A_616, %gather3A_615, %select_n3A_608 : vector<16xi1>, vector<16xf32>
      %jit3A_618 = arith.constant 26 : i32
      %broadcast_in_dim3A_619 = vector.broadcast %jit3A_618 : i32 to vector<16xi32>
      %select_n3A_620 = arith.select %gt3A_616, %broadcast_in_dim3A_619, %select_n3A_611 : vector<16xi1>, vector<16xi32>
      %add3A_621 = arith.constant 30 : i32
      %add3A_622 = vector.broadcast %add3A_621 : i32 to vector<16xi32>
      %add3A_623 = arith.addi %mul3A_157, %add3A_622 : vector<16xi32>
      %gather3A_624 = tpu.vector_load_idx %arg7[%add3A_623] : memref<32760xf32, #tpu.memory_space<vmem>>[vector<16xi32>], vector<16xf32>,
      %gt3A_625 = arith.cmpf ogt, %gather3A_624, %select_n3A_617 : vector<16xf32>
      %select_n3A_626 = arith.select %gt3A_625, %gather3A_624, %select_n3A_617 : vector<16xi1>, vector<16xf32>
      %jit3A_627 = arith.constant 30 : i32
      %broadcast_in_dim3A_628 = vector.broadcast %jit3A_627 : i32 to vector<16xi32>
      %select_n3A_629 = arith.select %gt3A_625, %broadcast_in_dim3A_628, %select_n3A_620 : vector<16xi1>, vector<16xi32>
      %add3A_630 = arith.constant 34 : i32
      %add3A_631 = vector.broadcast %add3A_630 : i32 to vector<16xi32>
      %add3A_632 = arith.addi %mul3A_157, %add3A_631 : vector<16xi32>
      %gather3A_633 = tpu.vector_load_idx %arg7[%add3A_632] : memref<32760xf32, #tpu.memory_space<vmem>>[vector<16xi32>], vector<16xf32>,
      %gt3A_634 = arith.cmpf ogt, %gather3A_633, %select_n3A_626 : vector<16xf32>
      %select_n3A_635 = arith.select %gt3A_634, %gather3A_633, %select_n3A_626 : vector<16xi1>, vector<16xf32>
      %jit3A_636 = arith.constant 34 : i32
      %broadcast_in_dim3A_637 = vector.broadcast %jit3A_636 : i32 to vector<16xi32>
      %select_n3A_638 = arith.select %gt3A_634, %broadcast_in_dim3A_637, %select_n3A_629 : vector<16xi1>, vector<16xi32>
      %add3A_639 = arith.constant 38 : i32
      %add3A_640 = vector.broadcast %add3A_639 : i32 to vector<16xi32>
      %add3A_641 = arith.addi %mul3A_157, %add3A_640 : vector<16xi32>
      %gather3A_642 = tpu.vector_load_idx %arg7[%add3A_641] : memref<32760xf32, #tpu.memory_space<vmem>>[vector<16xi32>], vector<16xf32>,
      %gt3A_643 = arith.cmpf ogt, %gather3A_642, %select_n3A_635 : vector<16xf32>
      %select_n3A_644 = arith.select %gt3A_643, %gather3A_642, %select_n3A_635 : vector<16xi1>, vector<16xf32>
      %jit3A_645 = arith.constant 38 : i32
      %broadcast_in_dim3A_646 = vector.broadcast %jit3A_645 : i32 to vector<16xi32>
      %select_n3A_647 = arith.select %gt3A_643, %broadcast_in_dim3A_646, %select_n3A_638 : vector<16xi1>, vector<16xi32>
      %add3A_648 = arith.constant 42 : i32
      %add3A_649 = vector.broadcast %add3A_648 : i32 to vector<16xi32>
      %add3A_650 = arith.addi %mul3A_157, %add3A_649 : vector<16xi32>
      %gather3A_651 = tpu.vector_load_idx %arg7[%add3A_650] : memref<32760xf32, #tpu.memory_space<vmem>>[vector<16xi32>], vector<16xf32>,
      %gt3A_652 = arith.cmpf ogt, %gather3A_651, %select_n3A_644 : vector<16xf32>
      %select_n3A_653 = arith.select %gt3A_652, %gather3A_651, %select_n3A_644 : vector<16xi1>, vector<16xf32>
      %jit3A_654 = arith.constant 42 : i32
      %broadcast_in_dim3A_655 = vector.broadcast %jit3A_654 : i32 to vector<16xi32>
      %select_n3A_656 = arith.select %gt3A_652, %broadcast_in_dim3A_655, %select_n3A_647 : vector<16xi1>, vector<16xi32>
      %add3A_657 = arith.constant 46 : i32
      %add3A_658 = vector.broadcast %add3A_657 : i32 to vector<16xi32>
      %add3A_659 = arith.addi %mul3A_157, %add3A_658 : vector<16xi32>
      %gather3A_660 = tpu.vector_load_idx %arg7[%add3A_659] : memref<32760xf32, #tpu.memory_space<vmem>>[vector<16xi32>], vector<16xf32>,
      %gt3A_661 = arith.cmpf ogt, %gather3A_660, %select_n3A_653 : vector<16xf32>
      %select_n3A_662 = arith.select %gt3A_661, %gather3A_660, %select_n3A_653 : vector<16xi1>, vector<16xf32>
      %jit3A_663 = arith.constant 46 : i32
      %broadcast_in_dim3A_664 = vector.broadcast %jit3A_663 : i32 to vector<16xi32>
      %select_n3A_665 = arith.select %gt3A_661, %broadcast_in_dim3A_664, %select_n3A_656 : vector<16xi1>, vector<16xi32>
      %add3A_666 = arith.constant 50 : i32
      %add3A_667 = vector.broadcast %add3A_666 : i32 to vector<16xi32>
      %add3A_668 = arith.addi %mul3A_157, %add3A_667 : vector<16xi32>
      %gather3A_669 = tpu.vector_load_idx %arg7[%add3A_668] : memref<32760xf32, #tpu.memory_space<vmem>>[vector<16xi32>], vector<16xf32>,
      %gt3A_670 = arith.cmpf ogt, %gather3A_669, %select_n3A_662 : vector<16xf32>
      %select_n3A_671 = arith.select %gt3A_670, %gather3A_669, %select_n3A_662 : vector<16xi1>, vector<16xf32>
      %jit3A_672 = arith.constant 50 : i32
      %broadcast_in_dim3A_673 = vector.broadcast %jit3A_672 : i32 to vector<16xi32>
      %select_n3A_674 = arith.select %gt3A_670, %broadcast_in_dim3A_673, %select_n3A_665 : vector<16xi1>, vector<16xi32>
      %add3A_675 = arith.constant 54 : i32
      %add3A_676 = vector.broadcast %add3A_675 : i32 to vector<16xi32>
      %add3A_677 = arith.addi %mul3A_157, %add3A_676 : vector<16xi32>
      %gather3A_678 = tpu.vector_load_idx %arg7[%add3A_677] : memref<32760xf32, #tpu.memory_space<vmem>>[vector<16xi32>], vector<16xf32>,
      %gt3A_679 = arith.cmpf ogt, %gather3A_678, %select_n3A_671 : vector<16xf32>
      %select_n3A_680 = arith.select %gt3A_679, %gather3A_678, %select_n3A_671 : vector<16xi1>, vector<16xf32>
      %jit3A_681 = arith.constant 54 : i32
      %broadcast_in_dim3A_682 = vector.broadcast %jit3A_681 : i32 to vector<16xi32>
      %select_n3A_683 = arith.select %gt3A_679, %broadcast_in_dim3A_682, %select_n3A_674 : vector<16xi1>, vector<16xi32>
      %add3A_684 = arith.constant 58 : i32
      %add3A_685 = vector.broadcast %add3A_684 : i32 to vector<16xi32>
      %add3A_686 = arith.addi %mul3A_157, %add3A_685 : vector<16xi32>
      %gather3A_687 = tpu.vector_load_idx %arg7[%add3A_686] : memref<32760xf32, #tpu.memory_space<vmem>>[vector<16xi32>], vector<16xf32>,
      %gt3A_688 = arith.cmpf ogt, %gather3A_687, %select_n3A_680 : vector<16xf32>
      %select_n3A_689 = arith.select %gt3A_688, %gather3A_687, %select_n3A_680 : vector<16xi1>, vector<16xf32>
      %jit3A_690 = arith.constant 58 : i32
      %broadcast_in_dim3A_691 = vector.broadcast %jit3A_690 : i32 to vector<16xi32>
      %select_n3A_692 = arith.select %gt3A_688, %broadcast_in_dim3A_691, %select_n3A_683 : vector<16xi1>, vector<16xi32>
      %add3A_693 = arith.constant 62 : i32
      %add3A_694 = vector.broadcast %add3A_693 : i32 to vector<16xi32>
      %add3A_695 = arith.addi %mul3A_157, %add3A_694 : vector<16xi32>
      %gather3A_696 = tpu.vector_load_idx %arg7[%add3A_695] : memref<32760xf32, #tpu.memory_space<vmem>>[vector<16xi32>], vector<16xf32>,
      %gt3A_697 = arith.cmpf ogt, %gather3A_696, %select_n3A_689 : vector<16xf32>
      %select_n3A_698 = arith.select %gt3A_697, %gather3A_696, %select_n3A_689 : vector<16xi1>, vector<16xf32>
      %jit3A_699 = arith.constant 62 : i32
      %broadcast_in_dim3A_700 = vector.broadcast %jit3A_699 : i32 to vector<16xi32>
      %select_n3A_701 = arith.select %gt3A_697, %broadcast_in_dim3A_700, %select_n3A_692 : vector<16xi1>, vector<16xi32>
      %add3A_702 = arith.constant 66 : i32
      %add3A_703 = vector.broadcast %add3A_702 : i32 to vector<16xi32>
      %add3A_704 = arith.addi %mul3A_157, %add3A_703 : vector<16xi32>
      %gather3A_705 = tpu.vector_load_idx %arg7[%add3A_704] : memref<32760xf32, #tpu.memory_space<vmem>>[vector<16xi32>], vector<16xf32>,
      %gt3A_706 = arith.cmpf ogt, %gather3A_705, %select_n3A_698 : vector<16xf32>
      %select_n3A_707 = arith.select %gt3A_706, %gather3A_705, %select_n3A_698 : vector<16xi1>, vector<16xf32>
      %jit3A_708 = arith.constant 66 : i32
      %broadcast_in_dim3A_709 = vector.broadcast %jit3A_708 : i32 to vector<16xi32>
      %select_n3A_710 = arith.select %gt3A_706, %broadcast_in_dim3A_709, %select_n3A_701 : vector<16xi1>, vector<16xi32>
      %add3A_711 = arith.constant 70 : i32
      %add3A_712 = vector.broadcast %add3A_711 : i32 to vector<16xi32>
      %add3A_713 = arith.addi %mul3A_157, %add3A_712 : vector<16xi32>
      %gather3A_714 = tpu.vector_load_idx %arg7[%add3A_713] : memref<32760xf32, #tpu.memory_space<vmem>>[vector<16xi32>], vector<16xf32>,
      %gt3A_715 = arith.cmpf ogt, %gather3A_714, %select_n3A_707 : vector<16xf32>
      %select_n3A_716 = arith.select %gt3A_715, %gather3A_714, %select_n3A_707 : vector<16xi1>, vector<16xf32>
      %jit3A_717 = arith.constant 70 : i32
      %broadcast_in_dim3A_718 = vector.broadcast %jit3A_717 : i32 to vector<16xi32>
      %select_n3A_719 = arith.select %gt3A_715, %broadcast_in_dim3A_718, %select_n3A_710 : vector<16xi1>, vector<16xi32>
      %add3A_720 = arith.constant 74 : i32
      %add3A_721 = vector.broadcast %add3A_720 : i32 to vector<16xi32>
      %add3A_722 = arith.addi %mul3A_157, %add3A_721 : vector<16xi32>
      %gather3A_723 = tpu.vector_load_idx %arg7[%add3A_722] : memref<32760xf32, #tpu.memory_space<vmem>>[vector<16xi32>], vector<16xf32>,
      %gt3A_724 = arith.cmpf ogt, %gather3A_723, %select_n3A_716 : vector<16xf32>
      %select_n3A_725 = arith.select %gt3A_724, %gather3A_723, %select_n3A_716 : vector<16xi1>, vector<16xf32>
      %jit3A_726 = arith.constant 74 : i32
      %broadcast_in_dim3A_727 = vector.broadcast %jit3A_726 : i32 to vector<16xi32>
      %select_n3A_728 = arith.select %gt3A_724, %broadcast_in_dim3A_727, %select_n3A_719 : vector<16xi1>, vector<16xi32>
      %add3A_729 = arith.constant 78 : i32
      %add3A_730 = vector.broadcast %add3A_729 : i32 to vector<16xi32>
      %add3A_731 = arith.addi %mul3A_157, %add3A_730 : vector<16xi32>
      %gather3A_732 = tpu.vector_load_idx %arg7[%add3A_731] : memref<32760xf32, #tpu.memory_space<vmem>>[vector<16xi32>], vector<16xf32>,
      %gt3A_733 = arith.cmpf ogt, %gather3A_732, %select_n3A_725 : vector<16xf32>
      %select_n3A_734 = arith.select %gt3A_733, %gather3A_732, %select_n3A_725 : vector<16xi1>, vector<16xf32>
      %jit3A_735 = arith.constant 78 : i32
      %broadcast_in_dim3A_736 = vector.broadcast %jit3A_735 : i32 to vector<16xi32>
      %select_n3A_737 = arith.select %gt3A_733, %broadcast_in_dim3A_736, %select_n3A_728 : vector<16xi1>, vector<16xi32>
      %add3A_738 = arith.constant 82 : i32
      %add3A_739 = vector.broadcast %add3A_738 : i32 to vector<16xi32>
      %add3A_740 = arith.addi %mul3A_157, %add3A_739 : vector<16xi32>
      %gather3A_741 = tpu.vector_load_idx %arg7[%add3A_740] : memref<32760xf32, #tpu.memory_space<vmem>>[vector<16xi32>], vector<16xf32>,
      %gt3A_742 = arith.cmpf ogt, %gather3A_741, %select_n3A_734 : vector<16xf32>
      %select_n3A_743 = arith.select %gt3A_742, %gather3A_741, %select_n3A_734 : vector<16xi1>, vector<16xf32>
      %jit3A_744 = arith.constant 82 : i32
      %broadcast_in_dim3A_745 = vector.broadcast %jit3A_744 : i32 to vector<16xi32>
      %select_n3A_746 = arith.select %gt3A_742, %broadcast_in_dim3A_745, %select_n3A_737 : vector<16xi1>, vector<16xi32>
      %add3A_747 = arith.constant 86 : i32
      %add3A_748 = vector.broadcast %add3A_747 : i32 to vector<16xi32>
      %add3A_749 = arith.addi %mul3A_157, %add3A_748 : vector<16xi32>
      %gather3A_750 = tpu.vector_load_idx %arg7[%add3A_749] : memref<32760xf32, #tpu.memory_space<vmem>>[vector<16xi32>], vector<16xf32>,
      %gt3A_751 = arith.cmpf ogt, %gather3A_750, %select_n3A_743 : vector<16xf32>
      %select_n3A_752 = arith.select %gt3A_751, %gather3A_750, %select_n3A_743 : vector<16xi1>, vector<16xf32>
      %jit3A_753 = arith.constant 86 : i32
      %broadcast_in_dim3A_754 = vector.broadcast %jit3A_753 : i32 to vector<16xi32>
      %select_n3A_755 = arith.select %gt3A_751, %broadcast_in_dim3A_754, %select_n3A_746 : vector<16xi1>, vector<16xi32>
      %add3A_756 = arith.constant 90 : i32
      %add3A_757 = vector.broadcast %add3A_756 : i32 to vector<16xi32>
      %add3A_758 = arith.addi %mul3A_157, %add3A_757 : vector<16xi32>
      %gather3A_759 = tpu.vector_load_idx %arg7[%add3A_758] : memref<32760xf32, #tpu.memory_space<vmem>>[vector<16xi32>], vector<16xf32>,
      %gt3A_760 = arith.cmpf ogt, %gather3A_759, %select_n3A_752 : vector<16xf32>
      %select_n3A_761 = arith.select %gt3A_760, %gather3A_759, %select_n3A_752 : vector<16xi1>, vector<16xf32>
      %jit3A_762 = arith.constant 90 : i32
      %broadcast_in_dim3A_763 = vector.broadcast %jit3A_762 : i32 to vector<16xi32>
      %select_n3A_764 = arith.select %gt3A_760, %broadcast_in_dim3A_763, %select_n3A_755 : vector<16xi1>, vector<16xi32>
      %add3A_765 = arith.constant 3 : i32
      %add3A_766 = vector.broadcast %add3A_765 : i32 to vector<16xi32>
      %add3A_767 = arith.addi %mul3A_157, %add3A_766 : vector<16xi32>
      %gather3A_768 = tpu.vector_load_idx %arg7[%add3A_767] : memref<32760xf32, #tpu.memory_space<vmem>>[vector<16xi32>], vector<16xf32>,
      %broadcast_in_dim3A_769 = arith.constant 3 : i32
      %broadcast_in_dim3A_770 = vector.broadcast %broadcast_in_dim3A_769 : i32 to vector<16xi32>
      %add3A_771 = arith.constant 7 : i32
      %add3A_772 = vector.broadcast %add3A_771 : i32 to vector<16xi32>
      %add3A_773 = arith.addi %mul3A_157, %add3A_772 : vector<16xi32>
      %gather3A_774 = tpu.vector_load_idx %arg7[%add3A_773] : memref<32760xf32, #tpu.memory_space<vmem>>[vector<16xi32>], vector<16xf32>,
      %gt3A_775 = arith.cmpf ogt, %gather3A_774, %gather3A_768 : vector<16xf32>
      %select_n3A_776 = arith.select %gt3A_775, %gather3A_774, %gather3A_768 : vector<16xi1>, vector<16xf32>
      %jit3A_777 = arith.constant 7 : i32
      %broadcast_in_dim3A_778 = vector.broadcast %jit3A_777 : i32 to vector<16xi32>
      %select_n3A_779 = arith.select %gt3A_775, %broadcast_in_dim3A_778, %broadcast_in_dim3A_770 : vector<16xi1>, vector<16xi32>
      %add3A_780 = arith.constant 11 : i32
      %add3A_781 = vector.broadcast %add3A_780 : i32 to vector<16xi32>
      %add3A_782 = arith.addi %mul3A_157, %add3A_781 : vector<16xi32>
      %gather3A_783 = tpu.vector_load_idx %arg7[%add3A_782] : memref<32760xf32, #tpu.memory_space<vmem>>[vector<16xi32>], vector<16xf32>,
      %gt3A_784 = arith.cmpf ogt, %gather3A_783, %select_n3A_776 : vector<16xf32>
      %select_n3A_785 = arith.select %gt3A_784, %gather3A_783, %select_n3A_776 : vector<16xi1>, vector<16xf32>
      %jit3A_786 = arith.constant 11 : i32
      %broadcast_in_dim3A_787 = vector.broadcast %jit3A_786 : i32 to vector<16xi32>
      %select_n3A_788 = arith.select %gt3A_784, %broadcast_in_dim3A_787, %select_n3A_779 : vector<16xi1>, vector<16xi32>
      %add3A_789 = arith.constant 15 : i32
      %add3A_790 = vector.broadcast %add3A_789 : i32 to vector<16xi32>
      %add3A_791 = arith.addi %mul3A_157, %add3A_790 : vector<16xi32>
      %gather3A_792 = tpu.vector_load_idx %arg7[%add3A_791] : memref<32760xf32, #tpu.memory_space<vmem>>[vector<16xi32>], vector<16xf32>,
      %gt3A_793 = arith.cmpf ogt, %gather3A_792, %select_n3A_785 : vector<16xf32>
      %select_n3A_794 = arith.select %gt3A_793, %gather3A_792, %select_n3A_785 : vector<16xi1>, vector<16xf32>
      %jit3A_795 = arith.constant 15 : i32
      %broadcast_in_dim3A_796 = vector.broadcast %jit3A_795 : i32 to vector<16xi32>
      %select_n3A_797 = arith.select %gt3A_793, %broadcast_in_dim3A_796, %select_n3A_788 : vector<16xi1>, vector<16xi32>
      %add3A_798 = arith.constant 19 : i32
      %add3A_799 = vector.broadcast %add3A_798 : i32 to vector<16xi32>
      %add3A_800 = arith.addi %mul3A_157, %add3A_799 : vector<16xi32>
      %gather3A_801 = tpu.vector_load_idx %arg7[%add3A_800] : memref<32760xf32, #tpu.memory_space<vmem>>[vector<16xi32>], vector<16xf32>,
      %gt3A_802 = arith.cmpf ogt, %gather3A_801, %select_n3A_794 : vector<16xf32>
      %select_n3A_803 = arith.select %gt3A_802, %gather3A_801, %select_n3A_794 : vector<16xi1>, vector<16xf32>
      %jit3A_804 = arith.constant 19 : i32
      %broadcast_in_dim3A_805 = vector.broadcast %jit3A_804 : i32 to vector<16xi32>
      %select_n3A_806 = arith.select %gt3A_802, %broadcast_in_dim3A_805, %select_n3A_797 : vector<16xi1>, vector<16xi32>
      %add3A_807 = arith.constant 23 : i32
      %add3A_808 = vector.broadcast %add3A_807 : i32 to vector<16xi32>
      %add3A_809 = arith.addi %mul3A_157, %add3A_808 : vector<16xi32>
      %gather3A_810 = tpu.vector_load_idx %arg7[%add3A_809] : memref<32760xf32, #tpu.memory_space<vmem>>[vector<16xi32>], vector<16xf32>,
      %gt3A_811 = arith.cmpf ogt, %gather3A_810, %select_n3A_803 : vector<16xf32>
      %select_n3A_812 = arith.select %gt3A_811, %gather3A_810, %select_n3A_803 : vector<16xi1>, vector<16xf32>
      %jit3A_813 = arith.constant 23 : i32
      %broadcast_in_dim3A_814 = vector.broadcast %jit3A_813 : i32 to vector<16xi32>
      %select_n3A_815 = arith.select %gt3A_811, %broadcast_in_dim3A_814, %select_n3A_806 : vector<16xi1>, vector<16xi32>
      %add3A_816 = arith.constant 27 : i32
      %add3A_817 = vector.broadcast %add3A_816 : i32 to vector<16xi32>
      %add3A_818 = arith.addi %mul3A_157, %add3A_817 : vector<16xi32>
      %gather3A_819 = tpu.vector_load_idx %arg7[%add3A_818] : memref<32760xf32, #tpu.memory_space<vmem>>[vector<16xi32>], vector<16xf32>,
      %gt3A_820 = arith.cmpf ogt, %gather3A_819, %select_n3A_812 : vector<16xf32>
      %select_n3A_821 = arith.select %gt3A_820, %gather3A_819, %select_n3A_812 : vector<16xi1>, vector<16xf32>
      %jit3A_822 = arith.constant 27 : i32
      %broadcast_in_dim3A_823 = vector.broadcast %jit3A_822 : i32 to vector<16xi32>
      %select_n3A_824 = arith.select %gt3A_820, %broadcast_in_dim3A_823, %select_n3A_815 : vector<16xi1>, vector<16xi32>
      %add3A_825 = arith.constant 31 : i32
      %add3A_826 = vector.broadcast %add3A_825 : i32 to vector<16xi32>
      %add3A_827 = arith.addi %mul3A_157, %add3A_826 : vector<16xi32>
      %gather3A_828 = tpu.vector_load_idx %arg7[%add3A_827] : memref<32760xf32, #tpu.memory_space<vmem>>[vector<16xi32>], vector<16xf32>,
      %gt3A_829 = arith.cmpf ogt, %gather3A_828, %select_n3A_821 : vector<16xf32>
      %select_n3A_830 = arith.select %gt3A_829, %gather3A_828, %select_n3A_821 : vector<16xi1>, vector<16xf32>
      %jit3A_831 = arith.constant 31 : i32
      %broadcast_in_dim3A_832 = vector.broadcast %jit3A_831 : i32 to vector<16xi32>
      %select_n3A_833 = arith.select %gt3A_829, %broadcast_in_dim3A_832, %select_n3A_824 : vector<16xi1>, vector<16xi32>
      %add3A_834 = arith.constant 35 : i32
      %add3A_835 = vector.broadcast %add3A_834 : i32 to vector<16xi32>
      %add3A_836 = arith.addi %mul3A_157, %add3A_835 : vector<16xi32>
      %gather3A_837 = tpu.vector_load_idx %arg7[%add3A_836] : memref<32760xf32, #tpu.memory_space<vmem>>[vector<16xi32>], vector<16xf32>,
      %gt3A_838 = arith.cmpf ogt, %gather3A_837, %select_n3A_830 : vector<16xf32>
      %select_n3A_839 = arith.select %gt3A_838, %gather3A_837, %select_n3A_830 : vector<16xi1>, vector<16xf32>
      %jit3A_840 = arith.constant 35 : i32
      %broadcast_in_dim3A_841 = vector.broadcast %jit3A_840 : i32 to vector<16xi32>
      %select_n3A_842 = arith.select %gt3A_838, %broadcast_in_dim3A_841, %select_n3A_833 : vector<16xi1>, vector<16xi32>
      %add3A_843 = arith.constant 39 : i32
      %add3A_844 = vector.broadcast %add3A_843 : i32 to vector<16xi32>
      %add3A_845 = arith.addi %mul3A_157, %add3A_844 : vector<16xi32>
      %gather3A_846 = tpu.vector_load_idx %arg7[%add3A_845] : memref<32760xf32, #tpu.memory_space<vmem>>[vector<16xi32>], vector<16xf32>,
      %gt3A_847 = arith.cmpf ogt, %gather3A_846, %select_n3A_839 : vector<16xf32>
      %select_n3A_848 = arith.select %gt3A_847, %gather3A_846, %select_n3A_839 : vector<16xi1>, vector<16xf32>
      %jit3A_849 = arith.constant 39 : i32
      %broadcast_in_dim3A_850 = vector.broadcast %jit3A_849 : i32 to vector<16xi32>
      %select_n3A_851 = arith.select %gt3A_847, %broadcast_in_dim3A_850, %select_n3A_842 : vector<16xi1>, vector<16xi32>
      %add3A_852 = arith.constant 43 : i32
      %add3A_853 = vector.broadcast %add3A_852 : i32 to vector<16xi32>
      %add3A_854 = arith.addi %mul3A_157, %add3A_853 : vector<16xi32>
      %gather3A_855 = tpu.vector_load_idx %arg7[%add3A_854] : memref<32760xf32, #tpu.memory_space<vmem>>[vector<16xi32>], vector<16xf32>,
      %gt3A_856 = arith.cmpf ogt, %gather3A_855, %select_n3A_848 : vector<16xf32>
      %select_n3A_857 = arith.select %gt3A_856, %gather3A_855, %select_n3A_848 : vector<16xi1>, vector<16xf32>
      %jit3A_858 = arith.constant 43 : i32
      %broadcast_in_dim3A_859 = vector.broadcast %jit3A_858 : i32 to vector<16xi32>
      %select_n3A_860 = arith.select %gt3A_856, %broadcast_in_dim3A_859, %select_n3A_851 : vector<16xi1>, vector<16xi32>
      %add3A_861 = arith.constant 47 : i32
      %add3A_862 = vector.broadcast %add3A_861 : i32 to vector<16xi32>
      %add3A_863 = arith.addi %mul3A_157, %add3A_862 : vector<16xi32>
      %gather3A_864 = tpu.vector_load_idx %arg7[%add3A_863] : memref<32760xf32, #tpu.memory_space<vmem>>[vector<16xi32>], vector<16xf32>,
      %gt3A_865 = arith.cmpf ogt, %gather3A_864, %select_n3A_857 : vector<16xf32>
      %select_n3A_866 = arith.select %gt3A_865, %gather3A_864, %select_n3A_857 : vector<16xi1>, vector<16xf32>
      %jit3A_867 = arith.constant 47 : i32
      %broadcast_in_dim3A_868 = vector.broadcast %jit3A_867 : i32 to vector<16xi32>
      %select_n3A_869 = arith.select %gt3A_865, %broadcast_in_dim3A_868, %select_n3A_860 : vector<16xi1>, vector<16xi32>
      %add3A_870 = arith.constant 51 : i32
      %add3A_871 = vector.broadcast %add3A_870 : i32 to vector<16xi32>
      %add3A_872 = arith.addi %mul3A_157, %add3A_871 : vector<16xi32>
      %gather3A_873 = tpu.vector_load_idx %arg7[%add3A_872] : memref<32760xf32, #tpu.memory_space<vmem>>[vector<16xi32>], vector<16xf32>,
      %gt3A_874 = arith.cmpf ogt, %gather3A_873, %select_n3A_866 : vector<16xf32>
      %select_n3A_875 = arith.select %gt3A_874, %gather3A_873, %select_n3A_866 : vector<16xi1>, vector<16xf32>
      %jit3A_876 = arith.constant 51 : i32
      %broadcast_in_dim3A_877 = vector.broadcast %jit3A_876 : i32 to vector<16xi32>
      %select_n3A_878 = arith.select %gt3A_874, %broadcast_in_dim3A_877, %select_n3A_869 : vector<16xi1>, vector<16xi32>
      %add3A_879 = arith.constant 55 : i32
      %add3A_880 = vector.broadcast %add3A_879 : i32 to vector<16xi32>
      %add3A_881 = arith.addi %mul3A_157, %add3A_880 : vector<16xi32>
      %gather3A_882 = tpu.vector_load_idx %arg7[%add3A_881] : memref<32760xf32, #tpu.memory_space<vmem>>[vector<16xi32>], vector<16xf32>,
      %gt3A_883 = arith.cmpf ogt, %gather3A_882, %select_n3A_875 : vector<16xf32>
      %select_n3A_884 = arith.select %gt3A_883, %gather3A_882, %select_n3A_875 : vector<16xi1>, vector<16xf32>
      %jit3A_885 = arith.constant 55 : i32
      %broadcast_in_dim3A_886 = vector.broadcast %jit3A_885 : i32 to vector<16xi32>
      %select_n3A_887 = arith.select %gt3A_883, %broadcast_in_dim3A_886, %select_n3A_878 : vector<16xi1>, vector<16xi32>
      %add3A_888 = arith.constant 59 : i32
      %add3A_889 = vector.broadcast %add3A_888 : i32 to vector<16xi32>
      %add3A_890 = arith.addi %mul3A_157, %add3A_889 : vector<16xi32>
      %gather3A_891 = tpu.vector_load_idx %arg7[%add3A_890] : memref<32760xf32, #tpu.memory_space<vmem>>[vector<16xi32>], vector<16xf32>,
      %gt3A_892 = arith.cmpf ogt, %gather3A_891, %select_n3A_884 : vector<16xf32>
      %select_n3A_893 = arith.select %gt3A_892, %gather3A_891, %select_n3A_884 : vector<16xi1>, vector<16xf32>
      %jit3A_894 = arith.constant 59 : i32
      %broadcast_in_dim3A_895 = vector.broadcast %jit3A_894 : i32 to vector<16xi32>
      %select_n3A_896 = arith.select %gt3A_892, %broadcast_in_dim3A_895, %select_n3A_887 : vector<16xi1>, vector<16xi32>
      %add3A_897 = arith.constant 63 : i32
      %add3A_898 = vector.broadcast %add3A_897 : i32 to vector<16xi32>
      %add3A_899 = arith.addi %mul3A_157, %add3A_898 : vector<16xi32>
      %gather3A_900 = tpu.vector_load_idx %arg7[%add3A_899] : memref<32760xf32, #tpu.memory_space<vmem>>[vector<16xi32>], vector<16xf32>,
      %gt3A_901 = arith.cmpf ogt, %gather3A_900, %select_n3A_893 : vector<16xf32>
      %select_n3A_902 = arith.select %gt3A_901, %gather3A_900, %select_n3A_893 : vector<16xi1>, vector<16xf32>
      %jit3A_903 = arith.constant 63 : i32
      %broadcast_in_dim3A_904 = vector.broadcast %jit3A_903 : i32 to vector<16xi32>
      %select_n3A_905 = arith.select %gt3A_901, %broadcast_in_dim3A_904, %select_n3A_896 : vector<16xi1>, vector<16xi32>
      %add3A_906 = arith.constant 67 : i32
      %add3A_907 = vector.broadcast %add3A_906 : i32 to vector<16xi32>
      %add3A_908 = arith.addi %mul3A_157, %add3A_907 : vector<16xi32>
      %gather3A_909 = tpu.vector_load_idx %arg7[%add3A_908] : memref<32760xf32, #tpu.memory_space<vmem>>[vector<16xi32>], vector<16xf32>,
      %gt3A_910 = arith.cmpf ogt, %gather3A_909, %select_n3A_902 : vector<16xf32>
      %select_n3A_911 = arith.select %gt3A_910, %gather3A_909, %select_n3A_902 : vector<16xi1>, vector<16xf32>
      %jit3A_912 = arith.constant 67 : i32
      %broadcast_in_dim3A_913 = vector.broadcast %jit3A_912 : i32 to vector<16xi32>
      %select_n3A_914 = arith.select %gt3A_910, %broadcast_in_dim3A_913, %select_n3A_905 : vector<16xi1>, vector<16xi32>
      %add3A_915 = arith.constant 71 : i32
      %add3A_916 = vector.broadcast %add3A_915 : i32 to vector<16xi32>
      %add3A_917 = arith.addi %mul3A_157, %add3A_916 : vector<16xi32>
      %gather3A_918 = tpu.vector_load_idx %arg7[%add3A_917] : memref<32760xf32, #tpu.memory_space<vmem>>[vector<16xi32>], vector<16xf32>,
      %gt3A_919 = arith.cmpf ogt, %gather3A_918, %select_n3A_911 : vector<16xf32>
      %select_n3A_920 = arith.select %gt3A_919, %gather3A_918, %select_n3A_911 : vector<16xi1>, vector<16xf32>
      %jit3A_921 = arith.constant 71 : i32
      %broadcast_in_dim3A_922 = vector.broadcast %jit3A_921 : i32 to vector<16xi32>
      %select_n3A_923 = arith.select %gt3A_919, %broadcast_in_dim3A_922, %select_n3A_914 : vector<16xi1>, vector<16xi32>
      %add3A_924 = arith.constant 75 : i32
      %add3A_925 = vector.broadcast %add3A_924 : i32 to vector<16xi32>
      %add3A_926 = arith.addi %mul3A_157, %add3A_925 : vector<16xi32>
      %gather3A_927 = tpu.vector_load_idx %arg7[%add3A_926] : memref<32760xf32, #tpu.memory_space<vmem>>[vector<16xi32>], vector<16xf32>,
      %gt3A_928 = arith.cmpf ogt, %gather3A_927, %select_n3A_920 : vector<16xf32>
      %select_n3A_929 = arith.select %gt3A_928, %gather3A_927, %select_n3A_920 : vector<16xi1>, vector<16xf32>
      %jit3A_930 = arith.constant 75 : i32
      %broadcast_in_dim3A_931 = vector.broadcast %jit3A_930 : i32 to vector<16xi32>
      %select_n3A_932 = arith.select %gt3A_928, %broadcast_in_dim3A_931, %select_n3A_923 : vector<16xi1>, vector<16xi32>
      %add3A_933 = arith.constant 79 : i32
      %add3A_934 = vector.broadcast %add3A_933 : i32 to vector<16xi32>
      %add3A_935 = arith.addi %mul3A_157, %add3A_934 : vector<16xi32>
      %gather3A_936 = tpu.vector_load_idx %arg7[%add3A_935] : memref<32760xf32, #tpu.memory_space<vmem>>[vector<16xi32>], vector<16xf32>,
      %gt3A_937 = arith.cmpf ogt, %gather3A_936, %select_n3A_929 : vector<16xf32>
      %select_n3A_938 = arith.select %gt3A_937, %gather3A_936, %select_n3A_929 : vector<16xi1>, vector<16xf32>
      %jit3A_939 = arith.constant 79 : i32
      %broadcast_in_dim3A_940 = vector.broadcast %jit3A_939 : i32 to vector<16xi32>
      %select_n3A_941 = arith.select %gt3A_937, %broadcast_in_dim3A_940, %select_n3A_932 : vector<16xi1>, vector<16xi32>
      %add3A_942 = arith.constant 83 : i32
      %add3A_943 = vector.broadcast %add3A_942 : i32 to vector<16xi32>
      %add3A_944 = arith.addi %mul3A_157, %add3A_943 : vector<16xi32>
      %gather3A_945 = tpu.vector_load_idx %arg7[%add3A_944] : memref<32760xf32, #tpu.memory_space<vmem>>[vector<16xi32>], vector<16xf32>,
      %gt3A_946 = arith.cmpf ogt, %gather3A_945, %select_n3A_938 : vector<16xf32>
      %select_n3A_947 = arith.select %gt3A_946, %gather3A_945, %select_n3A_938 : vector<16xi1>, vector<16xf32>
      %jit3A_948 = arith.constant 83 : i32
      %broadcast_in_dim3A_949 = vector.broadcast %jit3A_948 : i32 to vector<16xi32>
      %select_n3A_950 = arith.select %gt3A_946, %broadcast_in_dim3A_949, %select_n3A_941 : vector<16xi1>, vector<16xi32>
      %add3A_951 = arith.constant 87 : i32
      %add3A_952 = vector.broadcast %add3A_951 : i32 to vector<16xi32>
      %add3A_953 = arith.addi %mul3A_157, %add3A_952 : vector<16xi32>
      %gather3A_954 = tpu.vector_load_idx %arg7[%add3A_953] : memref<32760xf32, #tpu.memory_space<vmem>>[vector<16xi32>], vector<16xf32>,
      %gt3A_955 = arith.cmpf ogt, %gather3A_954, %select_n3A_947 : vector<16xf32>
      %select_n3A_956 = arith.select %gt3A_955, %gather3A_954, %select_n3A_947 : vector<16xi1>, vector<16xf32>
      %jit3A_957 = arith.constant 87 : i32
      %broadcast_in_dim3A_958 = vector.broadcast %jit3A_957 : i32 to vector<16xi32>
      %select_n3A_959 = arith.select %gt3A_955, %broadcast_in_dim3A_958, %select_n3A_950 : vector<16xi1>, vector<16xi32>
      %gt3A_960 = arith.cmpf ogt, %select_n3A_557, %select_n3A_353 : vector<16xf32>
      %eq3A = arith.cmpf oeq, %select_n3A_557, %select_n3A_353 : vector<16xf32>
      %lt3A = arith.cmpi slt, %select_n3A_560, %select_n3A_356 : vector<16xi32>
      %and3A = arith.andi %eq3A, %lt3A : vector<16xi1>
      %or3A = arith.ori %gt3A_960, %and3A : vector<16xi1>
      %select_n3A_961 = arith.select %or3A, %select_n3A_557, %select_n3A_353 : vector<16xi1>, vector<16xf32>
      %select_n3A_962 = arith.select %or3A, %select_n3A_560, %select_n3A_356 : vector<16xi1>, vector<16xi32>
      %gt3A_963 = arith.cmpf ogt, %select_n3A_956, %select_n3A_761 : vector<16xf32>
      %eq3A_964 = arith.cmpf oeq, %select_n3A_956, %select_n3A_761 : vector<16xf32>
      %lt3A_965 = arith.cmpi slt, %select_n3A_959, %select_n3A_764 : vector<16xi32>
      %and3A_966 = arith.andi %eq3A_964, %lt3A_965 : vector<16xi1>
      %or3A_967 = arith.ori %gt3A_963, %and3A_966 : vector<16xi1>
      %select_n3A_968 = arith.select %or3A_967, %select_n3A_956, %select_n3A_761 : vector<16xi1>, vector<16xf32>
      %select_n3A_969 = arith.select %or3A_967, %select_n3A_959, %select_n3A_764 : vector<16xi1>, vector<16xi32>
      %gt3A_970 = arith.cmpf ogt, %select_n3A_968, %select_n3A_961 : vector<16xf32>
      %eq3A_971 = arith.cmpf oeq, %select_n3A_968, %select_n3A_961 : vector<16xf32>
      %lt3A_972 = arith.cmpi slt, %select_n3A_969, %select_n3A_962 : vector<16xi32>
      %and3A_973 = arith.andi %eq3A_971, %lt3A_972 : vector<16xi1>
      %or3A_974 = arith.ori %gt3A_970, %and3A_973 : vector<16xi1>
      %select_n3A_975 = arith.select %or3A_974, %select_n3A_968, %select_n3A_961 : vector<16xi1>, vector<16xf32>
      %select_n3A_976 = arith.select %or3A_974, %select_n3A_969, %select_n3A_962 : vector<16xi1>, vector<16xi32>
      %neg3A = arith.constant 0.000000e+00 : f32
      %neg3A_977 = vector.broadcast %neg3A : f32 to vector<16xf32>
      %neg3A_978 = arith.subf %neg3A_977, %select_n3A_975 : vector<16xf32>
      %exp3A = math.exp %neg3A_978 : vector<16xf32>
      %add3A_979 = arith.constant 1.000000e+00 : f32
      %add3A_980 = vector.broadcast %add3A_979 : f32 to vector<16xf32>
      %add3A_981 = arith.addf %add3A_980, %exp3A : vector<16xf32>
      %div3A = arith.constant 1.000000e+00 : f32
      %div3A_982 = vector.broadcast %div3A : f32 to vector<16xf32>
      %div3A_983 = arith.divf %div3A_982, %add3A_981 : vector<16xf32>
      %ge3A = arith.constant 3.000000e-01 : f32
      %ge3A_984 = vector.broadcast %ge3A : f32 to vector<16xf32>
      %ge3A_985 = arith.cmpf oge, %div3A_983, %ge3A_984 : vector<16xf32>
      %mul3A_986 = arith.constant 4 : i32
      %mul3A_987 = vector.broadcast %mul3A_986 : i32 to vector<16xi32>
      %mul3A_988 = arith.muli %add3A_154, %mul3A_987 : vector<16xi32>
      %gather3A_989 = tpu.vector_load_idx %arg9[%mul3A_988] : memref<1440xf32, #tpu.memory_space<vmem>>[vector<16xi32>], vector<16xf32>,
      %add3A_990 = arith.constant 1 : i32
      %add3A_991 = vector.broadcast %add3A_990 : i32 to vector<16xi32>
      %add3A_992 = arith.addi %mul3A_988, %add3A_991 : vector<16xi32>
      %gather3A_993 = tpu.vector_load_idx %arg9[%add3A_992] : memref<1440xf32, #tpu.memory_space<vmem>>[vector<16xi32>], vector<16xf32>,
      %add3A_994 = arith.constant 2 : i32
      %add3A_995 = vector.broadcast %add3A_994 : i32 to vector<16xi32>
      %add3A_996 = arith.addi %mul3A_988, %add3A_995 : vector<16xi32>
      %gather3A_997 = tpu.vector_load_idx %arg9[%add3A_996] : memref<1440xf32, #tpu.memory_space<vmem>>[vector<16xi32>], vector<16xf32>,
      %add3A_998 = arith.constant 3 : i32
      %add3A_999 = vector.broadcast %add3A_998 : i32 to vector<16xi32>
      %add3A_1000 = arith.addi %mul3A_988, %add3A_999 : vector<16xi32>
      %gather3A_1001 = tpu.vector_load_idx %arg9[%add3A_1000] : memref<1440xf32, #tpu.memory_space<vmem>>[vector<16xi32>], vector<16xf32>,
      %mul3A_1002 = arith.constant 5.000000e-01 : f32
      %mul3A_1003 = vector.broadcast %mul3A_1002 : f32 to vector<16xf32>
      %mul3A_1004 = arith.mulf %mul3A_1003, %gather3A_997 : vector<16xf32>
      %sub3A = arith.subf %gather3A_989, %mul3A_1004 : vector<16xf32>
      %mul3A_1005 = arith.mulf %sub3A, %get3A_3 : vector<16xf32>
      %mul3A_1006 = arith.constant 5.000000e-01 : f32
      %mul3A_1007 = vector.broadcast %mul3A_1006 : f32 to vector<16xf32>
      %mul3A_1008 = arith.mulf %mul3A_1007, %gather3A_1001 : vector<16xf32>
      %sub3A_1009 = arith.subf %gather3A_993, %mul3A_1008 : vector<16xf32>
      %mul3A_1010 = arith.mulf %sub3A_1009, %get3A_5 : vector<16xf32>
      %mul3A_1011 = arith.mulf %gather3A_997, %get3A_3 : vector<16xf32>
      %mul3A_1012 = arith.mulf %gather3A_1001, %get3A_5 : vector<16xf32>
      %broadcast_in_dim3A_1013 = arith.constant 0.000000e+00 : f32
      %broadcast_in_dim3A_1014 = vector.broadcast %broadcast_in_dim3A_1013 : f32 to vector<16xf32>
      %mul3A_1015 = arith.constant 6 : i32
      %mul3A_1016 = vector.broadcast %mul3A_1015 : i32 to vector<16xi32>
      %mul3A_1017 = arith.muli %add3A_154, %mul3A_1016 : vector<16xi32>
      %convert_element_type3A = arith.sitofp %select_n3A_976 : vector<16xi32> to vector<16xf32>
      %add3A_1018 = arith.constant 0 : i32
      %add3A_1019 = vector.broadcast %add3A_1018 : i32 to vector<16xi32>
      %add3A_1020 = arith.addi %mul3A_1017, %add3A_1019 : vector<16xi32>
      %select_n3A_1021 = arith.select %ge3A_985, %convert_element_type3A, %broadcast_in_dim3A_1014 : vector<16xi1>, vector<16xf32>
      tpu.vector_store_idx %arg11[%add3A_1020], %select_n3A_1021 : memref<2160xf32, #tpu.memory_space<vmem>>[vector<16xi32>], vector<16xf32>,
      %add3A_1022 = arith.constant 1 : i32
      %add3A_1023 = vector.broadcast %add3A_1022 : i32 to vector<16xi32>
      %add3A_1024 = arith.addi %mul3A_1017, %add3A_1023 : vector<16xi32>
      %select_n3A_1025 = arith.select %ge3A_985, %div3A_983, %broadcast_in_dim3A_1014 : vector<16xi1>, vector<16xf32>
      tpu.vector_store_idx %arg11[%add3A_1024], %select_n3A_1025 : memref<2160xf32, #tpu.memory_space<vmem>>[vector<16xi32>], vector<16xf32>,
      %add3A_1026 = arith.constant 2 : i32
      %add3A_1027 = vector.broadcast %add3A_1026 : i32 to vector<16xi32>
      %add3A_1028 = arith.addi %mul3A_1017, %add3A_1027 : vector<16xi32>
      %select_n3A_1029 = arith.select %ge3A_985, %mul3A_1005, %broadcast_in_dim3A_1014 : vector<16xi1>, vector<16xf32>
      tpu.vector_store_idx %arg11[%add3A_1028], %select_n3A_1029 : memref<2160xf32, #tpu.memory_space<vmem>>[vector<16xi32>], vector<16xf32>,
      %add3A_1030 = arith.constant 3 : i32
      %add3A_1031 = vector.broadcast %add3A_1030 : i32 to vector<16xi32>
      %add3A_1032 = arith.addi %mul3A_1017, %add3A_1031 : vector<16xi32>
      %select_n3A_1033 = arith.select %ge3A_985, %mul3A_1010, %broadcast_in_dim3A_1014 : vector<16xi1>, vector<16xf32>
      tpu.vector_store_idx %arg11[%add3A_1032], %select_n3A_1033 : memref<2160xf32, #tpu.memory_space<vmem>>[vector<16xi32>], vector<16xf32>,
      %add3A_1034 = arith.constant 4 : i32
      %add3A_1035 = vector.broadcast %add3A_1034 : i32 to vector<16xi32>
      %add3A_1036 = arith.addi %mul3A_1017, %add3A_1035 : vector<16xi32>
      %select_n3A_1037 = arith.select %ge3A_985, %mul3A_1011, %broadcast_in_dim3A_1014 : vector<16xi1>, vector<16xf32>
      tpu.vector_store_idx %arg11[%add3A_1036], %select_n3A_1037 : memref<2160xf32, #tpu.memory_space<vmem>>[vector<16xi32>], vector<16xf32>,
      %add3A_1038 = arith.constant 5 : i32
      %add3A_1039 = vector.broadcast %add3A_1038 : i32 to vector<16xi32>
      %add3A_1040 = arith.addi %mul3A_1017, %add3A_1039 : vector<16xi32>
      %select_n3A_1041 = arith.select %ge3A_985, %mul3A_1012, %broadcast_in_dim3A_1014 : vector<16xi1>, vector<16xf32>
      tpu.vector_store_idx %arg11[%add3A_1040], %select_n3A_1041 : memref<2160xf32, #tpu.memory_space<vmem>>[vector<16xi32>], vector<16xf32>,
      %scan3A_1042 = arith.constant 0 : i32
      scf.yield %scan3A_1042 : i32
    }
    %scan3A_89 = arith.constant 23 : i32
    %add3A_90 = arith.constant 720 : i32
    %add3A_91 = arith.addi %mul3A_2, %add3A_90 : i32
    %mul3A_92 = arith.constant 6 : i32
    %mul3A_93 = arith.muli %add3A_91, %mul3A_92 : i32
    %dma_start3A_94 = tpu.memref_slice %arg6[%mul3A_93] : memref<345600xf32, #tpu.memory_space<hbm>> -> memref<2160xf32, #tpu.memory_space<hbm>>
    %dma_start3A_95 = tpu.memref_slice %arg6[%mul3A_93] : memref<345600xf32, #tpu.memory_space<hbm>> -> memref<2160xf32, #tpu.memory_space<hbm>>
    tpu.enqueue_dma source(%arg11 : memref<2160xf32, #tpu.memory_space<vmem>>) target(%dma_start3A_95 : memref<2160xf32, #tpu.memory_space<hbm>>) target_semaphore(%arg19 : memref<!tpu.dma_semaphore, #tpu.memory_space<semaphore_mem>>)
    %dma_wait3A_96 = tpu.memref_slice %arg2[%mul3A_74] : memref<5241600xf32, #tpu.memory_space<hbm>> -> memref<32760xf32, #tpu.memory_space<hbm>>
    %dma_wait3A_97 = tpu.memref_slice %arg2[%mul3A_74] : memref<5241600xf32, #tpu.memory_space<hbm>> -> memref<32760xf32, #tpu.memory_space<hbm>>
    tpu.wait_dma2 semaphore(%arg16 : memref<!tpu.dma_semaphore, #tpu.memory_space<semaphore_mem>>) src(%dma_wait3A_97 : memref<32760xf32, #tpu.memory_space<hbm>>) dst(%arg8 : memref<32760xf32, #tpu.memory_space<vmem>>)
    %dma_wait3A_98 = tpu.memref_slice %arg3[%mul3A_78] : memref<230400xf32, #tpu.memory_space<hbm>> -> memref<1440xf32, #tpu.memory_space<hbm>>
    %dma_wait3A_99 = tpu.memref_slice %arg3[%mul3A_78] : memref<230400xf32, #tpu.memory_space<hbm>> -> memref<1440xf32, #tpu.memory_space<hbm>>
    tpu.wait_dma2 semaphore(%arg18 : memref<!tpu.dma_semaphore, #tpu.memory_space<semaphore_mem>>) src(%dma_wait3A_99 : memref<1440xf32, #tpu.memory_space<hbm>>) dst(%arg10 : memref<1440xf32, #tpu.memory_space<vmem>>)
    %add3A_100 = arith.constant 1440 : i32
    %add3A_101 = arith.addi %mul3A_2, %add3A_100 : i32
    %mul3A_102 = arith.constant 91 : i32
    %mul3A_103 = arith.muli %add3A_101, %mul3A_102 : i32
    %dma_start3A_104 = tpu.memref_slice %arg2[%mul3A_103] : memref<5241600xf32, #tpu.memory_space<hbm>> -> memref<32760xf32, #tpu.memory_space<hbm>>
    %dma_start3A_105 = tpu.memref_slice %arg2[%mul3A_103] : memref<5241600xf32, #tpu.memory_space<hbm>> -> memref<32760xf32, #tpu.memory_space<hbm>>
    tpu.enqueue_dma source(%dma_start3A_105 : memref<32760xf32, #tpu.memory_space<hbm>>) target(%arg7 : memref<32760xf32, #tpu.memory_space<vmem>>) target_semaphore(%arg15 : memref<!tpu.dma_semaphore, #tpu.memory_space<semaphore_mem>>)
    %mul3A_106 = arith.constant 4 : i32
    %mul3A_107 = arith.muli %add3A_101, %mul3A_106 : i32
    %dma_start3A_108 = tpu.memref_slice %arg3[%mul3A_107] : memref<230400xf32, #tpu.memory_space<hbm>> -> memref<1440xf32, #tpu.memory_space<hbm>>
    %dma_start3A_109 = tpu.memref_slice %arg3[%mul3A_107] : memref<230400xf32, #tpu.memory_space<hbm>> -> memref<1440xf32, #tpu.memory_space<hbm>>
    tpu.enqueue_dma source(%dma_start3A_109 : memref<1440xf32, #tpu.memory_space<hbm>>) target(%arg9 : memref<1440xf32, #tpu.memory_space<vmem>>) target_semaphore(%arg17 : memref<!tpu.dma_semaphore, #tpu.memory_space<semaphore_mem>>)
    %dma_wait3A_110 = tpu.memref_slice %arg6[%mul3A_64] : memref<345600xf32, #tpu.memory_space<hbm>> -> memref<2160xf32, #tpu.memory_space<hbm>>
    %dma_wait3A_111 = tpu.memref_slice %arg6[%mul3A_64] : memref<345600xf32, #tpu.memory_space<hbm>> -> memref<2160xf32, #tpu.memory_space<hbm>>
    tpu.wait_dma2 semaphore(%arg20 : memref<!tpu.dma_semaphore, #tpu.memory_space<semaphore_mem>>) src(%arg12 : memref<2160xf32, #tpu.memory_space<vmem>>) dst(%dma_wait3A_111 : memref<2160xf32, #tpu.memory_space<hbm>>)
    %scan3A_112 = arith.constant 0 : i32
    %scan3A_113 = arith.constant 0 : i32
    %scan3A_114 = arith.constant 23 : i32
    %scan3A_115 = arith.addi %scan3A_113, %scan3A_114 : i32
    %scan3A_116 = arith.constant 1 : i32
    %scan3A_117 = scf.for %scan3A_148 = %scan3A_113 to %scan3A_115 step %scan3A_116 iter_args(%scan3A_149 = %scan3A_112) -> (i32)  : i32 {
      %mul3A_150 = arith.constant 16 : i32
      %mul3A_151 = arith.muli %scan3A_148, %mul3A_150 : i32
      %min3A = arith.constant 344 : i32
      %min3A_152 = arith.minsi %mul3A_151, %min3A : i32
      %iota3A = tpu.iota {dimensions = array<i32: 0>} : vector<16xi32>
      %add3A_153 = vector.broadcast %min3A_152 : i32 to vector<16xi32>
      %add3A_154 = arith.addi %add3A_153, %iota3A : vector<16xi32>
      %mul3A_155 = arith.constant 91 : i32
      %mul3A_156 = vector.broadcast %mul3A_155 : i32 to vector<16xi32>
      %mul3A_157 = arith.muli %add3A_154, %mul3A_156 : vector<16xi32>
      %add3A_158 = arith.constant 0 : i32
      %add3A_159 = vector.broadcast %add3A_158 : i32 to vector<16xi32>
      %add3A_160 = arith.addi %mul3A_157, %add3A_159 : vector<16xi32>
      %gather3A = tpu.vector_load_idx %arg8[%add3A_160] : memref<32760xf32, #tpu.memory_space<vmem>>[vector<16xi32>], vector<16xf32>,
      %broadcast_in_dim3A = arith.constant 0 : i32
      %broadcast_in_dim3A_161 = vector.broadcast %broadcast_in_dim3A : i32 to vector<16xi32>
      %add3A_162 = arith.constant 4 : i32
      %add3A_163 = vector.broadcast %add3A_162 : i32 to vector<16xi32>
      %add3A_164 = arith.addi %mul3A_157, %add3A_163 : vector<16xi32>
      %gather3A_165 = tpu.vector_load_idx %arg8[%add3A_164] : memref<32760xf32, #tpu.memory_space<vmem>>[vector<16xi32>], vector<16xf32>,
      %gt3A = arith.cmpf ogt, %gather3A_165, %gather3A : vector<16xf32>
      %select_n3A = arith.select %gt3A, %gather3A_165, %gather3A : vector<16xi1>, vector<16xf32>
      %jit3A = arith.constant 4 : i32
      %broadcast_in_dim3A_166 = vector.broadcast %jit3A : i32 to vector<16xi32>
      %select_n3A_167 = arith.select %gt3A, %broadcast_in_dim3A_166, %broadcast_in_dim3A_161 : vector<16xi1>, vector<16xi32>
      %add3A_168 = arith.constant 8 : i32
      %add3A_169 = vector.broadcast %add3A_168 : i32 to vector<16xi32>
      %add3A_170 = arith.addi %mul3A_157, %add3A_169 : vector<16xi32>
      %gather3A_171 = tpu.vector_load_idx %arg8[%add3A_170] : memref<32760xf32, #tpu.memory_space<vmem>>[vector<16xi32>], vector<16xf32>,
      %gt3A_172 = arith.cmpf ogt, %gather3A_171, %select_n3A : vector<16xf32>
      %select_n3A_173 = arith.select %gt3A_172, %gather3A_171, %select_n3A : vector<16xi1>, vector<16xf32>
      %jit3A_174 = arith.constant 8 : i32
      %broadcast_in_dim3A_175 = vector.broadcast %jit3A_174 : i32 to vector<16xi32>
      %select_n3A_176 = arith.select %gt3A_172, %broadcast_in_dim3A_175, %select_n3A_167 : vector<16xi1>, vector<16xi32>
      %add3A_177 = arith.constant 12 : i32
      %add3A_178 = vector.broadcast %add3A_177 : i32 to vector<16xi32>
      %add3A_179 = arith.addi %mul3A_157, %add3A_178 : vector<16xi32>
      %gather3A_180 = tpu.vector_load_idx %arg8[%add3A_179] : memref<32760xf32, #tpu.memory_space<vmem>>[vector<16xi32>], vector<16xf32>,
      %gt3A_181 = arith.cmpf ogt, %gather3A_180, %select_n3A_173 : vector<16xf32>
      %select_n3A_182 = arith.select %gt3A_181, %gather3A_180, %select_n3A_173 : vector<16xi1>, vector<16xf32>
      %jit3A_183 = arith.constant 12 : i32
      %broadcast_in_dim3A_184 = vector.broadcast %jit3A_183 : i32 to vector<16xi32>
      %select_n3A_185 = arith.select %gt3A_181, %broadcast_in_dim3A_184, %select_n3A_176 : vector<16xi1>, vector<16xi32>
      %add3A_186 = arith.constant 16 : i32
      %add3A_187 = vector.broadcast %add3A_186 : i32 to vector<16xi32>
      %add3A_188 = arith.addi %mul3A_157, %add3A_187 : vector<16xi32>
      %gather3A_189 = tpu.vector_load_idx %arg8[%add3A_188] : memref<32760xf32, #tpu.memory_space<vmem>>[vector<16xi32>], vector<16xf32>,
      %gt3A_190 = arith.cmpf ogt, %gather3A_189, %select_n3A_182 : vector<16xf32>
      %select_n3A_191 = arith.select %gt3A_190, %gather3A_189, %select_n3A_182 : vector<16xi1>, vector<16xf32>
      %jit3A_192 = arith.constant 16 : i32
      %broadcast_in_dim3A_193 = vector.broadcast %jit3A_192 : i32 to vector<16xi32>
      %select_n3A_194 = arith.select %gt3A_190, %broadcast_in_dim3A_193, %select_n3A_185 : vector<16xi1>, vector<16xi32>
      %add3A_195 = arith.constant 20 : i32
      %add3A_196 = vector.broadcast %add3A_195 : i32 to vector<16xi32>
      %add3A_197 = arith.addi %mul3A_157, %add3A_196 : vector<16xi32>
      %gather3A_198 = tpu.vector_load_idx %arg8[%add3A_197] : memref<32760xf32, #tpu.memory_space<vmem>>[vector<16xi32>], vector<16xf32>,
      %gt3A_199 = arith.cmpf ogt, %gather3A_198, %select_n3A_191 : vector<16xf32>
      %select_n3A_200 = arith.select %gt3A_199, %gather3A_198, %select_n3A_191 : vector<16xi1>, vector<16xf32>
      %jit3A_201 = arith.constant 20 : i32
      %broadcast_in_dim3A_202 = vector.broadcast %jit3A_201 : i32 to vector<16xi32>
      %select_n3A_203 = arith.select %gt3A_199, %broadcast_in_dim3A_202, %select_n3A_194 : vector<16xi1>, vector<16xi32>
      %add3A_204 = arith.constant 24 : i32
      %add3A_205 = vector.broadcast %add3A_204 : i32 to vector<16xi32>
      %add3A_206 = arith.addi %mul3A_157, %add3A_205 : vector<16xi32>
      %gather3A_207 = tpu.vector_load_idx %arg8[%add3A_206] : memref<32760xf32, #tpu.memory_space<vmem>>[vector<16xi32>], vector<16xf32>,
      %gt3A_208 = arith.cmpf ogt, %gather3A_207, %select_n3A_200 : vector<16xf32>
      %select_n3A_209 = arith.select %gt3A_208, %gather3A_207, %select_n3A_200 : vector<16xi1>, vector<16xf32>
      %jit3A_210 = arith.constant 24 : i32
      %broadcast_in_dim3A_211 = vector.broadcast %jit3A_210 : i32 to vector<16xi32>
      %select_n3A_212 = arith.select %gt3A_208, %broadcast_in_dim3A_211, %select_n3A_203 : vector<16xi1>, vector<16xi32>
      %add3A_213 = arith.constant 28 : i32
      %add3A_214 = vector.broadcast %add3A_213 : i32 to vector<16xi32>
      %add3A_215 = arith.addi %mul3A_157, %add3A_214 : vector<16xi32>
      %gather3A_216 = tpu.vector_load_idx %arg8[%add3A_215] : memref<32760xf32, #tpu.memory_space<vmem>>[vector<16xi32>], vector<16xf32>,
      %gt3A_217 = arith.cmpf ogt, %gather3A_216, %select_n3A_209 : vector<16xf32>
      %select_n3A_218 = arith.select %gt3A_217, %gather3A_216, %select_n3A_209 : vector<16xi1>, vector<16xf32>
      %jit3A_219 = arith.constant 28 : i32
      %broadcast_in_dim3A_220 = vector.broadcast %jit3A_219 : i32 to vector<16xi32>
      %select_n3A_221 = arith.select %gt3A_217, %broadcast_in_dim3A_220, %select_n3A_212 : vector<16xi1>, vector<16xi32>
      %add3A_222 = arith.constant 32 : i32
      %add3A_223 = vector.broadcast %add3A_222 : i32 to vector<16xi32>
      %add3A_224 = arith.addi %mul3A_157, %add3A_223 : vector<16xi32>
      %gather3A_225 = tpu.vector_load_idx %arg8[%add3A_224] : memref<32760xf32, #tpu.memory_space<vmem>>[vector<16xi32>], vector<16xf32>,
      %gt3A_226 = arith.cmpf ogt, %gather3A_225, %select_n3A_218 : vector<16xf32>
      %select_n3A_227 = arith.select %gt3A_226, %gather3A_225, %select_n3A_218 : vector<16xi1>, vector<16xf32>
      %jit3A_228 = arith.constant 32 : i32
      %broadcast_in_dim3A_229 = vector.broadcast %jit3A_228 : i32 to vector<16xi32>
      %select_n3A_230 = arith.select %gt3A_226, %broadcast_in_dim3A_229, %select_n3A_221 : vector<16xi1>, vector<16xi32>
      %add3A_231 = arith.constant 36 : i32
      %add3A_232 = vector.broadcast %add3A_231 : i32 to vector<16xi32>
      %add3A_233 = arith.addi %mul3A_157, %add3A_232 : vector<16xi32>
      %gather3A_234 = tpu.vector_load_idx %arg8[%add3A_233] : memref<32760xf32, #tpu.memory_space<vmem>>[vector<16xi32>], vector<16xf32>,
      %gt3A_235 = arith.cmpf ogt, %gather3A_234, %select_n3A_227 : vector<16xf32>
      %select_n3A_236 = arith.select %gt3A_235, %gather3A_234, %select_n3A_227 : vector<16xi1>, vector<16xf32>
      %jit3A_237 = arith.constant 36 : i32
      %broadcast_in_dim3A_238 = vector.broadcast %jit3A_237 : i32 to vector<16xi32>
      %select_n3A_239 = arith.select %gt3A_235, %broadcast_in_dim3A_238, %select_n3A_230 : vector<16xi1>, vector<16xi32>
      %add3A_240 = arith.constant 40 : i32
      %add3A_241 = vector.broadcast %add3A_240 : i32 to vector<16xi32>
      %add3A_242 = arith.addi %mul3A_157, %add3A_241 : vector<16xi32>
      %gather3A_243 = tpu.vector_load_idx %arg8[%add3A_242] : memref<32760xf32, #tpu.memory_space<vmem>>[vector<16xi32>], vector<16xf32>,
      %gt3A_244 = arith.cmpf ogt, %gather3A_243, %select_n3A_236 : vector<16xf32>
      %select_n3A_245 = arith.select %gt3A_244, %gather3A_243, %select_n3A_236 : vector<16xi1>, vector<16xf32>
      %jit3A_246 = arith.constant 40 : i32
      %broadcast_in_dim3A_247 = vector.broadcast %jit3A_246 : i32 to vector<16xi32>
      %select_n3A_248 = arith.select %gt3A_244, %broadcast_in_dim3A_247, %select_n3A_239 : vector<16xi1>, vector<16xi32>
      %add3A_249 = arith.constant 44 : i32
      %add3A_250 = vector.broadcast %add3A_249 : i32 to vector<16xi32>
      %add3A_251 = arith.addi %mul3A_157, %add3A_250 : vector<16xi32>
      %gather3A_252 = tpu.vector_load_idx %arg8[%add3A_251] : memref<32760xf32, #tpu.memory_space<vmem>>[vector<16xi32>], vector<16xf32>,
      %gt3A_253 = arith.cmpf ogt, %gather3A_252, %select_n3A_245 : vector<16xf32>
      %select_n3A_254 = arith.select %gt3A_253, %gather3A_252, %select_n3A_245 : vector<16xi1>, vector<16xf32>
      %jit3A_255 = arith.constant 44 : i32
      %broadcast_in_dim3A_256 = vector.broadcast %jit3A_255 : i32 to vector<16xi32>
      %select_n3A_257 = arith.select %gt3A_253, %broadcast_in_dim3A_256, %select_n3A_248 : vector<16xi1>, vector<16xi32>
      %add3A_258 = arith.constant 48 : i32
      %add3A_259 = vector.broadcast %add3A_258 : i32 to vector<16xi32>
      %add3A_260 = arith.addi %mul3A_157, %add3A_259 : vector<16xi32>
      %gather3A_261 = tpu.vector_load_idx %arg8[%add3A_260] : memref<32760xf32, #tpu.memory_space<vmem>>[vector<16xi32>], vector<16xf32>,
      %gt3A_262 = arith.cmpf ogt, %gather3A_261, %select_n3A_254 : vector<16xf32>
      %select_n3A_263 = arith.select %gt3A_262, %gather3A_261, %select_n3A_254 : vector<16xi1>, vector<16xf32>
      %jit3A_264 = arith.constant 48 : i32
      %broadcast_in_dim3A_265 = vector.broadcast %jit3A_264 : i32 to vector<16xi32>
      %select_n3A_266 = arith.select %gt3A_262, %broadcast_in_dim3A_265, %select_n3A_257 : vector<16xi1>, vector<16xi32>
      %add3A_267 = arith.constant 52 : i32
      %add3A_268 = vector.broadcast %add3A_267 : i32 to vector<16xi32>
      %add3A_269 = arith.addi %mul3A_157, %add3A_268 : vector<16xi32>
      %gather3A_270 = tpu.vector_load_idx %arg8[%add3A_269] : memref<32760xf32, #tpu.memory_space<vmem>>[vector<16xi32>], vector<16xf32>,
      %gt3A_271 = arith.cmpf ogt, %gather3A_270, %select_n3A_263 : vector<16xf32>
      %select_n3A_272 = arith.select %gt3A_271, %gather3A_270, %select_n3A_263 : vector<16xi1>, vector<16xf32>
      %jit3A_273 = arith.constant 52 : i32
      %broadcast_in_dim3A_274 = vector.broadcast %jit3A_273 : i32 to vector<16xi32>
      %select_n3A_275 = arith.select %gt3A_271, %broadcast_in_dim3A_274, %select_n3A_266 : vector<16xi1>, vector<16xi32>
      %add3A_276 = arith.constant 56 : i32
      %add3A_277 = vector.broadcast %add3A_276 : i32 to vector<16xi32>
      %add3A_278 = arith.addi %mul3A_157, %add3A_277 : vector<16xi32>
      %gather3A_279 = tpu.vector_load_idx %arg8[%add3A_278] : memref<32760xf32, #tpu.memory_space<vmem>>[vector<16xi32>], vector<16xf32>,
      %gt3A_280 = arith.cmpf ogt, %gather3A_279, %select_n3A_272 : vector<16xf32>
      %select_n3A_281 = arith.select %gt3A_280, %gather3A_279, %select_n3A_272 : vector<16xi1>, vector<16xf32>
      %jit3A_282 = arith.constant 56 : i32
      %broadcast_in_dim3A_283 = vector.broadcast %jit3A_282 : i32 to vector<16xi32>
      %select_n3A_284 = arith.select %gt3A_280, %broadcast_in_dim3A_283, %select_n3A_275 : vector<16xi1>, vector<16xi32>
      %add3A_285 = arith.constant 60 : i32
      %add3A_286 = vector.broadcast %add3A_285 : i32 to vector<16xi32>
      %add3A_287 = arith.addi %mul3A_157, %add3A_286 : vector<16xi32>
      %gather3A_288 = tpu.vector_load_idx %arg8[%add3A_287] : memref<32760xf32, #tpu.memory_space<vmem>>[vector<16xi32>], vector<16xf32>,
      %gt3A_289 = arith.cmpf ogt, %gather3A_288, %select_n3A_281 : vector<16xf32>
      %select_n3A_290 = arith.select %gt3A_289, %gather3A_288, %select_n3A_281 : vector<16xi1>, vector<16xf32>
      %jit3A_291 = arith.constant 60 : i32
      %broadcast_in_dim3A_292 = vector.broadcast %jit3A_291 : i32 to vector<16xi32>
      %select_n3A_293 = arith.select %gt3A_289, %broadcast_in_dim3A_292, %select_n3A_284 : vector<16xi1>, vector<16xi32>
      %add3A_294 = arith.constant 64 : i32
      %add3A_295 = vector.broadcast %add3A_294 : i32 to vector<16xi32>
      %add3A_296 = arith.addi %mul3A_157, %add3A_295 : vector<16xi32>
      %gather3A_297 = tpu.vector_load_idx %arg8[%add3A_296] : memref<32760xf32, #tpu.memory_space<vmem>>[vector<16xi32>], vector<16xf32>,
      %gt3A_298 = arith.cmpf ogt, %gather3A_297, %select_n3A_290 : vector<16xf32>
      %select_n3A_299 = arith.select %gt3A_298, %gather3A_297, %select_n3A_290 : vector<16xi1>, vector<16xf32>
      %jit3A_300 = arith.constant 64 : i32
      %broadcast_in_dim3A_301 = vector.broadcast %jit3A_300 : i32 to vector<16xi32>
      %select_n3A_302 = arith.select %gt3A_298, %broadcast_in_dim3A_301, %select_n3A_293 : vector<16xi1>, vector<16xi32>
      %add3A_303 = arith.constant 68 : i32
      %add3A_304 = vector.broadcast %add3A_303 : i32 to vector<16xi32>
      %add3A_305 = arith.addi %mul3A_157, %add3A_304 : vector<16xi32>
      %gather3A_306 = tpu.vector_load_idx %arg8[%add3A_305] : memref<32760xf32, #tpu.memory_space<vmem>>[vector<16xi32>], vector<16xf32>,
      %gt3A_307 = arith.cmpf ogt, %gather3A_306, %select_n3A_299 : vector<16xf32>
      %select_n3A_308 = arith.select %gt3A_307, %gather3A_306, %select_n3A_299 : vector<16xi1>, vector<16xf32>
      %jit3A_309 = arith.constant 68 : i32
      %broadcast_in_dim3A_310 = vector.broadcast %jit3A_309 : i32 to vector<16xi32>
      %select_n3A_311 = arith.select %gt3A_307, %broadcast_in_dim3A_310, %select_n3A_302 : vector<16xi1>, vector<16xi32>
      %add3A_312 = arith.constant 72 : i32
      %add3A_313 = vector.broadcast %add3A_312 : i32 to vector<16xi32>
      %add3A_314 = arith.addi %mul3A_157, %add3A_313 : vector<16xi32>
      %gather3A_315 = tpu.vector_load_idx %arg8[%add3A_314] : memref<32760xf32, #tpu.memory_space<vmem>>[vector<16xi32>], vector<16xf32>,
      %gt3A_316 = arith.cmpf ogt, %gather3A_315, %select_n3A_308 : vector<16xf32>
      %select_n3A_317 = arith.select %gt3A_316, %gather3A_315, %select_n3A_308 : vector<16xi1>, vector<16xf32>
      %jit3A_318 = arith.constant 72 : i32
      %broadcast_in_dim3A_319 = vector.broadcast %jit3A_318 : i32 to vector<16xi32>
      %select_n3A_320 = arith.select %gt3A_316, %broadcast_in_dim3A_319, %select_n3A_311 : vector<16xi1>, vector<16xi32>
      %add3A_321 = arith.constant 76 : i32
      %add3A_322 = vector.broadcast %add3A_321 : i32 to vector<16xi32>
      %add3A_323 = arith.addi %mul3A_157, %add3A_322 : vector<16xi32>
      %gather3A_324 = tpu.vector_load_idx %arg8[%add3A_323] : memref<32760xf32, #tpu.memory_space<vmem>>[vector<16xi32>], vector<16xf32>,
      %gt3A_325 = arith.cmpf ogt, %gather3A_324, %select_n3A_317 : vector<16xf32>
      %select_n3A_326 = arith.select %gt3A_325, %gather3A_324, %select_n3A_317 : vector<16xi1>, vector<16xf32>
      %jit3A_327 = arith.constant 76 : i32
      %broadcast_in_dim3A_328 = vector.broadcast %jit3A_327 : i32 to vector<16xi32>
      %select_n3A_329 = arith.select %gt3A_325, %broadcast_in_dim3A_328, %select_n3A_320 : vector<16xi1>, vector<16xi32>
      %add3A_330 = arith.constant 80 : i32
      %add3A_331 = vector.broadcast %add3A_330 : i32 to vector<16xi32>
      %add3A_332 = arith.addi %mul3A_157, %add3A_331 : vector<16xi32>
      %gather3A_333 = tpu.vector_load_idx %arg8[%add3A_332] : memref<32760xf32, #tpu.memory_space<vmem>>[vector<16xi32>], vector<16xf32>,
      %gt3A_334 = arith.cmpf ogt, %gather3A_333, %select_n3A_326 : vector<16xf32>
      %select_n3A_335 = arith.select %gt3A_334, %gather3A_333, %select_n3A_326 : vector<16xi1>, vector<16xf32>
      %jit3A_336 = arith.constant 80 : i32
      %broadcast_in_dim3A_337 = vector.broadcast %jit3A_336 : i32 to vector<16xi32>
      %select_n3A_338 = arith.select %gt3A_334, %broadcast_in_dim3A_337, %select_n3A_329 : vector<16xi1>, vector<16xi32>
      %add3A_339 = arith.constant 84 : i32
      %add3A_340 = vector.broadcast %add3A_339 : i32 to vector<16xi32>
      %add3A_341 = arith.addi %mul3A_157, %add3A_340 : vector<16xi32>
      %gather3A_342 = tpu.vector_load_idx %arg8[%add3A_341] : memref<32760xf32, #tpu.memory_space<vmem>>[vector<16xi32>], vector<16xf32>,
      %gt3A_343 = arith.cmpf ogt, %gather3A_342, %select_n3A_335 : vector<16xf32>
      %select_n3A_344 = arith.select %gt3A_343, %gather3A_342, %select_n3A_335 : vector<16xi1>, vector<16xf32>
      %jit3A_345 = arith.constant 84 : i32
      %broadcast_in_dim3A_346 = vector.broadcast %jit3A_345 : i32 to vector<16xi32>
      %select_n3A_347 = arith.select %gt3A_343, %broadcast_in_dim3A_346, %select_n3A_338 : vector<16xi1>, vector<16xi32>
      %add3A_348 = arith.constant 88 : i32
      %add3A_349 = vector.broadcast %add3A_348 : i32 to vector<16xi32>
      %add3A_350 = arith.addi %mul3A_157, %add3A_349 : vector<16xi32>
      %gather3A_351 = tpu.vector_load_idx %arg8[%add3A_350] : memref<32760xf32, #tpu.memory_space<vmem>>[vector<16xi32>], vector<16xf32>,
      %gt3A_352 = arith.cmpf ogt, %gather3A_351, %select_n3A_344 : vector<16xf32>
      %select_n3A_353 = arith.select %gt3A_352, %gather3A_351, %select_n3A_344 : vector<16xi1>, vector<16xf32>
      %jit3A_354 = arith.constant 88 : i32
      %broadcast_in_dim3A_355 = vector.broadcast %jit3A_354 : i32 to vector<16xi32>
      %select_n3A_356 = arith.select %gt3A_352, %broadcast_in_dim3A_355, %select_n3A_347 : vector<16xi1>, vector<16xi32>
      %add3A_357 = arith.constant 1 : i32
      %add3A_358 = vector.broadcast %add3A_357 : i32 to vector<16xi32>
      %add3A_359 = arith.addi %mul3A_157, %add3A_358 : vector<16xi32>
      %gather3A_360 = tpu.vector_load_idx %arg8[%add3A_359] : memref<32760xf32, #tpu.memory_space<vmem>>[vector<16xi32>], vector<16xf32>,
      %broadcast_in_dim3A_361 = arith.constant 1 : i32
      %broadcast_in_dim3A_362 = vector.broadcast %broadcast_in_dim3A_361 : i32 to vector<16xi32>
      %add3A_363 = arith.constant 5 : i32
      %add3A_364 = vector.broadcast %add3A_363 : i32 to vector<16xi32>
      %add3A_365 = arith.addi %mul3A_157, %add3A_364 : vector<16xi32>
      %gather3A_366 = tpu.vector_load_idx %arg8[%add3A_365] : memref<32760xf32, #tpu.memory_space<vmem>>[vector<16xi32>], vector<16xf32>,
      %gt3A_367 = arith.cmpf ogt, %gather3A_366, %gather3A_360 : vector<16xf32>
      %select_n3A_368 = arith.select %gt3A_367, %gather3A_366, %gather3A_360 : vector<16xi1>, vector<16xf32>
      %jit3A_369 = arith.constant 5 : i32
      %broadcast_in_dim3A_370 = vector.broadcast %jit3A_369 : i32 to vector<16xi32>
      %select_n3A_371 = arith.select %gt3A_367, %broadcast_in_dim3A_370, %broadcast_in_dim3A_362 : vector<16xi1>, vector<16xi32>
      %add3A_372 = arith.constant 9 : i32
      %add3A_373 = vector.broadcast %add3A_372 : i32 to vector<16xi32>
      %add3A_374 = arith.addi %mul3A_157, %add3A_373 : vector<16xi32>
      %gather3A_375 = tpu.vector_load_idx %arg8[%add3A_374] : memref<32760xf32, #tpu.memory_space<vmem>>[vector<16xi32>], vector<16xf32>,
      %gt3A_376 = arith.cmpf ogt, %gather3A_375, %select_n3A_368 : vector<16xf32>
      %select_n3A_377 = arith.select %gt3A_376, %gather3A_375, %select_n3A_368 : vector<16xi1>, vector<16xf32>
      %jit3A_378 = arith.constant 9 : i32
      %broadcast_in_dim3A_379 = vector.broadcast %jit3A_378 : i32 to vector<16xi32>
      %select_n3A_380 = arith.select %gt3A_376, %broadcast_in_dim3A_379, %select_n3A_371 : vector<16xi1>, vector<16xi32>
      %add3A_381 = arith.constant 13 : i32
      %add3A_382 = vector.broadcast %add3A_381 : i32 to vector<16xi32>
      %add3A_383 = arith.addi %mul3A_157, %add3A_382 : vector<16xi32>
      %gather3A_384 = tpu.vector_load_idx %arg8[%add3A_383] : memref<32760xf32, #tpu.memory_space<vmem>>[vector<16xi32>], vector<16xf32>,
      %gt3A_385 = arith.cmpf ogt, %gather3A_384, %select_n3A_377 : vector<16xf32>
      %select_n3A_386 = arith.select %gt3A_385, %gather3A_384, %select_n3A_377 : vector<16xi1>, vector<16xf32>
      %jit3A_387 = arith.constant 13 : i32
      %broadcast_in_dim3A_388 = vector.broadcast %jit3A_387 : i32 to vector<16xi32>
      %select_n3A_389 = arith.select %gt3A_385, %broadcast_in_dim3A_388, %select_n3A_380 : vector<16xi1>, vector<16xi32>
      %add3A_390 = arith.constant 17 : i32
      %add3A_391 = vector.broadcast %add3A_390 : i32 to vector<16xi32>
      %add3A_392 = arith.addi %mul3A_157, %add3A_391 : vector<16xi32>
      %gather3A_393 = tpu.vector_load_idx %arg8[%add3A_392] : memref<32760xf32, #tpu.memory_space<vmem>>[vector<16xi32>], vector<16xf32>,
      %gt3A_394 = arith.cmpf ogt, %gather3A_393, %select_n3A_386 : vector<16xf32>
      %select_n3A_395 = arith.select %gt3A_394, %gather3A_393, %select_n3A_386 : vector<16xi1>, vector<16xf32>
      %jit3A_396 = arith.constant 17 : i32
      %broadcast_in_dim3A_397 = vector.broadcast %jit3A_396 : i32 to vector<16xi32>
      %select_n3A_398 = arith.select %gt3A_394, %broadcast_in_dim3A_397, %select_n3A_389 : vector<16xi1>, vector<16xi32>
      %add3A_399 = arith.constant 21 : i32
      %add3A_400 = vector.broadcast %add3A_399 : i32 to vector<16xi32>
      %add3A_401 = arith.addi %mul3A_157, %add3A_400 : vector<16xi32>
      %gather3A_402 = tpu.vector_load_idx %arg8[%add3A_401] : memref<32760xf32, #tpu.memory_space<vmem>>[vector<16xi32>], vector<16xf32>,
      %gt3A_403 = arith.cmpf ogt, %gather3A_402, %select_n3A_395 : vector<16xf32>
      %select_n3A_404 = arith.select %gt3A_403, %gather3A_402, %select_n3A_395 : vector<16xi1>, vector<16xf32>
      %jit3A_405 = arith.constant 21 : i32
      %broadcast_in_dim3A_406 = vector.broadcast %jit3A_405 : i32 to vector<16xi32>
      %select_n3A_407 = arith.select %gt3A_403, %broadcast_in_dim3A_406, %select_n3A_398 : vector<16xi1>, vector<16xi32>
      %add3A_408 = arith.constant 25 : i32
      %add3A_409 = vector.broadcast %add3A_408 : i32 to vector<16xi32>
      %add3A_410 = arith.addi %mul3A_157, %add3A_409 : vector<16xi32>
      %gather3A_411 = tpu.vector_load_idx %arg8[%add3A_410] : memref<32760xf32, #tpu.memory_space<vmem>>[vector<16xi32>], vector<16xf32>,
      %gt3A_412 = arith.cmpf ogt, %gather3A_411, %select_n3A_404 : vector<16xf32>
      %select_n3A_413 = arith.select %gt3A_412, %gather3A_411, %select_n3A_404 : vector<16xi1>, vector<16xf32>
      %jit3A_414 = arith.constant 25 : i32
      %broadcast_in_dim3A_415 = vector.broadcast %jit3A_414 : i32 to vector<16xi32>
      %select_n3A_416 = arith.select %gt3A_412, %broadcast_in_dim3A_415, %select_n3A_407 : vector<16xi1>, vector<16xi32>
      %add3A_417 = arith.constant 29 : i32
      %add3A_418 = vector.broadcast %add3A_417 : i32 to vector<16xi32>
      %add3A_419 = arith.addi %mul3A_157, %add3A_418 : vector<16xi32>
      %gather3A_420 = tpu.vector_load_idx %arg8[%add3A_419] : memref<32760xf32, #tpu.memory_space<vmem>>[vector<16xi32>], vector<16xf32>,
      %gt3A_421 = arith.cmpf ogt, %gather3A_420, %select_n3A_413 : vector<16xf32>
      %select_n3A_422 = arith.select %gt3A_421, %gather3A_420, %select_n3A_413 : vector<16xi1>, vector<16xf32>
      %jit3A_423 = arith.constant 29 : i32
      %broadcast_in_dim3A_424 = vector.broadcast %jit3A_423 : i32 to vector<16xi32>
      %select_n3A_425 = arith.select %gt3A_421, %broadcast_in_dim3A_424, %select_n3A_416 : vector<16xi1>, vector<16xi32>
      %add3A_426 = arith.constant 33 : i32
      %add3A_427 = vector.broadcast %add3A_426 : i32 to vector<16xi32>
      %add3A_428 = arith.addi %mul3A_157, %add3A_427 : vector<16xi32>
      %gather3A_429 = tpu.vector_load_idx %arg8[%add3A_428] : memref<32760xf32, #tpu.memory_space<vmem>>[vector<16xi32>], vector<16xf32>,
      %gt3A_430 = arith.cmpf ogt, %gather3A_429, %select_n3A_422 : vector<16xf32>
      %select_n3A_431 = arith.select %gt3A_430, %gather3A_429, %select_n3A_422 : vector<16xi1>, vector<16xf32>
      %jit3A_432 = arith.constant 33 : i32
      %broadcast_in_dim3A_433 = vector.broadcast %jit3A_432 : i32 to vector<16xi32>
      %select_n3A_434 = arith.select %gt3A_430, %broadcast_in_dim3A_433, %select_n3A_425 : vector<16xi1>, vector<16xi32>
      %add3A_435 = arith.constant 37 : i32
      %add3A_436 = vector.broadcast %add3A_435 : i32 to vector<16xi32>
      %add3A_437 = arith.addi %mul3A_157, %add3A_436 : vector<16xi32>
      %gather3A_438 = tpu.vector_load_idx %arg8[%add3A_437] : memref<32760xf32, #tpu.memory_space<vmem>>[vector<16xi32>], vector<16xf32>,
      %gt3A_439 = arith.cmpf ogt, %gather3A_438, %select_n3A_431 : vector<16xf32>
      %select_n3A_440 = arith.select %gt3A_439, %gather3A_438, %select_n3A_431 : vector<16xi1>, vector<16xf32>
      %jit3A_441 = arith.constant 37 : i32
      %broadcast_in_dim3A_442 = vector.broadcast %jit3A_441 : i32 to vector<16xi32>
      %select_n3A_443 = arith.select %gt3A_439, %broadcast_in_dim3A_442, %select_n3A_434 : vector<16xi1>, vector<16xi32>
      %add3A_444 = arith.constant 41 : i32
      %add3A_445 = vector.broadcast %add3A_444 : i32 to vector<16xi32>
      %add3A_446 = arith.addi %mul3A_157, %add3A_445 : vector<16xi32>
      %gather3A_447 = tpu.vector_load_idx %arg8[%add3A_446] : memref<32760xf32, #tpu.memory_space<vmem>>[vector<16xi32>], vector<16xf32>,
      %gt3A_448 = arith.cmpf ogt, %gather3A_447, %select_n3A_440 : vector<16xf32>
      %select_n3A_449 = arith.select %gt3A_448, %gather3A_447, %select_n3A_440 : vector<16xi1>, vector<16xf32>
      %jit3A_450 = arith.constant 41 : i32
      %broadcast_in_dim3A_451 = vector.broadcast %jit3A_450 : i32 to vector<16xi32>
      %select_n3A_452 = arith.select %gt3A_448, %broadcast_in_dim3A_451, %select_n3A_443 : vector<16xi1>, vector<16xi32>
      %add3A_453 = arith.constant 45 : i32
      %add3A_454 = vector.broadcast %add3A_453 : i32 to vector<16xi32>
      %add3A_455 = arith.addi %mul3A_157, %add3A_454 : vector<16xi32>
      %gather3A_456 = tpu.vector_load_idx %arg8[%add3A_455] : memref<32760xf32, #tpu.memory_space<vmem>>[vector<16xi32>], vector<16xf32>,
      %gt3A_457 = arith.cmpf ogt, %gather3A_456, %select_n3A_449 : vector<16xf32>
      %select_n3A_458 = arith.select %gt3A_457, %gather3A_456, %select_n3A_449 : vector<16xi1>, vector<16xf32>
      %jit3A_459 = arith.constant 45 : i32
      %broadcast_in_dim3A_460 = vector.broadcast %jit3A_459 : i32 to vector<16xi32>
      %select_n3A_461 = arith.select %gt3A_457, %broadcast_in_dim3A_460, %select_n3A_452 : vector<16xi1>, vector<16xi32>
      %add3A_462 = arith.constant 49 : i32
      %add3A_463 = vector.broadcast %add3A_462 : i32 to vector<16xi32>
      %add3A_464 = arith.addi %mul3A_157, %add3A_463 : vector<16xi32>
      %gather3A_465 = tpu.vector_load_idx %arg8[%add3A_464] : memref<32760xf32, #tpu.memory_space<vmem>>[vector<16xi32>], vector<16xf32>,
      %gt3A_466 = arith.cmpf ogt, %gather3A_465, %select_n3A_458 : vector<16xf32>
      %select_n3A_467 = arith.select %gt3A_466, %gather3A_465, %select_n3A_458 : vector<16xi1>, vector<16xf32>
      %jit3A_468 = arith.constant 49 : i32
      %broadcast_in_dim3A_469 = vector.broadcast %jit3A_468 : i32 to vector<16xi32>
      %select_n3A_470 = arith.select %gt3A_466, %broadcast_in_dim3A_469, %select_n3A_461 : vector<16xi1>, vector<16xi32>
      %add3A_471 = arith.constant 53 : i32
      %add3A_472 = vector.broadcast %add3A_471 : i32 to vector<16xi32>
      %add3A_473 = arith.addi %mul3A_157, %add3A_472 : vector<16xi32>
      %gather3A_474 = tpu.vector_load_idx %arg8[%add3A_473] : memref<32760xf32, #tpu.memory_space<vmem>>[vector<16xi32>], vector<16xf32>,
      %gt3A_475 = arith.cmpf ogt, %gather3A_474, %select_n3A_467 : vector<16xf32>
      %select_n3A_476 = arith.select %gt3A_475, %gather3A_474, %select_n3A_467 : vector<16xi1>, vector<16xf32>
      %jit3A_477 = arith.constant 53 : i32
      %broadcast_in_dim3A_478 = vector.broadcast %jit3A_477 : i32 to vector<16xi32>
      %select_n3A_479 = arith.select %gt3A_475, %broadcast_in_dim3A_478, %select_n3A_470 : vector<16xi1>, vector<16xi32>
      %add3A_480 = arith.constant 57 : i32
      %add3A_481 = vector.broadcast %add3A_480 : i32 to vector<16xi32>
      %add3A_482 = arith.addi %mul3A_157, %add3A_481 : vector<16xi32>
      %gather3A_483 = tpu.vector_load_idx %arg8[%add3A_482] : memref<32760xf32, #tpu.memory_space<vmem>>[vector<16xi32>], vector<16xf32>,
      %gt3A_484 = arith.cmpf ogt, %gather3A_483, %select_n3A_476 : vector<16xf32>
      %select_n3A_485 = arith.select %gt3A_484, %gather3A_483, %select_n3A_476 : vector<16xi1>, vector<16xf32>
      %jit3A_486 = arith.constant 57 : i32
      %broadcast_in_dim3A_487 = vector.broadcast %jit3A_486 : i32 to vector<16xi32>
      %select_n3A_488 = arith.select %gt3A_484, %broadcast_in_dim3A_487, %select_n3A_479 : vector<16xi1>, vector<16xi32>
      %add3A_489 = arith.constant 61 : i32
      %add3A_490 = vector.broadcast %add3A_489 : i32 to vector<16xi32>
      %add3A_491 = arith.addi %mul3A_157, %add3A_490 : vector<16xi32>
      %gather3A_492 = tpu.vector_load_idx %arg8[%add3A_491] : memref<32760xf32, #tpu.memory_space<vmem>>[vector<16xi32>], vector<16xf32>,
      %gt3A_493 = arith.cmpf ogt, %gather3A_492, %select_n3A_485 : vector<16xf32>
      %select_n3A_494 = arith.select %gt3A_493, %gather3A_492, %select_n3A_485 : vector<16xi1>, vector<16xf32>
      %jit3A_495 = arith.constant 61 : i32
      %broadcast_in_dim3A_496 = vector.broadcast %jit3A_495 : i32 to vector<16xi32>
      %select_n3A_497 = arith.select %gt3A_493, %broadcast_in_dim3A_496, %select_n3A_488 : vector<16xi1>, vector<16xi32>
      %add3A_498 = arith.constant 65 : i32
      %add3A_499 = vector.broadcast %add3A_498 : i32 to vector<16xi32>
      %add3A_500 = arith.addi %mul3A_157, %add3A_499 : vector<16xi32>
      %gather3A_501 = tpu.vector_load_idx %arg8[%add3A_500] : memref<32760xf32, #tpu.memory_space<vmem>>[vector<16xi32>], vector<16xf32>,
      %gt3A_502 = arith.cmpf ogt, %gather3A_501, %select_n3A_494 : vector<16xf32>
      %select_n3A_503 = arith.select %gt3A_502, %gather3A_501, %select_n3A_494 : vector<16xi1>, vector<16xf32>
      %jit3A_504 = arith.constant 65 : i32
      %broadcast_in_dim3A_505 = vector.broadcast %jit3A_504 : i32 to vector<16xi32>
      %select_n3A_506 = arith.select %gt3A_502, %broadcast_in_dim3A_505, %select_n3A_497 : vector<16xi1>, vector<16xi32>
      %add3A_507 = arith.constant 69 : i32
      %add3A_508 = vector.broadcast %add3A_507 : i32 to vector<16xi32>
      %add3A_509 = arith.addi %mul3A_157, %add3A_508 : vector<16xi32>
      %gather3A_510 = tpu.vector_load_idx %arg8[%add3A_509] : memref<32760xf32, #tpu.memory_space<vmem>>[vector<16xi32>], vector<16xf32>,
      %gt3A_511 = arith.cmpf ogt, %gather3A_510, %select_n3A_503 : vector<16xf32>
      %select_n3A_512 = arith.select %gt3A_511, %gather3A_510, %select_n3A_503 : vector<16xi1>, vector<16xf32>
      %jit3A_513 = arith.constant 69 : i32
      %broadcast_in_dim3A_514 = vector.broadcast %jit3A_513 : i32 to vector<16xi32>
      %select_n3A_515 = arith.select %gt3A_511, %broadcast_in_dim3A_514, %select_n3A_506 : vector<16xi1>, vector<16xi32>
      %add3A_516 = arith.constant 73 : i32
      %add3A_517 = vector.broadcast %add3A_516 : i32 to vector<16xi32>
      %add3A_518 = arith.addi %mul3A_157, %add3A_517 : vector<16xi32>
      %gather3A_519 = tpu.vector_load_idx %arg8[%add3A_518] : memref<32760xf32, #tpu.memory_space<vmem>>[vector<16xi32>], vector<16xf32>,
      %gt3A_520 = arith.cmpf ogt, %gather3A_519, %select_n3A_512 : vector<16xf32>
      %select_n3A_521 = arith.select %gt3A_520, %gather3A_519, %select_n3A_512 : vector<16xi1>, vector<16xf32>
      %jit3A_522 = arith.constant 73 : i32
      %broadcast_in_dim3A_523 = vector.broadcast %jit3A_522 : i32 to vector<16xi32>
      %select_n3A_524 = arith.select %gt3A_520, %broadcast_in_dim3A_523, %select_n3A_515 : vector<16xi1>, vector<16xi32>
      %add3A_525 = arith.constant 77 : i32
      %add3A_526 = vector.broadcast %add3A_525 : i32 to vector<16xi32>
      %add3A_527 = arith.addi %mul3A_157, %add3A_526 : vector<16xi32>
      %gather3A_528 = tpu.vector_load_idx %arg8[%add3A_527] : memref<32760xf32, #tpu.memory_space<vmem>>[vector<16xi32>], vector<16xf32>,
      %gt3A_529 = arith.cmpf ogt, %gather3A_528, %select_n3A_521 : vector<16xf32>
      %select_n3A_530 = arith.select %gt3A_529, %gather3A_528, %select_n3A_521 : vector<16xi1>, vector<16xf32>
      %jit3A_531 = arith.constant 77 : i32
      %broadcast_in_dim3A_532 = vector.broadcast %jit3A_531 : i32 to vector<16xi32>
      %select_n3A_533 = arith.select %gt3A_529, %broadcast_in_dim3A_532, %select_n3A_524 : vector<16xi1>, vector<16xi32>
      %add3A_534 = arith.constant 81 : i32
      %add3A_535 = vector.broadcast %add3A_534 : i32 to vector<16xi32>
      %add3A_536 = arith.addi %mul3A_157, %add3A_535 : vector<16xi32>
      %gather3A_537 = tpu.vector_load_idx %arg8[%add3A_536] : memref<32760xf32, #tpu.memory_space<vmem>>[vector<16xi32>], vector<16xf32>,
      %gt3A_538 = arith.cmpf ogt, %gather3A_537, %select_n3A_530 : vector<16xf32>
      %select_n3A_539 = arith.select %gt3A_538, %gather3A_537, %select_n3A_530 : vector<16xi1>, vector<16xf32>
      %jit3A_540 = arith.constant 81 : i32
      %broadcast_in_dim3A_541 = vector.broadcast %jit3A_540 : i32 to vector<16xi32>
      %select_n3A_542 = arith.select %gt3A_538, %broadcast_in_dim3A_541, %select_n3A_533 : vector<16xi1>, vector<16xi32>
      %add3A_543 = arith.constant 85 : i32
      %add3A_544 = vector.broadcast %add3A_543 : i32 to vector<16xi32>
      %add3A_545 = arith.addi %mul3A_157, %add3A_544 : vector<16xi32>
      %gather3A_546 = tpu.vector_load_idx %arg8[%add3A_545] : memref<32760xf32, #tpu.memory_space<vmem>>[vector<16xi32>], vector<16xf32>,
      %gt3A_547 = arith.cmpf ogt, %gather3A_546, %select_n3A_539 : vector<16xf32>
      %select_n3A_548 = arith.select %gt3A_547, %gather3A_546, %select_n3A_539 : vector<16xi1>, vector<16xf32>
      %jit3A_549 = arith.constant 85 : i32
      %broadcast_in_dim3A_550 = vector.broadcast %jit3A_549 : i32 to vector<16xi32>
      %select_n3A_551 = arith.select %gt3A_547, %broadcast_in_dim3A_550, %select_n3A_542 : vector<16xi1>, vector<16xi32>
      %add3A_552 = arith.constant 89 : i32
      %add3A_553 = vector.broadcast %add3A_552 : i32 to vector<16xi32>
      %add3A_554 = arith.addi %mul3A_157, %add3A_553 : vector<16xi32>
      %gather3A_555 = tpu.vector_load_idx %arg8[%add3A_554] : memref<32760xf32, #tpu.memory_space<vmem>>[vector<16xi32>], vector<16xf32>,
      %gt3A_556 = arith.cmpf ogt, %gather3A_555, %select_n3A_548 : vector<16xf32>
      %select_n3A_557 = arith.select %gt3A_556, %gather3A_555, %select_n3A_548 : vector<16xi1>, vector<16xf32>
      %jit3A_558 = arith.constant 89 : i32
      %broadcast_in_dim3A_559 = vector.broadcast %jit3A_558 : i32 to vector<16xi32>
      %select_n3A_560 = arith.select %gt3A_556, %broadcast_in_dim3A_559, %select_n3A_551 : vector<16xi1>, vector<16xi32>
      %add3A_561 = arith.constant 2 : i32
      %add3A_562 = vector.broadcast %add3A_561 : i32 to vector<16xi32>
      %add3A_563 = arith.addi %mul3A_157, %add3A_562 : vector<16xi32>
      %gather3A_564 = tpu.vector_load_idx %arg8[%add3A_563] : memref<32760xf32, #tpu.memory_space<vmem>>[vector<16xi32>], vector<16xf32>,
      %broadcast_in_dim3A_565 = arith.constant 2 : i32
      %broadcast_in_dim3A_566 = vector.broadcast %broadcast_in_dim3A_565 : i32 to vector<16xi32>
      %add3A_567 = arith.constant 6 : i32
      %add3A_568 = vector.broadcast %add3A_567 : i32 to vector<16xi32>
      %add3A_569 = arith.addi %mul3A_157, %add3A_568 : vector<16xi32>
      %gather3A_570 = tpu.vector_load_idx %arg8[%add3A_569] : memref<32760xf32, #tpu.memory_space<vmem>>[vector<16xi32>], vector<16xf32>,
      %gt3A_571 = arith.cmpf ogt, %gather3A_570, %gather3A_564 : vector<16xf32>
      %select_n3A_572 = arith.select %gt3A_571, %gather3A_570, %gather3A_564 : vector<16xi1>, vector<16xf32>
      %jit3A_573 = arith.constant 6 : i32
      %broadcast_in_dim3A_574 = vector.broadcast %jit3A_573 : i32 to vector<16xi32>
      %select_n3A_575 = arith.select %gt3A_571, %broadcast_in_dim3A_574, %broadcast_in_dim3A_566 : vector<16xi1>, vector<16xi32>
      %add3A_576 = arith.constant 10 : i32
      %add3A_577 = vector.broadcast %add3A_576 : i32 to vector<16xi32>
      %add3A_578 = arith.addi %mul3A_157, %add3A_577 : vector<16xi32>
      %gather3A_579 = tpu.vector_load_idx %arg8[%add3A_578] : memref<32760xf32, #tpu.memory_space<vmem>>[vector<16xi32>], vector<16xf32>,
      %gt3A_580 = arith.cmpf ogt, %gather3A_579, %select_n3A_572 : vector<16xf32>
      %select_n3A_581 = arith.select %gt3A_580, %gather3A_579, %select_n3A_572 : vector<16xi1>, vector<16xf32>
      %jit3A_582 = arith.constant 10 : i32
      %broadcast_in_dim3A_583 = vector.broadcast %jit3A_582 : i32 to vector<16xi32>
      %select_n3A_584 = arith.select %gt3A_580, %broadcast_in_dim3A_583, %select_n3A_575 : vector<16xi1>, vector<16xi32>
      %add3A_585 = arith.constant 14 : i32
      %add3A_586 = vector.broadcast %add3A_585 : i32 to vector<16xi32>
      %add3A_587 = arith.addi %mul3A_157, %add3A_586 : vector<16xi32>
      %gather3A_588 = tpu.vector_load_idx %arg8[%add3A_587] : memref<32760xf32, #tpu.memory_space<vmem>>[vector<16xi32>], vector<16xf32>,
      %gt3A_589 = arith.cmpf ogt, %gather3A_588, %select_n3A_581 : vector<16xf32>
      %select_n3A_590 = arith.select %gt3A_589, %gather3A_588, %select_n3A_581 : vector<16xi1>, vector<16xf32>
      %jit3A_591 = arith.constant 14 : i32
      %broadcast_in_dim3A_592 = vector.broadcast %jit3A_591 : i32 to vector<16xi32>
      %select_n3A_593 = arith.select %gt3A_589, %broadcast_in_dim3A_592, %select_n3A_584 : vector<16xi1>, vector<16xi32>
      %add3A_594 = arith.constant 18 : i32
      %add3A_595 = vector.broadcast %add3A_594 : i32 to vector<16xi32>
      %add3A_596 = arith.addi %mul3A_157, %add3A_595 : vector<16xi32>
      %gather3A_597 = tpu.vector_load_idx %arg8[%add3A_596] : memref<32760xf32, #tpu.memory_space<vmem>>[vector<16xi32>], vector<16xf32>,
      %gt3A_598 = arith.cmpf ogt, %gather3A_597, %select_n3A_590 : vector<16xf32>
      %select_n3A_599 = arith.select %gt3A_598, %gather3A_597, %select_n3A_590 : vector<16xi1>, vector<16xf32>
      %jit3A_600 = arith.constant 18 : i32
      %broadcast_in_dim3A_601 = vector.broadcast %jit3A_600 : i32 to vector<16xi32>
      %select_n3A_602 = arith.select %gt3A_598, %broadcast_in_dim3A_601, %select_n3A_593 : vector<16xi1>, vector<16xi32>
      %add3A_603 = arith.constant 22 : i32
      %add3A_604 = vector.broadcast %add3A_603 : i32 to vector<16xi32>
      %add3A_605 = arith.addi %mul3A_157, %add3A_604 : vector<16xi32>
      %gather3A_606 = tpu.vector_load_idx %arg8[%add3A_605] : memref<32760xf32, #tpu.memory_space<vmem>>[vector<16xi32>], vector<16xf32>,
      %gt3A_607 = arith.cmpf ogt, %gather3A_606, %select_n3A_599 : vector<16xf32>
      %select_n3A_608 = arith.select %gt3A_607, %gather3A_606, %select_n3A_599 : vector<16xi1>, vector<16xf32>
      %jit3A_609 = arith.constant 22 : i32
      %broadcast_in_dim3A_610 = vector.broadcast %jit3A_609 : i32 to vector<16xi32>
      %select_n3A_611 = arith.select %gt3A_607, %broadcast_in_dim3A_610, %select_n3A_602 : vector<16xi1>, vector<16xi32>
      %add3A_612 = arith.constant 26 : i32
      %add3A_613 = vector.broadcast %add3A_612 : i32 to vector<16xi32>
      %add3A_614 = arith.addi %mul3A_157, %add3A_613 : vector<16xi32>
      %gather3A_615 = tpu.vector_load_idx %arg8[%add3A_614] : memref<32760xf32, #tpu.memory_space<vmem>>[vector<16xi32>], vector<16xf32>,
      %gt3A_616 = arith.cmpf ogt, %gather3A_615, %select_n3A_608 : vector<16xf32>
      %select_n3A_617 = arith.select %gt3A_616, %gather3A_615, %select_n3A_608 : vector<16xi1>, vector<16xf32>
      %jit3A_618 = arith.constant 26 : i32
      %broadcast_in_dim3A_619 = vector.broadcast %jit3A_618 : i32 to vector<16xi32>
      %select_n3A_620 = arith.select %gt3A_616, %broadcast_in_dim3A_619, %select_n3A_611 : vector<16xi1>, vector<16xi32>
      %add3A_621 = arith.constant 30 : i32
      %add3A_622 = vector.broadcast %add3A_621 : i32 to vector<16xi32>
      %add3A_623 = arith.addi %mul3A_157, %add3A_622 : vector<16xi32>
      %gather3A_624 = tpu.vector_load_idx %arg8[%add3A_623] : memref<32760xf32, #tpu.memory_space<vmem>>[vector<16xi32>], vector<16xf32>,
      %gt3A_625 = arith.cmpf ogt, %gather3A_624, %select_n3A_617 : vector<16xf32>
      %select_n3A_626 = arith.select %gt3A_625, %gather3A_624, %select_n3A_617 : vector<16xi1>, vector<16xf32>
      %jit3A_627 = arith.constant 30 : i32
      %broadcast_in_dim3A_628 = vector.broadcast %jit3A_627 : i32 to vector<16xi32>
      %select_n3A_629 = arith.select %gt3A_625, %broadcast_in_dim3A_628, %select_n3A_620 : vector<16xi1>, vector<16xi32>
      %add3A_630 = arith.constant 34 : i32
      %add3A_631 = vector.broadcast %add3A_630 : i32 to vector<16xi32>
      %add3A_632 = arith.addi %mul3A_157, %add3A_631 : vector<16xi32>
      %gather3A_633 = tpu.vector_load_idx %arg8[%add3A_632] : memref<32760xf32, #tpu.memory_space<vmem>>[vector<16xi32>], vector<16xf32>,
      %gt3A_634 = arith.cmpf ogt, %gather3A_633, %select_n3A_626 : vector<16xf32>
      %select_n3A_635 = arith.select %gt3A_634, %gather3A_633, %select_n3A_626 : vector<16xi1>, vector<16xf32>
      %jit3A_636 = arith.constant 34 : i32
      %broadcast_in_dim3A_637 = vector.broadcast %jit3A_636 : i32 to vector<16xi32>
      %select_n3A_638 = arith.select %gt3A_634, %broadcast_in_dim3A_637, %select_n3A_629 : vector<16xi1>, vector<16xi32>
      %add3A_639 = arith.constant 38 : i32
      %add3A_640 = vector.broadcast %add3A_639 : i32 to vector<16xi32>
      %add3A_641 = arith.addi %mul3A_157, %add3A_640 : vector<16xi32>
      %gather3A_642 = tpu.vector_load_idx %arg8[%add3A_641] : memref<32760xf32, #tpu.memory_space<vmem>>[vector<16xi32>], vector<16xf32>,
      %gt3A_643 = arith.cmpf ogt, %gather3A_642, %select_n3A_635 : vector<16xf32>
      %select_n3A_644 = arith.select %gt3A_643, %gather3A_642, %select_n3A_635 : vector<16xi1>, vector<16xf32>
      %jit3A_645 = arith.constant 38 : i32
      %broadcast_in_dim3A_646 = vector.broadcast %jit3A_645 : i32 to vector<16xi32>
      %select_n3A_647 = arith.select %gt3A_643, %broadcast_in_dim3A_646, %select_n3A_638 : vector<16xi1>, vector<16xi32>
      %add3A_648 = arith.constant 42 : i32
      %add3A_649 = vector.broadcast %add3A_648 : i32 to vector<16xi32>
      %add3A_650 = arith.addi %mul3A_157, %add3A_649 : vector<16xi32>
      %gather3A_651 = tpu.vector_load_idx %arg8[%add3A_650] : memref<32760xf32, #tpu.memory_space<vmem>>[vector<16xi32>], vector<16xf32>,
      %gt3A_652 = arith.cmpf ogt, %gather3A_651, %select_n3A_644 : vector<16xf32>
      %select_n3A_653 = arith.select %gt3A_652, %gather3A_651, %select_n3A_644 : vector<16xi1>, vector<16xf32>
      %jit3A_654 = arith.constant 42 : i32
      %broadcast_in_dim3A_655 = vector.broadcast %jit3A_654 : i32 to vector<16xi32>
      %select_n3A_656 = arith.select %gt3A_652, %broadcast_in_dim3A_655, %select_n3A_647 : vector<16xi1>, vector<16xi32>
      %add3A_657 = arith.constant 46 : i32
      %add3A_658 = vector.broadcast %add3A_657 : i32 to vector<16xi32>
      %add3A_659 = arith.addi %mul3A_157, %add3A_658 : vector<16xi32>
      %gather3A_660 = tpu.vector_load_idx %arg8[%add3A_659] : memref<32760xf32, #tpu.memory_space<vmem>>[vector<16xi32>], vector<16xf32>,
      %gt3A_661 = arith.cmpf ogt, %gather3A_660, %select_n3A_653 : vector<16xf32>
      %select_n3A_662 = arith.select %gt3A_661, %gather3A_660, %select_n3A_653 : vector<16xi1>, vector<16xf32>
      %jit3A_663 = arith.constant 46 : i32
      %broadcast_in_dim3A_664 = vector.broadcast %jit3A_663 : i32 to vector<16xi32>
      %select_n3A_665 = arith.select %gt3A_661, %broadcast_in_dim3A_664, %select_n3A_656 : vector<16xi1>, vector<16xi32>
      %add3A_666 = arith.constant 50 : i32
      %add3A_667 = vector.broadcast %add3A_666 : i32 to vector<16xi32>
      %add3A_668 = arith.addi %mul3A_157, %add3A_667 : vector<16xi32>
      %gather3A_669 = tpu.vector_load_idx %arg8[%add3A_668] : memref<32760xf32, #tpu.memory_space<vmem>>[vector<16xi32>], vector<16xf32>,
      %gt3A_670 = arith.cmpf ogt, %gather3A_669, %select_n3A_662 : vector<16xf32>
      %select_n3A_671 = arith.select %gt3A_670, %gather3A_669, %select_n3A_662 : vector<16xi1>, vector<16xf32>
      %jit3A_672 = arith.constant 50 : i32
      %broadcast_in_dim3A_673 = vector.broadcast %jit3A_672 : i32 to vector<16xi32>
      %select_n3A_674 = arith.select %gt3A_670, %broadcast_in_dim3A_673, %select_n3A_665 : vector<16xi1>, vector<16xi32>
      %add3A_675 = arith.constant 54 : i32
      %add3A_676 = vector.broadcast %add3A_675 : i32 to vector<16xi32>
      %add3A_677 = arith.addi %mul3A_157, %add3A_676 : vector<16xi32>
      %gather3A_678 = tpu.vector_load_idx %arg8[%add3A_677] : memref<32760xf32, #tpu.memory_space<vmem>>[vector<16xi32>], vector<16xf32>,
      %gt3A_679 = arith.cmpf ogt, %gather3A_678, %select_n3A_671 : vector<16xf32>
      %select_n3A_680 = arith.select %gt3A_679, %gather3A_678, %select_n3A_671 : vector<16xi1>, vector<16xf32>
      %jit3A_681 = arith.constant 54 : i32
      %broadcast_in_dim3A_682 = vector.broadcast %jit3A_681 : i32 to vector<16xi32>
      %select_n3A_683 = arith.select %gt3A_679, %broadcast_in_dim3A_682, %select_n3A_674 : vector<16xi1>, vector<16xi32>
      %add3A_684 = arith.constant 58 : i32
      %add3A_685 = vector.broadcast %add3A_684 : i32 to vector<16xi32>
      %add3A_686 = arith.addi %mul3A_157, %add3A_685 : vector<16xi32>
      %gather3A_687 = tpu.vector_load_idx %arg8[%add3A_686] : memref<32760xf32, #tpu.memory_space<vmem>>[vector<16xi32>], vector<16xf32>,
      %gt3A_688 = arith.cmpf ogt, %gather3A_687, %select_n3A_680 : vector<16xf32>
      %select_n3A_689 = arith.select %gt3A_688, %gather3A_687, %select_n3A_680 : vector<16xi1>, vector<16xf32>
      %jit3A_690 = arith.constant 58 : i32
      %broadcast_in_dim3A_691 = vector.broadcast %jit3A_690 : i32 to vector<16xi32>
      %select_n3A_692 = arith.select %gt3A_688, %broadcast_in_dim3A_691, %select_n3A_683 : vector<16xi1>, vector<16xi32>
      %add3A_693 = arith.constant 62 : i32
      %add3A_694 = vector.broadcast %add3A_693 : i32 to vector<16xi32>
      %add3A_695 = arith.addi %mul3A_157, %add3A_694 : vector<16xi32>
      %gather3A_696 = tpu.vector_load_idx %arg8[%add3A_695] : memref<32760xf32, #tpu.memory_space<vmem>>[vector<16xi32>], vector<16xf32>,
      %gt3A_697 = arith.cmpf ogt, %gather3A_696, %select_n3A_689 : vector<16xf32>
      %select_n3A_698 = arith.select %gt3A_697, %gather3A_696, %select_n3A_689 : vector<16xi1>, vector<16xf32>
      %jit3A_699 = arith.constant 62 : i32
      %broadcast_in_dim3A_700 = vector.broadcast %jit3A_699 : i32 to vector<16xi32>
      %select_n3A_701 = arith.select %gt3A_697, %broadcast_in_dim3A_700, %select_n3A_692 : vector<16xi1>, vector<16xi32>
      %add3A_702 = arith.constant 66 : i32
      %add3A_703 = vector.broadcast %add3A_702 : i32 to vector<16xi32>
      %add3A_704 = arith.addi %mul3A_157, %add3A_703 : vector<16xi32>
      %gather3A_705 = tpu.vector_load_idx %arg8[%add3A_704] : memref<32760xf32, #tpu.memory_space<vmem>>[vector<16xi32>], vector<16xf32>,
      %gt3A_706 = arith.cmpf ogt, %gather3A_705, %select_n3A_698 : vector<16xf32>
      %select_n3A_707 = arith.select %gt3A_706, %gather3A_705, %select_n3A_698 : vector<16xi1>, vector<16xf32>
      %jit3A_708 = arith.constant 66 : i32
      %broadcast_in_dim3A_709 = vector.broadcast %jit3A_708 : i32 to vector<16xi32>
      %select_n3A_710 = arith.select %gt3A_706, %broadcast_in_dim3A_709, %select_n3A_701 : vector<16xi1>, vector<16xi32>
      %add3A_711 = arith.constant 70 : i32
      %add3A_712 = vector.broadcast %add3A_711 : i32 to vector<16xi32>
      %add3A_713 = arith.addi %mul3A_157, %add3A_712 : vector<16xi32>
      %gather3A_714 = tpu.vector_load_idx %arg8[%add3A_713] : memref<32760xf32, #tpu.memory_space<vmem>>[vector<16xi32>], vector<16xf32>,
      %gt3A_715 = arith.cmpf ogt, %gather3A_714, %select_n3A_707 : vector<16xf32>
      %select_n3A_716 = arith.select %gt3A_715, %gather3A_714, %select_n3A_707 : vector<16xi1>, vector<16xf32>
      %jit3A_717 = arith.constant 70 : i32
      %broadcast_in_dim3A_718 = vector.broadcast %jit3A_717 : i32 to vector<16xi32>
      %select_n3A_719 = arith.select %gt3A_715, %broadcast_in_dim3A_718, %select_n3A_710 : vector<16xi1>, vector<16xi32>
      %add3A_720 = arith.constant 74 : i32
      %add3A_721 = vector.broadcast %add3A_720 : i32 to vector<16xi32>
      %add3A_722 = arith.addi %mul3A_157, %add3A_721 : vector<16xi32>
      %gather3A_723 = tpu.vector_load_idx %arg8[%add3A_722] : memref<32760xf32, #tpu.memory_space<vmem>>[vector<16xi32>], vector<16xf32>,
      %gt3A_724 = arith.cmpf ogt, %gather3A_723, %select_n3A_716 : vector<16xf32>
      %select_n3A_725 = arith.select %gt3A_724, %gather3A_723, %select_n3A_716 : vector<16xi1>, vector<16xf32>
      %jit3A_726 = arith.constant 74 : i32
      %broadcast_in_dim3A_727 = vector.broadcast %jit3A_726 : i32 to vector<16xi32>
      %select_n3A_728 = arith.select %gt3A_724, %broadcast_in_dim3A_727, %select_n3A_719 : vector<16xi1>, vector<16xi32>
      %add3A_729 = arith.constant 78 : i32
      %add3A_730 = vector.broadcast %add3A_729 : i32 to vector<16xi32>
      %add3A_731 = arith.addi %mul3A_157, %add3A_730 : vector<16xi32>
      %gather3A_732 = tpu.vector_load_idx %arg8[%add3A_731] : memref<32760xf32, #tpu.memory_space<vmem>>[vector<16xi32>], vector<16xf32>,
      %gt3A_733 = arith.cmpf ogt, %gather3A_732, %select_n3A_725 : vector<16xf32>
      %select_n3A_734 = arith.select %gt3A_733, %gather3A_732, %select_n3A_725 : vector<16xi1>, vector<16xf32>
      %jit3A_735 = arith.constant 78 : i32
      %broadcast_in_dim3A_736 = vector.broadcast %jit3A_735 : i32 to vector<16xi32>
      %select_n3A_737 = arith.select %gt3A_733, %broadcast_in_dim3A_736, %select_n3A_728 : vector<16xi1>, vector<16xi32>
      %add3A_738 = arith.constant 82 : i32
      %add3A_739 = vector.broadcast %add3A_738 : i32 to vector<16xi32>
      %add3A_740 = arith.addi %mul3A_157, %add3A_739 : vector<16xi32>
      %gather3A_741 = tpu.vector_load_idx %arg8[%add3A_740] : memref<32760xf32, #tpu.memory_space<vmem>>[vector<16xi32>], vector<16xf32>,
      %gt3A_742 = arith.cmpf ogt, %gather3A_741, %select_n3A_734 : vector<16xf32>
      %select_n3A_743 = arith.select %gt3A_742, %gather3A_741, %select_n3A_734 : vector<16xi1>, vector<16xf32>
      %jit3A_744 = arith.constant 82 : i32
      %broadcast_in_dim3A_745 = vector.broadcast %jit3A_744 : i32 to vector<16xi32>
      %select_n3A_746 = arith.select %gt3A_742, %broadcast_in_dim3A_745, %select_n3A_737 : vector<16xi1>, vector<16xi32>
      %add3A_747 = arith.constant 86 : i32
      %add3A_748 = vector.broadcast %add3A_747 : i32 to vector<16xi32>
      %add3A_749 = arith.addi %mul3A_157, %add3A_748 : vector<16xi32>
      %gather3A_750 = tpu.vector_load_idx %arg8[%add3A_749] : memref<32760xf32, #tpu.memory_space<vmem>>[vector<16xi32>], vector<16xf32>,
      %gt3A_751 = arith.cmpf ogt, %gather3A_750, %select_n3A_743 : vector<16xf32>
      %select_n3A_752 = arith.select %gt3A_751, %gather3A_750, %select_n3A_743 : vector<16xi1>, vector<16xf32>
      %jit3A_753 = arith.constant 86 : i32
      %broadcast_in_dim3A_754 = vector.broadcast %jit3A_753 : i32 to vector<16xi32>
      %select_n3A_755 = arith.select %gt3A_751, %broadcast_in_dim3A_754, %select_n3A_746 : vector<16xi1>, vector<16xi32>
      %add3A_756 = arith.constant 90 : i32
      %add3A_757 = vector.broadcast %add3A_756 : i32 to vector<16xi32>
      %add3A_758 = arith.addi %mul3A_157, %add3A_757 : vector<16xi32>
      %gather3A_759 = tpu.vector_load_idx %arg8[%add3A_758] : memref<32760xf32, #tpu.memory_space<vmem>>[vector<16xi32>], vector<16xf32>,
      %gt3A_760 = arith.cmpf ogt, %gather3A_759, %select_n3A_752 : vector<16xf32>
      %select_n3A_761 = arith.select %gt3A_760, %gather3A_759, %select_n3A_752 : vector<16xi1>, vector<16xf32>
      %jit3A_762 = arith.constant 90 : i32
      %broadcast_in_dim3A_763 = vector.broadcast %jit3A_762 : i32 to vector<16xi32>
      %select_n3A_764 = arith.select %gt3A_760, %broadcast_in_dim3A_763, %select_n3A_755 : vector<16xi1>, vector<16xi32>
      %add3A_765 = arith.constant 3 : i32
      %add3A_766 = vector.broadcast %add3A_765 : i32 to vector<16xi32>
      %add3A_767 = arith.addi %mul3A_157, %add3A_766 : vector<16xi32>
      %gather3A_768 = tpu.vector_load_idx %arg8[%add3A_767] : memref<32760xf32, #tpu.memory_space<vmem>>[vector<16xi32>], vector<16xf32>,
      %broadcast_in_dim3A_769 = arith.constant 3 : i32
      %broadcast_in_dim3A_770 = vector.broadcast %broadcast_in_dim3A_769 : i32 to vector<16xi32>
      %add3A_771 = arith.constant 7 : i32
      %add3A_772 = vector.broadcast %add3A_771 : i32 to vector<16xi32>
      %add3A_773 = arith.addi %mul3A_157, %add3A_772 : vector<16xi32>
      %gather3A_774 = tpu.vector_load_idx %arg8[%add3A_773] : memref<32760xf32, #tpu.memory_space<vmem>>[vector<16xi32>], vector<16xf32>,
      %gt3A_775 = arith.cmpf ogt, %gather3A_774, %gather3A_768 : vector<16xf32>
      %select_n3A_776 = arith.select %gt3A_775, %gather3A_774, %gather3A_768 : vector<16xi1>, vector<16xf32>
      %jit3A_777 = arith.constant 7 : i32
      %broadcast_in_dim3A_778 = vector.broadcast %jit3A_777 : i32 to vector<16xi32>
      %select_n3A_779 = arith.select %gt3A_775, %broadcast_in_dim3A_778, %broadcast_in_dim3A_770 : vector<16xi1>, vector<16xi32>
      %add3A_780 = arith.constant 11 : i32
      %add3A_781 = vector.broadcast %add3A_780 : i32 to vector<16xi32>
      %add3A_782 = arith.addi %mul3A_157, %add3A_781 : vector<16xi32>
      %gather3A_783 = tpu.vector_load_idx %arg8[%add3A_782] : memref<32760xf32, #tpu.memory_space<vmem>>[vector<16xi32>], vector<16xf32>,
      %gt3A_784 = arith.cmpf ogt, %gather3A_783, %select_n3A_776 : vector<16xf32>
      %select_n3A_785 = arith.select %gt3A_784, %gather3A_783, %select_n3A_776 : vector<16xi1>, vector<16xf32>
      %jit3A_786 = arith.constant 11 : i32
      %broadcast_in_dim3A_787 = vector.broadcast %jit3A_786 : i32 to vector<16xi32>
      %select_n3A_788 = arith.select %gt3A_784, %broadcast_in_dim3A_787, %select_n3A_779 : vector<16xi1>, vector<16xi32>
      %add3A_789 = arith.constant 15 : i32
      %add3A_790 = vector.broadcast %add3A_789 : i32 to vector<16xi32>
      %add3A_791 = arith.addi %mul3A_157, %add3A_790 : vector<16xi32>
      %gather3A_792 = tpu.vector_load_idx %arg8[%add3A_791] : memref<32760xf32, #tpu.memory_space<vmem>>[vector<16xi32>], vector<16xf32>,
      %gt3A_793 = arith.cmpf ogt, %gather3A_792, %select_n3A_785 : vector<16xf32>
      %select_n3A_794 = arith.select %gt3A_793, %gather3A_792, %select_n3A_785 : vector<16xi1>, vector<16xf32>
      %jit3A_795 = arith.constant 15 : i32
      %broadcast_in_dim3A_796 = vector.broadcast %jit3A_795 : i32 to vector<16xi32>
      %select_n3A_797 = arith.select %gt3A_793, %broadcast_in_dim3A_796, %select_n3A_788 : vector<16xi1>, vector<16xi32>
      %add3A_798 = arith.constant 19 : i32
      %add3A_799 = vector.broadcast %add3A_798 : i32 to vector<16xi32>
      %add3A_800 = arith.addi %mul3A_157, %add3A_799 : vector<16xi32>
      %gather3A_801 = tpu.vector_load_idx %arg8[%add3A_800] : memref<32760xf32, #tpu.memory_space<vmem>>[vector<16xi32>], vector<16xf32>,
      %gt3A_802 = arith.cmpf ogt, %gather3A_801, %select_n3A_794 : vector<16xf32>
      %select_n3A_803 = arith.select %gt3A_802, %gather3A_801, %select_n3A_794 : vector<16xi1>, vector<16xf32>
      %jit3A_804 = arith.constant 19 : i32
      %broadcast_in_dim3A_805 = vector.broadcast %jit3A_804 : i32 to vector<16xi32>
      %select_n3A_806 = arith.select %gt3A_802, %broadcast_in_dim3A_805, %select_n3A_797 : vector<16xi1>, vector<16xi32>
      %add3A_807 = arith.constant 23 : i32
      %add3A_808 = vector.broadcast %add3A_807 : i32 to vector<16xi32>
      %add3A_809 = arith.addi %mul3A_157, %add3A_808 : vector<16xi32>
      %gather3A_810 = tpu.vector_load_idx %arg8[%add3A_809] : memref<32760xf32, #tpu.memory_space<vmem>>[vector<16xi32>], vector<16xf32>,
      %gt3A_811 = arith.cmpf ogt, %gather3A_810, %select_n3A_803 : vector<16xf32>
      %select_n3A_812 = arith.select %gt3A_811, %gather3A_810, %select_n3A_803 : vector<16xi1>, vector<16xf32>
      %jit3A_813 = arith.constant 23 : i32
      %broadcast_in_dim3A_814 = vector.broadcast %jit3A_813 : i32 to vector<16xi32>
      %select_n3A_815 = arith.select %gt3A_811, %broadcast_in_dim3A_814, %select_n3A_806 : vector<16xi1>, vector<16xi32>
      %add3A_816 = arith.constant 27 : i32
      %add3A_817 = vector.broadcast %add3A_816 : i32 to vector<16xi32>
      %add3A_818 = arith.addi %mul3A_157, %add3A_817 : vector<16xi32>
      %gather3A_819 = tpu.vector_load_idx %arg8[%add3A_818] : memref<32760xf32, #tpu.memory_space<vmem>>[vector<16xi32>], vector<16xf32>,
      %gt3A_820 = arith.cmpf ogt, %gather3A_819, %select_n3A_812 : vector<16xf32>
      %select_n3A_821 = arith.select %gt3A_820, %gather3A_819, %select_n3A_812 : vector<16xi1>, vector<16xf32>
      %jit3A_822 = arith.constant 27 : i32
      %broadcast_in_dim3A_823 = vector.broadcast %jit3A_822 : i32 to vector<16xi32>
      %select_n3A_824 = arith.select %gt3A_820, %broadcast_in_dim3A_823, %select_n3A_815 : vector<16xi1>, vector<16xi32>
      %add3A_825 = arith.constant 31 : i32
      %add3A_826 = vector.broadcast %add3A_825 : i32 to vector<16xi32>
      %add3A_827 = arith.addi %mul3A_157, %add3A_826 : vector<16xi32>
      %gather3A_828 = tpu.vector_load_idx %arg8[%add3A_827] : memref<32760xf32, #tpu.memory_space<vmem>>[vector<16xi32>], vector<16xf32>,
      %gt3A_829 = arith.cmpf ogt, %gather3A_828, %select_n3A_821 : vector<16xf32>
      %select_n3A_830 = arith.select %gt3A_829, %gather3A_828, %select_n3A_821 : vector<16xi1>, vector<16xf32>
      %jit3A_831 = arith.constant 31 : i32
      %broadcast_in_dim3A_832 = vector.broadcast %jit3A_831 : i32 to vector<16xi32>
      %select_n3A_833 = arith.select %gt3A_829, %broadcast_in_dim3A_832, %select_n3A_824 : vector<16xi1>, vector<16xi32>
      %add3A_834 = arith.constant 35 : i32
      %add3A_835 = vector.broadcast %add3A_834 : i32 to vector<16xi32>
      %add3A_836 = arith.addi %mul3A_157, %add3A_835 : vector<16xi32>
      %gather3A_837 = tpu.vector_load_idx %arg8[%add3A_836] : memref<32760xf32, #tpu.memory_space<vmem>>[vector<16xi32>], vector<16xf32>,
      %gt3A_838 = arith.cmpf ogt, %gather3A_837, %select_n3A_830 : vector<16xf32>
      %select_n3A_839 = arith.select %gt3A_838, %gather3A_837, %select_n3A_830 : vector<16xi1>, vector<16xf32>
      %jit3A_840 = arith.constant 35 : i32
      %broadcast_in_dim3A_841 = vector.broadcast %jit3A_840 : i32 to vector<16xi32>
      %select_n3A_842 = arith.select %gt3A_838, %broadcast_in_dim3A_841, %select_n3A_833 : vector<16xi1>, vector<16xi32>
      %add3A_843 = arith.constant 39 : i32
      %add3A_844 = vector.broadcast %add3A_843 : i32 to vector<16xi32>
      %add3A_845 = arith.addi %mul3A_157, %add3A_844 : vector<16xi32>
      %gather3A_846 = tpu.vector_load_idx %arg8[%add3A_845] : memref<32760xf32, #tpu.memory_space<vmem>>[vector<16xi32>], vector<16xf32>,
      %gt3A_847 = arith.cmpf ogt, %gather3A_846, %select_n3A_839 : vector<16xf32>
      %select_n3A_848 = arith.select %gt3A_847, %gather3A_846, %select_n3A_839 : vector<16xi1>, vector<16xf32>
      %jit3A_849 = arith.constant 39 : i32
      %broadcast_in_dim3A_850 = vector.broadcast %jit3A_849 : i32 to vector<16xi32>
      %select_n3A_851 = arith.select %gt3A_847, %broadcast_in_dim3A_850, %select_n3A_842 : vector<16xi1>, vector<16xi32>
      %add3A_852 = arith.constant 43 : i32
      %add3A_853 = vector.broadcast %add3A_852 : i32 to vector<16xi32>
      %add3A_854 = arith.addi %mul3A_157, %add3A_853 : vector<16xi32>
      %gather3A_855 = tpu.vector_load_idx %arg8[%add3A_854] : memref<32760xf32, #tpu.memory_space<vmem>>[vector<16xi32>], vector<16xf32>,
      %gt3A_856 = arith.cmpf ogt, %gather3A_855, %select_n3A_848 : vector<16xf32>
      %select_n3A_857 = arith.select %gt3A_856, %gather3A_855, %select_n3A_848 : vector<16xi1>, vector<16xf32>
      %jit3A_858 = arith.constant 43 : i32
      %broadcast_in_dim3A_859 = vector.broadcast %jit3A_858 : i32 to vector<16xi32>
      %select_n3A_860 = arith.select %gt3A_856, %broadcast_in_dim3A_859, %select_n3A_851 : vector<16xi1>, vector<16xi32>
      %add3A_861 = arith.constant 47 : i32
      %add3A_862 = vector.broadcast %add3A_861 : i32 to vector<16xi32>
      %add3A_863 = arith.addi %mul3A_157, %add3A_862 : vector<16xi32>
      %gather3A_864 = tpu.vector_load_idx %arg8[%add3A_863] : memref<32760xf32, #tpu.memory_space<vmem>>[vector<16xi32>], vector<16xf32>,
      %gt3A_865 = arith.cmpf ogt, %gather3A_864, %select_n3A_857 : vector<16xf32>
      %select_n3A_866 = arith.select %gt3A_865, %gather3A_864, %select_n3A_857 : vector<16xi1>, vector<16xf32>
      %jit3A_867 = arith.constant 47 : i32
      %broadcast_in_dim3A_868 = vector.broadcast %jit3A_867 : i32 to vector<16xi32>
      %select_n3A_869 = arith.select %gt3A_865, %broadcast_in_dim3A_868, %select_n3A_860 : vector<16xi1>, vector<16xi32>
      %add3A_870 = arith.constant 51 : i32
      %add3A_871 = vector.broadcast %add3A_870 : i32 to vector<16xi32>
      %add3A_872 = arith.addi %mul3A_157, %add3A_871 : vector<16xi32>
      %gather3A_873 = tpu.vector_load_idx %arg8[%add3A_872] : memref<32760xf32, #tpu.memory_space<vmem>>[vector<16xi32>], vector<16xf32>,
      %gt3A_874 = arith.cmpf ogt, %gather3A_873, %select_n3A_866 : vector<16xf32>
      %select_n3A_875 = arith.select %gt3A_874, %gather3A_873, %select_n3A_866 : vector<16xi1>, vector<16xf32>
      %jit3A_876 = arith.constant 51 : i32
      %broadcast_in_dim3A_877 = vector.broadcast %jit3A_876 : i32 to vector<16xi32>
      %select_n3A_878 = arith.select %gt3A_874, %broadcast_in_dim3A_877, %select_n3A_869 : vector<16xi1>, vector<16xi32>
      %add3A_879 = arith.constant 55 : i32
      %add3A_880 = vector.broadcast %add3A_879 : i32 to vector<16xi32>
      %add3A_881 = arith.addi %mul3A_157, %add3A_880 : vector<16xi32>
      %gather3A_882 = tpu.vector_load_idx %arg8[%add3A_881] : memref<32760xf32, #tpu.memory_space<vmem>>[vector<16xi32>], vector<16xf32>,
      %gt3A_883 = arith.cmpf ogt, %gather3A_882, %select_n3A_875 : vector<16xf32>
      %select_n3A_884 = arith.select %gt3A_883, %gather3A_882, %select_n3A_875 : vector<16xi1>, vector<16xf32>
      %jit3A_885 = arith.constant 55 : i32
      %broadcast_in_dim3A_886 = vector.broadcast %jit3A_885 : i32 to vector<16xi32>
      %select_n3A_887 = arith.select %gt3A_883, %broadcast_in_dim3A_886, %select_n3A_878 : vector<16xi1>, vector<16xi32>
      %add3A_888 = arith.constant 59 : i32
      %add3A_889 = vector.broadcast %add3A_888 : i32 to vector<16xi32>
      %add3A_890 = arith.addi %mul3A_157, %add3A_889 : vector<16xi32>
      %gather3A_891 = tpu.vector_load_idx %arg8[%add3A_890] : memref<32760xf32, #tpu.memory_space<vmem>>[vector<16xi32>], vector<16xf32>,
      %gt3A_892 = arith.cmpf ogt, %gather3A_891, %select_n3A_884 : vector<16xf32>
      %select_n3A_893 = arith.select %gt3A_892, %gather3A_891, %select_n3A_884 : vector<16xi1>, vector<16xf32>
      %jit3A_894 = arith.constant 59 : i32
      %broadcast_in_dim3A_895 = vector.broadcast %jit3A_894 : i32 to vector<16xi32>
      %select_n3A_896 = arith.select %gt3A_892, %broadcast_in_dim3A_895, %select_n3A_887 : vector<16xi1>, vector<16xi32>
      %add3A_897 = arith.constant 63 : i32
      %add3A_898 = vector.broadcast %add3A_897 : i32 to vector<16xi32>
      %add3A_899 = arith.addi %mul3A_157, %add3A_898 : vector<16xi32>
      %gather3A_900 = tpu.vector_load_idx %arg8[%add3A_899] : memref<32760xf32, #tpu.memory_space<vmem>>[vector<16xi32>], vector<16xf32>,
      %gt3A_901 = arith.cmpf ogt, %gather3A_900, %select_n3A_893 : vector<16xf32>
      %select_n3A_902 = arith.select %gt3A_901, %gather3A_900, %select_n3A_893 : vector<16xi1>, vector<16xf32>
      %jit3A_903 = arith.constant 63 : i32
      %broadcast_in_dim3A_904 = vector.broadcast %jit3A_903 : i32 to vector<16xi32>
      %select_n3A_905 = arith.select %gt3A_901, %broadcast_in_dim3A_904, %select_n3A_896 : vector<16xi1>, vector<16xi32>
      %add3A_906 = arith.constant 67 : i32
      %add3A_907 = vector.broadcast %add3A_906 : i32 to vector<16xi32>
      %add3A_908 = arith.addi %mul3A_157, %add3A_907 : vector<16xi32>
      %gather3A_909 = tpu.vector_load_idx %arg8[%add3A_908] : memref<32760xf32, #tpu.memory_space<vmem>>[vector<16xi32>], vector<16xf32>,
      %gt3A_910 = arith.cmpf ogt, %gather3A_909, %select_n3A_902 : vector<16xf32>
      %select_n3A_911 = arith.select %gt3A_910, %gather3A_909, %select_n3A_902 : vector<16xi1>, vector<16xf32>
      %jit3A_912 = arith.constant 67 : i32
      %broadcast_in_dim3A_913 = vector.broadcast %jit3A_912 : i32 to vector<16xi32>
      %select_n3A_914 = arith.select %gt3A_910, %broadcast_in_dim3A_913, %select_n3A_905 : vector<16xi1>, vector<16xi32>
      %add3A_915 = arith.constant 71 : i32
      %add3A_916 = vector.broadcast %add3A_915 : i32 to vector<16xi32>
      %add3A_917 = arith.addi %mul3A_157, %add3A_916 : vector<16xi32>
      %gather3A_918 = tpu.vector_load_idx %arg8[%add3A_917] : memref<32760xf32, #tpu.memory_space<vmem>>[vector<16xi32>], vector<16xf32>,
      %gt3A_919 = arith.cmpf ogt, %gather3A_918, %select_n3A_911 : vector<16xf32>
      %select_n3A_920 = arith.select %gt3A_919, %gather3A_918, %select_n3A_911 : vector<16xi1>, vector<16xf32>
      %jit3A_921 = arith.constant 71 : i32
      %broadcast_in_dim3A_922 = vector.broadcast %jit3A_921 : i32 to vector<16xi32>
      %select_n3A_923 = arith.select %gt3A_919, %broadcast_in_dim3A_922, %select_n3A_914 : vector<16xi1>, vector<16xi32>
      %add3A_924 = arith.constant 75 : i32
      %add3A_925 = vector.broadcast %add3A_924 : i32 to vector<16xi32>
      %add3A_926 = arith.addi %mul3A_157, %add3A_925 : vector<16xi32>
      %gather3A_927 = tpu.vector_load_idx %arg8[%add3A_926] : memref<32760xf32, #tpu.memory_space<vmem>>[vector<16xi32>], vector<16xf32>,
      %gt3A_928 = arith.cmpf ogt, %gather3A_927, %select_n3A_920 : vector<16xf32>
      %select_n3A_929 = arith.select %gt3A_928, %gather3A_927, %select_n3A_920 : vector<16xi1>, vector<16xf32>
      %jit3A_930 = arith.constant 75 : i32
      %broadcast_in_dim3A_931 = vector.broadcast %jit3A_930 : i32 to vector<16xi32>
      %select_n3A_932 = arith.select %gt3A_928, %broadcast_in_dim3A_931, %select_n3A_923 : vector<16xi1>, vector<16xi32>
      %add3A_933 = arith.constant 79 : i32
      %add3A_934 = vector.broadcast %add3A_933 : i32 to vector<16xi32>
      %add3A_935 = arith.addi %mul3A_157, %add3A_934 : vector<16xi32>
      %gather3A_936 = tpu.vector_load_idx %arg8[%add3A_935] : memref<32760xf32, #tpu.memory_space<vmem>>[vector<16xi32>], vector<16xf32>,
      %gt3A_937 = arith.cmpf ogt, %gather3A_936, %select_n3A_929 : vector<16xf32>
      %select_n3A_938 = arith.select %gt3A_937, %gather3A_936, %select_n3A_929 : vector<16xi1>, vector<16xf32>
      %jit3A_939 = arith.constant 79 : i32
      %broadcast_in_dim3A_940 = vector.broadcast %jit3A_939 : i32 to vector<16xi32>
      %select_n3A_941 = arith.select %gt3A_937, %broadcast_in_dim3A_940, %select_n3A_932 : vector<16xi1>, vector<16xi32>
      %add3A_942 = arith.constant 83 : i32
      %add3A_943 = vector.broadcast %add3A_942 : i32 to vector<16xi32>
      %add3A_944 = arith.addi %mul3A_157, %add3A_943 : vector<16xi32>
      %gather3A_945 = tpu.vector_load_idx %arg8[%add3A_944] : memref<32760xf32, #tpu.memory_space<vmem>>[vector<16xi32>], vector<16xf32>,
      %gt3A_946 = arith.cmpf ogt, %gather3A_945, %select_n3A_938 : vector<16xf32>
      %select_n3A_947 = arith.select %gt3A_946, %gather3A_945, %select_n3A_938 : vector<16xi1>, vector<16xf32>
      %jit3A_948 = arith.constant 83 : i32
      %broadcast_in_dim3A_949 = vector.broadcast %jit3A_948 : i32 to vector<16xi32>
      %select_n3A_950 = arith.select %gt3A_946, %broadcast_in_dim3A_949, %select_n3A_941 : vector<16xi1>, vector<16xi32>
      %add3A_951 = arith.constant 87 : i32
      %add3A_952 = vector.broadcast %add3A_951 : i32 to vector<16xi32>
      %add3A_953 = arith.addi %mul3A_157, %add3A_952 : vector<16xi32>
      %gather3A_954 = tpu.vector_load_idx %arg8[%add3A_953] : memref<32760xf32, #tpu.memory_space<vmem>>[vector<16xi32>], vector<16xf32>,
      %gt3A_955 = arith.cmpf ogt, %gather3A_954, %select_n3A_947 : vector<16xf32>
      %select_n3A_956 = arith.select %gt3A_955, %gather3A_954, %select_n3A_947 : vector<16xi1>, vector<16xf32>
      %jit3A_957 = arith.constant 87 : i32
      %broadcast_in_dim3A_958 = vector.broadcast %jit3A_957 : i32 to vector<16xi32>
      %select_n3A_959 = arith.select %gt3A_955, %broadcast_in_dim3A_958, %select_n3A_950 : vector<16xi1>, vector<16xi32>
      %gt3A_960 = arith.cmpf ogt, %select_n3A_557, %select_n3A_353 : vector<16xf32>
      %eq3A = arith.cmpf oeq, %select_n3A_557, %select_n3A_353 : vector<16xf32>
      %lt3A = arith.cmpi slt, %select_n3A_560, %select_n3A_356 : vector<16xi32>
      %and3A = arith.andi %eq3A, %lt3A : vector<16xi1>
      %or3A = arith.ori %gt3A_960, %and3A : vector<16xi1>
      %select_n3A_961 = arith.select %or3A, %select_n3A_557, %select_n3A_353 : vector<16xi1>, vector<16xf32>
      %select_n3A_962 = arith.select %or3A, %select_n3A_560, %select_n3A_356 : vector<16xi1>, vector<16xi32>
      %gt3A_963 = arith.cmpf ogt, %select_n3A_956, %select_n3A_761 : vector<16xf32>
      %eq3A_964 = arith.cmpf oeq, %select_n3A_956, %select_n3A_761 : vector<16xf32>
      %lt3A_965 = arith.cmpi slt, %select_n3A_959, %select_n3A_764 : vector<16xi32>
      %and3A_966 = arith.andi %eq3A_964, %lt3A_965 : vector<16xi1>
      %or3A_967 = arith.ori %gt3A_963, %and3A_966 : vector<16xi1>
      %select_n3A_968 = arith.select %or3A_967, %select_n3A_956, %select_n3A_761 : vector<16xi1>, vector<16xf32>
      %select_n3A_969 = arith.select %or3A_967, %select_n3A_959, %select_n3A_764 : vector<16xi1>, vector<16xi32>
      %gt3A_970 = arith.cmpf ogt, %select_n3A_968, %select_n3A_961 : vector<16xf32>
      %eq3A_971 = arith.cmpf oeq, %select_n3A_968, %select_n3A_961 : vector<16xf32>
      %lt3A_972 = arith.cmpi slt, %select_n3A_969, %select_n3A_962 : vector<16xi32>
      %and3A_973 = arith.andi %eq3A_971, %lt3A_972 : vector<16xi1>
      %or3A_974 = arith.ori %gt3A_970, %and3A_973 : vector<16xi1>
      %select_n3A_975 = arith.select %or3A_974, %select_n3A_968, %select_n3A_961 : vector<16xi1>, vector<16xf32>
      %select_n3A_976 = arith.select %or3A_974, %select_n3A_969, %select_n3A_962 : vector<16xi1>, vector<16xi32>
      %neg3A = arith.constant 0.000000e+00 : f32
      %neg3A_977 = vector.broadcast %neg3A : f32 to vector<16xf32>
      %neg3A_978 = arith.subf %neg3A_977, %select_n3A_975 : vector<16xf32>
      %exp3A = math.exp %neg3A_978 : vector<16xf32>
      %add3A_979 = arith.constant 1.000000e+00 : f32
      %add3A_980 = vector.broadcast %add3A_979 : f32 to vector<16xf32>
      %add3A_981 = arith.addf %add3A_980, %exp3A : vector<16xf32>
      %div3A = arith.constant 1.000000e+00 : f32
      %div3A_982 = vector.broadcast %div3A : f32 to vector<16xf32>
      %div3A_983 = arith.divf %div3A_982, %add3A_981 : vector<16xf32>
      %ge3A = arith.constant 3.000000e-01 : f32
      %ge3A_984 = vector.broadcast %ge3A : f32 to vector<16xf32>
      %ge3A_985 = arith.cmpf oge, %div3A_983, %ge3A_984 : vector<16xf32>
      %mul3A_986 = arith.constant 4 : i32
      %mul3A_987 = vector.broadcast %mul3A_986 : i32 to vector<16xi32>
      %mul3A_988 = arith.muli %add3A_154, %mul3A_987 : vector<16xi32>
      %gather3A_989 = tpu.vector_load_idx %arg10[%mul3A_988] : memref<1440xf32, #tpu.memory_space<vmem>>[vector<16xi32>], vector<16xf32>,
      %add3A_990 = arith.constant 1 : i32
      %add3A_991 = vector.broadcast %add3A_990 : i32 to vector<16xi32>
      %add3A_992 = arith.addi %mul3A_988, %add3A_991 : vector<16xi32>
      %gather3A_993 = tpu.vector_load_idx %arg10[%add3A_992] : memref<1440xf32, #tpu.memory_space<vmem>>[vector<16xi32>], vector<16xf32>,
      %add3A_994 = arith.constant 2 : i32
      %add3A_995 = vector.broadcast %add3A_994 : i32 to vector<16xi32>
      %add3A_996 = arith.addi %mul3A_988, %add3A_995 : vector<16xi32>
      %gather3A_997 = tpu.vector_load_idx %arg10[%add3A_996] : memref<1440xf32, #tpu.memory_space<vmem>>[vector<16xi32>], vector<16xf32>,
      %add3A_998 = arith.constant 3 : i32
      %add3A_999 = vector.broadcast %add3A_998 : i32 to vector<16xi32>
      %add3A_1000 = arith.addi %mul3A_988, %add3A_999 : vector<16xi32>
      %gather3A_1001 = tpu.vector_load_idx %arg10[%add3A_1000] : memref<1440xf32, #tpu.memory_space<vmem>>[vector<16xi32>], vector<16xf32>,
      %mul3A_1002 = arith.constant 5.000000e-01 : f32
      %mul3A_1003 = vector.broadcast %mul3A_1002 : f32 to vector<16xf32>
      %mul3A_1004 = arith.mulf %mul3A_1003, %gather3A_997 : vector<16xf32>
      %sub3A = arith.subf %gather3A_989, %mul3A_1004 : vector<16xf32>
      %mul3A_1005 = arith.mulf %sub3A, %get3A_3 : vector<16xf32>
      %mul3A_1006 = arith.constant 5.000000e-01 : f32
      %mul3A_1007 = vector.broadcast %mul3A_1006 : f32 to vector<16xf32>
      %mul3A_1008 = arith.mulf %mul3A_1007, %gather3A_1001 : vector<16xf32>
      %sub3A_1009 = arith.subf %gather3A_993, %mul3A_1008 : vector<16xf32>
      %mul3A_1010 = arith.mulf %sub3A_1009, %get3A_5 : vector<16xf32>
      %mul3A_1011 = arith.mulf %gather3A_997, %get3A_3 : vector<16xf32>
      %mul3A_1012 = arith.mulf %gather3A_1001, %get3A_5 : vector<16xf32>
      %broadcast_in_dim3A_1013 = arith.constant 0.000000e+00 : f32
      %broadcast_in_dim3A_1014 = vector.broadcast %broadcast_in_dim3A_1013 : f32 to vector<16xf32>
      %mul3A_1015 = arith.constant 6 : i32
      %mul3A_1016 = vector.broadcast %mul3A_1015 : i32 to vector<16xi32>
      %mul3A_1017 = arith.muli %add3A_154, %mul3A_1016 : vector<16xi32>
      %convert_element_type3A = arith.sitofp %select_n3A_976 : vector<16xi32> to vector<16xf32>
      %add3A_1018 = arith.constant 0 : i32
      %add3A_1019 = vector.broadcast %add3A_1018 : i32 to vector<16xi32>
      %add3A_1020 = arith.addi %mul3A_1017, %add3A_1019 : vector<16xi32>
      %select_n3A_1021 = arith.select %ge3A_985, %convert_element_type3A, %broadcast_in_dim3A_1014 : vector<16xi1>, vector<16xf32>
      tpu.vector_store_idx %arg12[%add3A_1020], %select_n3A_1021 : memref<2160xf32, #tpu.memory_space<vmem>>[vector<16xi32>], vector<16xf32>,
      %add3A_1022 = arith.constant 1 : i32
      %add3A_1023 = vector.broadcast %add3A_1022 : i32 to vector<16xi32>
      %add3A_1024 = arith.addi %mul3A_1017, %add3A_1023 : vector<16xi32>
      %select_n3A_1025 = arith.select %ge3A_985, %div3A_983, %broadcast_in_dim3A_1014 : vector<16xi1>, vector<16xf32>
      tpu.vector_store_idx %arg12[%add3A_1024], %select_n3A_1025 : memref<2160xf32, #tpu.memory_space<vmem>>[vector<16xi32>], vector<16xf32>,
      %add3A_1026 = arith.constant 2 : i32
      %add3A_1027 = vector.broadcast %add3A_1026 : i32 to vector<16xi32>
      %add3A_1028 = arith.addi %mul3A_1017, %add3A_1027 : vector<16xi32>
      %select_n3A_1029 = arith.select %ge3A_985, %mul3A_1005, %broadcast_in_dim3A_1014 : vector<16xi1>, vector<16xf32>
      tpu.vector_store_idx %arg12[%add3A_1028], %select_n3A_1029 : memref<2160xf32, #tpu.memory_space<vmem>>[vector<16xi32>], vector<16xf32>,
      %add3A_1030 = arith.constant 3 : i32
      %add3A_1031 = vector.broadcast %add3A_1030 : i32 to vector<16xi32>
      %add3A_1032 = arith.addi %mul3A_1017, %add3A_1031 : vector<16xi32>
      %select_n3A_1033 = arith.select %ge3A_985, %mul3A_1010, %broadcast_in_dim3A_1014 : vector<16xi1>, vector<16xf32>
      tpu.vector_store_idx %arg12[%add3A_1032], %select_n3A_1033 : memref<2160xf32, #tpu.memory_space<vmem>>[vector<16xi32>], vector<16xf32>,
      %add3A_1034 = arith.constant 4 : i32
      %add3A_1035 = vector.broadcast %add3A_1034 : i32 to vector<16xi32>
      %add3A_1036 = arith.addi %mul3A_1017, %add3A_1035 : vector<16xi32>
      %select_n3A_1037 = arith.select %ge3A_985, %mul3A_1011, %broadcast_in_dim3A_1014 : vector<16xi1>, vector<16xf32>
      tpu.vector_store_idx %arg12[%add3A_1036], %select_n3A_1037 : memref<2160xf32, #tpu.memory_space<vmem>>[vector<16xi32>], vector<16xf32>,
      %add3A_1038 = arith.constant 5 : i32
      %add3A_1039 = vector.broadcast %add3A_1038 : i32 to vector<16xi32>
      %add3A_1040 = arith.addi %mul3A_1017, %add3A_1039 : vector<16xi32>
      %select_n3A_1041 = arith.select %ge3A_985, %mul3A_1012, %broadcast_in_dim3A_1014 : vector<16xi1>, vector<16xf32>
      tpu.vector_store_idx %arg12[%add3A_1040], %select_n3A_1041 : memref<2160xf32, #tpu.memory_space<vmem>>[vector<16xi32>], vector<16xf32>,
      %scan3A_1042 = arith.constant 0 : i32
      scf.yield %scan3A_1042 : i32
    }
    %scan3A_118 = arith.constant 23 : i32
    %add3A_119 = arith.constant 1080 : i32
    %add3A_120 = arith.addi %mul3A_2, %add3A_119 : i32
    %mul3A_121 = arith.constant 6 : i32
    %mul3A_122 = arith.muli %add3A_120, %mul3A_121 : i32
    %dma_start3A_123 = tpu.memref_slice %arg6[%mul3A_122] : memref<345600xf32, #tpu.memory_space<hbm>> -> memref<2160xf32, #tpu.memory_space<hbm>>
    %dma_start3A_124 = tpu.memref_slice %arg6[%mul3A_122] : memref<345600xf32, #tpu.memory_space<hbm>> -> memref<2160xf32, #tpu.memory_space<hbm>>
    tpu.enqueue_dma source(%arg12 : memref<2160xf32, #tpu.memory_space<vmem>>) target(%dma_start3A_124 : memref<2160xf32, #tpu.memory_space<hbm>>) target_semaphore(%arg20 : memref<!tpu.dma_semaphore, #tpu.memory_space<semaphore_mem>>)
    %dma_wait3A_125 = tpu.memref_slice %arg2[%mul3A_103] : memref<5241600xf32, #tpu.memory_space<hbm>> -> memref<32760xf32, #tpu.memory_space<hbm>>
    %dma_wait3A_126 = tpu.memref_slice %arg2[%mul3A_103] : memref<5241600xf32, #tpu.memory_space<hbm>> -> memref<32760xf32, #tpu.memory_space<hbm>>
    tpu.wait_dma2 semaphore(%arg15 : memref<!tpu.dma_semaphore, #tpu.memory_space<semaphore_mem>>) src(%dma_wait3A_126 : memref<32760xf32, #tpu.memory_space<hbm>>) dst(%arg7 : memref<32760xf32, #tpu.memory_space<vmem>>)
    %dma_wait3A_127 = tpu.memref_slice %arg3[%mul3A_107] : memref<230400xf32, #tpu.memory_space<hbm>> -> memref<1440xf32, #tpu.memory_space<hbm>>
    %dma_wait3A_128 = tpu.memref_slice %arg3[%mul3A_107] : memref<230400xf32, #tpu.memory_space<hbm>> -> memref<1440xf32, #tpu.memory_space<hbm>>
    tpu.wait_dma2 semaphore(%arg17 : memref<!tpu.dma_semaphore, #tpu.memory_space<semaphore_mem>>) src(%dma_wait3A_128 : memref<1440xf32, #tpu.memory_space<hbm>>) dst(%arg9 : memref<1440xf32, #tpu.memory_space<vmem>>)
    %dma_wait3A_129 = tpu.memref_slice %arg6[%mul3A_93] : memref<345600xf32, #tpu.memory_space<hbm>> -> memref<2160xf32, #tpu.memory_space<hbm>>
    %dma_wait3A_130 = tpu.memref_slice %arg6[%mul3A_93] : memref<345600xf32, #tpu.memory_space<hbm>> -> memref<2160xf32, #tpu.memory_space<hbm>>
    tpu.wait_dma2 semaphore(%arg19 : memref<!tpu.dma_semaphore, #tpu.memory_space<semaphore_mem>>) src(%arg11 : memref<2160xf32, #tpu.memory_space<vmem>>) dst(%dma_wait3A_130 : memref<2160xf32, #tpu.memory_space<hbm>>)
    %scan3A_131 = arith.constant 0 : i32
    %scan3A_132 = arith.constant 0 : i32
    %scan3A_133 = arith.constant 23 : i32
    %scan3A_134 = arith.addi %scan3A_132, %scan3A_133 : i32
    %scan3A_135 = arith.constant 1 : i32
    %scan3A_136 = scf.for %scan3A_148 = %scan3A_132 to %scan3A_134 step %scan3A_135 iter_args(%scan3A_149 = %scan3A_131) -> (i32)  : i32 {
      %mul3A_150 = arith.constant 16 : i32
      %mul3A_151 = arith.muli %scan3A_148, %mul3A_150 : i32
      %min3A = arith.constant 344 : i32
      %min3A_152 = arith.minsi %mul3A_151, %min3A : i32
      %iota3A = tpu.iota {dimensions = array<i32: 0>} : vector<16xi32>
      %add3A_153 = vector.broadcast %min3A_152 : i32 to vector<16xi32>
      %add3A_154 = arith.addi %add3A_153, %iota3A : vector<16xi32>
      %mul3A_155 = arith.constant 91 : i32
      %mul3A_156 = vector.broadcast %mul3A_155 : i32 to vector<16xi32>
      %mul3A_157 = arith.muli %add3A_154, %mul3A_156 : vector<16xi32>
      %add3A_158 = arith.constant 0 : i32
      %add3A_159 = vector.broadcast %add3A_158 : i32 to vector<16xi32>
      %add3A_160 = arith.addi %mul3A_157, %add3A_159 : vector<16xi32>
      %gather3A = tpu.vector_load_idx %arg7[%add3A_160] : memref<32760xf32, #tpu.memory_space<vmem>>[vector<16xi32>], vector<16xf32>,
      %broadcast_in_dim3A = arith.constant 0 : i32
      %broadcast_in_dim3A_161 = vector.broadcast %broadcast_in_dim3A : i32 to vector<16xi32>
      %add3A_162 = arith.constant 4 : i32
      %add3A_163 = vector.broadcast %add3A_162 : i32 to vector<16xi32>
      %add3A_164 = arith.addi %mul3A_157, %add3A_163 : vector<16xi32>
      %gather3A_165 = tpu.vector_load_idx %arg7[%add3A_164] : memref<32760xf32, #tpu.memory_space<vmem>>[vector<16xi32>], vector<16xf32>,
      %gt3A = arith.cmpf ogt, %gather3A_165, %gather3A : vector<16xf32>
      %select_n3A = arith.select %gt3A, %gather3A_165, %gather3A : vector<16xi1>, vector<16xf32>
      %jit3A = arith.constant 4 : i32
      %broadcast_in_dim3A_166 = vector.broadcast %jit3A : i32 to vector<16xi32>
      %select_n3A_167 = arith.select %gt3A, %broadcast_in_dim3A_166, %broadcast_in_dim3A_161 : vector<16xi1>, vector<16xi32>
      %add3A_168 = arith.constant 8 : i32
      %add3A_169 = vector.broadcast %add3A_168 : i32 to vector<16xi32>
      %add3A_170 = arith.addi %mul3A_157, %add3A_169 : vector<16xi32>
      %gather3A_171 = tpu.vector_load_idx %arg7[%add3A_170] : memref<32760xf32, #tpu.memory_space<vmem>>[vector<16xi32>], vector<16xf32>,
      %gt3A_172 = arith.cmpf ogt, %gather3A_171, %select_n3A : vector<16xf32>
      %select_n3A_173 = arith.select %gt3A_172, %gather3A_171, %select_n3A : vector<16xi1>, vector<16xf32>
      %jit3A_174 = arith.constant 8 : i32
      %broadcast_in_dim3A_175 = vector.broadcast %jit3A_174 : i32 to vector<16xi32>
      %select_n3A_176 = arith.select %gt3A_172, %broadcast_in_dim3A_175, %select_n3A_167 : vector<16xi1>, vector<16xi32>
      %add3A_177 = arith.constant 12 : i32
      %add3A_178 = vector.broadcast %add3A_177 : i32 to vector<16xi32>
      %add3A_179 = arith.addi %mul3A_157, %add3A_178 : vector<16xi32>
      %gather3A_180 = tpu.vector_load_idx %arg7[%add3A_179] : memref<32760xf32, #tpu.memory_space<vmem>>[vector<16xi32>], vector<16xf32>,
      %gt3A_181 = arith.cmpf ogt, %gather3A_180, %select_n3A_173 : vector<16xf32>
      %select_n3A_182 = arith.select %gt3A_181, %gather3A_180, %select_n3A_173 : vector<16xi1>, vector<16xf32>
      %jit3A_183 = arith.constant 12 : i32
      %broadcast_in_dim3A_184 = vector.broadcast %jit3A_183 : i32 to vector<16xi32>
      %select_n3A_185 = arith.select %gt3A_181, %broadcast_in_dim3A_184, %select_n3A_176 : vector<16xi1>, vector<16xi32>
      %add3A_186 = arith.constant 16 : i32
      %add3A_187 = vector.broadcast %add3A_186 : i32 to vector<16xi32>
      %add3A_188 = arith.addi %mul3A_157, %add3A_187 : vector<16xi32>
      %gather3A_189 = tpu.vector_load_idx %arg7[%add3A_188] : memref<32760xf32, #tpu.memory_space<vmem>>[vector<16xi32>], vector<16xf32>,
      %gt3A_190 = arith.cmpf ogt, %gather3A_189, %select_n3A_182 : vector<16xf32>
      %select_n3A_191 = arith.select %gt3A_190, %gather3A_189, %select_n3A_182 : vector<16xi1>, vector<16xf32>
      %jit3A_192 = arith.constant 16 : i32
      %broadcast_in_dim3A_193 = vector.broadcast %jit3A_192 : i32 to vector<16xi32>
      %select_n3A_194 = arith.select %gt3A_190, %broadcast_in_dim3A_193, %select_n3A_185 : vector<16xi1>, vector<16xi32>
      %add3A_195 = arith.constant 20 : i32
      %add3A_196 = vector.broadcast %add3A_195 : i32 to vector<16xi32>
      %add3A_197 = arith.addi %mul3A_157, %add3A_196 : vector<16xi32>
      %gather3A_198 = tpu.vector_load_idx %arg7[%add3A_197] : memref<32760xf32, #tpu.memory_space<vmem>>[vector<16xi32>], vector<16xf32>,
      %gt3A_199 = arith.cmpf ogt, %gather3A_198, %select_n3A_191 : vector<16xf32>
      %select_n3A_200 = arith.select %gt3A_199, %gather3A_198, %select_n3A_191 : vector<16xi1>, vector<16xf32>
      %jit3A_201 = arith.constant 20 : i32
      %broadcast_in_dim3A_202 = vector.broadcast %jit3A_201 : i32 to vector<16xi32>
      %select_n3A_203 = arith.select %gt3A_199, %broadcast_in_dim3A_202, %select_n3A_194 : vector<16xi1>, vector<16xi32>
      %add3A_204 = arith.constant 24 : i32
      %add3A_205 = vector.broadcast %add3A_204 : i32 to vector<16xi32>
      %add3A_206 = arith.addi %mul3A_157, %add3A_205 : vector<16xi32>
      %gather3A_207 = tpu.vector_load_idx %arg7[%add3A_206] : memref<32760xf32, #tpu.memory_space<vmem>>[vector<16xi32>], vector<16xf32>,
      %gt3A_208 = arith.cmpf ogt, %gather3A_207, %select_n3A_200 : vector<16xf32>
      %select_n3A_209 = arith.select %gt3A_208, %gather3A_207, %select_n3A_200 : vector<16xi1>, vector<16xf32>
      %jit3A_210 = arith.constant 24 : i32
      %broadcast_in_dim3A_211 = vector.broadcast %jit3A_210 : i32 to vector<16xi32>
      %select_n3A_212 = arith.select %gt3A_208, %broadcast_in_dim3A_211, %select_n3A_203 : vector<16xi1>, vector<16xi32>
      %add3A_213 = arith.constant 28 : i32
      %add3A_214 = vector.broadcast %add3A_213 : i32 to vector<16xi32>
      %add3A_215 = arith.addi %mul3A_157, %add3A_214 : vector<16xi32>
      %gather3A_216 = tpu.vector_load_idx %arg7[%add3A_215] : memref<32760xf32, #tpu.memory_space<vmem>>[vector<16xi32>], vector<16xf32>,
      %gt3A_217 = arith.cmpf ogt, %gather3A_216, %select_n3A_209 : vector<16xf32>
      %select_n3A_218 = arith.select %gt3A_217, %gather3A_216, %select_n3A_209 : vector<16xi1>, vector<16xf32>
      %jit3A_219 = arith.constant 28 : i32
      %broadcast_in_dim3A_220 = vector.broadcast %jit3A_219 : i32 to vector<16xi32>
      %select_n3A_221 = arith.select %gt3A_217, %broadcast_in_dim3A_220, %select_n3A_212 : vector<16xi1>, vector<16xi32>
      %add3A_222 = arith.constant 32 : i32
      %add3A_223 = vector.broadcast %add3A_222 : i32 to vector<16xi32>
      %add3A_224 = arith.addi %mul3A_157, %add3A_223 : vector<16xi32>
      %gather3A_225 = tpu.vector_load_idx %arg7[%add3A_224] : memref<32760xf32, #tpu.memory_space<vmem>>[vector<16xi32>], vector<16xf32>,
      %gt3A_226 = arith.cmpf ogt, %gather3A_225, %select_n3A_218 : vector<16xf32>
      %select_n3A_227 = arith.select %gt3A_226, %gather3A_225, %select_n3A_218 : vector<16xi1>, vector<16xf32>
      %jit3A_228 = arith.constant 32 : i32
      %broadcast_in_dim3A_229 = vector.broadcast %jit3A_228 : i32 to vector<16xi32>
      %select_n3A_230 = arith.select %gt3A_226, %broadcast_in_dim3A_229, %select_n3A_221 : vector<16xi1>, vector<16xi32>
      %add3A_231 = arith.constant 36 : i32
      %add3A_232 = vector.broadcast %add3A_231 : i32 to vector<16xi32>
      %add3A_233 = arith.addi %mul3A_157, %add3A_232 : vector<16xi32>
      %gather3A_234 = tpu.vector_load_idx %arg7[%add3A_233] : memref<32760xf32, #tpu.memory_space<vmem>>[vector<16xi32>], vector<16xf32>,
      %gt3A_235 = arith.cmpf ogt, %gather3A_234, %select_n3A_227 : vector<16xf32>
      %select_n3A_236 = arith.select %gt3A_235, %gather3A_234, %select_n3A_227 : vector<16xi1>, vector<16xf32>
      %jit3A_237 = arith.constant 36 : i32
      %broadcast_in_dim3A_238 = vector.broadcast %jit3A_237 : i32 to vector<16xi32>
      %select_n3A_239 = arith.select %gt3A_235, %broadcast_in_dim3A_238, %select_n3A_230 : vector<16xi1>, vector<16xi32>
      %add3A_240 = arith.constant 40 : i32
      %add3A_241 = vector.broadcast %add3A_240 : i32 to vector<16xi32>
      %add3A_242 = arith.addi %mul3A_157, %add3A_241 : vector<16xi32>
      %gather3A_243 = tpu.vector_load_idx %arg7[%add3A_242] : memref<32760xf32, #tpu.memory_space<vmem>>[vector<16xi32>], vector<16xf32>,
      %gt3A_244 = arith.cmpf ogt, %gather3A_243, %select_n3A_236 : vector<16xf32>
      %select_n3A_245 = arith.select %gt3A_244, %gather3A_243, %select_n3A_236 : vector<16xi1>, vector<16xf32>
      %jit3A_246 = arith.constant 40 : i32
      %broadcast_in_dim3A_247 = vector.broadcast %jit3A_246 : i32 to vector<16xi32>
      %select_n3A_248 = arith.select %gt3A_244, %broadcast_in_dim3A_247, %select_n3A_239 : vector<16xi1>, vector<16xi32>
      %add3A_249 = arith.constant 44 : i32
      %add3A_250 = vector.broadcast %add3A_249 : i32 to vector<16xi32>
      %add3A_251 = arith.addi %mul3A_157, %add3A_250 : vector<16xi32>
      %gather3A_252 = tpu.vector_load_idx %arg7[%add3A_251] : memref<32760xf32, #tpu.memory_space<vmem>>[vector<16xi32>], vector<16xf32>,
      %gt3A_253 = arith.cmpf ogt, %gather3A_252, %select_n3A_245 : vector<16xf32>
      %select_n3A_254 = arith.select %gt3A_253, %gather3A_252, %select_n3A_245 : vector<16xi1>, vector<16xf32>
      %jit3A_255 = arith.constant 44 : i32
      %broadcast_in_dim3A_256 = vector.broadcast %jit3A_255 : i32 to vector<16xi32>
      %select_n3A_257 = arith.select %gt3A_253, %broadcast_in_dim3A_256, %select_n3A_248 : vector<16xi1>, vector<16xi32>
      %add3A_258 = arith.constant 48 : i32
      %add3A_259 = vector.broadcast %add3A_258 : i32 to vector<16xi32>
      %add3A_260 = arith.addi %mul3A_157, %add3A_259 : vector<16xi32>
      %gather3A_261 = tpu.vector_load_idx %arg7[%add3A_260] : memref<32760xf32, #tpu.memory_space<vmem>>[vector<16xi32>], vector<16xf32>,
      %gt3A_262 = arith.cmpf ogt, %gather3A_261, %select_n3A_254 : vector<16xf32>
      %select_n3A_263 = arith.select %gt3A_262, %gather3A_261, %select_n3A_254 : vector<16xi1>, vector<16xf32>
      %jit3A_264 = arith.constant 48 : i32
      %broadcast_in_dim3A_265 = vector.broadcast %jit3A_264 : i32 to vector<16xi32>
      %select_n3A_266 = arith.select %gt3A_262, %broadcast_in_dim3A_265, %select_n3A_257 : vector<16xi1>, vector<16xi32>
      %add3A_267 = arith.constant 52 : i32
      %add3A_268 = vector.broadcast %add3A_267 : i32 to vector<16xi32>
      %add3A_269 = arith.addi %mul3A_157, %add3A_268 : vector<16xi32>
      %gather3A_270 = tpu.vector_load_idx %arg7[%add3A_269] : memref<32760xf32, #tpu.memory_space<vmem>>[vector<16xi32>], vector<16xf32>,
      %gt3A_271 = arith.cmpf ogt, %gather3A_270, %select_n3A_263 : vector<16xf32>
      %select_n3A_272 = arith.select %gt3A_271, %gather3A_270, %select_n3A_263 : vector<16xi1>, vector<16xf32>
      %jit3A_273 = arith.constant 52 : i32
      %broadcast_in_dim3A_274 = vector.broadcast %jit3A_273 : i32 to vector<16xi32>
      %select_n3A_275 = arith.select %gt3A_271, %broadcast_in_dim3A_274, %select_n3A_266 : vector<16xi1>, vector<16xi32>
      %add3A_276 = arith.constant 56 : i32
      %add3A_277 = vector.broadcast %add3A_276 : i32 to vector<16xi32>
      %add3A_278 = arith.addi %mul3A_157, %add3A_277 : vector<16xi32>
      %gather3A_279 = tpu.vector_load_idx %arg7[%add3A_278] : memref<32760xf32, #tpu.memory_space<vmem>>[vector<16xi32>], vector<16xf32>,
      %gt3A_280 = arith.cmpf ogt, %gather3A_279, %select_n3A_272 : vector<16xf32>
      %select_n3A_281 = arith.select %gt3A_280, %gather3A_279, %select_n3A_272 : vector<16xi1>, vector<16xf32>
      %jit3A_282 = arith.constant 56 : i32
      %broadcast_in_dim3A_283 = vector.broadcast %jit3A_282 : i32 to vector<16xi32>
      %select_n3A_284 = arith.select %gt3A_280, %broadcast_in_dim3A_283, %select_n3A_275 : vector<16xi1>, vector<16xi32>
      %add3A_285 = arith.constant 60 : i32
      %add3A_286 = vector.broadcast %add3A_285 : i32 to vector<16xi32>
      %add3A_287 = arith.addi %mul3A_157, %add3A_286 : vector<16xi32>
      %gather3A_288 = tpu.vector_load_idx %arg7[%add3A_287] : memref<32760xf32, #tpu.memory_space<vmem>>[vector<16xi32>], vector<16xf32>,
      %gt3A_289 = arith.cmpf ogt, %gather3A_288, %select_n3A_281 : vector<16xf32>
      %select_n3A_290 = arith.select %gt3A_289, %gather3A_288, %select_n3A_281 : vector<16xi1>, vector<16xf32>
      %jit3A_291 = arith.constant 60 : i32
      %broadcast_in_dim3A_292 = vector.broadcast %jit3A_291 : i32 to vector<16xi32>
      %select_n3A_293 = arith.select %gt3A_289, %broadcast_in_dim3A_292, %select_n3A_284 : vector<16xi1>, vector<16xi32>
      %add3A_294 = arith.constant 64 : i32
      %add3A_295 = vector.broadcast %add3A_294 : i32 to vector<16xi32>
      %add3A_296 = arith.addi %mul3A_157, %add3A_295 : vector<16xi32>
      %gather3A_297 = tpu.vector_load_idx %arg7[%add3A_296] : memref<32760xf32, #tpu.memory_space<vmem>>[vector<16xi32>], vector<16xf32>,
      %gt3A_298 = arith.cmpf ogt, %gather3A_297, %select_n3A_290 : vector<16xf32>
      %select_n3A_299 = arith.select %gt3A_298, %gather3A_297, %select_n3A_290 : vector<16xi1>, vector<16xf32>
      %jit3A_300 = arith.constant 64 : i32
      %broadcast_in_dim3A_301 = vector.broadcast %jit3A_300 : i32 to vector<16xi32>
      %select_n3A_302 = arith.select %gt3A_298, %broadcast_in_dim3A_301, %select_n3A_293 : vector<16xi1>, vector<16xi32>
      %add3A_303 = arith.constant 68 : i32
      %add3A_304 = vector.broadcast %add3A_303 : i32 to vector<16xi32>
      %add3A_305 = arith.addi %mul3A_157, %add3A_304 : vector<16xi32>
      %gather3A_306 = tpu.vector_load_idx %arg7[%add3A_305] : memref<32760xf32, #tpu.memory_space<vmem>>[vector<16xi32>], vector<16xf32>,
      %gt3A_307 = arith.cmpf ogt, %gather3A_306, %select_n3A_299 : vector<16xf32>
      %select_n3A_308 = arith.select %gt3A_307, %gather3A_306, %select_n3A_299 : vector<16xi1>, vector<16xf32>
      %jit3A_309 = arith.constant 68 : i32
      %broadcast_in_dim3A_310 = vector.broadcast %jit3A_309 : i32 to vector<16xi32>
      %select_n3A_311 = arith.select %gt3A_307, %broadcast_in_dim3A_310, %select_n3A_302 : vector<16xi1>, vector<16xi32>
      %add3A_312 = arith.constant 72 : i32
      %add3A_313 = vector.broadcast %add3A_312 : i32 to vector<16xi32>
      %add3A_314 = arith.addi %mul3A_157, %add3A_313 : vector<16xi32>
      %gather3A_315 = tpu.vector_load_idx %arg7[%add3A_314] : memref<32760xf32, #tpu.memory_space<vmem>>[vector<16xi32>], vector<16xf32>,
      %gt3A_316 = arith.cmpf ogt, %gather3A_315, %select_n3A_308 : vector<16xf32>
      %select_n3A_317 = arith.select %gt3A_316, %gather3A_315, %select_n3A_308 : vector<16xi1>, vector<16xf32>
      %jit3A_318 = arith.constant 72 : i32
      %broadcast_in_dim3A_319 = vector.broadcast %jit3A_318 : i32 to vector<16xi32>
      %select_n3A_320 = arith.select %gt3A_316, %broadcast_in_dim3A_319, %select_n3A_311 : vector<16xi1>, vector<16xi32>
      %add3A_321 = arith.constant 76 : i32
      %add3A_322 = vector.broadcast %add3A_321 : i32 to vector<16xi32>
      %add3A_323 = arith.addi %mul3A_157, %add3A_322 : vector<16xi32>
      %gather3A_324 = tpu.vector_load_idx %arg7[%add3A_323] : memref<32760xf32, #tpu.memory_space<vmem>>[vector<16xi32>], vector<16xf32>,
      %gt3A_325 = arith.cmpf ogt, %gather3A_324, %select_n3A_317 : vector<16xf32>
      %select_n3A_326 = arith.select %gt3A_325, %gather3A_324, %select_n3A_317 : vector<16xi1>, vector<16xf32>
      %jit3A_327 = arith.constant 76 : i32
      %broadcast_in_dim3A_328 = vector.broadcast %jit3A_327 : i32 to vector<16xi32>
      %select_n3A_329 = arith.select %gt3A_325, %broadcast_in_dim3A_328, %select_n3A_320 : vector<16xi1>, vector<16xi32>
      %add3A_330 = arith.constant 80 : i32
      %add3A_331 = vector.broadcast %add3A_330 : i32 to vector<16xi32>
      %add3A_332 = arith.addi %mul3A_157, %add3A_331 : vector<16xi32>
      %gather3A_333 = tpu.vector_load_idx %arg7[%add3A_332] : memref<32760xf32, #tpu.memory_space<vmem>>[vector<16xi32>], vector<16xf32>,
      %gt3A_334 = arith.cmpf ogt, %gather3A_333, %select_n3A_326 : vector<16xf32>
      %select_n3A_335 = arith.select %gt3A_334, %gather3A_333, %select_n3A_326 : vector<16xi1>, vector<16xf32>
      %jit3A_336 = arith.constant 80 : i32
      %broadcast_in_dim3A_337 = vector.broadcast %jit3A_336 : i32 to vector<16xi32>
      %select_n3A_338 = arith.select %gt3A_334, %broadcast_in_dim3A_337, %select_n3A_329 : vector<16xi1>, vector<16xi32>
      %add3A_339 = arith.constant 84 : i32
      %add3A_340 = vector.broadcast %add3A_339 : i32 to vector<16xi32>
      %add3A_341 = arith.addi %mul3A_157, %add3A_340 : vector<16xi32>
      %gather3A_342 = tpu.vector_load_idx %arg7[%add3A_341] : memref<32760xf32, #tpu.memory_space<vmem>>[vector<16xi32>], vector<16xf32>,
      %gt3A_343 = arith.cmpf ogt, %gather3A_342, %select_n3A_335 : vector<16xf32>
      %select_n3A_344 = arith.select %gt3A_343, %gather3A_342, %select_n3A_335 : vector<16xi1>, vector<16xf32>
      %jit3A_345 = arith.constant 84 : i32
      %broadcast_in_dim3A_346 = vector.broadcast %jit3A_345 : i32 to vector<16xi32>
      %select_n3A_347 = arith.select %gt3A_343, %broadcast_in_dim3A_346, %select_n3A_338 : vector<16xi1>, vector<16xi32>
      %add3A_348 = arith.constant 88 : i32
      %add3A_349 = vector.broadcast %add3A_348 : i32 to vector<16xi32>
      %add3A_350 = arith.addi %mul3A_157, %add3A_349 : vector<16xi32>
      %gather3A_351 = tpu.vector_load_idx %arg7[%add3A_350] : memref<32760xf32, #tpu.memory_space<vmem>>[vector<16xi32>], vector<16xf32>,
      %gt3A_352 = arith.cmpf ogt, %gather3A_351, %select_n3A_344 : vector<16xf32>
      %select_n3A_353 = arith.select %gt3A_352, %gather3A_351, %select_n3A_344 : vector<16xi1>, vector<16xf32>
      %jit3A_354 = arith.constant 88 : i32
      %broadcast_in_dim3A_355 = vector.broadcast %jit3A_354 : i32 to vector<16xi32>
      %select_n3A_356 = arith.select %gt3A_352, %broadcast_in_dim3A_355, %select_n3A_347 : vector<16xi1>, vector<16xi32>
      %add3A_357 = arith.constant 1 : i32
      %add3A_358 = vector.broadcast %add3A_357 : i32 to vector<16xi32>
      %add3A_359 = arith.addi %mul3A_157, %add3A_358 : vector<16xi32>
      %gather3A_360 = tpu.vector_load_idx %arg7[%add3A_359] : memref<32760xf32, #tpu.memory_space<vmem>>[vector<16xi32>], vector<16xf32>,
      %broadcast_in_dim3A_361 = arith.constant 1 : i32
      %broadcast_in_dim3A_362 = vector.broadcast %broadcast_in_dim3A_361 : i32 to vector<16xi32>
      %add3A_363 = arith.constant 5 : i32
      %add3A_364 = vector.broadcast %add3A_363 : i32 to vector<16xi32>
      %add3A_365 = arith.addi %mul3A_157, %add3A_364 : vector<16xi32>
      %gather3A_366 = tpu.vector_load_idx %arg7[%add3A_365] : memref<32760xf32, #tpu.memory_space<vmem>>[vector<16xi32>], vector<16xf32>,
      %gt3A_367 = arith.cmpf ogt, %gather3A_366, %gather3A_360 : vector<16xf32>
      %select_n3A_368 = arith.select %gt3A_367, %gather3A_366, %gather3A_360 : vector<16xi1>, vector<16xf32>
      %jit3A_369 = arith.constant 5 : i32
      %broadcast_in_dim3A_370 = vector.broadcast %jit3A_369 : i32 to vector<16xi32>
      %select_n3A_371 = arith.select %gt3A_367, %broadcast_in_dim3A_370, %broadcast_in_dim3A_362 : vector<16xi1>, vector<16xi32>
      %add3A_372 = arith.constant 9 : i32
      %add3A_373 = vector.broadcast %add3A_372 : i32 to vector<16xi32>
      %add3A_374 = arith.addi %mul3A_157, %add3A_373 : vector<16xi32>
      %gather3A_375 = tpu.vector_load_idx %arg7[%add3A_374] : memref<32760xf32, #tpu.memory_space<vmem>>[vector<16xi32>], vector<16xf32>,
      %gt3A_376 = arith.cmpf ogt, %gather3A_375, %select_n3A_368 : vector<16xf32>
      %select_n3A_377 = arith.select %gt3A_376, %gather3A_375, %select_n3A_368 : vector<16xi1>, vector<16xf32>
      %jit3A_378 = arith.constant 9 : i32
      %broadcast_in_dim3A_379 = vector.broadcast %jit3A_378 : i32 to vector<16xi32>
      %select_n3A_380 = arith.select %gt3A_376, %broadcast_in_dim3A_379, %select_n3A_371 : vector<16xi1>, vector<16xi32>
      %add3A_381 = arith.constant 13 : i32
      %add3A_382 = vector.broadcast %add3A_381 : i32 to vector<16xi32>
      %add3A_383 = arith.addi %mul3A_157, %add3A_382 : vector<16xi32>
      %gather3A_384 = tpu.vector_load_idx %arg7[%add3A_383] : memref<32760xf32, #tpu.memory_space<vmem>>[vector<16xi32>], vector<16xf32>,
      %gt3A_385 = arith.cmpf ogt, %gather3A_384, %select_n3A_377 : vector<16xf32>
      %select_n3A_386 = arith.select %gt3A_385, %gather3A_384, %select_n3A_377 : vector<16xi1>, vector<16xf32>
      %jit3A_387 = arith.constant 13 : i32
      %broadcast_in_dim3A_388 = vector.broadcast %jit3A_387 : i32 to vector<16xi32>
      %select_n3A_389 = arith.select %gt3A_385, %broadcast_in_dim3A_388, %select_n3A_380 : vector<16xi1>, vector<16xi32>
      %add3A_390 = arith.constant 17 : i32
      %add3A_391 = vector.broadcast %add3A_390 : i32 to vector<16xi32>
      %add3A_392 = arith.addi %mul3A_157, %add3A_391 : vector<16xi32>
      %gather3A_393 = tpu.vector_load_idx %arg7[%add3A_392] : memref<32760xf32, #tpu.memory_space<vmem>>[vector<16xi32>], vector<16xf32>,
      %gt3A_394 = arith.cmpf ogt, %gather3A_393, %select_n3A_386 : vector<16xf32>
      %select_n3A_395 = arith.select %gt3A_394, %gather3A_393, %select_n3A_386 : vector<16xi1>, vector<16xf32>
      %jit3A_396 = arith.constant 17 : i32
      %broadcast_in_dim3A_397 = vector.broadcast %jit3A_396 : i32 to vector<16xi32>
      %select_n3A_398 = arith.select %gt3A_394, %broadcast_in_dim3A_397, %select_n3A_389 : vector<16xi1>, vector<16xi32>
      %add3A_399 = arith.constant 21 : i32
      %add3A_400 = vector.broadcast %add3A_399 : i32 to vector<16xi32>
      %add3A_401 = arith.addi %mul3A_157, %add3A_400 : vector<16xi32>
      %gather3A_402 = tpu.vector_load_idx %arg7[%add3A_401] : memref<32760xf32, #tpu.memory_space<vmem>>[vector<16xi32>], vector<16xf32>,
      %gt3A_403 = arith.cmpf ogt, %gather3A_402, %select_n3A_395 : vector<16xf32>
      %select_n3A_404 = arith.select %gt3A_403, %gather3A_402, %select_n3A_395 : vector<16xi1>, vector<16xf32>
      %jit3A_405 = arith.constant 21 : i32
      %broadcast_in_dim3A_406 = vector.broadcast %jit3A_405 : i32 to vector<16xi32>
      %select_n3A_407 = arith.select %gt3A_403, %broadcast_in_dim3A_406, %select_n3A_398 : vector<16xi1>, vector<16xi32>
      %add3A_408 = arith.constant 25 : i32
      %add3A_409 = vector.broadcast %add3A_408 : i32 to vector<16xi32>
      %add3A_410 = arith.addi %mul3A_157, %add3A_409 : vector<16xi32>
      %gather3A_411 = tpu.vector_load_idx %arg7[%add3A_410] : memref<32760xf32, #tpu.memory_space<vmem>>[vector<16xi32>], vector<16xf32>,
      %gt3A_412 = arith.cmpf ogt, %gather3A_411, %select_n3A_404 : vector<16xf32>
      %select_n3A_413 = arith.select %gt3A_412, %gather3A_411, %select_n3A_404 : vector<16xi1>, vector<16xf32>
      %jit3A_414 = arith.constant 25 : i32
      %broadcast_in_dim3A_415 = vector.broadcast %jit3A_414 : i32 to vector<16xi32>
      %select_n3A_416 = arith.select %gt3A_412, %broadcast_in_dim3A_415, %select_n3A_407 : vector<16xi1>, vector<16xi32>
      %add3A_417 = arith.constant 29 : i32
      %add3A_418 = vector.broadcast %add3A_417 : i32 to vector<16xi32>
      %add3A_419 = arith.addi %mul3A_157, %add3A_418 : vector<16xi32>
      %gather3A_420 = tpu.vector_load_idx %arg7[%add3A_419] : memref<32760xf32, #tpu.memory_space<vmem>>[vector<16xi32>], vector<16xf32>,
      %gt3A_421 = arith.cmpf ogt, %gather3A_420, %select_n3A_413 : vector<16xf32>
      %select_n3A_422 = arith.select %gt3A_421, %gather3A_420, %select_n3A_413 : vector<16xi1>, vector<16xf32>
      %jit3A_423 = arith.constant 29 : i32
      %broadcast_in_dim3A_424 = vector.broadcast %jit3A_423 : i32 to vector<16xi32>
      %select_n3A_425 = arith.select %gt3A_421, %broadcast_in_dim3A_424, %select_n3A_416 : vector<16xi1>, vector<16xi32>
      %add3A_426 = arith.constant 33 : i32
      %add3A_427 = vector.broadcast %add3A_426 : i32 to vector<16xi32>
      %add3A_428 = arith.addi %mul3A_157, %add3A_427 : vector<16xi32>
      %gather3A_429 = tpu.vector_load_idx %arg7[%add3A_428] : memref<32760xf32, #tpu.memory_space<vmem>>[vector<16xi32>], vector<16xf32>,
      %gt3A_430 = arith.cmpf ogt, %gather3A_429, %select_n3A_422 : vector<16xf32>
      %select_n3A_431 = arith.select %gt3A_430, %gather3A_429, %select_n3A_422 : vector<16xi1>, vector<16xf32>
      %jit3A_432 = arith.constant 33 : i32
      %broadcast_in_dim3A_433 = vector.broadcast %jit3A_432 : i32 to vector<16xi32>
      %select_n3A_434 = arith.select %gt3A_430, %broadcast_in_dim3A_433, %select_n3A_425 : vector<16xi1>, vector<16xi32>
      %add3A_435 = arith.constant 37 : i32
      %add3A_436 = vector.broadcast %add3A_435 : i32 to vector<16xi32>
      %add3A_437 = arith.addi %mul3A_157, %add3A_436 : vector<16xi32>
      %gather3A_438 = tpu.vector_load_idx %arg7[%add3A_437] : memref<32760xf32, #tpu.memory_space<vmem>>[vector<16xi32>], vector<16xf32>,
      %gt3A_439 = arith.cmpf ogt, %gather3A_438, %select_n3A_431 : vector<16xf32>
      %select_n3A_440 = arith.select %gt3A_439, %gather3A_438, %select_n3A_431 : vector<16xi1>, vector<16xf32>
      %jit3A_441 = arith.constant 37 : i32
      %broadcast_in_dim3A_442 = vector.broadcast %jit3A_441 : i32 to vector<16xi32>
      %select_n3A_443 = arith.select %gt3A_439, %broadcast_in_dim3A_442, %select_n3A_434 : vector<16xi1>, vector<16xi32>
      %add3A_444 = arith.constant 41 : i32
      %add3A_445 = vector.broadcast %add3A_444 : i32 to vector<16xi32>
      %add3A_446 = arith.addi %mul3A_157, %add3A_445 : vector<16xi32>
      %gather3A_447 = tpu.vector_load_idx %arg7[%add3A_446] : memref<32760xf32, #tpu.memory_space<vmem>>[vector<16xi32>], vector<16xf32>,
      %gt3A_448 = arith.cmpf ogt, %gather3A_447, %select_n3A_440 : vector<16xf32>
      %select_n3A_449 = arith.select %gt3A_448, %gather3A_447, %select_n3A_440 : vector<16xi1>, vector<16xf32>
      %jit3A_450 = arith.constant 41 : i32
      %broadcast_in_dim3A_451 = vector.broadcast %jit3A_450 : i32 to vector<16xi32>
      %select_n3A_452 = arith.select %gt3A_448, %broadcast_in_dim3A_451, %select_n3A_443 : vector<16xi1>, vector<16xi32>
      %add3A_453 = arith.constant 45 : i32
      %add3A_454 = vector.broadcast %add3A_453 : i32 to vector<16xi32>
      %add3A_455 = arith.addi %mul3A_157, %add3A_454 : vector<16xi32>
      %gather3A_456 = tpu.vector_load_idx %arg7[%add3A_455] : memref<32760xf32, #tpu.memory_space<vmem>>[vector<16xi32>], vector<16xf32>,
      %gt3A_457 = arith.cmpf ogt, %gather3A_456, %select_n3A_449 : vector<16xf32>
      %select_n3A_458 = arith.select %gt3A_457, %gather3A_456, %select_n3A_449 : vector<16xi1>, vector<16xf32>
      %jit3A_459 = arith.constant 45 : i32
      %broadcast_in_dim3A_460 = vector.broadcast %jit3A_459 : i32 to vector<16xi32>
      %select_n3A_461 = arith.select %gt3A_457, %broadcast_in_dim3A_460, %select_n3A_452 : vector<16xi1>, vector<16xi32>
      %add3A_462 = arith.constant 49 : i32
      %add3A_463 = vector.broadcast %add3A_462 : i32 to vector<16xi32>
      %add3A_464 = arith.addi %mul3A_157, %add3A_463 : vector<16xi32>
      %gather3A_465 = tpu.vector_load_idx %arg7[%add3A_464] : memref<32760xf32, #tpu.memory_space<vmem>>[vector<16xi32>], vector<16xf32>,
      %gt3A_466 = arith.cmpf ogt, %gather3A_465, %select_n3A_458 : vector<16xf32>
      %select_n3A_467 = arith.select %gt3A_466, %gather3A_465, %select_n3A_458 : vector<16xi1>, vector<16xf32>
      %jit3A_468 = arith.constant 49 : i32
      %broadcast_in_dim3A_469 = vector.broadcast %jit3A_468 : i32 to vector<16xi32>
      %select_n3A_470 = arith.select %gt3A_466, %broadcast_in_dim3A_469, %select_n3A_461 : vector<16xi1>, vector<16xi32>
      %add3A_471 = arith.constant 53 : i32
      %add3A_472 = vector.broadcast %add3A_471 : i32 to vector<16xi32>
      %add3A_473 = arith.addi %mul3A_157, %add3A_472 : vector<16xi32>
      %gather3A_474 = tpu.vector_load_idx %arg7[%add3A_473] : memref<32760xf32, #tpu.memory_space<vmem>>[vector<16xi32>], vector<16xf32>,
      %gt3A_475 = arith.cmpf ogt, %gather3A_474, %select_n3A_467 : vector<16xf32>
      %select_n3A_476 = arith.select %gt3A_475, %gather3A_474, %select_n3A_467 : vector<16xi1>, vector<16xf32>
      %jit3A_477 = arith.constant 53 : i32
      %broadcast_in_dim3A_478 = vector.broadcast %jit3A_477 : i32 to vector<16xi32>
      %select_n3A_479 = arith.select %gt3A_475, %broadcast_in_dim3A_478, %select_n3A_470 : vector<16xi1>, vector<16xi32>
      %add3A_480 = arith.constant 57 : i32
      %add3A_481 = vector.broadcast %add3A_480 : i32 to vector<16xi32>
      %add3A_482 = arith.addi %mul3A_157, %add3A_481 : vector<16xi32>
      %gather3A_483 = tpu.vector_load_idx %arg7[%add3A_482] : memref<32760xf32, #tpu.memory_space<vmem>>[vector<16xi32>], vector<16xf32>,
      %gt3A_484 = arith.cmpf ogt, %gather3A_483, %select_n3A_476 : vector<16xf32>
      %select_n3A_485 = arith.select %gt3A_484, %gather3A_483, %select_n3A_476 : vector<16xi1>, vector<16xf32>
      %jit3A_486 = arith.constant 57 : i32
      %broadcast_in_dim3A_487 = vector.broadcast %jit3A_486 : i32 to vector<16xi32>
      %select_n3A_488 = arith.select %gt3A_484, %broadcast_in_dim3A_487, %select_n3A_479 : vector<16xi1>, vector<16xi32>
      %add3A_489 = arith.constant 61 : i32
      %add3A_490 = vector.broadcast %add3A_489 : i32 to vector<16xi32>
      %add3A_491 = arith.addi %mul3A_157, %add3A_490 : vector<16xi32>
      %gather3A_492 = tpu.vector_load_idx %arg7[%add3A_491] : memref<32760xf32, #tpu.memory_space<vmem>>[vector<16xi32>], vector<16xf32>,
      %gt3A_493 = arith.cmpf ogt, %gather3A_492, %select_n3A_485 : vector<16xf32>
      %select_n3A_494 = arith.select %gt3A_493, %gather3A_492, %select_n3A_485 : vector<16xi1>, vector<16xf32>
      %jit3A_495 = arith.constant 61 : i32
      %broadcast_in_dim3A_496 = vector.broadcast %jit3A_495 : i32 to vector<16xi32>
      %select_n3A_497 = arith.select %gt3A_493, %broadcast_in_dim3A_496, %select_n3A_488 : vector<16xi1>, vector<16xi32>
      %add3A_498 = arith.constant 65 : i32
      %add3A_499 = vector.broadcast %add3A_498 : i32 to vector<16xi32>
      %add3A_500 = arith.addi %mul3A_157, %add3A_499 : vector<16xi32>
      %gather3A_501 = tpu.vector_load_idx %arg7[%add3A_500] : memref<32760xf32, #tpu.memory_space<vmem>>[vector<16xi32>], vector<16xf32>,
      %gt3A_502 = arith.cmpf ogt, %gather3A_501, %select_n3A_494 : vector<16xf32>
      %select_n3A_503 = arith.select %gt3A_502, %gather3A_501, %select_n3A_494 : vector<16xi1>, vector<16xf32>
      %jit3A_504 = arith.constant 65 : i32
      %broadcast_in_dim3A_505 = vector.broadcast %jit3A_504 : i32 to vector<16xi32>
      %select_n3A_506 = arith.select %gt3A_502, %broadcast_in_dim3A_505, %select_n3A_497 : vector<16xi1>, vector<16xi32>
      %add3A_507 = arith.constant 69 : i32
      %add3A_508 = vector.broadcast %add3A_507 : i32 to vector<16xi32>
      %add3A_509 = arith.addi %mul3A_157, %add3A_508 : vector<16xi32>
      %gather3A_510 = tpu.vector_load_idx %arg7[%add3A_509] : memref<32760xf32, #tpu.memory_space<vmem>>[vector<16xi32>], vector<16xf32>,
      %gt3A_511 = arith.cmpf ogt, %gather3A_510, %select_n3A_503 : vector<16xf32>
      %select_n3A_512 = arith.select %gt3A_511, %gather3A_510, %select_n3A_503 : vector<16xi1>, vector<16xf32>
      %jit3A_513 = arith.constant 69 : i32
      %broadcast_in_dim3A_514 = vector.broadcast %jit3A_513 : i32 to vector<16xi32>
      %select_n3A_515 = arith.select %gt3A_511, %broadcast_in_dim3A_514, %select_n3A_506 : vector<16xi1>, vector<16xi32>
      %add3A_516 = arith.constant 73 : i32
      %add3A_517 = vector.broadcast %add3A_516 : i32 to vector<16xi32>
      %add3A_518 = arith.addi %mul3A_157, %add3A_517 : vector<16xi32>
      %gather3A_519 = tpu.vector_load_idx %arg7[%add3A_518] : memref<32760xf32, #tpu.memory_space<vmem>>[vector<16xi32>], vector<16xf32>,
      %gt3A_520 = arith.cmpf ogt, %gather3A_519, %select_n3A_512 : vector<16xf32>
      %select_n3A_521 = arith.select %gt3A_520, %gather3A_519, %select_n3A_512 : vector<16xi1>, vector<16xf32>
      %jit3A_522 = arith.constant 73 : i32
      %broadcast_in_dim3A_523 = vector.broadcast %jit3A_522 : i32 to vector<16xi32>
      %select_n3A_524 = arith.select %gt3A_520, %broadcast_in_dim3A_523, %select_n3A_515 : vector<16xi1>, vector<16xi32>
      %add3A_525 = arith.constant 77 : i32
      %add3A_526 = vector.broadcast %add3A_525 : i32 to vector<16xi32>
      %add3A_527 = arith.addi %mul3A_157, %add3A_526 : vector<16xi32>
      %gather3A_528 = tpu.vector_load_idx %arg7[%add3A_527] : memref<32760xf32, #tpu.memory_space<vmem>>[vector<16xi32>], vector<16xf32>,
      %gt3A_529 = arith.cmpf ogt, %gather3A_528, %select_n3A_521 : vector<16xf32>
      %select_n3A_530 = arith.select %gt3A_529, %gather3A_528, %select_n3A_521 : vector<16xi1>, vector<16xf32>
      %jit3A_531 = arith.constant 77 : i32
      %broadcast_in_dim3A_532 = vector.broadcast %jit3A_531 : i32 to vector<16xi32>
      %select_n3A_533 = arith.select %gt3A_529, %broadcast_in_dim3A_532, %select_n3A_524 : vector<16xi1>, vector<16xi32>
      %add3A_534 = arith.constant 81 : i32
      %add3A_535 = vector.broadcast %add3A_534 : i32 to vector<16xi32>
      %add3A_536 = arith.addi %mul3A_157, %add3A_535 : vector<16xi32>
      %gather3A_537 = tpu.vector_load_idx %arg7[%add3A_536] : memref<32760xf32, #tpu.memory_space<vmem>>[vector<16xi32>], vector<16xf32>,
      %gt3A_538 = arith.cmpf ogt, %gather3A_537, %select_n3A_530 : vector<16xf32>
      %select_n3A_539 = arith.select %gt3A_538, %gather3A_537, %select_n3A_530 : vector<16xi1>, vector<16xf32>
      %jit3A_540 = arith.constant 81 : i32
      %broadcast_in_dim3A_541 = vector.broadcast %jit3A_540 : i32 to vector<16xi32>
      %select_n3A_542 = arith.select %gt3A_538, %broadcast_in_dim3A_541, %select_n3A_533 : vector<16xi1>, vector<16xi32>
      %add3A_543 = arith.constant 85 : i32
      %add3A_544 = vector.broadcast %add3A_543 : i32 to vector<16xi32>
      %add3A_545 = arith.addi %mul3A_157, %add3A_544 : vector<16xi32>
      %gather3A_546 = tpu.vector_load_idx %arg7[%add3A_545] : memref<32760xf32, #tpu.memory_space<vmem>>[vector<16xi32>], vector<16xf32>,
      %gt3A_547 = arith.cmpf ogt, %gather3A_546, %select_n3A_539 : vector<16xf32>
      %select_n3A_548 = arith.select %gt3A_547, %gather3A_546, %select_n3A_539 : vector<16xi1>, vector<16xf32>
      %jit3A_549 = arith.constant 85 : i32
      %broadcast_in_dim3A_550 = vector.broadcast %jit3A_549 : i32 to vector<16xi32>
      %select_n3A_551 = arith.select %gt3A_547, %broadcast_in_dim3A_550, %select_n3A_542 : vector<16xi1>, vector<16xi32>
      %add3A_552 = arith.constant 89 : i32
      %add3A_553 = vector.broadcast %add3A_552 : i32 to vector<16xi32>
      %add3A_554 = arith.addi %mul3A_157, %add3A_553 : vector<16xi32>
      %gather3A_555 = tpu.vector_load_idx %arg7[%add3A_554] : memref<32760xf32, #tpu.memory_space<vmem>>[vector<16xi32>], vector<16xf32>,
      %gt3A_556 = arith.cmpf ogt, %gather3A_555, %select_n3A_548 : vector<16xf32>
      %select_n3A_557 = arith.select %gt3A_556, %gather3A_555, %select_n3A_548 : vector<16xi1>, vector<16xf32>
      %jit3A_558 = arith.constant 89 : i32
      %broadcast_in_dim3A_559 = vector.broadcast %jit3A_558 : i32 to vector<16xi32>
      %select_n3A_560 = arith.select %gt3A_556, %broadcast_in_dim3A_559, %select_n3A_551 : vector<16xi1>, vector<16xi32>
      %add3A_561 = arith.constant 2 : i32
      %add3A_562 = vector.broadcast %add3A_561 : i32 to vector<16xi32>
      %add3A_563 = arith.addi %mul3A_157, %add3A_562 : vector<16xi32>
      %gather3A_564 = tpu.vector_load_idx %arg7[%add3A_563] : memref<32760xf32, #tpu.memory_space<vmem>>[vector<16xi32>], vector<16xf32>,
      %broadcast_in_dim3A_565 = arith.constant 2 : i32
      %broadcast_in_dim3A_566 = vector.broadcast %broadcast_in_dim3A_565 : i32 to vector<16xi32>
      %add3A_567 = arith.constant 6 : i32
      %add3A_568 = vector.broadcast %add3A_567 : i32 to vector<16xi32>
      %add3A_569 = arith.addi %mul3A_157, %add3A_568 : vector<16xi32>
      %gather3A_570 = tpu.vector_load_idx %arg7[%add3A_569] : memref<32760xf32, #tpu.memory_space<vmem>>[vector<16xi32>], vector<16xf32>,
      %gt3A_571 = arith.cmpf ogt, %gather3A_570, %gather3A_564 : vector<16xf32>
      %select_n3A_572 = arith.select %gt3A_571, %gather3A_570, %gather3A_564 : vector<16xi1>, vector<16xf32>
      %jit3A_573 = arith.constant 6 : i32
      %broadcast_in_dim3A_574 = vector.broadcast %jit3A_573 : i32 to vector<16xi32>
      %select_n3A_575 = arith.select %gt3A_571, %broadcast_in_dim3A_574, %broadcast_in_dim3A_566 : vector<16xi1>, vector<16xi32>
      %add3A_576 = arith.constant 10 : i32
      %add3A_577 = vector.broadcast %add3A_576 : i32 to vector<16xi32>
      %add3A_578 = arith.addi %mul3A_157, %add3A_577 : vector<16xi32>
      %gather3A_579 = tpu.vector_load_idx %arg7[%add3A_578] : memref<32760xf32, #tpu.memory_space<vmem>>[vector<16xi32>], vector<16xf32>,
      %gt3A_580 = arith.cmpf ogt, %gather3A_579, %select_n3A_572 : vector<16xf32>
      %select_n3A_581 = arith.select %gt3A_580, %gather3A_579, %select_n3A_572 : vector<16xi1>, vector<16xf32>
      %jit3A_582 = arith.constant 10 : i32
      %broadcast_in_dim3A_583 = vector.broadcast %jit3A_582 : i32 to vector<16xi32>
      %select_n3A_584 = arith.select %gt3A_580, %broadcast_in_dim3A_583, %select_n3A_575 : vector<16xi1>, vector<16xi32>
      %add3A_585 = arith.constant 14 : i32
      %add3A_586 = vector.broadcast %add3A_585 : i32 to vector<16xi32>
      %add3A_587 = arith.addi %mul3A_157, %add3A_586 : vector<16xi32>
      %gather3A_588 = tpu.vector_load_idx %arg7[%add3A_587] : memref<32760xf32, #tpu.memory_space<vmem>>[vector<16xi32>], vector<16xf32>,
      %gt3A_589 = arith.cmpf ogt, %gather3A_588, %select_n3A_581 : vector<16xf32>
      %select_n3A_590 = arith.select %gt3A_589, %gather3A_588, %select_n3A_581 : vector<16xi1>, vector<16xf32>
      %jit3A_591 = arith.constant 14 : i32
      %broadcast_in_dim3A_592 = vector.broadcast %jit3A_591 : i32 to vector<16xi32>
      %select_n3A_593 = arith.select %gt3A_589, %broadcast_in_dim3A_592, %select_n3A_584 : vector<16xi1>, vector<16xi32>
      %add3A_594 = arith.constant 18 : i32
      %add3A_595 = vector.broadcast %add3A_594 : i32 to vector<16xi32>
      %add3A_596 = arith.addi %mul3A_157, %add3A_595 : vector<16xi32>
      %gather3A_597 = tpu.vector_load_idx %arg7[%add3A_596] : memref<32760xf32, #tpu.memory_space<vmem>>[vector<16xi32>], vector<16xf32>,
      %gt3A_598 = arith.cmpf ogt, %gather3A_597, %select_n3A_590 : vector<16xf32>
      %select_n3A_599 = arith.select %gt3A_598, %gather3A_597, %select_n3A_590 : vector<16xi1>, vector<16xf32>
      %jit3A_600 = arith.constant 18 : i32
      %broadcast_in_dim3A_601 = vector.broadcast %jit3A_600 : i32 to vector<16xi32>
      %select_n3A_602 = arith.select %gt3A_598, %broadcast_in_dim3A_601, %select_n3A_593 : vector<16xi1>, vector<16xi32>
      %add3A_603 = arith.constant 22 : i32
      %add3A_604 = vector.broadcast %add3A_603 : i32 to vector<16xi32>
      %add3A_605 = arith.addi %mul3A_157, %add3A_604 : vector<16xi32>
      %gather3A_606 = tpu.vector_load_idx %arg7[%add3A_605] : memref<32760xf32, #tpu.memory_space<vmem>>[vector<16xi32>], vector<16xf32>,
      %gt3A_607 = arith.cmpf ogt, %gather3A_606, %select_n3A_599 : vector<16xf32>
      %select_n3A_608 = arith.select %gt3A_607, %gather3A_606, %select_n3A_599 : vector<16xi1>, vector<16xf32>
      %jit3A_609 = arith.constant 22 : i32
      %broadcast_in_dim3A_610 = vector.broadcast %jit3A_609 : i32 to vector<16xi32>
      %select_n3A_611 = arith.select %gt3A_607, %broadcast_in_dim3A_610, %select_n3A_602 : vector<16xi1>, vector<16xi32>
      %add3A_612 = arith.constant 26 : i32
      %add3A_613 = vector.broadcast %add3A_612 : i32 to vector<16xi32>
      %add3A_614 = arith.addi %mul3A_157, %add3A_613 : vector<16xi32>
      %gather3A_615 = tpu.vector_load_idx %arg7[%add3A_614] : memref<32760xf32, #tpu.memory_space<vmem>>[vector<16xi32>], vector<16xf32>,
      %gt3A_616 = arith.cmpf ogt, %gather3A_615, %select_n3A_608 : vector<16xf32>
      %select_n3A_617 = arith.select %gt3A_616, %gather3A_615, %select_n3A_608 : vector<16xi1>, vector<16xf32>
      %jit3A_618 = arith.constant 26 : i32
      %broadcast_in_dim3A_619 = vector.broadcast %jit3A_618 : i32 to vector<16xi32>
      %select_n3A_620 = arith.select %gt3A_616, %broadcast_in_dim3A_619, %select_n3A_611 : vector<16xi1>, vector<16xi32>
      %add3A_621 = arith.constant 30 : i32
      %add3A_622 = vector.broadcast %add3A_621 : i32 to vector<16xi32>
      %add3A_623 = arith.addi %mul3A_157, %add3A_622 : vector<16xi32>
      %gather3A_624 = tpu.vector_load_idx %arg7[%add3A_623] : memref<32760xf32, #tpu.memory_space<vmem>>[vector<16xi32>], vector<16xf32>,
      %gt3A_625 = arith.cmpf ogt, %gather3A_624, %select_n3A_617 : vector<16xf32>
      %select_n3A_626 = arith.select %gt3A_625, %gather3A_624, %select_n3A_617 : vector<16xi1>, vector<16xf32>
      %jit3A_627 = arith.constant 30 : i32
      %broadcast_in_dim3A_628 = vector.broadcast %jit3A_627 : i32 to vector<16xi32>
      %select_n3A_629 = arith.select %gt3A_625, %broadcast_in_dim3A_628, %select_n3A_620 : vector<16xi1>, vector<16xi32>
      %add3A_630 = arith.constant 34 : i32
      %add3A_631 = vector.broadcast %add3A_630 : i32 to vector<16xi32>
      %add3A_632 = arith.addi %mul3A_157, %add3A_631 : vector<16xi32>
      %gather3A_633 = tpu.vector_load_idx %arg7[%add3A_632] : memref<32760xf32, #tpu.memory_space<vmem>>[vector<16xi32>], vector<16xf32>,
      %gt3A_634 = arith.cmpf ogt, %gather3A_633, %select_n3A_626 : vector<16xf32>
      %select_n3A_635 = arith.select %gt3A_634, %gather3A_633, %select_n3A_626 : vector<16xi1>, vector<16xf32>
      %jit3A_636 = arith.constant 34 : i32
      %broadcast_in_dim3A_637 = vector.broadcast %jit3A_636 : i32 to vector<16xi32>
      %select_n3A_638 = arith.select %gt3A_634, %broadcast_in_dim3A_637, %select_n3A_629 : vector<16xi1>, vector<16xi32>
      %add3A_639 = arith.constant 38 : i32
      %add3A_640 = vector.broadcast %add3A_639 : i32 to vector<16xi32>
      %add3A_641 = arith.addi %mul3A_157, %add3A_640 : vector<16xi32>
      %gather3A_642 = tpu.vector_load_idx %arg7[%add3A_641] : memref<32760xf32, #tpu.memory_space<vmem>>[vector<16xi32>], vector<16xf32>,
      %gt3A_643 = arith.cmpf ogt, %gather3A_642, %select_n3A_635 : vector<16xf32>
      %select_n3A_644 = arith.select %gt3A_643, %gather3A_642, %select_n3A_635 : vector<16xi1>, vector<16xf32>
      %jit3A_645 = arith.constant 38 : i32
      %broadcast_in_dim3A_646 = vector.broadcast %jit3A_645 : i32 to vector<16xi32>
      %select_n3A_647 = arith.select %gt3A_643, %broadcast_in_dim3A_646, %select_n3A_638 : vector<16xi1>, vector<16xi32>
      %add3A_648 = arith.constant 42 : i32
      %add3A_649 = vector.broadcast %add3A_648 : i32 to vector<16xi32>
      %add3A_650 = arith.addi %mul3A_157, %add3A_649 : vector<16xi32>
      %gather3A_651 = tpu.vector_load_idx %arg7[%add3A_650] : memref<32760xf32, #tpu.memory_space<vmem>>[vector<16xi32>], vector<16xf32>,
      %gt3A_652 = arith.cmpf ogt, %gather3A_651, %select_n3A_644 : vector<16xf32>
      %select_n3A_653 = arith.select %gt3A_652, %gather3A_651, %select_n3A_644 : vector<16xi1>, vector<16xf32>
      %jit3A_654 = arith.constant 42 : i32
      %broadcast_in_dim3A_655 = vector.broadcast %jit3A_654 : i32 to vector<16xi32>
      %select_n3A_656 = arith.select %gt3A_652, %broadcast_in_dim3A_655, %select_n3A_647 : vector<16xi1>, vector<16xi32>
      %add3A_657 = arith.constant 46 : i32
      %add3A_658 = vector.broadcast %add3A_657 : i32 to vector<16xi32>
      %add3A_659 = arith.addi %mul3A_157, %add3A_658 : vector<16xi32>
      %gather3A_660 = tpu.vector_load_idx %arg7[%add3A_659] : memref<32760xf32, #tpu.memory_space<vmem>>[vector<16xi32>], vector<16xf32>,
      %gt3A_661 = arith.cmpf ogt, %gather3A_660, %select_n3A_653 : vector<16xf32>
      %select_n3A_662 = arith.select %gt3A_661, %gather3A_660, %select_n3A_653 : vector<16xi1>, vector<16xf32>
      %jit3A_663 = arith.constant 46 : i32
      %broadcast_in_dim3A_664 = vector.broadcast %jit3A_663 : i32 to vector<16xi32>
      %select_n3A_665 = arith.select %gt3A_661, %broadcast_in_dim3A_664, %select_n3A_656 : vector<16xi1>, vector<16xi32>
      %add3A_666 = arith.constant 50 : i32
      %add3A_667 = vector.broadcast %add3A_666 : i32 to vector<16xi32>
      %add3A_668 = arith.addi %mul3A_157, %add3A_667 : vector<16xi32>
      %gather3A_669 = tpu.vector_load_idx %arg7[%add3A_668] : memref<32760xf32, #tpu.memory_space<vmem>>[vector<16xi32>], vector<16xf32>,
      %gt3A_670 = arith.cmpf ogt, %gather3A_669, %select_n3A_662 : vector<16xf32>
      %select_n3A_671 = arith.select %gt3A_670, %gather3A_669, %select_n3A_662 : vector<16xi1>, vector<16xf32>
      %jit3A_672 = arith.constant 50 : i32
      %broadcast_in_dim3A_673 = vector.broadcast %jit3A_672 : i32 to vector<16xi32>
      %select_n3A_674 = arith.select %gt3A_670, %broadcast_in_dim3A_673, %select_n3A_665 : vector<16xi1>, vector<16xi32>
      %add3A_675 = arith.constant 54 : i32
      %add3A_676 = vector.broadcast %add3A_675 : i32 to vector<16xi32>
      %add3A_677 = arith.addi %mul3A_157, %add3A_676 : vector<16xi32>
      %gather3A_678 = tpu.vector_load_idx %arg7[%add3A_677] : memref<32760xf32, #tpu.memory_space<vmem>>[vector<16xi32>], vector<16xf32>,
      %gt3A_679 = arith.cmpf ogt, %gather3A_678, %select_n3A_671 : vector<16xf32>
      %select_n3A_680 = arith.select %gt3A_679, %gather3A_678, %select_n3A_671 : vector<16xi1>, vector<16xf32>
      %jit3A_681 = arith.constant 54 : i32
      %broadcast_in_dim3A_682 = vector.broadcast %jit3A_681 : i32 to vector<16xi32>
      %select_n3A_683 = arith.select %gt3A_679, %broadcast_in_dim3A_682, %select_n3A_674 : vector<16xi1>, vector<16xi32>
      %add3A_684 = arith.constant 58 : i32
      %add3A_685 = vector.broadcast %add3A_684 : i32 to vector<16xi32>
      %add3A_686 = arith.addi %mul3A_157, %add3A_685 : vector<16xi32>
      %gather3A_687 = tpu.vector_load_idx %arg7[%add3A_686] : memref<32760xf32, #tpu.memory_space<vmem>>[vector<16xi32>], vector<16xf32>,
      %gt3A_688 = arith.cmpf ogt, %gather3A_687, %select_n3A_680 : vector<16xf32>
      %select_n3A_689 = arith.select %gt3A_688, %gather3A_687, %select_n3A_680 : vector<16xi1>, vector<16xf32>
      %jit3A_690 = arith.constant 58 : i32
      %broadcast_in_dim3A_691 = vector.broadcast %jit3A_690 : i32 to vector<16xi32>
      %select_n3A_692 = arith.select %gt3A_688, %broadcast_in_dim3A_691, %select_n3A_683 : vector<16xi1>, vector<16xi32>
      %add3A_693 = arith.constant 62 : i32
      %add3A_694 = vector.broadcast %add3A_693 : i32 to vector<16xi32>
      %add3A_695 = arith.addi %mul3A_157, %add3A_694 : vector<16xi32>
      %gather3A_696 = tpu.vector_load_idx %arg7[%add3A_695] : memref<32760xf32, #tpu.memory_space<vmem>>[vector<16xi32>], vector<16xf32>,
      %gt3A_697 = arith.cmpf ogt, %gather3A_696, %select_n3A_689 : vector<16xf32>
      %select_n3A_698 = arith.select %gt3A_697, %gather3A_696, %select_n3A_689 : vector<16xi1>, vector<16xf32>
      %jit3A_699 = arith.constant 62 : i32
      %broadcast_in_dim3A_700 = vector.broadcast %jit3A_699 : i32 to vector<16xi32>
      %select_n3A_701 = arith.select %gt3A_697, %broadcast_in_dim3A_700, %select_n3A_692 : vector<16xi1>, vector<16xi32>
      %add3A_702 = arith.constant 66 : i32
      %add3A_703 = vector.broadcast %add3A_702 : i32 to vector<16xi32>
      %add3A_704 = arith.addi %mul3A_157, %add3A_703 : vector<16xi32>
      %gather3A_705 = tpu.vector_load_idx %arg7[%add3A_704] : memref<32760xf32, #tpu.memory_space<vmem>>[vector<16xi32>], vector<16xf32>,
      %gt3A_706 = arith.cmpf ogt, %gather3A_705, %select_n3A_698 : vector<16xf32>
      %select_n3A_707 = arith.select %gt3A_706, %gather3A_705, %select_n3A_698 : vector<16xi1>, vector<16xf32>
      %jit3A_708 = arith.constant 66 : i32
      %broadcast_in_dim3A_709 = vector.broadcast %jit3A_708 : i32 to vector<16xi32>
      %select_n3A_710 = arith.select %gt3A_706, %broadcast_in_dim3A_709, %select_n3A_701 : vector<16xi1>, vector<16xi32>
      %add3A_711 = arith.constant 70 : i32
      %add3A_712 = vector.broadcast %add3A_711 : i32 to vector<16xi32>
      %add3A_713 = arith.addi %mul3A_157, %add3A_712 : vector<16xi32>
      %gather3A_714 = tpu.vector_load_idx %arg7[%add3A_713] : memref<32760xf32, #tpu.memory_space<vmem>>[vector<16xi32>], vector<16xf32>,
      %gt3A_715 = arith.cmpf ogt, %gather3A_714, %select_n3A_707 : vector<16xf32>
      %select_n3A_716 = arith.select %gt3A_715, %gather3A_714, %select_n3A_707 : vector<16xi1>, vector<16xf32>
      %jit3A_717 = arith.constant 70 : i32
      %broadcast_in_dim3A_718 = vector.broadcast %jit3A_717 : i32 to vector<16xi32>
      %select_n3A_719 = arith.select %gt3A_715, %broadcast_in_dim3A_718, %select_n3A_710 : vector<16xi1>, vector<16xi32>
      %add3A_720 = arith.constant 74 : i32
      %add3A_721 = vector.broadcast %add3A_720 : i32 to vector<16xi32>
      %add3A_722 = arith.addi %mul3A_157, %add3A_721 : vector<16xi32>
      %gather3A_723 = tpu.vector_load_idx %arg7[%add3A_722] : memref<32760xf32, #tpu.memory_space<vmem>>[vector<16xi32>], vector<16xf32>,
      %gt3A_724 = arith.cmpf ogt, %gather3A_723, %select_n3A_716 : vector<16xf32>
      %select_n3A_725 = arith.select %gt3A_724, %gather3A_723, %select_n3A_716 : vector<16xi1>, vector<16xf32>
      %jit3A_726 = arith.constant 74 : i32
      %broadcast_in_dim3A_727 = vector.broadcast %jit3A_726 : i32 to vector<16xi32>
      %select_n3A_728 = arith.select %gt3A_724, %broadcast_in_dim3A_727, %select_n3A_719 : vector<16xi1>, vector<16xi32>
      %add3A_729 = arith.constant 78 : i32
      %add3A_730 = vector.broadcast %add3A_729 : i32 to vector<16xi32>
      %add3A_731 = arith.addi %mul3A_157, %add3A_730 : vector<16xi32>
      %gather3A_732 = tpu.vector_load_idx %arg7[%add3A_731] : memref<32760xf32, #tpu.memory_space<vmem>>[vector<16xi32>], vector<16xf32>,
      %gt3A_733 = arith.cmpf ogt, %gather3A_732, %select_n3A_725 : vector<16xf32>
      %select_n3A_734 = arith.select %gt3A_733, %gather3A_732, %select_n3A_725 : vector<16xi1>, vector<16xf32>
      %jit3A_735 = arith.constant 78 : i32
      %broadcast_in_dim3A_736 = vector.broadcast %jit3A_735 : i32 to vector<16xi32>
      %select_n3A_737 = arith.select %gt3A_733, %broadcast_in_dim3A_736, %select_n3A_728 : vector<16xi1>, vector<16xi32>
      %add3A_738 = arith.constant 82 : i32
      %add3A_739 = vector.broadcast %add3A_738 : i32 to vector<16xi32>
      %add3A_740 = arith.addi %mul3A_157, %add3A_739 : vector<16xi32>
      %gather3A_741 = tpu.vector_load_idx %arg7[%add3A_740] : memref<32760xf32, #tpu.memory_space<vmem>>[vector<16xi32>], vector<16xf32>,
      %gt3A_742 = arith.cmpf ogt, %gather3A_741, %select_n3A_734 : vector<16xf32>
      %select_n3A_743 = arith.select %gt3A_742, %gather3A_741, %select_n3A_734 : vector<16xi1>, vector<16xf32>
      %jit3A_744 = arith.constant 82 : i32
      %broadcast_in_dim3A_745 = vector.broadcast %jit3A_744 : i32 to vector<16xi32>
      %select_n3A_746 = arith.select %gt3A_742, %broadcast_in_dim3A_745, %select_n3A_737 : vector<16xi1>, vector<16xi32>
      %add3A_747 = arith.constant 86 : i32
      %add3A_748 = vector.broadcast %add3A_747 : i32 to vector<16xi32>
      %add3A_749 = arith.addi %mul3A_157, %add3A_748 : vector<16xi32>
      %gather3A_750 = tpu.vector_load_idx %arg7[%add3A_749] : memref<32760xf32, #tpu.memory_space<vmem>>[vector<16xi32>], vector<16xf32>,
      %gt3A_751 = arith.cmpf ogt, %gather3A_750, %select_n3A_743 : vector<16xf32>
      %select_n3A_752 = arith.select %gt3A_751, %gather3A_750, %select_n3A_743 : vector<16xi1>, vector<16xf32>
      %jit3A_753 = arith.constant 86 : i32
      %broadcast_in_dim3A_754 = vector.broadcast %jit3A_753 : i32 to vector<16xi32>
      %select_n3A_755 = arith.select %gt3A_751, %broadcast_in_dim3A_754, %select_n3A_746 : vector<16xi1>, vector<16xi32>
      %add3A_756 = arith.constant 90 : i32
      %add3A_757 = vector.broadcast %add3A_756 : i32 to vector<16xi32>
      %add3A_758 = arith.addi %mul3A_157, %add3A_757 : vector<16xi32>
      %gather3A_759 = tpu.vector_load_idx %arg7[%add3A_758] : memref<32760xf32, #tpu.memory_space<vmem>>[vector<16xi32>], vector<16xf32>,
      %gt3A_760 = arith.cmpf ogt, %gather3A_759, %select_n3A_752 : vector<16xf32>
      %select_n3A_761 = arith.select %gt3A_760, %gather3A_759, %select_n3A_752 : vector<16xi1>, vector<16xf32>
      %jit3A_762 = arith.constant 90 : i32
      %broadcast_in_dim3A_763 = vector.broadcast %jit3A_762 : i32 to vector<16xi32>
      %select_n3A_764 = arith.select %gt3A_760, %broadcast_in_dim3A_763, %select_n3A_755 : vector<16xi1>, vector<16xi32>
      %add3A_765 = arith.constant 3 : i32
      %add3A_766 = vector.broadcast %add3A_765 : i32 to vector<16xi32>
      %add3A_767 = arith.addi %mul3A_157, %add3A_766 : vector<16xi32>
      %gather3A_768 = tpu.vector_load_idx %arg7[%add3A_767] : memref<32760xf32, #tpu.memory_space<vmem>>[vector<16xi32>], vector<16xf32>,
      %broadcast_in_dim3A_769 = arith.constant 3 : i32
      %broadcast_in_dim3A_770 = vector.broadcast %broadcast_in_dim3A_769 : i32 to vector<16xi32>
      %add3A_771 = arith.constant 7 : i32
      %add3A_772 = vector.broadcast %add3A_771 : i32 to vector<16xi32>
      %add3A_773 = arith.addi %mul3A_157, %add3A_772 : vector<16xi32>
      %gather3A_774 = tpu.vector_load_idx %arg7[%add3A_773] : memref<32760xf32, #tpu.memory_space<vmem>>[vector<16xi32>], vector<16xf32>,
      %gt3A_775 = arith.cmpf ogt, %gather3A_774, %gather3A_768 : vector<16xf32>
      %select_n3A_776 = arith.select %gt3A_775, %gather3A_774, %gather3A_768 : vector<16xi1>, vector<16xf32>
      %jit3A_777 = arith.constant 7 : i32
      %broadcast_in_dim3A_778 = vector.broadcast %jit3A_777 : i32 to vector<16xi32>
      %select_n3A_779 = arith.select %gt3A_775, %broadcast_in_dim3A_778, %broadcast_in_dim3A_770 : vector<16xi1>, vector<16xi32>
      %add3A_780 = arith.constant 11 : i32
      %add3A_781 = vector.broadcast %add3A_780 : i32 to vector<16xi32>
      %add3A_782 = arith.addi %mul3A_157, %add3A_781 : vector<16xi32>
      %gather3A_783 = tpu.vector_load_idx %arg7[%add3A_782] : memref<32760xf32, #tpu.memory_space<vmem>>[vector<16xi32>], vector<16xf32>,
      %gt3A_784 = arith.cmpf ogt, %gather3A_783, %select_n3A_776 : vector<16xf32>
      %select_n3A_785 = arith.select %gt3A_784, %gather3A_783, %select_n3A_776 : vector<16xi1>, vector<16xf32>
      %jit3A_786 = arith.constant 11 : i32
      %broadcast_in_dim3A_787 = vector.broadcast %jit3A_786 : i32 to vector<16xi32>
      %select_n3A_788 = arith.select %gt3A_784, %broadcast_in_dim3A_787, %select_n3A_779 : vector<16xi1>, vector<16xi32>
      %add3A_789 = arith.constant 15 : i32
      %add3A_790 = vector.broadcast %add3A_789 : i32 to vector<16xi32>
      %add3A_791 = arith.addi %mul3A_157, %add3A_790 : vector<16xi32>
      %gather3A_792 = tpu.vector_load_idx %arg7[%add3A_791] : memref<32760xf32, #tpu.memory_space<vmem>>[vector<16xi32>], vector<16xf32>,
      %gt3A_793 = arith.cmpf ogt, %gather3A_792, %select_n3A_785 : vector<16xf32>
      %select_n3A_794 = arith.select %gt3A_793, %gather3A_792, %select_n3A_785 : vector<16xi1>, vector<16xf32>
      %jit3A_795 = arith.constant 15 : i32
      %broadcast_in_dim3A_796 = vector.broadcast %jit3A_795 : i32 to vector<16xi32>
      %select_n3A_797 = arith.select %gt3A_793, %broadcast_in_dim3A_796, %select_n3A_788 : vector<16xi1>, vector<16xi32>
      %add3A_798 = arith.constant 19 : i32
      %add3A_799 = vector.broadcast %add3A_798 : i32 to vector<16xi32>
      %add3A_800 = arith.addi %mul3A_157, %add3A_799 : vector<16xi32>
      %gather3A_801 = tpu.vector_load_idx %arg7[%add3A_800] : memref<32760xf32, #tpu.memory_space<vmem>>[vector<16xi32>], vector<16xf32>,
      %gt3A_802 = arith.cmpf ogt, %gather3A_801, %select_n3A_794 : vector<16xf32>
      %select_n3A_803 = arith.select %gt3A_802, %gather3A_801, %select_n3A_794 : vector<16xi1>, vector<16xf32>
      %jit3A_804 = arith.constant 19 : i32
      %broadcast_in_dim3A_805 = vector.broadcast %jit3A_804 : i32 to vector<16xi32>
      %select_n3A_806 = arith.select %gt3A_802, %broadcast_in_dim3A_805, %select_n3A_797 : vector<16xi1>, vector<16xi32>
      %add3A_807 = arith.constant 23 : i32
      %add3A_808 = vector.broadcast %add3A_807 : i32 to vector<16xi32>
      %add3A_809 = arith.addi %mul3A_157, %add3A_808 : vector<16xi32>
      %gather3A_810 = tpu.vector_load_idx %arg7[%add3A_809] : memref<32760xf32, #tpu.memory_space<vmem>>[vector<16xi32>], vector<16xf32>,
      %gt3A_811 = arith.cmpf ogt, %gather3A_810, %select_n3A_803 : vector<16xf32>
      %select_n3A_812 = arith.select %gt3A_811, %gather3A_810, %select_n3A_803 : vector<16xi1>, vector<16xf32>
      %jit3A_813 = arith.constant 23 : i32
      %broadcast_in_dim3A_814 = vector.broadcast %jit3A_813 : i32 to vector<16xi32>
      %select_n3A_815 = arith.select %gt3A_811, %broadcast_in_dim3A_814, %select_n3A_806 : vector<16xi1>, vector<16xi32>
      %add3A_816 = arith.constant 27 : i32
      %add3A_817 = vector.broadcast %add3A_816 : i32 to vector<16xi32>
      %add3A_818 = arith.addi %mul3A_157, %add3A_817 : vector<16xi32>
      %gather3A_819 = tpu.vector_load_idx %arg7[%add3A_818] : memref<32760xf32, #tpu.memory_space<vmem>>[vector<16xi32>], vector<16xf32>,
      %gt3A_820 = arith.cmpf ogt, %gather3A_819, %select_n3A_812 : vector<16xf32>
      %select_n3A_821 = arith.select %gt3A_820, %gather3A_819, %select_n3A_812 : vector<16xi1>, vector<16xf32>
      %jit3A_822 = arith.constant 27 : i32
      %broadcast_in_dim3A_823 = vector.broadcast %jit3A_822 : i32 to vector<16xi32>
      %select_n3A_824 = arith.select %gt3A_820, %broadcast_in_dim3A_823, %select_n3A_815 : vector<16xi1>, vector<16xi32>
      %add3A_825 = arith.constant 31 : i32
      %add3A_826 = vector.broadcast %add3A_825 : i32 to vector<16xi32>
      %add3A_827 = arith.addi %mul3A_157, %add3A_826 : vector<16xi32>
      %gather3A_828 = tpu.vector_load_idx %arg7[%add3A_827] : memref<32760xf32, #tpu.memory_space<vmem>>[vector<16xi32>], vector<16xf32>,
      %gt3A_829 = arith.cmpf ogt, %gather3A_828, %select_n3A_821 : vector<16xf32>
      %select_n3A_830 = arith.select %gt3A_829, %gather3A_828, %select_n3A_821 : vector<16xi1>, vector<16xf32>
      %jit3A_831 = arith.constant 31 : i32
      %broadcast_in_dim3A_832 = vector.broadcast %jit3A_831 : i32 to vector<16xi32>
      %select_n3A_833 = arith.select %gt3A_829, %broadcast_in_dim3A_832, %select_n3A_824 : vector<16xi1>, vector<16xi32>
      %add3A_834 = arith.constant 35 : i32
      %add3A_835 = vector.broadcast %add3A_834 : i32 to vector<16xi32>
      %add3A_836 = arith.addi %mul3A_157, %add3A_835 : vector<16xi32>
      %gather3A_837 = tpu.vector_load_idx %arg7[%add3A_836] : memref<32760xf32, #tpu.memory_space<vmem>>[vector<16xi32>], vector<16xf32>,
      %gt3A_838 = arith.cmpf ogt, %gather3A_837, %select_n3A_830 : vector<16xf32>
      %select_n3A_839 = arith.select %gt3A_838, %gather3A_837, %select_n3A_830 : vector<16xi1>, vector<16xf32>
      %jit3A_840 = arith.constant 35 : i32
      %broadcast_in_dim3A_841 = vector.broadcast %jit3A_840 : i32 to vector<16xi32>
      %select_n3A_842 = arith.select %gt3A_838, %broadcast_in_dim3A_841, %select_n3A_833 : vector<16xi1>, vector<16xi32>
      %add3A_843 = arith.constant 39 : i32
      %add3A_844 = vector.broadcast %add3A_843 : i32 to vector<16xi32>
      %add3A_845 = arith.addi %mul3A_157, %add3A_844 : vector<16xi32>
      %gather3A_846 = tpu.vector_load_idx %arg7[%add3A_845] : memref<32760xf32, #tpu.memory_space<vmem>>[vector<16xi32>], vector<16xf32>,
      %gt3A_847 = arith.cmpf ogt, %gather3A_846, %select_n3A_839 : vector<16xf32>
      %select_n3A_848 = arith.select %gt3A_847, %gather3A_846, %select_n3A_839 : vector<16xi1>, vector<16xf32>
      %jit3A_849 = arith.constant 39 : i32
      %broadcast_in_dim3A_850 = vector.broadcast %jit3A_849 : i32 to vector<16xi32>
      %select_n3A_851 = arith.select %gt3A_847, %broadcast_in_dim3A_850, %select_n3A_842 : vector<16xi1>, vector<16xi32>
      %add3A_852 = arith.constant 43 : i32
      %add3A_853 = vector.broadcast %add3A_852 : i32 to vector<16xi32>
      %add3A_854 = arith.addi %mul3A_157, %add3A_853 : vector<16xi32>
      %gather3A_855 = tpu.vector_load_idx %arg7[%add3A_854] : memref<32760xf32, #tpu.memory_space<vmem>>[vector<16xi32>], vector<16xf32>,
      %gt3A_856 = arith.cmpf ogt, %gather3A_855, %select_n3A_848 : vector<16xf32>
      %select_n3A_857 = arith.select %gt3A_856, %gather3A_855, %select_n3A_848 : vector<16xi1>, vector<16xf32>
      %jit3A_858 = arith.constant 43 : i32
      %broadcast_in_dim3A_859 = vector.broadcast %jit3A_858 : i32 to vector<16xi32>
      %select_n3A_860 = arith.select %gt3A_856, %broadcast_in_dim3A_859, %select_n3A_851 : vector<16xi1>, vector<16xi32>
      %add3A_861 = arith.constant 47 : i32
      %add3A_862 = vector.broadcast %add3A_861 : i32 to vector<16xi32>
      %add3A_863 = arith.addi %mul3A_157, %add3A_862 : vector<16xi32>
      %gather3A_864 = tpu.vector_load_idx %arg7[%add3A_863] : memref<32760xf32, #tpu.memory_space<vmem>>[vector<16xi32>], vector<16xf32>,
      %gt3A_865 = arith.cmpf ogt, %gather3A_864, %select_n3A_857 : vector<16xf32>
      %select_n3A_866 = arith.select %gt3A_865, %gather3A_864, %select_n3A_857 : vector<16xi1>, vector<16xf32>
      %jit3A_867 = arith.constant 47 : i32
      %broadcast_in_dim3A_868 = vector.broadcast %jit3A_867 : i32 to vector<16xi32>
      %select_n3A_869 = arith.select %gt3A_865, %broadcast_in_dim3A_868, %select_n3A_860 : vector<16xi1>, vector<16xi32>
      %add3A_870 = arith.constant 51 : i32
      %add3A_871 = vector.broadcast %add3A_870 : i32 to vector<16xi32>
      %add3A_872 = arith.addi %mul3A_157, %add3A_871 : vector<16xi32>
      %gather3A_873 = tpu.vector_load_idx %arg7[%add3A_872] : memref<32760xf32, #tpu.memory_space<vmem>>[vector<16xi32>], vector<16xf32>,
      %gt3A_874 = arith.cmpf ogt, %gather3A_873, %select_n3A_866 : vector<16xf32>
      %select_n3A_875 = arith.select %gt3A_874, %gather3A_873, %select_n3A_866 : vector<16xi1>, vector<16xf32>
      %jit3A_876 = arith.constant 51 : i32
      %broadcast_in_dim3A_877 = vector.broadcast %jit3A_876 : i32 to vector<16xi32>
      %select_n3A_878 = arith.select %gt3A_874, %broadcast_in_dim3A_877, %select_n3A_869 : vector<16xi1>, vector<16xi32>
      %add3A_879 = arith.constant 55 : i32
      %add3A_880 = vector.broadcast %add3A_879 : i32 to vector<16xi32>
      %add3A_881 = arith.addi %mul3A_157, %add3A_880 : vector<16xi32>
      %gather3A_882 = tpu.vector_load_idx %arg7[%add3A_881] : memref<32760xf32, #tpu.memory_space<vmem>>[vector<16xi32>], vector<16xf32>,
      %gt3A_883 = arith.cmpf ogt, %gather3A_882, %select_n3A_875 : vector<16xf32>
      %select_n3A_884 = arith.select %gt3A_883, %gather3A_882, %select_n3A_875 : vector<16xi1>, vector<16xf32>
      %jit3A_885 = arith.constant 55 : i32
      %broadcast_in_dim3A_886 = vector.broadcast %jit3A_885 : i32 to vector<16xi32>
      %select_n3A_887 = arith.select %gt3A_883, %broadcast_in_dim3A_886, %select_n3A_878 : vector<16xi1>, vector<16xi32>
      %add3A_888 = arith.constant 59 : i32
      %add3A_889 = vector.broadcast %add3A_888 : i32 to vector<16xi32>
      %add3A_890 = arith.addi %mul3A_157, %add3A_889 : vector<16xi32>
      %gather3A_891 = tpu.vector_load_idx %arg7[%add3A_890] : memref<32760xf32, #tpu.memory_space<vmem>>[vector<16xi32>], vector<16xf32>,
      %gt3A_892 = arith.cmpf ogt, %gather3A_891, %select_n3A_884 : vector<16xf32>
      %select_n3A_893 = arith.select %gt3A_892, %gather3A_891, %select_n3A_884 : vector<16xi1>, vector<16xf32>
      %jit3A_894 = arith.constant 59 : i32
      %broadcast_in_dim3A_895 = vector.broadcast %jit3A_894 : i32 to vector<16xi32>
      %select_n3A_896 = arith.select %gt3A_892, %broadcast_in_dim3A_895, %select_n3A_887 : vector<16xi1>, vector<16xi32>
      %add3A_897 = arith.constant 63 : i32
      %add3A_898 = vector.broadcast %add3A_897 : i32 to vector<16xi32>
      %add3A_899 = arith.addi %mul3A_157, %add3A_898 : vector<16xi32>
      %gather3A_900 = tpu.vector_load_idx %arg7[%add3A_899] : memref<32760xf32, #tpu.memory_space<vmem>>[vector<16xi32>], vector<16xf32>,
      %gt3A_901 = arith.cmpf ogt, %gather3A_900, %select_n3A_893 : vector<16xf32>
      %select_n3A_902 = arith.select %gt3A_901, %gather3A_900, %select_n3A_893 : vector<16xi1>, vector<16xf32>
      %jit3A_903 = arith.constant 63 : i32
      %broadcast_in_dim3A_904 = vector.broadcast %jit3A_903 : i32 to vector<16xi32>
      %select_n3A_905 = arith.select %gt3A_901, %broadcast_in_dim3A_904, %select_n3A_896 : vector<16xi1>, vector<16xi32>
      %add3A_906 = arith.constant 67 : i32
      %add3A_907 = vector.broadcast %add3A_906 : i32 to vector<16xi32>
      %add3A_908 = arith.addi %mul3A_157, %add3A_907 : vector<16xi32>
      %gather3A_909 = tpu.vector_load_idx %arg7[%add3A_908] : memref<32760xf32, #tpu.memory_space<vmem>>[vector<16xi32>], vector<16xf32>,
      %gt3A_910 = arith.cmpf ogt, %gather3A_909, %select_n3A_902 : vector<16xf32>
      %select_n3A_911 = arith.select %gt3A_910, %gather3A_909, %select_n3A_902 : vector<16xi1>, vector<16xf32>
      %jit3A_912 = arith.constant 67 : i32
      %broadcast_in_dim3A_913 = vector.broadcast %jit3A_912 : i32 to vector<16xi32>
      %select_n3A_914 = arith.select %gt3A_910, %broadcast_in_dim3A_913, %select_n3A_905 : vector<16xi1>, vector<16xi32>
      %add3A_915 = arith.constant 71 : i32
      %add3A_916 = vector.broadcast %add3A_915 : i32 to vector<16xi32>
      %add3A_917 = arith.addi %mul3A_157, %add3A_916 : vector<16xi32>
      %gather3A_918 = tpu.vector_load_idx %arg7[%add3A_917] : memref<32760xf32, #tpu.memory_space<vmem>>[vector<16xi32>], vector<16xf32>,
      %gt3A_919 = arith.cmpf ogt, %gather3A_918, %select_n3A_911 : vector<16xf32>
      %select_n3A_920 = arith.select %gt3A_919, %gather3A_918, %select_n3A_911 : vector<16xi1>, vector<16xf32>
      %jit3A_921 = arith.constant 71 : i32
      %broadcast_in_dim3A_922 = vector.broadcast %jit3A_921 : i32 to vector<16xi32>
      %select_n3A_923 = arith.select %gt3A_919, %broadcast_in_dim3A_922, %select_n3A_914 : vector<16xi1>, vector<16xi32>
      %add3A_924 = arith.constant 75 : i32
      %add3A_925 = vector.broadcast %add3A_924 : i32 to vector<16xi32>
      %add3A_926 = arith.addi %mul3A_157, %add3A_925 : vector<16xi32>
      %gather3A_927 = tpu.vector_load_idx %arg7[%add3A_926] : memref<32760xf32, #tpu.memory_space<vmem>>[vector<16xi32>], vector<16xf32>,
      %gt3A_928 = arith.cmpf ogt, %gather3A_927, %select_n3A_920 : vector<16xf32>
      %select_n3A_929 = arith.select %gt3A_928, %gather3A_927, %select_n3A_920 : vector<16xi1>, vector<16xf32>
      %jit3A_930 = arith.constant 75 : i32
      %broadcast_in_dim3A_931 = vector.broadcast %jit3A_930 : i32 to vector<16xi32>
      %select_n3A_932 = arith.select %gt3A_928, %broadcast_in_dim3A_931, %select_n3A_923 : vector<16xi1>, vector<16xi32>
      %add3A_933 = arith.constant 79 : i32
      %add3A_934 = vector.broadcast %add3A_933 : i32 to vector<16xi32>
      %add3A_935 = arith.addi %mul3A_157, %add3A_934 : vector<16xi32>
      %gather3A_936 = tpu.vector_load_idx %arg7[%add3A_935] : memref<32760xf32, #tpu.memory_space<vmem>>[vector<16xi32>], vector<16xf32>,
      %gt3A_937 = arith.cmpf ogt, %gather3A_936, %select_n3A_929 : vector<16xf32>
      %select_n3A_938 = arith.select %gt3A_937, %gather3A_936, %select_n3A_929 : vector<16xi1>, vector<16xf32>
      %jit3A_939 = arith.constant 79 : i32
      %broadcast_in_dim3A_940 = vector.broadcast %jit3A_939 : i32 to vector<16xi32>
      %select_n3A_941 = arith.select %gt3A_937, %broadcast_in_dim3A_940, %select_n3A_932 : vector<16xi1>, vector<16xi32>
      %add3A_942 = arith.constant 83 : i32
      %add3A_943 = vector.broadcast %add3A_942 : i32 to vector<16xi32>
      %add3A_944 = arith.addi %mul3A_157, %add3A_943 : vector<16xi32>
      %gather3A_945 = tpu.vector_load_idx %arg7[%add3A_944] : memref<32760xf32, #tpu.memory_space<vmem>>[vector<16xi32>], vector<16xf32>,
      %gt3A_946 = arith.cmpf ogt, %gather3A_945, %select_n3A_938 : vector<16xf32>
      %select_n3A_947 = arith.select %gt3A_946, %gather3A_945, %select_n3A_938 : vector<16xi1>, vector<16xf32>
      %jit3A_948 = arith.constant 83 : i32
      %broadcast_in_dim3A_949 = vector.broadcast %jit3A_948 : i32 to vector<16xi32>
      %select_n3A_950 = arith.select %gt3A_946, %broadcast_in_dim3A_949, %select_n3A_941 : vector<16xi1>, vector<16xi32>
      %add3A_951 = arith.constant 87 : i32
      %add3A_952 = vector.broadcast %add3A_951 : i32 to vector<16xi32>
      %add3A_953 = arith.addi %mul3A_157, %add3A_952 : vector<16xi32>
      %gather3A_954 = tpu.vector_load_idx %arg7[%add3A_953] : memref<32760xf32, #tpu.memory_space<vmem>>[vector<16xi32>], vector<16xf32>,
      %gt3A_955 = arith.cmpf ogt, %gather3A_954, %select_n3A_947 : vector<16xf32>
      %select_n3A_956 = arith.select %gt3A_955, %gather3A_954, %select_n3A_947 : vector<16xi1>, vector<16xf32>
      %jit3A_957 = arith.constant 87 : i32
      %broadcast_in_dim3A_958 = vector.broadcast %jit3A_957 : i32 to vector<16xi32>
      %select_n3A_959 = arith.select %gt3A_955, %broadcast_in_dim3A_958, %select_n3A_950 : vector<16xi1>, vector<16xi32>
      %gt3A_960 = arith.cmpf ogt, %select_n3A_557, %select_n3A_353 : vector<16xf32>
      %eq3A = arith.cmpf oeq, %select_n3A_557, %select_n3A_353 : vector<16xf32>
      %lt3A = arith.cmpi slt, %select_n3A_560, %select_n3A_356 : vector<16xi32>
      %and3A = arith.andi %eq3A, %lt3A : vector<16xi1>
      %or3A = arith.ori %gt3A_960, %and3A : vector<16xi1>
      %select_n3A_961 = arith.select %or3A, %select_n3A_557, %select_n3A_353 : vector<16xi1>, vector<16xf32>
      %select_n3A_962 = arith.select %or3A, %select_n3A_560, %select_n3A_356 : vector<16xi1>, vector<16xi32>
      %gt3A_963 = arith.cmpf ogt, %select_n3A_956, %select_n3A_761 : vector<16xf32>
      %eq3A_964 = arith.cmpf oeq, %select_n3A_956, %select_n3A_761 : vector<16xf32>
      %lt3A_965 = arith.cmpi slt, %select_n3A_959, %select_n3A_764 : vector<16xi32>
      %and3A_966 = arith.andi %eq3A_964, %lt3A_965 : vector<16xi1>
      %or3A_967 = arith.ori %gt3A_963, %and3A_966 : vector<16xi1>
      %select_n3A_968 = arith.select %or3A_967, %select_n3A_956, %select_n3A_761 : vector<16xi1>, vector<16xf32>
      %select_n3A_969 = arith.select %or3A_967, %select_n3A_959, %select_n3A_764 : vector<16xi1>, vector<16xi32>
      %gt3A_970 = arith.cmpf ogt, %select_n3A_968, %select_n3A_961 : vector<16xf32>
      %eq3A_971 = arith.cmpf oeq, %select_n3A_968, %select_n3A_961 : vector<16xf32>
      %lt3A_972 = arith.cmpi slt, %select_n3A_969, %select_n3A_962 : vector<16xi32>
      %and3A_973 = arith.andi %eq3A_971, %lt3A_972 : vector<16xi1>
      %or3A_974 = arith.ori %gt3A_970, %and3A_973 : vector<16xi1>
      %select_n3A_975 = arith.select %or3A_974, %select_n3A_968, %select_n3A_961 : vector<16xi1>, vector<16xf32>
      %select_n3A_976 = arith.select %or3A_974, %select_n3A_969, %select_n3A_962 : vector<16xi1>, vector<16xi32>
      %neg3A = arith.constant 0.000000e+00 : f32
      %neg3A_977 = vector.broadcast %neg3A : f32 to vector<16xf32>
      %neg3A_978 = arith.subf %neg3A_977, %select_n3A_975 : vector<16xf32>
      %exp3A = math.exp %neg3A_978 : vector<16xf32>
      %add3A_979 = arith.constant 1.000000e+00 : f32
      %add3A_980 = vector.broadcast %add3A_979 : f32 to vector<16xf32>
      %add3A_981 = arith.addf %add3A_980, %exp3A : vector<16xf32>
      %div3A = arith.constant 1.000000e+00 : f32
      %div3A_982 = vector.broadcast %div3A : f32 to vector<16xf32>
      %div3A_983 = arith.divf %div3A_982, %add3A_981 : vector<16xf32>
      %ge3A = arith.constant 3.000000e-01 : f32
      %ge3A_984 = vector.broadcast %ge3A : f32 to vector<16xf32>
      %ge3A_985 = arith.cmpf oge, %div3A_983, %ge3A_984 : vector<16xf32>
      %mul3A_986 = arith.constant 4 : i32
      %mul3A_987 = vector.broadcast %mul3A_986 : i32 to vector<16xi32>
      %mul3A_988 = arith.muli %add3A_154, %mul3A_987 : vector<16xi32>
      %gather3A_989 = tpu.vector_load_idx %arg9[%mul3A_988] : memref<1440xf32, #tpu.memory_space<vmem>>[vector<16xi32>], vector<16xf32>,
      %add3A_990 = arith.constant 1 : i32
      %add3A_991 = vector.broadcast %add3A_990 : i32 to vector<16xi32>
      %add3A_992 = arith.addi %mul3A_988, %add3A_991 : vector<16xi32>
      %gather3A_993 = tpu.vector_load_idx %arg9[%add3A_992] : memref<1440xf32, #tpu.memory_space<vmem>>[vector<16xi32>], vector<16xf32>,
      %add3A_994 = arith.constant 2 : i32
      %add3A_995 = vector.broadcast %add3A_994 : i32 to vector<16xi32>
      %add3A_996 = arith.addi %mul3A_988, %add3A_995 : vector<16xi32>
      %gather3A_997 = tpu.vector_load_idx %arg9[%add3A_996] : memref<1440xf32, #tpu.memory_space<vmem>>[vector<16xi32>], vector<16xf32>,
      %add3A_998 = arith.constant 3 : i32
      %add3A_999 = vector.broadcast %add3A_998 : i32 to vector<16xi32>
      %add3A_1000 = arith.addi %mul3A_988, %add3A_999 : vector<16xi32>
      %gather3A_1001 = tpu.vector_load_idx %arg9[%add3A_1000] : memref<1440xf32, #tpu.memory_space<vmem>>[vector<16xi32>], vector<16xf32>,
      %mul3A_1002 = arith.constant 5.000000e-01 : f32
      %mul3A_1003 = vector.broadcast %mul3A_1002 : f32 to vector<16xf32>
      %mul3A_1004 = arith.mulf %mul3A_1003, %gather3A_997 : vector<16xf32>
      %sub3A = arith.subf %gather3A_989, %mul3A_1004 : vector<16xf32>
      %mul3A_1005 = arith.mulf %sub3A, %get3A_3 : vector<16xf32>
      %mul3A_1006 = arith.constant 5.000000e-01 : f32
      %mul3A_1007 = vector.broadcast %mul3A_1006 : f32 to vector<16xf32>
      %mul3A_1008 = arith.mulf %mul3A_1007, %gather3A_1001 : vector<16xf32>
      %sub3A_1009 = arith.subf %gather3A_993, %mul3A_1008 : vector<16xf32>
      %mul3A_1010 = arith.mulf %sub3A_1009, %get3A_5 : vector<16xf32>
      %mul3A_1011 = arith.mulf %gather3A_997, %get3A_3 : vector<16xf32>
      %mul3A_1012 = arith.mulf %gather3A_1001, %get3A_5 : vector<16xf32>
      %broadcast_in_dim3A_1013 = arith.constant 0.000000e+00 : f32
      %broadcast_in_dim3A_1014 = vector.broadcast %broadcast_in_dim3A_1013 : f32 to vector<16xf32>
      %mul3A_1015 = arith.constant 6 : i32
      %mul3A_1016 = vector.broadcast %mul3A_1015 : i32 to vector<16xi32>
      %mul3A_1017 = arith.muli %add3A_154, %mul3A_1016 : vector<16xi32>
      %convert_element_type3A = arith.sitofp %select_n3A_976 : vector<16xi32> to vector<16xf32>
      %add3A_1018 = arith.constant 0 : i32
      %add3A_1019 = vector.broadcast %add3A_1018 : i32 to vector<16xi32>
      %add3A_1020 = arith.addi %mul3A_1017, %add3A_1019 : vector<16xi32>
      %select_n3A_1021 = arith.select %ge3A_985, %convert_element_type3A, %broadcast_in_dim3A_1014 : vector<16xi1>, vector<16xf32>
      tpu.vector_store_idx %arg11[%add3A_1020], %select_n3A_1021 : memref<2160xf32, #tpu.memory_space<vmem>>[vector<16xi32>], vector<16xf32>,
      %add3A_1022 = arith.constant 1 : i32
      %add3A_1023 = vector.broadcast %add3A_1022 : i32 to vector<16xi32>
      %add3A_1024 = arith.addi %mul3A_1017, %add3A_1023 : vector<16xi32>
      %select_n3A_1025 = arith.select %ge3A_985, %div3A_983, %broadcast_in_dim3A_1014 : vector<16xi1>, vector<16xf32>
      tpu.vector_store_idx %arg11[%add3A_1024], %select_n3A_1025 : memref<2160xf32, #tpu.memory_space<vmem>>[vector<16xi32>], vector<16xf32>,
      %add3A_1026 = arith.constant 2 : i32
      %add3A_1027 = vector.broadcast %add3A_1026 : i32 to vector<16xi32>
      %add3A_1028 = arith.addi %mul3A_1017, %add3A_1027 : vector<16xi32>
      %select_n3A_1029 = arith.select %ge3A_985, %mul3A_1005, %broadcast_in_dim3A_1014 : vector<16xi1>, vector<16xf32>
      tpu.vector_store_idx %arg11[%add3A_1028], %select_n3A_1029 : memref<2160xf32, #tpu.memory_space<vmem>>[vector<16xi32>], vector<16xf32>,
      %add3A_1030 = arith.constant 3 : i32
      %add3A_1031 = vector.broadcast %add3A_1030 : i32 to vector<16xi32>
      %add3A_1032 = arith.addi %mul3A_1017, %add3A_1031 : vector<16xi32>
      %select_n3A_1033 = arith.select %ge3A_985, %mul3A_1010, %broadcast_in_dim3A_1014 : vector<16xi1>, vector<16xf32>
      tpu.vector_store_idx %arg11[%add3A_1032], %select_n3A_1033 : memref<2160xf32, #tpu.memory_space<vmem>>[vector<16xi32>], vector<16xf32>,
      %add3A_1034 = arith.constant 4 : i32
      %add3A_1035 = vector.broadcast %add3A_1034 : i32 to vector<16xi32>
      %add3A_1036 = arith.addi %mul3A_1017, %add3A_1035 : vector<16xi32>
      %select_n3A_1037 = arith.select %ge3A_985, %mul3A_1011, %broadcast_in_dim3A_1014 : vector<16xi1>, vector<16xf32>
      tpu.vector_store_idx %arg11[%add3A_1036], %select_n3A_1037 : memref<2160xf32, #tpu.memory_space<vmem>>[vector<16xi32>], vector<16xf32>,
      %add3A_1038 = arith.constant 5 : i32
      %add3A_1039 = vector.broadcast %add3A_1038 : i32 to vector<16xi32>
      %add3A_1040 = arith.addi %mul3A_1017, %add3A_1039 : vector<16xi32>
      %select_n3A_1041 = arith.select %ge3A_985, %mul3A_1012, %broadcast_in_dim3A_1014 : vector<16xi1>, vector<16xf32>
      tpu.vector_store_idx %arg11[%add3A_1040], %select_n3A_1041 : memref<2160xf32, #tpu.memory_space<vmem>>[vector<16xi32>], vector<16xf32>,
      %scan3A_1042 = arith.constant 0 : i32
      scf.yield %scan3A_1042 : i32
    }
    %scan3A_137 = arith.constant 23 : i32
    %add3A_138 = arith.constant 1440 : i32
    %add3A_139 = arith.addi %mul3A_2, %add3A_138 : i32
    %mul3A_140 = arith.constant 6 : i32
    %mul3A_141 = arith.muli %add3A_139, %mul3A_140 : i32
    %dma_start3A_142 = tpu.memref_slice %arg6[%mul3A_141] : memref<345600xf32, #tpu.memory_space<hbm>> -> memref<2160xf32, #tpu.memory_space<hbm>>
    %dma_start3A_143 = tpu.memref_slice %arg6[%mul3A_141] : memref<345600xf32, #tpu.memory_space<hbm>> -> memref<2160xf32, #tpu.memory_space<hbm>>
    tpu.enqueue_dma source(%arg11 : memref<2160xf32, #tpu.memory_space<vmem>>) target(%dma_start3A_143 : memref<2160xf32, #tpu.memory_space<hbm>>) target_semaphore(%arg19 : memref<!tpu.dma_semaphore, #tpu.memory_space<semaphore_mem>>)
    %dma_wait3A_144 = tpu.memref_slice %arg6[%mul3A_141] : memref<345600xf32, #tpu.memory_space<hbm>> -> memref<2160xf32, #tpu.memory_space<hbm>>
    %dma_wait3A_145 = tpu.memref_slice %arg6[%mul3A_141] : memref<345600xf32, #tpu.memory_space<hbm>> -> memref<2160xf32, #tpu.memory_space<hbm>>
    tpu.wait_dma2 semaphore(%arg19 : memref<!tpu.dma_semaphore, #tpu.memory_space<semaphore_mem>>) src(%arg11 : memref<2160xf32, #tpu.memory_space<vmem>>) dst(%dma_wait3A_145 : memref<2160xf32, #tpu.memory_space<hbm>>)
    %dma_wait3A_146 = tpu.memref_slice %arg6[%mul3A_122] : memref<345600xf32, #tpu.memory_space<hbm>> -> memref<2160xf32, #tpu.memory_space<hbm>>
    %dma_wait3A_147 = tpu.memref_slice %arg6[%mul3A_122] : memref<345600xf32, #tpu.memory_space<hbm>> -> memref<2160xf32, #tpu.memory_space<hbm>>
    tpu.wait_dma2 semaphore(%arg20 : memref<!tpu.dma_semaphore, #tpu.memory_space<semaphore_mem>>) src(%arg12 : memref<2160xf32, #tpu.memory_space<vmem>>) dst(%dma_wait3A_147 : memref<2160xf32, #tpu.memory_space<hbm>>)
    return
  }
}

</mosaic_0001>

<sc_bundles>
// kernel: kernel.3.cloned.1.call-start
scs
__scs_entry_jumppad:
0x0: {  	(pc) =	sbr.rel $0x88, $3  }
0x1: {  	(tag) =	ssettag $0x0;
	lr =	simm.s32 $0x1  }
0x2: {  	[smem:$0x3F9E] =	sst lr;
	_ =	strace $0xD0000000  }
0x3: {  	_ = 	snop  }
0x4: {  	_ = 	snop  }
0x5: {  	_ = 	snop  }
0x6: {  	_ = 	snop  }
0x7: {  	_ = 	snop  }
__scs_overlays_trampoline_lowered:
0x8: {  	[smem:$0x3FAD] =	sst s0  }
0x9: {  	[smem:$0x3FAE] =	sst s1  }
0xa: {  	[smem:$0x3FAF] =	sst s2  }
0xb: {  	[smem:$0x3FB0] =	sst s3  }
0xc: {  	[smem:$0x3FB1] =	sst s4  }
0xd: {  	[smem:$0x3FB2] =	sst s5  }
0xe: {  	[smem:$0x3FB3] =	sst s6  }
0xf: {  	[smem:$0x3FB4] =	sst s7  }
0x10: {  	[smem:$0x3FB5] =	sst s8  }
0x11: {  	[smem:$0x3FB6] =	sst s9;
	s0 =	simm.s32 @!p0 $0x0  }
0x12: {  	s1 =	sld [smem:$0x3F9C];
	s0 =	simm.s32 @p0 $0x1  }
0x13: {  	[smem:$0x3FB7] =	sst s0;
	s0 =	simm.s32 @!p1 $0x0  }
0x14: {  	s2 =	sld [smem:$0x3F9B];
	s0 =	simm.s32 @p1 $0x1  }
0x15: {  	[smem:$0x3FB8] =	sst s0;
	s0 =	simm.s32 @!p2 $0x0  }
0x16: {  	s3 =	sld [smem:$0x3FDB];
	s0 =	simm.s32 @p2 $0x1  }
0x17: {  	s4 =	simm.s32 $0x1BF5;
	[smem:$0x3FBA] =	sst s0  }
0x18: {  	s0 =	sld [smem:$0x3F9D];
	_ =	swait.ge [sflag:s4], $0x0  }
0x19: {  	s7 =	sld [smem:$0x3F9E]  }
0x1a: {  	s8 =	sadd.s32 $0xFFFFE003, lr  }
0x1b: {  	s9 =	sadd.s32 $0xFFFFFEF7, lr;
	s5 =	simm.s32 $0xFFFFFFFF;
	p2 =	slt.u32 s8, $0xFFFFF086  }
0x1c: {  	p1 =	slt.u32 s9, $0xF7A;
	s5 =	simm.s32 @!p2 $0x0  }
0x1d: {  	s5 =	simm.s32 @p1 $0x1;
	p0 =	seq.s32 s7, s2  }
0x1e: {  	s7 =	smul.u32 @!p0 $0xF7A, s2;
	p2 =	seq.s32 @!p0 s5, $0x0  }
0x1f: {  	s9 =	smul.u32 $0xF7A, s1;
	s8 =	simm.s32 @!p0 $0x1BF5;
	p2 =	por !p2, p0  }
0x20: {  	[sflag:s8] =	ssyncset.s32 @!p0 $0xFFFFF086;
	s6 =	sadd.s32 @!p0 s3, s7;
	s7 =	simm.s32 @!p0 $0x108  }
0x21: {  	s3 =	sadd.s32 s3, s9;
	s6 =	sadd.s32 @!p0 $0x88, s6;
	s7 =	simm.s32 @p2 $0x1082  }
0x22: {  	[simem:s7], [sflag:s8] =	dma.local @!p0 [hbm:s6], $0xF7A  }
0x23: {  	s9 =	sor.u32 $0xD0000000, s2;
	s6 =	simm.s32 $0x108;
	_ =	swait.ge @!p0 [sflag:s8], $0x0  }
0x24: {  	s3 =	sadd.s32 $0x88, s3;
	s6 =	simm.s32 @!p1 $0x1082;
	[sflag:s4] =	ssyncset.s32 $0xFFFFF086  }
0x25: {  	[simem:s6], [sflag:s4] =	dma.local [hbm:s3], $0xF7A  }
0x26: {  	[smem:$0x3F9E] =	sst s1;
	(tag) =	ssettag s2;
	_ =	strace s9  }
0x27: {  	s1 =	sld [smem:$0x3FAE]  }
0x28: {  	s2 =	sld [smem:$0x3FAF]  }
0x29: {  	s4 =	sld [smem:$0x3FB1]  }
0x2a: {  	p0 =	seq.s32 s5, $0x0;
	s5 =	sld [smem:$0x3FB2]  }
0x2b: {  	s6 =	sld [smem:$0x3FB3]  }
0x2c: {  	s7 =	sld [smem:$0x3FB4]  }
0x2d: {  	s3 =	simm.s32 $0x108;
	s8 =	sld [smem:$0x3FB5]  }
0x2e: {  	s3 =	simm.s32 @!p0 $0x1082;
	s9 =	sld [smem:$0x3FB6]  }
0x2f: {  	lr =	sadd.s32 s0, s3;
	s0 =	sld [smem:$0x3FAD]  }
0x30: {  	s3 =	sld [smem:$0x3FB0]  }
0x31: {  	[smem:$0x3FB9] =	sst s10  }
0x32: {  	s10 =	sld [smem:$0x3FB7];
	_ =	sdelay $0x3  }
0x33: {  	p0 =	seq.s32 s10, $0x1;
	s10 =	sld [smem:$0x3FB9];
	_ =	sdelay $0x3  }
0x34: {  	[smem:$0x3FB9] =	sst s10  }
0x35: {  	s10 =	sld [smem:$0x3FB8];
	_ =	sdelay $0x3  }
0x36: {  	p1 =	seq.s32 s10, $0x1;
	s10 =	sld [smem:$0x3FB9];
	_ =	sdelay $0x3  }
0x37: {  	[smem:$0x3FB9] =	sst s10  }
0x38: {  	s10 =	sld [smem:$0x3FBA]  }
0x39: {  	_ = 	snop;
	(pc) =	sbr.ind lr, $3  }
0x3a: {  	_ = 	snop  }
0x3b: {  	_ = 	snop  }
0x3c: {  	p2 =	seq.s32 s10, $0x1;
	s10 =	sld [smem:$0x3FB9]  }
0x3d: {  	_ =	shalt  }
0x3e: {  	_ =	shalt  }
0x3f: {  	_ =	shalt  }
0x40: {  	_ =	shalt  }
0x41: {  	_ =	shalt  }
0x42: {  	_ =	shalt  }
0x43: {  	_ =	shalt  }
0x44: {  	_ =	shalt  }
0x45: {  	_ =	shalt  }
0x46: {  	_ =	shalt  }
0x47: {  	_ =	shalt  }
0x48: {  	_ =	shalt  }
0x49: {  	_ =	shalt  }
0x4a: {  	_ =	shalt  }
0x4b: {  	_ =	shalt  }
0x4c: {  	_ =	shalt  }
0x4d: {  	_ =	shalt  }
0x4e: {  	_ =	shalt  }
0x4f: {  	_ =	shalt  }
0x50: {  	_ =	shalt  }
0x51: {  	_ =	shalt  }
0x52: {  	_ =	shalt  }
0x53: {  	_ =	shalt  }
0x54: {  	_ =	shalt  }
0x55: {  	_ =	shalt  }
0x56: {  	_ =	shalt  }
0x57: {  	_ =	shalt  }
0x58: {  	_ =	shalt  }
0x59: {  	_ =	shalt  }
0x5a: {  	_ =	shalt  }
0x5b: {  	_ =	shalt  }
0x5c: {  	_ =	shalt  }
0x5d: {  	_ =	shalt  }
0x5e: {  	_ =	shalt  }
0x5f: {  	_ =	shalt  }
0x60: {  	_ =	shalt  }
0x61: {  	_ =	shalt  }
0x62: {  	_ =	shalt  }
0x63: {  	_ =	shalt  }
0x64: {  	_ =	shalt  }
0x65: {  	_ =	shalt  }
0x66: {  	_ =	shalt  }
0x67: {  	_ =	shalt  }
0x68: {  	_ =	shalt  }
0x69: {  	_ =	shalt  }
0x6a: {  	_ =	shalt  }
0x6b: {  	_ =	shalt  }
0x6c: {  	_ =	shalt  }
0x6d: {  	_ =	shalt  }
0x6e: {  	_ =	shalt  }
0x6f: {  	_ =	shalt  }
0x70: {  	_ =	shalt  }
0x71: {  	_ =	shalt  }
0x72: {  	_ =	shalt  }
0x73: {  	_ =	shalt  }
0x74: {  	_ =	shalt  }
0x75: {  	_ =	shalt  }
0x76: {  	_ =	shalt  }
0x77: {  	_ =	shalt  }
0x78: {  	_ =	shalt  }
0x79: {  	_ =	shalt  }
0x7a: {  	_ =	shalt  }
0x7b: {  	_ =	shalt  }
0x7c: {  	_ =	shalt  }
0x7d: {  	_ =	shalt  }
0x7e: {  	_ =	shalt  }
0x7f: {  	_ =	shalt  }
0x80: {  	_ =	shalt  }
0x81: {  	_ =	shalt  }
0x82: {  	_ =	shalt  }
0x83: {  	_ =	shalt  }
0x84: {  	_ =	shalt  }
0x85: {  	_ =	shalt  }
0x86: {  	_ =	shalt  }
0x87: {  	_ =	shalt  }
.Lfunc_end0:
.L_simem_size_0:
called_computation_lowered:
.L_overlay_start_0:
0x88: {  	s2 =	sld [smem:$0x3FD9]  }
0x89: {  	s3 =	sld [smem:$0x3FFE];
	_ =	sdelay $0x1  }
0x8a: {  	s1 =	srdreg.scid  }
0x8b: {  	s0 =	sand.u32 $0x1, s1  }
0x8c: {  	s17 =	sshll.u32 s0, $0xA;
	s2 =	sadd.s32 s3, s2  }
0x8d: {  	s2 =	sadd.s32 s2, s17  }
0x8e: {  	[smem:$0x3FC5] =	sst s2  }
0x8f: {  	_ = 	snop  }
0x90: {  	s2 =	sld [smem:$0x3FD0];
	(tm) =	ssettm $0x1  }
0x91: {  	s18 =	sld [smem:$0x3FFB];
	_ =	sdelay $0x3  }
0x92: {  	_ =	strace s18  }
0x93: {  	s3 =	sld [smem:$0x3FFC];
	_ =	sdelay $0x3  }
0x94: {  	_ =	strace s3  }
0x95: {  	s3 =	sld [smem:$0x3FFD];
	_ =	sdelay $0x3  }
0x96: {  	_ =	strace s3  }
0x97: {  	_ =	strace $0x8FFFFFFF  }
0x98: {  	s19 =	sld [smem:$0x3FDB];
	_ =	sdelay $0x1  }
0x99: {  	s4 =	simm.s32 $_scs_section_size  }
0x9a: {  	s5 =	simm.s32 $_size__tile_overlayer_lowered;
	s6 =	simm.s32 $_tile_overlayer_lowered  }
0x9b: {  	s22 =	simm.s32 $0x1BFF;
	s21 =	sshll.u32 s6, $0x1;
	s3 =	sadd.s32 s4, s19  }
0x9c: {  	s7 =	simm.s32 $0x0;
	s20 =	sshll.u32 s5, $0x1;
	s5 =	sadd.s32 s21, s3  }
0x9d: {  	[timem:s7], [sflag:s22] =	dma.local [hbm:s5], s20  }
0x9e: {  	_ =	swait.ge [sflag:s22], s20  }
0x9f: {  	s4 =	ssub.s32 $0x0, s20;
	[sflag:s22] =	ssyncset.done $0x0  }
0xa0: {  	[sflag:s22] =	ssyncadd.s32 s4;
	_ =	sdelay $0x1  }
0xa1: {  	s23 =	simm.s32 $0x1B8B  }
0xa2: {  	_ =	swait.ge [sflag:s23], $0x1  }
0xa3: {  	[sflag:s23] =	ssyncset.done $0x0  }
0xa4: {  	s25 =	simm.s32 $0x1B8E;
	s24 =	sld [smem:$0x3FFE];
	[sflag:s23] =	ssyncadd.s32 $0xFFFFFFFF  }
0xa5: {  	s26 =	simm.s32 $execute0_lowered;
	[smem:$0x3FD2] =	sst s25  }
0xa6: {  	s5 =	sshll.u32 s26, $0x1;
	_ =	strace $0x80000046;
	[dreg:$0x1] =	wrdreg $0xFFFFFFFF  }
0xa7: {  	s28 =	simm.s32 $_size_execute0_lowered;
	s3 =	sadd.s32 s3, s5;
	[dreg:$0x0] =	wrdreg $0x0  }
0xa8: {  	s5 =	sshll.u32 s28, $0x1;
	[dreg:$0x2] =	wrdreg s3  }
0xa9: {  	[dreg:$0x3] =	wrdreg s5  }
0xaa: {  	[dreg:$0x4] =	wrdreg $0xC0  }
0xab: {  	_ =	task [dreg:s7], $0x5FFFF  }
0xac: {  	[dreg:$0x1] =	wrdreg $0xFFFFFFFF  }
0xad: {  	[dreg:$0x0] =	wrdreg $0x60  }
0xae: {  	[dreg:$0x2] =	wrdreg s24  }
0xaf: {  	[dreg:$0x3] =	wrdreg s2  }
0xb0: {  	[dreg:$0x4] =	wrdreg $0x9  }
0xb1: {  	_ =	task.clear_ibuf [dreg:s7], $0x5FFFF;
	_ =	strace $0x90000046  }
0xb2: {  	s29 =	simm.s32 $0x9;
	_ =	strace $0x80000048  }
0xb3: {  	_ =	swait.ge [sflag:s29], $0x1  }
0xb4: {  	[sflag:s29] =	ssyncadd.s32 $0xFFFFFFFF  }
0xb5: {  	_ =	strace $0x90000048  }
0xb6: {  	_ =	sfence  }
0xb7: {  	s30 =	sld [smem:$0x0];
	_ =	sdelay $0x2  }
0xb8: {  	s31 =	sshll.u32 s1, $0xD;
	s1 =	sshrl.u32 s1, $0x2  }
0xb9: {  	s3 =	sand.u32 $0x4000, s31;
	s1 =	sadd.s32 s1, s30  }
0xba: {  	s0 =	sor.u32 s3, s0;
	s1 =	sshll.u32 s1, $0x11  }
0xbb: {  	s0 =	sor.u32 s1, s0  }
0xbc: {  	s0 =	sadd.s32 $0x8F2B, s0  }
0xbd: {  	[sflag:s0] =	ssyncadd.remote.s32 $0x1  }
0xbe: {  	_ =	sfence.sel $0xFFFF  }
0xbf: {  	[dreg:$0x0] =	wrdreg $0xFFFFFFFF;
	(pc) =	sbr.abs _section_cstart, $3  }
0xc0: {  	[dreg:$0x1] =	wrdreg $0xFFFFFFFF  }
0xc1: {  	_ =	task.clear_ibuf [dreg:s7], $0x2FFFF;
	_ =	strace $0x9FFFFFFF  }
0xc2: {  	(tm) =	ssettm $0x7FFFFFFF  }
0xc3: {  	_ =	shalt  }
tec
execute0_lowered:
.L_overlay_start_1:
0x0: {  	(tag) =	ssettag $0x1  }
0x1: {  	s0 =	rddreg [dreg:$0x0]  }
0x2: {  	s1 =	rddreg [dreg:$0x1];
	s3 =	srdreg.scid  }
0x3: {  	s4 =	stileid.u32;
	s2 =	simm.s32 $0x0;
	s28 =	simm.s32 $0x8000  }
0x4: {  	s29 =	simm.s32 $0x10600;
	s3 =	sand.u32 $0x1, s3;
	s4 =	sshll.u32 s4, $0x1  }
0x5: {  	s30 =	simm.s32 $0x10C00;
	s31 =	simm.s32 $0x2;
	s4 =	sor.u32 s3, s4  }
0x6: {  	[smem:$0x7FF] =	sst s2;
	s16 =	sadd.s32 $0xC00, s0;
	s10 =	smul.u32 $0x708, s4  }
0x7: {  	s11 =	sadd.s32 $0xA1000, s0;
	s7 =	sadd.s32 $0xA8200, s0;
	s5 =	smul.u32 $0x4FFB, s4  }
0x8: {  	s0 =	sadd.s32 $0xA0E00, s0;
	_ =	strace $0x80000047;
	s6 =	smul.u32 $0x384, s4  }
0x9: {  	s3 =	ssub.s32 $0x2, s3;
	[dreg:$0x3] =	wrdreg s7;
	s20 =	smul.u32 $0x546, s4  }
0xa: {  	[dreg:$0x4] =	wrdreg s0;
	s19 =	sshrl.u32 s3, $0x1;
	s14 =	smul.u32 $0x27FD8, s4  }
0xb: {  	s4 =	smul.u32 $0x2A30, s4;
	s0 =	ssub.s32 s3, s19;
	s12 =	sadd.s32 $0x168, s10  }
0xc: {  	s5 =	sadd.s32 s16, s5;
	s6 =	sadd.s32 s11, s6;
	s9 =	sadd.s32 s1, s20  }
0xd: {  	s23 =	sadd.s32 $0xFFF0, s14;
	s13 =	sshrl.u32 s10, $0x1;
	s25 =	sadd.s32 $0x17FE8, s14  }
0xe: {  	s15 =	sadd.s32 $0x10E0, s4;
	s17 =	sadd.s32 $0x1FFE0, s14;
	s18 =	sadd.s32 $0x1950, s4  }
0xf: {  	s4 =	sadd.s32 $0x21C0, s4;
	s20 =	smax.u32 s0, $0x1;
	s0 =	simm.s32 $0x4  }
0x10: {  	s8 =	smul.u32 $0x5B, s12;
	[dreg:$0x5] =	wrdreg s5;
	s22 =	sshrl.u32 s12, $0x1  }
0x11: {  	s3 =	sshrl.u32 s23, $0x3;
	s12 =	smul.u32 $0x6, s12;
	s24 =	sadd.s32 s11, s13  }
0x12: {  	s13 =	sshrl.u32 s25, $0x3;
	s15 =	sshrl.u32 s15, $0x3;
	s17 =	sshrl.u32 s17, $0x3  }
0x13: {  	s26 =	sshrl.u32 s18, $0x3;
	s4 =	sshrl.u32 s4, $0x3;
	s25 =	simm.s32 $0x1  }
0x14: {  	s23 =	simm.s32 $0x6;
	s10 =	sadd.s32 s16, s3;
	s13 =	sadd.s32 s16, s13  }
0x15: {  	s14 =	sadd.s32 $0x21C, s24;
	s15 =	sadd.s32 s1, s15;
	s18 =	sadd.s32 s1, s26  }
0x16: {  	s19 =	sadd.s32 s1, s4;
	s26 =	simm.s32 $0x3;
	s3 =	simm.s32 $0x0  }
0x17: {  	s21 =	sshrl.u32 s8, $0x3;
	s8 =	sadd.s32 s11, s22;
	s11 =	sadd.s32 $0x168, s24  }
0x18: {  	s12 =	sshrl.u32 s12, $0x3;
	s22 =	simm.s32 $0x7;
	s7 =	sadd.s32 s16, s21  }
0x19: {  	v0 =	vlaneseq.u32;
	v1 =	vimm.s32 $0x0;
	s12 =	sadd.s32 s1, s12;
	s16 =	sadd.s32 s16, s17;
	s17 =	sadd.s32 $0x2D0, s24  }
0x1a: {  	v2 =	vimm.s32 $0x1;
	v3 =	vimm.s32 $0x2;
	v4 =	vimm.s32 $0x3;
	s24 =	simm.s32 $0x10000;
	s1 =	simm.s32 $0x11480;
	s21 =	simm.s32 $0x5  }
.LBB2_1:
0x1b: {  	s4 =	rddreg [dreg:$0x3];
	s5 =	simm.s32 $0x11D00  }
0x1c: {  	[tilespmem:s5], [sflag:$0x7] =	stream.linear.gather [hbm4b:s4+s2], $0x80, $0x38;
	[tilespmem:$0x11E00] =	vst v63  }
0x1d: {  	_ =	swait.ge [sflag:s22], $0x80  }
0x1e: {  	[sflag:s22] =	ssyncset.done $0x0  }
0x1f: {  	s5 =	simm.s32 $0x11D80;
	s4 =	rddreg [dreg:$0x4];
	[sflag:s22] =	ssyncadd.s32 $0xFFFFFF80  }
0x20: {  	[tilespmem:s5], [sflag:$0x7] =	stream.linear.gather [hbm4b:s4+s2], $0x80, $0x38;
	[tilespmem:$0x11E00] =	vst v63  }
0x21: {  	_ =	swait.ge [sflag:s22], $0x80  }
0x22: {  	[sflag:s22] =	ssyncset.done $0x0  }
0x23: {  	[sflag:s22] =	ssyncadd.s32 $0xFFFFFF80  }
0x24: {  	s5 =	rddreg [dreg:$0x5];
	v5 =	vld [tilespmem:$0x11D00]  }
0x25: {  	v6 =	vld [tilespmem:$0x11D80];
	[tilespmem:s2], [sflag:$0x1] =	stream.linear.gather [hbm4b:s5+s2], $0x7FF8, $0x38  }
0x26: {  	_ = 	snop  }
0x27: {  	[tilespmem:s24], [sflag:$0x3] =	stream.linear.gather [hbm4b:s6+s2], $0x5A0, $0x38;
	[tilespmem:$0x11E00] =	vst v63  }
0x28: {  	_ =	swait.ge [sflag:s25], $0x7FF8  }
0x29: {  	[sflag:s25] =	ssyncset.done $0x0  }
0x2a: {  	[sflag:s25] =	ssyncadd.s32 $0xFFFF8008  }
0x2b: {  	_ =	swait.ge [sflag:s26], $0x5A0  }
0x2c: {  	[sflag:s26] =	ssyncset.done $0x0  }
0x2d: {  	[sflag:s26] =	ssyncadd.s32 $0xFFFFFA60  }
0x2e: {  	[tilespmem:s28], [sflag:$0x2] =	stream.linear.gather [hbm4b:s7+s2], $0x7FF8, $0x38;
	[tilespmem:$0x11E00] =	vst v63  }
0x2f: {  	s4 =	simm.s32 $0x0  }
0x30: {  	[tilespmem:s29], [sflag:$0x4] =	stream.linear.gather [hbm4b:s8+s2], $0x5A0, $0x38;
	[tilespmem:$0x11E00] =	vst v63  }
.LBB2_2:
0x31: {  	s5 =	smin.u32 s4, $0x158  }
0x32: {  	v7 =	vadd.s32 s5, v0  }
0x33: {  	v8 =	vmul.u32 $0x5B, v7;
	_ =	sdelay $0x1  }
0x34: {  	v9 =	vadd.s32 $0x4, v8  }
0x35: {  	v10 =	vadd.s32 $0x8, v8  }
0x36: {  	v12 =	vadd.s32 $0xC, v8  }
0x37: {  	v13 =	vadd.s32 $0x10, v8  }
0x38: {  	v14 =	vadd.s32 $0x14, v8;
	v11 =	vld.idx.msk [tilespmem:v8+s2+$0x0], $0xffff  }
0x39: {  	v15 =	vadd.s32 $0x18, v8;
	v9 =	vld.idx.msk [tilespmem:v9+s2+$0x0], $0xffff  }
0x3a: {  	v20 =	vadd.s32 $0x1C, v8;
	v10 =	vld.idx.msk [tilespmem:v10+s2+$0x0], $0xffff  }
0x3b: {  	v22 =	vadd.s32 $0x20, v8;
	v12 =	vld.idx.msk [tilespmem:v12+s2+$0x0], $0xffff  }
0x3c: {  	v24 =	vadd.s32 $0x24, v8;
	v19 =	vld.idx.msk [tilespmem:v13+s2+$0x0], $0xffff  }
0x3d: {  	v26 =	vadd.s32 $0x28, v8;
	v21 =	vld.idx.msk [tilespmem:v14+s2+$0x0], $0xffff  }
0x3e: {  	v28 =	vadd.s32 $0x2C, v8;
	v23 =	vld.idx.msk [tilespmem:v15+s2+$0x0], $0xffff  }
0x3f: {  	v30 =	vadd.s32 $0x30, v8;
	v25 =	vld.idx.msk [tilespmem:v20+s2+$0x0], $0xffff  }
0x40: {  	v32 =	vadd.s32 $0x34, v8;
	v27 =	vld.idx.msk [tilespmem:v22+s2+$0x0], $0xffff  }
0x41: {  	v35 =	vadd.s32 $0x38, v8;
	v37 =	vadd.s32 $0x1, v8;
	v29 =	vld.idx.msk [tilespmem:v24+s2+$0x0], $0xffff  }
0x42: {  	v17 =	vadd.s32 $0x5, v8;
	v39 =	vadd.s32 $0x3C, v8;
	v18 =	vadd.s32 $0x9, v8;
	v31 =	vld.idx.msk [tilespmem:v26+s2+$0x0], $0xffff  }
0x43: {  	v41 =	vadd.s32 $0x40, v8;
	v42 =	vadd.s32 $0x44, v8;
	v33 =	vld.idx.msk [tilespmem:v28+s2+$0x0], $0xffff;
	vm0 =	vgt.f32 v9, v11  }
0x44: {  	v43 =	vadd.s32 $0x48, v8;
	v44 =	vadd.s32 $0x4C, v8;
	v36 =	vld.idx.msk [tilespmem:v30+s2+$0x0], $0xffff;
	v9 =	vsel vm0, v9, v11  }
0x45: {  	v46 =	vadd.s32 $0x1D, v8;
	v47 =	vadd.s32 $0x54, v8;
	v38 =	vld.idx.msk [tilespmem:v32+s2+$0x0], $0xffff;
	vm1 =	vgt.f32 v10, v9  }
0x46: {  	v49 =	vadd.s32 $0x21, v8;
	v52 =	vadd.s32 $0x25, v8;
	v40 =	vld.idx.msk [tilespmem:v35+s2+$0x0], $0xffff;
	v9 =	vsel vm1, v10, v9  }
0x47: {  	v53 =	vadd.s32 $0x58, v8;
	v55 =	vadd.s32 $0x29, v8;
	v15 =	vld.idx.msk [tilespmem:v37+s2+$0x0], $0xffff;
	vm2 =	vgt.f32 v12, v9  }
0x48: {  	v58 =	vadd.s32 $0x2D, v8;
	v61 =	vadd.s32 $0x31, v8;
	v17 =	vld.idx.msk [tilespmem:v17+s2+$0x0], $0xffff;
	v9 =	vsel vm2, v12, v9  }
0x49: {  	v63 =	vadd.s32 $0x35, v8;
	v13 =	vld.idx.msk [tilespmem:v39+s2+$0x0], $0xffff;
	v20 =	vadd.s32 $0x11, v8;
	vm3 =	vgt.f32 v19, v9  }
0x4a: {  	v18 =	vld.idx.msk [tilespmem:v18+s2+$0x0], $0xffff;
	v22 =	vadd.s32 $0x19, v8;
	v26 =	vadd.s32 $0x3D, v8;
	v9 =	vsel vm3, v19, v9  }
0x4b: {  	v54 =	vld.idx.msk [tilespmem:v47+s2+$0x0], $0xffff;
	v32 =	vadd.s32 $0x49, v8;
	v35 =	vadd.s32 $0x6, v8;
	vm4 =	vgt.f32 v21, v9  }
0x4c: {  	v57 =	vld.idx.msk [tilespmem:v49+s2+$0x0], $0xffff;
	v37 =	vadd.s32 $0x4D, v8;
	v39 =	vadd.s32 $0x51, v8;
	v9 =	vsel vm4, v21, v9  }
0x4d: {  	v24 =	vld.idx.msk [tilespmem:v61+s2+$0x0], $0xffff;
	v47 =	vadd.s32 $0x16, v8;
	v49 =	vadd.s32 $0x1E, v8;
	vm5 =	vgt.f32 v23, v9  }
0x4e: {  	v28 =	vld.idx.msk [tilespmem:v63+s2+$0x0], $0xffff;
	v61 =	vadd.s32 $0xB, v8;
	v63 =	vadd.s32 $0x2E, v8;
	v9 =	vsel vm5, v23, v9  }
0x4f: {  	v50 =	vld.idx.msk [tilespmem:v22+s2+$0x0], $0xffff;
	v22 =	vadd.s32 $0x39, v8;
	v16 =	vsel vm0, $0x4, v1;
	vm6 =	vgt.f32 v25, v9  }
0x50: {  	vm0 =	vgt.f32 v17, v15;
	v11 =	vld.idx.msk [tilespmem:v43+s2+$0x0], $0xffff;
	v19 =	vadd.s32 $0xD, v8;
	v9 =	vsel vm6, v25, v9  }
0x51: {  	v15 =	vsel vm0, v17, v15;
	v34 =	vsel vm1, $0x8, v16;
	v16 =	vld.idx.msk [tilespmem:v41+s2+$0x0], $0xffff;
	vm7 =	vgt.f32 v27, v9  }
0x52: {  	v10 =	vld.idx.msk [tilespmem:v44+s2+$0x0], $0xffff;
	v14 =	vsel vm2, $0xC, v34;
	v34 =	vadd.s32 $0x2, v8;
	v9 =	vsel vm7, v27, v9  }
0x53: {  	v43 =	vadd.s32 $0x12, v8;
	vm1 =	vgt.f32 v18, v15;
	v41 =	vld.idx.msk [tilespmem:v35+s2+$0x0], $0xffff;
	vm13 =	vgt.f32 v29, v9  }
0x54: {  	v44 =	vadd.s32 $0x55, v8;
	v12 =	vld.idx.msk [tilespmem:v42+s2+$0x0], $0xffff;
	v23 =	vadd.s32 $0x50, v8;
	v9 =	vsel vm13, v29, v9  }
0x55: {  	v15 =	vsel vm1, v18, v15;
	v14 =	vsel vm3, $0x10, v14;
	v19 =	vld.idx.msk [tilespmem:v19+s2+$0x0], $0xffff;
	vm14 =	vgt.f32 v31, v9  }
0x56: {  	v42 =	vld.idx.msk [tilespmem:v37+s2+$0x0], $0xffff;
	v14 =	vsel vm4, $0x14, v14;
	v21 =	vadd.s32 $0x15, v8;
	v9 =	vsel vm14, v31, v9  }
0x57: {  	v37 =	vadd.s32 $0x3A, v8;
	v18 =	vld.idx.msk [tilespmem:v34+s2+$0x0], $0xffff;
	v14 =	vsel vm5, $0x18, v14;
	vm15 =	vgt.f32 v33, v9  }
0x58: {  	v45 =	vld.idx.msk [tilespmem:v20+s2+$0x0], $0xffff;
	v34 =	vadd.s32 $0x36, v8;
	v14 =	vsel vm6, $0x1C, v14;
	v9 =	vsel vm15, v33, v9  }
0x59: {  	v14 =	vsel vm7, $0x20, v14;
	v51 =	vld.idx.msk [tilespmem:v23+s2+$0x0], $0xffff;
	v23 =	vsel vm0, $0x5, v2;
	vm6 =	vgt.f32 v36, v9  }
0x5a: {  	v14 =	vsel vm13, $0x24, v14;
	vm2 =	vgt.f32 v19, v15;
	v9 =	vsel vm6, v36, v9  }
0x5b: {  	v48 =	vld.idx.msk [tilespmem:v21+s2+$0x0], $0xffff;
	v25 =	vsel vm1, $0x9, v23;
	v29 =	vadd.s32 $0x41, v8;
	vm7 =	vgt.f32 v38, v9  }
0x5c: {  	vm1 =	vgt.f32 v41, v18;
	v15 =	vsel vm2, v19, v15;
	v9 =	vsel vm7, v38, v9  }
0x5d: {  	v21 =	vld.idx.msk [tilespmem:v58+s2+$0x0], $0xffff;
	v27 =	vsel vm2, $0xD, v25;
	v58 =	vsel vm1, $0x6, v3;
	vm8 =	vgt.f32 v40, v9  }
0x5e: {  	v25 =	vadd.s32 $0x13, v8;
	vm3 =	vgt.f32 v45, v15;
	v9 =	vsel vm8, v40, v9  }
0x5f: {  	v14 =	vsel vm14, $0x28, v14;
	v15 =	vsel vm3, v45, v15;
	vm9 =	vgt.f32 v13, v9  }
0x60: {  	v31 =	vadd.s32 $0x45, v8;
	vm4 =	vgt.f32 v48, v15;
	v9 =	vsel vm9, v13, v9  }
0x61: {  	v14 =	vsel vm15, $0x2C, v14;
	v56 =	vsel vm4, v48, v15;
	vm10 =	vgt.f32 v16, v9  }
0x62: {  	v48 =	vadd.s32 $0x59, v8;
	v14 =	vsel vm6, $0x30, v14;
	v13 =	vld.idx.msk [tilespmem:v46+s2+$0x0], $0xffff;
	v9 =	vsel vm10, v16, v9  }
0x63: {  	vm14 =	vgt.f32 v50, v56;
	v36 =	vld.idx.msk [tilespmem:v29+s2+$0x0], $0xffff;
	v29 =	vadd.s32 $0x32, v8;
	vm11 =	vgt.f32 v12, v9  }
0x64: {  	v59 =	vsel vm14, v50, v56;
	v14 =	vsel vm7, $0x34, v14;
	v9 =	vsel vm11, v12, v9  }
0x65: {  	v60 =	vld.idx.msk [tilespmem:v52+s2+$0x0], $0xffff;
	v56 =	vadd.s32 $0x3, v8;
	v14 =	vsel vm8, $0x38, v14;
	vm12 =	vgt.f32 v11, v9  }
0x66: {  	v50 =	vld.idx.msk [tilespmem:v47+s2+$0x0], $0xffff;
	v47 =	vadd.s32 $0x2B, v8;
	v14 =	vsel vm9, $0x3C, v14;
	v9 =	vsel vm12, v11, v9  }
0x67: {  	v14 =	vsel vm10, $0x40, v14;
	vm7 =	vgt.f32 v13, v59;
	vm13 =	vgt.f32 v10, v9  }
0x68: {  	v62 =	vld.idx.msk [tilespmem:v55+s2+$0x0], $0xffff;
	v14 =	vsel vm11, $0x44, v14;
	v9 =	vsel vm13, v10, v9;
	v10 =	vsel vm7, v13, v59  }
0x69: {  	v40 =	vadd.s32 $0xE, v8;
	v12 =	vld.idx.msk [tilespmem:v53+s2+$0x0], $0xffff;
	v14 =	vsel vm12, $0x48, v14;
	vm8 =	vgt.f32 v57, v10  }
0x6a: {  	v14 =	vsel vm13, $0x4C, v14;
	vm9 =	vgt.f32 v51, v9;
	v10 =	vsel vm8, v57, v10  }
0x6b: {  	v55 =	vld.idx.msk [tilespmem:v49+s2+$0x0], $0xffff;
	v9 =	vsel vm9, v51, v9;
	v14 =	vsel vm9, $0x50, v14;
	vm9 =	vgt.f32 v60, v10  }
0x6c: {  	v16 =	vld.idx.msk [tilespmem:v43+s2+$0x0], $0xffff;
	v43 =	vadd.s32 $0x42, v8;
	vm15 =	vgt.f32 v54, v9;
	v10 =	vsel vm9, v60, v10  }
0x6d: {  	v30 =	vld.idx.msk [tilespmem:v22+s2+$0x0], $0xffff;
	v38 =	vadd.s32 $0xA, v8;
	v9 =	vsel vm15, v54, v9;
	vm12 =	vgt.f32 v62, v10  }
0x6e: {  	v46 =	vld.idx.msk [tilespmem:v39+s2+$0x0], $0xffff;
	v39 =	vadd.s32 $0x1F, v8;
	vm11 =	vgt.f32 v12, v9;
	v10 =	vsel vm12, v62, v10  }
0x6f: {  	v33 =	vld.idx.msk [tilespmem:v26+s2+$0x0], $0xffff;
	v9 =	vsel vm11, v12, v9;
	v12 =	vsel vm3, $0x11, v27;
	vm13 =	vgt.f32 v21, v10  }
0x70: {  	v23 =	vld.idx.msk [tilespmem:v40+s2+$0x0], $0xffff;
	v40 =	vadd.s32 $0x3E, v8;
	v12 =	vsel vm4, $0x15, v12;
	v10 =	vsel vm13, v21, v10  }
0x71: {  	v49 =	vld.idx.msk [tilespmem:v43+s2+$0x0], $0xffff;
	v51 =	vadd.s32 $0x22, v8;
	v12 =	vsel vm14, $0x19, v12;
	vm14 =	vgt.f32 v24, v10  }
0x72: {  	v53 =	vadd.s32 $0x26, v8;
	v43 =	vadd.s32 $0x5A, v8;
	v13 =	vld.idx.msk [tilespmem:v44+s2+$0x0], $0xffff;
	v10 =	vsel vm14, v24, v10  }
0x73: {  	v44 =	vld.idx.msk [tilespmem:v37+s2+$0x0], $0xffff;
	v37 =	vadd.s32 $0x4F, v8;
	v14 =	vsel vm15, $0x54, v14;
	vm15 =	vgt.f32 v28, v10  }
0x74: {  	v57 =	vadd.s32 $0x7, v8;
	v12 =	vsel vm7, $0x1D, v12;
	v10 =	vsel vm15, v28, v10  }
0x75: {  	v17 =	vld.idx.msk [tilespmem:v31+s2+$0x0], $0xffff;
	v54 =	vadd.s32 $0x2A, v8;
	v12 =	vsel vm8, $0x21, v12;
	vm4 =	vgt.f32 v30, v10  }
0x76: {  	v59 =	vld.idx.msk [tilespmem:v51+s2+$0x0], $0xffff;
	v51 =	vadd.s32 $0x33, v8;
	v12 =	vsel vm9, $0x25, v12;
	v15 =	vsel vm4, v30, v10  }
0x77: {  	v45 =	vld.idx.msk [tilespmem:v38+s2+$0x0], $0xffff;
	v24 =	vadd.s32 $0x1A, v8;
	v12 =	vsel vm12, $0x29, v12;
	vm6 =	vgt.f32 v33, v15  }
0x78: {  	v19 =	vld.idx.msk [tilespmem:v32+s2+$0x0], $0xffff;
	v28 =	vadd.s32 $0xF, v8;
	v12 =	vsel vm13, $0x2D, v12;
	v11 =	vsel vm6, v33, v15  }
0x79: {  	v12 =	vsel vm14, $0x31, v12;
	v10 =	vsel vm11, $0x58, v14;
	vm7 =	vgt.f32 v36, v11  }
0x7a: {  	v14 =	vsel vm1, v41, v18;
	v18 =	vld.idx.msk [tilespmem:v56+s2+$0x0], $0xffff;
	v56 =	vadd.s32 $0x4A, v8;
	v11 =	vsel vm7, v36, v11  }
0x7b: {  	v41 =	vld.idx.msk [tilespmem:v34+s2+$0x0], $0xffff;
	v34 =	vadd.s32 $0x4B, v8;
	v12 =	vsel vm15, $0x35, v12;
	vm8 =	vgt.f32 v17, v11  }
0x7c: {  	vm11 =	vgt.f32 v45, v14;
	v12 =	vsel vm4, $0x39, v12;
	v11 =	vsel vm8, v17, v11  }
0x7d: {  	v14 =	vsel vm11, v45, v14;
	v60 =	vsel vm11, $0xA, v58;
	vm9 =	vgt.f32 v19, v11  }
0x7e: {  	v33 =	vadd.s32 $0x17, v8;
	v45 =	vadd.s32 $0x27, v8;
	v11 =	vsel vm9, v19, v11  }
0x7f: {  	v15 =	vld.idx.msk [tilespmem:v40+s2+$0x0], $0xffff;
	v58 =	vadd.s32 $0x3B, v8;
	v40 =	vadd.s32 $0x53, v8;
	vm10 =	vgt.f32 v42, v11  }
0x80: {  	v12 =	vsel vm6, $0x3D, v12;
	vm13 =	vgt.f32 v23, v14;
	v11 =	vsel vm10, v42, v11  }
0x81: {  	v35 =	vld.idx.msk [tilespmem:v28+s2+$0x0], $0xffff;
	v28 =	vadd.s32 $0x43, v8;
	v12 =	vsel vm7, $0x41, v12;
	vm12 =	vgt.f32 v46, v11  }
0x82: {  	v52 =	vld.idx.msk [tilespmem:v24+s2+$0x0], $0xffff;
	v14 =	vsel vm13, v23, v14;
	v36 =	vadd.s32 $0x1B, v8;
	v11 =	vsel vm12, v46, v11  }
0x83: {  	vm14 =	vgt.f32 v16, v14;
	v12 =	vsel vm8, $0x45, v12;
	v17 =	vld.idx.msk [tilespmem:v48+s2+$0x0], $0xffff;
	vm2 =	vgt.f32 v13, v11  }
0x84: {  	v14 =	vsel vm14, v16, v14;
	v48 =	vadd.s32 $0x46, v8;
	v11 =	vsel vm2, v13, v11;
	v13 =	vld.idx.msk [tilespmem:v57+s2+$0x0], $0xffff  }
0x85: {  	v16 =	vld.idx.msk [tilespmem:v29+s2+$0x0], $0xffff;
	v29 =	vadd.s32 $0x4E, v8;
	vm15 =	vgt.f32 v50, v14;
	v12 =	vsel vm9, $0x49, v12  }
0x86: {  	v31 =	vld.idx.msk [tilespmem:v61+s2+$0x0], $0xffff;
	v14 =	vsel vm15, v50, v14;
	v19 =	vsel vm13, $0xE, v60;
	v50 =	vadd.s32 $0x2F, v8  }
0x87: {  	v60 =	vadd.s32 $0x3F, v8;
	v19 =	vsel vm14, $0x12, v19;
	v12 =	vsel vm10, $0x4D, v12  }
0x88: {  	vm10 =	vgt.f32 v52, v14;
	v19 =	vsel vm15, $0x16, v19;
	v42 =	vadd.s32 $0x23, v8  }
0x89: {  	v38 =	vld.idx.msk [tilespmem:v25+s2+$0x0], $0xffff;
	v14 =	vsel vm10, v52, v14;
	v19 =	vsel vm10, $0x1A, v19;
	vm15 =	vgt.f32 v13, v18  }
0x8a: {  	v21 =	vld.idx.msk [tilespmem:v53+s2+$0x0], $0xffff;
	v12 =	vsel vm12, $0x51, v12;
	vm11 =	vgt.f32 v55, v14;
	v13 =	vsel vm15, v13, v18  }
0x8b: {  	v62 =	vld.idx.msk [tilespmem:v54+s2+$0x0], $0xffff;
	v14 =	vsel vm11, v55, v14;
	v30 =	vsel vm11, $0x1E, v19;
	vm3 =	vgt.f32 v31, v13  }
0x8c: {  	v22 =	vld.idx.msk [tilespmem:v33+s2+$0x0], $0xffff;
	v55 =	vadd.s32 $0x37, v8;
	vm12 =	vgt.f32 v59, v14;
	v13 =	vsel vm3, v31, v13  }
0x8d: {  	v32 =	vld.idx.msk [tilespmem:v63+s2+$0x0], $0xffff;
	v12 =	vsel vm2, $0x55, v12;
	vm9 =	vgt.f32 v17, v11;
	vm4 =	vgt.f32 v35, v13  }
0x8e: {  	v24 =	vld.idx.msk [tilespmem:v36+s2+$0x0], $0xffff;
	v14 =	vsel vm12, v59, v14;
	v11 =	vsel vm9, v17, v11;
	v13 =	vsel vm4, v35, v13  }
0x8f: {  	v17 =	vsel vm12, $0x22, v30;
	vm13 =	vgt.f32 v21, v14;
	vm5 =	vgt.f32 v38, v13  }
0x90: {  	v46 =	vld.idx.msk [tilespmem:v39+s2+$0x0], $0xffff;
	v12 =	vsel vm9, $0x59, v12;
	v14 =	vsel vm13, v21, v14;
	v13 =	vsel vm5, v38, v13  }
0x91: {  	v17 =	vsel vm13, $0x26, v17;
	vm14 =	vgt.f32 v62, v14;
	vm2 =	vgt.f32 v22, v13  }
0x92: {  	v21 =	vld.idx.msk [tilespmem:v42+s2+$0x0], $0xffff;
	v14 =	vsel vm14, v62, v14;
	v17 =	vsel vm14, $0x2A, v17;
	v13 =	vsel vm2, v22, v13  }
0x93: {  	vm10 =	vgt.f32 v32, v14;
	v61 =	vsel vm15, $0x7, v4;
	vm6 =	vgt.f32 v24, v13  }
0x94: {  	v20 =	vld.idx.msk [tilespmem:v45+s2+$0x0], $0xffff;
	v14 =	vsel vm10, v32, v14;
	v17 =	vsel vm10, $0x2E, v17;
	v13 =	vsel vm6, v24, v13  }
0x95: {  	vm11 =	vgt.f32 v16, v14;
	v63 =	vsel vm3, $0xB, v61;
	vm0 =	vgt.f32 v46, v13  }
0x96: {  	v53 =	vld.idx.msk [tilespmem:v47+s2+$0x0], $0xffff;
	v31 =	vadd.s32 $0x47, v8;
	v14 =	vsel vm11, v16, v14;
	v13 =	vsel vm0, v46, v13  }
0x97: {  	v17 =	vsel vm11, $0x32, v17;
	vm12 =	vgt.f32 v41, v14;
	vm7 =	vgt.f32 v21, v13  }
0x98: {  	v57 =	vld.idx.msk [tilespmem:v50+s2+$0x0], $0xffff;
	v35 =	vadd.s32 $0x52, v8;
	v14 =	vsel vm12, v41, v14;
	v13 =	vsel vm7, v21, v13  }
0x99: {  	v54 =	vld.idx.msk [tilespmem:v48+s2+$0x0], $0xffff;
	v17 =	vsel vm12, $0x36, v17;
	vm13 =	vgt.f32 v44, v14;
	vm8 =	vgt.f32 v20, v13  }
0x9a: {  	v59 =	vld.idx.msk [tilespmem:v51+s2+$0x0], $0xffff;
	v38 =	vadd.s32 $0x56, v8;
	v14 =	vsel vm13, v44, v14;
	v13 =	vsel vm8, v20, v13  }
0x9b: {  	v62 =	vld.idx.msk [tilespmem:v55+s2+$0x0], $0xffff;
	v8 =	vadd.s32 $0x57, v8;
	vm14 =	vgt.f32 v15, v14;
	vm9 =	vgt.f32 v53, v13  }
0x9c: {  	v52 =	vsel vm13, $0x3A, v17;
	v14 =	vsel vm14, v15, v14;
	v15 =	vld.idx.msk [tilespmem:v56+s2+$0x0], $0xffff;
	v13 =	vsel vm9, v53, v13  }
0x9d: {  	v22 =	vsel vm4, $0xF, v63;
	vm10 =	vgt.f32 v49, v14;
	vm1 =	vgt.f32 v57, v13  }
0x9e: {  	v30 =	vld.idx.msk [tilespmem:v58+s2+$0x0], $0xffff;
	v16 =	vsel vm14, $0x3E, v52;
	v14 =	vsel vm10, v49, v14;
	v13 =	vsel vm1, v57, v13  }
0x9f: {  	v22 =	vsel vm5, $0x13, v22;
	vm15 =	vgt.f32 v54, v14;
	vm3 =	vgt.f32 v59, v13  }
0xa0: {  	v32 =	vld.idx.msk [tilespmem:v60+s2+$0x0], $0xffff;
	v33 =	vsel vm2, $0x17, v22;
	v14 =	vsel vm15, v54, v14;
	v13 =	vsel vm3, v59, v13  }
0xa1: {  	v36 =	vld.idx.msk [tilespmem:v28+s2+$0x0], $0xffff;
	v16 =	vsel vm10, $0x42, v16;
	vm12 =	vgt.f32 v15, v14;
	vm11 =	vgt.f32 v62, v13  }
0xa2: {  	v18 =	vld.idx.msk [tilespmem:v29+s2+$0x0], $0xffff;
	v16 =	vsel vm15, $0x46, v16;
	v14 =	vsel vm12, v15, v14;
	v13 =	vsel vm11, v62, v13  }
0xa3: {  	v16 =	vsel vm12, $0x4A, v16;
	v20 =	vsel vm6, $0x1B, v33;
	vm13 =	vgt.f32 v30, v13  }
0xa4: {  	v39 =	vld.idx.msk [tilespmem:v31+s2+$0x0], $0xffff;
	vm6 =	vgt.f32 v11, v9;
	v20 =	vsel vm0, $0x1F, v20;
	v13 =	vsel vm13, v30, v13  }
0xa5: {  	v42 =	vld.idx.msk [tilespmem:v35+s2+$0x0], $0xffff;
	v20 =	vsel vm7, $0x23, v20;
	vm7 =	veq.f32 v11, v9;
	vm14 =	vgt.f32 v32, v13  }
0xa6: {  	v41 =	vld.idx.msk [tilespmem:v34+s2+$0x0], $0xffff;
	v20 =	vsel vm8, $0x27, v20;
	vm8 =	vlt.u32 v12, v10;
	v13 =	vsel vm14, v32, v13  }
0xa7: {  	v45 =	vld.idx.msk [tilespmem:v37+s2+$0x0], $0xffff;
	v44 =	vsel vm9, $0x2B, v20;
	vm9 =	vgt.f32 v18, v14;
	vm15 =	vgt.f32 v36, v13  }
0xa8: {  	v15 =	vld.idx.msk [tilespmem:v38+s2+$0x0], $0xffff;
	v17 =	vsel vm1, $0x2F, v44;
	v14 =	vsel vm9, v18, v14;
	v13 =	vsel vm15, v36, v13  }
0xa9: {  	v16 =	vsel vm9, $0x4E, v16;
	v17 =	vsel vm3, $0x33, v17;
	vm10 =	vgt.f32 v39, v13  }
0xaa: {  	v46 =	vld.idx.msk [tilespmem:v40+s2+$0x0], $0xffff;
	vm12 =	vgt.f32 v42, v14;
	v17 =	vsel vm11, $0x37, v17;
	v13 =	vsel vm10, v39, v13  }
0xab: {  	v47 =	vld.idx.msk [tilespmem:v43+s2+$0x0], $0xffff;
	v14 =	vsel vm12, v42, v14;
	v17 =	vsel vm13, $0x3B, v17;
	vm11 =	vgt.f32 v41, v13  }
0xac: {  	v8 =	vld.idx.msk [tilespmem:v8+s2+$0x0], $0xffff;
	v16 =	vsel vm12, $0x52, v16;
	v17 =	vsel vm14, $0x3F, v17;
	v13 =	vsel vm11, v41, v13  }
0xad: {  	vm14 =	vgt.f32 v15, v14;
	v17 =	vsel vm15, $0x43, v17;
	vm13 =	vgt.f32 v45, v13  }
0xae: {  	v14 =	vsel vm14, v15, v14;
	v17 =	vsel vm10, $0x47, v17;
	v13 =	vsel vm13, v45, v13  }
0xaf: {  	v16 =	vsel vm14, $0x56, v16;
	v48 =	vsel vm11, $0x4B, v17;
	vm15 =	vgt.f32 v46, v13  }
0xb0: {  	vm4 =	vgt.f32 v47, v14;
	v15 =	vsel vm13, $0x4F, v48;
	v13 =	vsel vm15, v46, v13  }
0xb1: {  	v14 =	vsel vm4, v47, v14;
	v15 =	vsel vm15, $0x53, v15;
	vm5 =	vgt.f32 v8, v13  }
0xb2: {  	v16 =	vsel vm4, $0x5A, v16;
	v8 =	vsel vm5, v8, v13;
	v49 =	vsel vm5, $0x57, v15  }
0xb3: {  	vm1 =	vmand vm7, vm8;
	vm9 =	veq.f32 v8, v14;
	vm10 =	vlt.u32 v49, v16  }
0xb4: {  	vm0 =	vmor vm6, vm1;
	vm12 =	vgt.f32 v8, v14;
	vm11 =	vmand vm9, vm10  }
0xb5: {  	v9 =	vsel vm0, v11, v9;
	vm1 =	vmor vm12, vm11  }
0xb6: {  	v10 =	vsel vm0, v12, v10;
	v8 =	vsel vm1, v8, v14;
	v50 =	vsel vm1, v49, v16  }
0xb7: {  	vm13 =	veq.f32 v8, v9;
	vm1 =	vlt.u32 v50, v10  }
0xb8: {  	vm14 =	vgt.f32 v8, v9;
	vm0 =	vmand vm13, vm1  }
0xb9: {  	vm0 =	vmor vm14, vm0  }
0xba: {  	v8 =	vsel vm0, v8, v9  }
0xbb: {  	v8 =	vsub.f32 $0.0e+00, v8;
	_ =	sdelay $0x1  }
0xbc: {  	v8 =	vmul.f32 $1.442695020e+00, v8;
	_ =	sdelay $0x1  }
0xbd: {  	(erf) = vpow2.f32 v8;
	_ =	sdelay $0x7  }
0xbe: {  	v8 =	vshll.u32 v7, $0x2  }
0xbf: {  	v52 =	vor.u32 $0x2, v8;
	v51 =	vpop (erf)  }
0xc0: {  	v53 =	vor.u32 $0x3, v8;
	v9 =	vadd.f32 $1.000000000e+00, v51;
	_ =	sdelay $0x1  }
0xc1: {  	v54 =	vor.u32 $0x1, v8;
	(erf) = vrcp.f32 v9;
	_ =	sdelay $0x1  }
0xc2: {  	v12 =	vld.idx.msk [tilespmem:v52+s24+$0x0], $0xffff  }
0xc3: {  	v13 =	vld.idx.msk [tilespmem:v53+s24+$0x0], $0xffff  }
0xc4: {  	v8 =	vld.idx.msk [tilespmem:v8+s24+$0x0], $0xffff  }
0xc5: {  	v9 =	vld.idx.msk [tilespmem:v54+s24+$0x0], $0xffff  }
0xc6: {  	v7 =	vmul.u32 $0x6, v7  }
0xc7: {  	v55 =	vmul.f32 $5.000000000e-01, v12  }
0xc8: {  	v10 =	vsel vm0, v50, v10;
	v57 =	vor.u32 $0x1, v7;
	v56 =	vmul.f32 $5.000000000e-01, v13  }
0xc9: {  	v10 =	vcvt.s32.f32 v10;
	v59 =	vadd.s32 $0x2, v7;
	v8 =	vsub.f32 v8, v55;
	v58 =	vpop (erf)  }
0xca: {  	v60 =	vadd.s32 $0x3, v7;
	v9 =	vsub.f32 v9, v56;
	vm15 =	vge.f32 v58, $3.000000120e-01  }
0xcb: {  	v61 =	vadd.s32 $0x4, v7;
	v8 =	vmul.f32 v8, v5;
	v10 =	vnsel vm15, $0x0, v10  }
0xcc: {  	p0 =	sne.s32 s4, $0x160;
	v9 =	vmul.f32 v9, v6;
	v62 =	vnsel vm15, $0x0, v58;
	[tilespmem:v7+s30+$0x0] =	vst.idx.msk $0xffff, v10;
	v7 =	vadd.s32 $0x5, v7  }
.Ltmp0:
0xcd: {  	v12 =	vmul.f32 v12, v5;
	v8 =	vnsel vm15, $0x0, v8;
	[tilespmem:v57+s30+$0x0] =	vst.idx.msk $0xffff, v62;
	(pc) =	sbr.rel @p0 .LBB2_2-.Ltmp0, $4  }
0xce: {  	v63 =	vmul.f32 v13, v6;
	[tilespmem:v59+s30+$0x0] =	vst.idx.msk $0xffff, v8;
	v8 =	vnsel vm15, $0x0, v9  }
0xcf: {  	[tilespmem:v60+s30+$0x0] =	vst.idx.msk $0xffff, v8;
	v8 =	vnsel vm15, $0x0, v12  }
0xd0: {  	[tilespmem:v61+s30+$0x0] =	vst.idx.msk $0xffff, v8;
	v8 =	vnsel vm15, $0x0, v63  }
0xd1: {  	s4 =	sadd.s32 $0x10, s4;
	[tilespmem:v7+s30+$0x0] =	vst.idx.msk $0xffff, v8  }
0xd2: {  	s4 =	simm.s32 $0x0  }
0xd3: {  	[hbm4b:s9+s4] =	stream.linear.scatter [tilespmem:s30], [sflag:$0x5], $0x870, $0x38;
	[tilespmem:$0x11E00] =	vst v63  }
0xd4: {  	_ =	swait.ge [sflag:s31], $0x7FF8  }
0xd5: {  	[sflag:s31] =	ssyncset.done $0x0  }
0xd6: {  	[sflag:s31] =	ssyncadd.s32 $0xFFFF8008  }
0xd7: {  	_ =	swait.ge [sflag:s0], $0x5A0  }
0xd8: {  	[sflag:s0] =	ssyncset.done $0x0  }
0xd9: {  	[sflag:s0] =	ssyncadd.s32 $0xFFFFFA60  }
0xda: {  	[tilespmem:s4], [sflag:$0x1] =	stream.linear.gather [hbm4b:s10+s4], $0x7FF8, $0x38;
	[tilespmem:$0x11E00] =	vst v63  }
0xdb: {  	_ = 	snop  }
0xdc: {  	[tilespmem:s24], [sflag:$0x3] =	stream.linear.gather [hbm4b:s11+s4], $0x5A0, $0x38;
	[tilespmem:$0x11E00] =	vst v63  }
.LBB2_4:
0xdd: {  	s5 =	smin.u32 s4, $0x158  }
0xde: {  	v7 =	vadd.s32 s5, v0  }
0xdf: {  	v8 =	vmul.u32 $0x5B, v7;
	_ =	sdelay $0x1  }
0xe0: {  	v9 =	vadd.s32 $0x4, v8  }
0xe1: {  	v10 =	vadd.s32 $0x8, v8  }
0xe2: {  	v12 =	vadd.s32 $0xC, v8  }
0xe3: {  	v13 =	vadd.s32 $0x10, v8  }
0xe4: {  	v14 =	vadd.s32 $0x14, v8;
	v11 =	vld.idx.msk [tilespmem:v8+s28+$0x0], $0xffff  }
0xe5: {  	v15 =	vadd.s32 $0x18, v8;
	v9 =	vld.idx.msk [tilespmem:v9+s28+$0x0], $0xffff  }
0xe6: {  	v20 =	vadd.s32 $0x1C, v8;
	v10 =	vld.idx.msk [tilespmem:v10+s28+$0x0], $0xffff  }
0xe7: {  	v22 =	vadd.s32 $0x20, v8;
	v12 =	vld.idx.msk [tilespmem:v12+s28+$0x0], $0xffff  }
0xe8: {  	v24 =	vadd.s32 $0x24, v8;
	v19 =	vld.idx.msk [tilespmem:v13+s28+$0x0], $0xffff  }
0xe9: {  	v26 =	vadd.s32 $0x28, v8;
	v21 =	vld.idx.msk [tilespmem:v14+s28+$0x0], $0xffff  }
0xea: {  	v28 =	vadd.s32 $0x2C, v8;
	v23 =	vld.idx.msk [tilespmem:v15+s28+$0x0], $0xffff  }
0xeb: {  	v30 =	vadd.s32 $0x30, v8;
	v25 =	vld.idx.msk [tilespmem:v20+s28+$0x0], $0xffff  }
0xec: {  	v32 =	vadd.s32 $0x34, v8;
	v27 =	vld.idx.msk [tilespmem:v22+s28+$0x0], $0xffff  }
0xed: {  	v35 =	vadd.s32 $0x38, v8;
	v37 =	vadd.s32 $0x1, v8;
	v29 =	vld.idx.msk [tilespmem:v24+s28+$0x0], $0xffff  }
0xee: {  	v17 =	vadd.s32 $0x5, v8;
	v39 =	vadd.s32 $0x3C, v8;
	v18 =	vadd.s32 $0x9, v8;
	v31 =	vld.idx.msk [tilespmem:v26+s28+$0x0], $0xffff  }
0xef: {  	v41 =	vadd.s32 $0x40, v8;
	v42 =	vadd.s32 $0x44, v8;
	v33 =	vld.idx.msk [tilespmem:v28+s28+$0x0], $0xffff;
	vm0 =	vgt.f32 v9, v11  }
0xf0: {  	v43 =	vadd.s32 $0x48, v8;
	v44 =	vadd.s32 $0x4C, v8;
	v36 =	vld.idx.msk [tilespmem:v30+s28+$0x0], $0xffff;
	v9 =	vsel vm0, v9, v11  }
0xf1: {  	v46 =	vadd.s32 $0x1D, v8;
	v47 =	vadd.s32 $0x54, v8;
	v38 =	vld.idx.msk [tilespmem:v32+s28+$0x0], $0xffff;
	vm1 =	vgt.f32 v10, v9  }
0xf2: {  	v49 =	vadd.s32 $0x21, v8;
	v52 =	vadd.s32 $0x25, v8;
	v40 =	vld.idx.msk [tilespmem:v35+s28+$0x0], $0xffff;
	v9 =	vsel vm1, v10, v9  }
0xf3: {  	v53 =	vadd.s32 $0x58, v8;
	v55 =	vadd.s32 $0x29, v8;
	v15 =	vld.idx.msk [tilespmem:v37+s28+$0x0], $0xffff;
	vm2 =	vgt.f32 v12, v9  }
0xf4: {  	v58 =	vadd.s32 $0x2D, v8;
	v61 =	vadd.s32 $0x31, v8;
	v17 =	vld.idx.msk [tilespmem:v17+s28+$0x0], $0xffff;
	v9 =	vsel vm2, v12, v9  }
0xf5: {  	v63 =	vadd.s32 $0x35, v8;
	v13 =	vld.idx.msk [tilespmem:v39+s28+$0x0], $0xffff;
	v20 =	vadd.s32 $0x11, v8;
	vm3 =	vgt.f32 v19, v9  }
0xf6: {  	v18 =	vld.idx.msk [tilespmem:v18+s28+$0x0], $0xffff;
	v22 =	vadd.s32 $0x19, v8;
	v26 =	vadd.s32 $0x3D, v8;
	v9 =	vsel vm3, v19, v9  }
0xf7: {  	v54 =	vld.idx.msk [tilespmem:v47+s28+$0x0], $0xffff;
	v32 =	vadd.s32 $0x49, v8;
	v35 =	vadd.s32 $0x6, v8;
	vm4 =	vgt.f32 v21, v9  }
0xf8: {  	v57 =	vld.idx.msk [tilespmem:v49+s28+$0x0], $0xffff;
	v37 =	vadd.s32 $0x4D, v8;
	v39 =	vadd.s32 $0x51, v8;
	v9 =	vsel vm4, v21, v9  }
0xf9: {  	v24 =	vld.idx.msk [tilespmem:v61+s28+$0x0], $0xffff;
	v47 =	vadd.s32 $0x16, v8;
	v49 =	vadd.s32 $0x1E, v8;
	vm5 =	vgt.f32 v23, v9  }
0xfa: {  	v28 =	vld.idx.msk [tilespmem:v63+s28+$0x0], $0xffff;
	v61 =	vadd.s32 $0xB, v8;
	v63 =	vadd.s32 $0x2E, v8;
	v9 =	vsel vm5, v23, v9  }
0xfb: {  	v50 =	vld.idx.msk [tilespmem:v22+s28+$0x0], $0xffff;
	v22 =	vadd.s32 $0x39, v8;
	v16 =	vsel vm0, $0x4, v1;
	vm6 =	vgt.f32 v25, v9  }
0xfc: {  	vm0 =	vgt.f32 v17, v15;
	v11 =	vld.idx.msk [tilespmem:v43+s28+$0x0], $0xffff;
	v19 =	vadd.s32 $0xD, v8;
	v9 =	vsel vm6, v25, v9  }
0xfd: {  	v15 =	vsel vm0, v17, v15;
	v34 =	vsel vm1, $0x8, v16;
	v16 =	vld.idx.msk [tilespmem:v41+s28+$0x0], $0xffff;
	vm7 =	vgt.f32 v27, v9  }
0xfe: {  	v10 =	vld.idx.msk [tilespmem:v44+s28+$0x0], $0xffff;
	v14 =	vsel vm2, $0xC, v34;
	v34 =	vadd.s32 $0x2, v8;
	v9 =	vsel vm7, v27, v9  }
0xff: {  	v43 =	vadd.s32 $0x12, v8;
	vm1 =	vgt.f32 v18, v15;
	v41 =	vld.idx.msk [tilespmem:v35+s28+$0x0], $0xffff;
	vm13 =	vgt.f32 v29, v9  }
0x100: {  	v44 =	vadd.s32 $0x55, v8;
	v12 =	vld.idx.msk [tilespmem:v42+s28+$0x0], $0xffff;
	v23 =	vadd.s32 $0x50, v8;
	v9 =	vsel vm13, v29, v9  }
0x101: {  	v15 =	vsel vm1, v18, v15;
	v14 =	vsel vm3, $0x10, v14;
	v19 =	vld.idx.msk [tilespmem:v19+s28+$0x0], $0xffff;
	vm14 =	vgt.f32 v31, v9  }
0x102: {  	v42 =	vld.idx.msk [tilespmem:v37+s28+$0x0], $0xffff;
	v14 =	vsel vm4, $0x14, v14;
	v21 =	vadd.s32 $0x15, v8;
	v9 =	vsel vm14, v31, v9  }
0x103: {  	v37 =	vadd.s32 $0x3A, v8;
	v18 =	vld.idx.msk [tilespmem:v34+s28+$0x0], $0xffff;
	v14 =	vsel vm5, $0x18, v14;
	vm15 =	vgt.f32 v33, v9  }
0x104: {  	v45 =	vld.idx.msk [tilespmem:v20+s28+$0x0], $0xffff;
	v34 =	vadd.s32 $0x36, v8;
	v14 =	vsel vm6, $0x1C, v14;
	v9 =	vsel vm15, v33, v9  }
0x105: {  	v14 =	vsel vm7, $0x20, v14;
	v51 =	vld.idx.msk [tilespmem:v23+s28+$0x0], $0xffff;
	v23 =	vsel vm0, $0x5, v2;
	vm6 =	vgt.f32 v36, v9  }
0x106: {  	v14 =	vsel vm13, $0x24, v14;
	vm2 =	vgt.f32 v19, v15;
	v9 =	vsel vm6, v36, v9  }
0x107: {  	v48 =	vld.idx.msk [tilespmem:v21+s28+$0x0], $0xffff;
	v25 =	vsel vm1, $0x9, v23;
	v29 =	vadd.s32 $0x41, v8;
	vm7 =	vgt.f32 v38, v9  }
0x108: {  	vm1 =	vgt.f32 v41, v18;
	v15 =	vsel vm2, v19, v15;
	v9 =	vsel vm7, v38, v9  }
0x109: {  	v21 =	vld.idx.msk [tilespmem:v58+s28+$0x0], $0xffff;
	v27 =	vsel vm2, $0xD, v25;
	v58 =	vsel vm1, $0x6, v3;
	vm8 =	vgt.f32 v40, v9  }
0x10a: {  	v25 =	vadd.s32 $0x13, v8;
	vm3 =	vgt.f32 v45, v15;
	v9 =	vsel vm8, v40, v9  }
0x10b: {  	v14 =	vsel vm14, $0x28, v14;
	v15 =	vsel vm3, v45, v15;
	vm9 =	vgt.f32 v13, v9  }
0x10c: {  	v31 =	vadd.s32 $0x45, v8;
	vm4 =	vgt.f32 v48, v15;
	v9 =	vsel vm9, v13, v9  }
0x10d: {  	v14 =	vsel vm15, $0x2C, v14;
	v56 =	vsel vm4, v48, v15;
	vm10 =	vgt.f32 v16, v9  }
0x10e: {  	v48 =	vadd.s32 $0x59, v8;
	v14 =	vsel vm6, $0x30, v14;
	v13 =	vld.idx.msk [tilespmem:v46+s28+$0x0], $0xffff;
	v9 =	vsel vm10, v16, v9  }
0x10f: {  	vm14 =	vgt.f32 v50, v56;
	v36 =	vld.idx.msk [tilespmem:v29+s28+$0x0], $0xffff;
	v29 =	vadd.s32 $0x32, v8;
	vm11 =	vgt.f32 v12, v9  }
0x110: {  	v59 =	vsel vm14, v50, v56;
	v14 =	vsel vm7, $0x34, v14;
	v9 =	vsel vm11, v12, v9  }
0x111: {  	v60 =	vld.idx.msk [tilespmem:v52+s28+$0x0], $0xffff;
	v56 =	vadd.s32 $0x3, v8;
	v14 =	vsel vm8, $0x38, v14;
	vm12 =	vgt.f32 v11, v9  }
0x112: {  	v50 =	vld.idx.msk [tilespmem:v47+s28+$0x0], $0xffff;
	v47 =	vadd.s32 $0x2B, v8;
	v14 =	vsel vm9, $0x3C, v14;
	v9 =	vsel vm12, v11, v9  }
0x113: {  	v14 =	vsel vm10, $0x40, v14;
	vm7 =	vgt.f32 v13, v59;
	vm13 =	vgt.f32 v10, v9  }
0x114: {  	v62 =	vld.idx.msk [tilespmem:v55+s28+$0x0], $0xffff;
	v14 =	vsel vm11, $0x44, v14;
	v9 =	vsel vm13, v10, v9;
	v10 =	vsel vm7, v13, v59  }
0x115: {  	v40 =	vadd.s32 $0xE, v8;
	v12 =	vld.idx.msk [tilespmem:v53+s28+$0x0], $0xffff;
	v14 =	vsel vm12, $0x48, v14;
	vm8 =	vgt.f32 v57, v10  }
0x116: {  	v14 =	vsel vm13, $0x4C, v14;
	vm9 =	vgt.f32 v51, v9;
	v10 =	vsel vm8, v57, v10  }
0x117: {  	v55 =	vld.idx.msk [tilespmem:v49+s28+$0x0], $0xffff;
	v9 =	vsel vm9, v51, v9;
	v14 =	vsel vm9, $0x50, v14;
	vm9 =	vgt.f32 v60, v10  }
0x118: {  	v16 =	vld.idx.msk [tilespmem:v43+s28+$0x0], $0xffff;
	v43 =	vadd.s32 $0x42, v8;
	vm15 =	vgt.f32 v54, v9;
	v10 =	vsel vm9, v60, v10  }
0x119: {  	v30 =	vld.idx.msk [tilespmem:v22+s28+$0x0], $0xffff;
	v38 =	vadd.s32 $0xA, v8;
	v9 =	vsel vm15, v54, v9;
	vm12 =	vgt.f32 v62, v10  }
0x11a: {  	v46 =	vld.idx.msk [tilespmem:v39+s28+$0x0], $0xffff;
	v39 =	vadd.s32 $0x1F, v8;
	vm11 =	vgt.f32 v12, v9;
	v10 =	vsel vm12, v62, v10  }
0x11b: {  	v33 =	vld.idx.msk [tilespmem:v26+s28+$0x0], $0xffff;
	v9 =	vsel vm11, v12, v9;
	v12 =	vsel vm3, $0x11, v27;
	vm13 =	vgt.f32 v21, v10  }
0x11c: {  	v23 =	vld.idx.msk [tilespmem:v40+s28+$0x0], $0xffff;
	v40 =	vadd.s32 $0x3E, v8;
	v12 =	vsel vm4, $0x15, v12;
	v10 =	vsel vm13, v21, v10  }
0x11d: {  	v49 =	vld.idx.msk [tilespmem:v43+s28+$0x0], $0xffff;
	v51 =	vadd.s32 $0x22, v8;
	v12 =	vsel vm14, $0x19, v12;
	vm14 =	vgt.f32 v24, v10  }
0x11e: {  	v53 =	vadd.s32 $0x26, v8;
	v43 =	vadd.s32 $0x5A, v8;
	v13 =	vld.idx.msk [tilespmem:v44+s28+$0x0], $0xffff;
	v10 =	vsel vm14, v24, v10  }
0x11f: {  	v44 =	vld.idx.msk [tilespmem:v37+s28+$0x0], $0xffff;
	v37 =	vadd.s32 $0x4F, v8;
	v14 =	vsel vm15, $0x54, v14;
	vm15 =	vgt.f32 v28, v10  }
0x120: {  	v57 =	vadd.s32 $0x7, v8;
	v12 =	vsel vm7, $0x1D, v12;
	v10 =	vsel vm15, v28, v10  }
0x121: {  	v17 =	vld.idx.msk [tilespmem:v31+s28+$0x0], $0xffff;
	v54 =	vadd.s32 $0x2A, v8;
	v12 =	vsel vm8, $0x21, v12;
	vm4 =	vgt.f32 v30, v10  }
0x122: {  	v59 =	vld.idx.msk [tilespmem:v51+s28+$0x0], $0xffff;
	v51 =	vadd.s32 $0x33, v8;
	v12 =	vsel vm9, $0x25, v12;
	v15 =	vsel vm4, v30, v10  }
0x123: {  	v45 =	vld.idx.msk [tilespmem:v38+s28+$0x0], $0xffff;
	v24 =	vadd.s32 $0x1A, v8;
	v12 =	vsel vm12, $0x29, v12;
	vm6 =	vgt.f32 v33, v15  }
0x124: {  	v19 =	vld.idx.msk [tilespmem:v32+s28+$0x0], $0xffff;
	v28 =	vadd.s32 $0xF, v8;
	v12 =	vsel vm13, $0x2D, v12;
	v11 =	vsel vm6, v33, v15  }
0x125: {  	v12 =	vsel vm14, $0x31, v12;
	v10 =	vsel vm11, $0x58, v14;
	vm7 =	vgt.f32 v36, v11  }
0x126: {  	v14 =	vsel vm1, v41, v18;
	v18 =	vld.idx.msk [tilespmem:v56+s28+$0x0], $0xffff;
	v56 =	vadd.s32 $0x4A, v8;
	v11 =	vsel vm7, v36, v11  }
0x127: {  	v41 =	vld.idx.msk [tilespmem:v34+s28+$0x0], $0xffff;
	v34 =	vadd.s32 $0x4B, v8;
	v12 =	vsel vm15, $0x35, v12;
	vm8 =	vgt.f32 v17, v11  }
0x128: {  	vm11 =	vgt.f32 v45, v14;
	v12 =	vsel vm4, $0x39, v12;
	v11 =	vsel vm8, v17, v11  }
0x129: {  	v14 =	vsel vm11, v45, v14;
	v60 =	vsel vm11, $0xA, v58;
	vm9 =	vgt.f32 v19, v11  }
0x12a: {  	v33 =	vadd.s32 $0x17, v8;
	v45 =	vadd.s32 $0x27, v8;
	v11 =	vsel vm9, v19, v11  }
0x12b: {  	v15 =	vld.idx.msk [tilespmem:v40+s28+$0x0], $0xffff;
	v58 =	vadd.s32 $0x3B, v8;
	v40 =	vadd.s32 $0x53, v8;
	vm10 =	vgt.f32 v42, v11  }
0x12c: {  	v12 =	vsel vm6, $0x3D, v12;
	vm13 =	vgt.f32 v23, v14;
	v11 =	vsel vm10, v42, v11  }
0x12d: {  	v35 =	vld.idx.msk [tilespmem:v28+s28+$0x0], $0xffff;
	v28 =	vadd.s32 $0x43, v8;
	v12 =	vsel vm7, $0x41, v12;
	vm12 =	vgt.f32 v46, v11  }
0x12e: {  	v52 =	vld.idx.msk [tilespmem:v24+s28+$0x0], $0xffff;
	v14 =	vsel vm13, v23, v14;
	v36 =	vadd.s32 $0x1B, v8;
	v11 =	vsel vm12, v46, v11  }
0x12f: {  	vm14 =	vgt.f32 v16, v14;
	v12 =	vsel vm8, $0x45, v12;
	v17 =	vld.idx.msk [tilespmem:v48+s28+$0x0], $0xffff;
	vm2 =	vgt.f32 v13, v11  }
0x130: {  	v14 =	vsel vm14, v16, v14;
	v48 =	vadd.s32 $0x46, v8;
	v11 =	vsel vm2, v13, v11;
	v13 =	vld.idx.msk [tilespmem:v57+s28+$0x0], $0xffff  }
0x131: {  	v16 =	vld.idx.msk [tilespmem:v29+s28+$0x0], $0xffff;
	v29 =	vadd.s32 $0x4E, v8;
	vm15 =	vgt.f32 v50, v14;
	v12 =	vsel vm9, $0x49, v12  }
0x132: {  	v31 =	vld.idx.msk [tilespmem:v61+s28+$0x0], $0xffff;
	v14 =	vsel vm15, v50, v14;
	v19 =	vsel vm13, $0xE, v60;
	v50 =	vadd.s32 $0x2F, v8  }
0x133: {  	v60 =	vadd.s32 $0x3F, v8;
	v19 =	vsel vm14, $0x12, v19;
	v12 =	vsel vm10, $0x4D, v12  }
0x134: {  	vm10 =	vgt.f32 v52, v14;
	v19 =	vsel vm15, $0x16, v19;
	v42 =	vadd.s32 $0x23, v8  }
0x135: {  	v38 =	vld.idx.msk [tilespmem:v25+s28+$0x0], $0xffff;
	v14 =	vsel vm10, v52, v14;
	v19 =	vsel vm10, $0x1A, v19;
	vm15 =	vgt.f32 v13, v18  }
0x136: {  	v21 =	vld.idx.msk [tilespmem:v53+s28+$0x0], $0xffff;
	v12 =	vsel vm12, $0x51, v12;
	vm11 =	vgt.f32 v55, v14;
	v13 =	vsel vm15, v13, v18  }
0x137: {  	v62 =	vld.idx.msk [tilespmem:v54+s28+$0x0], $0xffff;
	v14 =	vsel vm11, v55, v14;
	v30 =	vsel vm11, $0x1E, v19;
	vm3 =	vgt.f32 v31, v13  }
0x138: {  	v22 =	vld.idx.msk [tilespmem:v33+s28+$0x0], $0xffff;
	v55 =	vadd.s32 $0x37, v8;
	vm12 =	vgt.f32 v59, v14;
	v13 =	vsel vm3, v31, v13  }
0x139: {  	v32 =	vld.idx.msk [tilespmem:v63+s28+$0x0], $0xffff;
	v12 =	vsel vm2, $0x55, v12;
	vm9 =	vgt.f32 v17, v11;
	vm4 =	vgt.f32 v35, v13  }
0x13a: {  	v24 =	vld.idx.msk [tilespmem:v36+s28+$0x0], $0xffff;
	v14 =	vsel vm12, v59, v14;
	v11 =	vsel vm9, v17, v11;
	v13 =	vsel vm4, v35, v13  }
0x13b: {  	v17 =	vsel vm12, $0x22, v30;
	vm13 =	vgt.f32 v21, v14;
	vm5 =	vgt.f32 v38, v13  }
0x13c: {  	v46 =	vld.idx.msk [tilespmem:v39+s28+$0x0], $0xffff;
	v12 =	vsel vm9, $0x59, v12;
	v14 =	vsel vm13, v21, v14;
	v13 =	vsel vm5, v38, v13  }
0x13d: {  	v17 =	vsel vm13, $0x26, v17;
	vm14 =	vgt.f32 v62, v14;
	vm2 =	vgt.f32 v22, v13  }
0x13e: {  	v21 =	vld.idx.msk [tilespmem:v42+s28+$0x0], $0xffff;
	v14 =	vsel vm14, v62, v14;
	v17 =	vsel vm14, $0x2A, v17;
	v13 =	vsel vm2, v22, v13  }
0x13f: {  	vm10 =	vgt.f32 v32, v14;
	v61 =	vsel vm15, $0x7, v4;
	vm6 =	vgt.f32 v24, v13  }
0x140: {  	v20 =	vld.idx.msk [tilespmem:v45+s28+$0x0], $0xffff;
	v14 =	vsel vm10, v32, v14;
	v17 =	vsel vm10, $0x2E, v17;
	v13 =	vsel vm6, v24, v13  }
0x141: {  	vm11 =	vgt.f32 v16, v14;
	v63 =	vsel vm3, $0xB, v61;
	vm0 =	vgt.f32 v46, v13  }
0x142: {  	v53 =	vld.idx.msk [tilespmem:v47+s28+$0x0], $0xffff;
	v31 =	vadd.s32 $0x47, v8;
	v14 =	vsel vm11, v16, v14;
	v13 =	vsel vm0, v46, v13  }
0x143: {  	v17 =	vsel vm11, $0x32, v17;
	vm12 =	vgt.f32 v41, v14;
	vm7 =	vgt.f32 v21, v13  }
0x144: {  	v57 =	vld.idx.msk [tilespmem:v50+s28+$0x0], $0xffff;
	v35 =	vadd.s32 $0x52, v8;
	v14 =	vsel vm12, v41, v14;
	v13 =	vsel vm7, v21, v13  }
0x145: {  	v54 =	vld.idx.msk [tilespmem:v48+s28+$0x0], $0xffff;
	v17 =	vsel vm12, $0x36, v17;
	vm13 =	vgt.f32 v44, v14;
	vm8 =	vgt.f32 v20, v13  }
0x146: {  	v59 =	vld.idx.msk [tilespmem:v51+s28+$0x0], $0xffff;
	v38 =	vadd.s32 $0x56, v8;
	v14 =	vsel vm13, v44, v14;
	v13 =	vsel vm8, v20, v13  }
0x147: {  	v62 =	vld.idx.msk [tilespmem:v55+s28+$0x0], $0xffff;
	v8 =	vadd.s32 $0x57, v8;
	vm14 =	vgt.f32 v15, v14;
	vm9 =	vgt.f32 v53, v13  }
0x148: {  	v52 =	vsel vm13, $0x3A, v17;
	v14 =	vsel vm14, v15, v14;
	v15 =	vld.idx.msk [tilespmem:v56+s28+$0x0], $0xffff;
	v13 =	vsel vm9, v53, v13  }
0x149: {  	v22 =	vsel vm4, $0xF, v63;
	vm10 =	vgt.f32 v49, v14;
	vm1 =	vgt.f32 v57, v13  }
0x14a: {  	v30 =	vld.idx.msk [tilespmem:v58+s28+$0x0], $0xffff;
	v16 =	vsel vm14, $0x3E, v52;
	v14 =	vsel vm10, v49, v14;
	v13 =	vsel vm1, v57, v13  }
0x14b: {  	v22 =	vsel vm5, $0x13, v22;
	vm15 =	vgt.f32 v54, v14;
	vm3 =	vgt.f32 v59, v13  }
0x14c: {  	v32 =	vld.idx.msk [tilespmem:v60+s28+$0x0], $0xffff;
	v33 =	vsel vm2, $0x17, v22;
	v14 =	vsel vm15, v54, v14;
	v13 =	vsel vm3, v59, v13  }
0x14d: {  	v36 =	vld.idx.msk [tilespmem:v28+s28+$0x0], $0xffff;
	v16 =	vsel vm10, $0x42, v16;
	vm12 =	vgt.f32 v15, v14;
	vm11 =	vgt.f32 v62, v13  }
0x14e: {  	v18 =	vld.idx.msk [tilespmem:v29+s28+$0x0], $0xffff;
	v16 =	vsel vm15, $0x46, v16;
	v14 =	vsel vm12, v15, v14;
	v13 =	vsel vm11, v62, v13  }
0x14f: {  	v16 =	vsel vm12, $0x4A, v16;
	v20 =	vsel vm6, $0x1B, v33;
	vm13 =	vgt.f32 v30, v13  }
0x150: {  	v39 =	vld.idx.msk [tilespmem:v31+s28+$0x0], $0xffff;
	vm6 =	vgt.f32 v11, v9;
	v20 =	vsel vm0, $0x1F, v20;
	v13 =	vsel vm13, v30, v13  }
0x151: {  	v42 =	vld.idx.msk [tilespmem:v35+s28+$0x0], $0xffff;
	v20 =	vsel vm7, $0x23, v20;
	vm7 =	veq.f32 v11, v9;
	vm14 =	vgt.f32 v32, v13  }
0x152: {  	v41 =	vld.idx.msk [tilespmem:v34+s28+$0x0], $0xffff;
	v20 =	vsel vm8, $0x27, v20;
	vm8 =	vlt.u32 v12, v10;
	v13 =	vsel vm14, v32, v13  }
0x153: {  	v45 =	vld.idx.msk [tilespmem:v37+s28+$0x0], $0xffff;
	v44 =	vsel vm9, $0x2B, v20;
	vm9 =	vgt.f32 v18, v14;
	vm15 =	vgt.f32 v36, v13  }
0x154: {  	v15 =	vld.idx.msk [tilespmem:v38+s28+$0x0], $0xffff;
	v17 =	vsel vm1, $0x2F, v44;
	v14 =	vsel vm9, v18, v14;
	v13 =	vsel vm15, v36, v13  }
0x155: {  	v16 =	vsel vm9, $0x4E, v16;
	v17 =	vsel vm3, $0x33, v17;
	vm10 =	vgt.f32 v39, v13  }
0x156: {  	v46 =	vld.idx.msk [tilespmem:v40+s28+$0x0], $0xffff;
	vm12 =	vgt.f32 v42, v14;
	v17 =	vsel vm11, $0x37, v17;
	v13 =	vsel vm10, v39, v13  }
0x157: {  	v47 =	vld.idx.msk [tilespmem:v43+s28+$0x0], $0xffff;
	v14 =	vsel vm12, v42, v14;
	v17 =	vsel vm13, $0x3B, v17;
	vm11 =	vgt.f32 v41, v13  }
0x158: {  	v8 =	vld.idx.msk [tilespmem:v8+s28+$0x0], $0xffff;
	v16 =	vsel vm12, $0x52, v16;
	v17 =	vsel vm14, $0x3F, v17;
	v13 =	vsel vm11, v41, v13  }
0x159: {  	vm14 =	vgt.f32 v15, v14;
	v17 =	vsel vm15, $0x43, v17;
	vm13 =	vgt.f32 v45, v13  }
0x15a: {  	v14 =	vsel vm14, v15, v14;
	v17 =	vsel vm10, $0x47, v17;
	v13 =	vsel vm13, v45, v13  }
0x15b: {  	v16 =	vsel vm14, $0x56, v16;
	v48 =	vsel vm11, $0x4B, v17;
	vm15 =	vgt.f32 v46, v13  }
0x15c: {  	vm4 =	vgt.f32 v47, v14;
	v15 =	vsel vm13, $0x4F, v48;
	v13 =	vsel vm15, v46, v13  }
0x15d: {  	v14 =	vsel vm4, v47, v14;
	v15 =	vsel vm15, $0x53, v15;
	vm5 =	vgt.f32 v8, v13  }
0x15e: {  	v16 =	vsel vm4, $0x5A, v16;
	v8 =	vsel vm5, v8, v13;
	v49 =	vsel vm5, $0x57, v15  }
0x15f: {  	vm1 =	vmand vm7, vm8;
	vm9 =	veq.f32 v8, v14;
	vm10 =	vlt.u32 v49, v16  }
0x160: {  	vm0 =	vmor vm6, vm1;
	vm12 =	vgt.f32 v8, v14;
	vm11 =	vmand vm9, vm10  }
0x161: {  	v9 =	vsel vm0, v11, v9;
	vm1 =	vmor vm12, vm11  }
0x162: {  	v10 =	vsel vm0, v12, v10;
	v8 =	vsel vm1, v8, v14;
	v50 =	vsel vm1, v49, v16  }
0x163: {  	vm13 =	veq.f32 v8, v9;
	vm1 =	vlt.u32 v50, v10  }
0x164: {  	vm14 =	vgt.f32 v8, v9;
	vm0 =	vmand vm13, vm1  }
0x165: {  	vm0 =	vmor vm14, vm0  }
0x166: {  	v8 =	vsel vm0, v8, v9  }
0x167: {  	v8 =	vsub.f32 $0.0e+00, v8;
	_ =	sdelay $0x1  }
0x168: {  	v8 =	vmul.f32 $1.442695020e+00, v8;
	_ =	sdelay $0x1  }
0x169: {  	(erf) = vpow2.f32 v8;
	_ =	sdelay $0x7  }
0x16a: {  	v8 =	vshll.u32 v7, $0x2  }
0x16b: {  	v52 =	vor.u32 $0x2, v8;
	v51 =	vpop (erf)  }
0x16c: {  	v53 =	vor.u32 $0x3, v8;
	v9 =	vadd.f32 $1.000000000e+00, v51;
	_ =	sdelay $0x1  }
0x16d: {  	v54 =	vor.u32 $0x1, v8;
	(erf) = vrcp.f32 v9;
	_ =	sdelay $0x1  }
0x16e: {  	v12 =	vld.idx.msk [tilespmem:v52+s29+$0x0], $0xffff  }
0x16f: {  	v13 =	vld.idx.msk [tilespmem:v53+s29+$0x0], $0xffff  }
0x170: {  	v8 =	vld.idx.msk [tilespmem:v8+s29+$0x0], $0xffff  }
0x171: {  	v9 =	vld.idx.msk [tilespmem:v54+s29+$0x0], $0xffff  }
0x172: {  	v7 =	vmul.u32 $0x6, v7  }
0x173: {  	v55 =	vmul.f32 $5.000000000e-01, v12  }
0x174: {  	v10 =	vsel vm0, v50, v10;
	v57 =	vor.u32 $0x1, v7;
	v56 =	vmul.f32 $5.000000000e-01, v13  }
0x175: {  	v10 =	vcvt.s32.f32 v10;
	v59 =	vadd.s32 $0x2, v7;
	v8 =	vsub.f32 v8, v55;
	v58 =	vpop (erf)  }
0x176: {  	v60 =	vadd.s32 $0x3, v7;
	v9 =	vsub.f32 v9, v56;
	vm15 =	vge.f32 v58, $3.000000120e-01  }
0x177: {  	v61 =	vadd.s32 $0x4, v7;
	v8 =	vmul.f32 v8, v5;
	v10 =	vnsel vm15, $0x0, v10  }
0x178: {  	p0 =	sne.s32 s4, $0x160;
	v9 =	vmul.f32 v9, v6;
	v62 =	vnsel vm15, $0x0, v58;
	[tilespmem:v7+s1+$0x0] =	vst.idx.msk $0xffff, v10;
	v7 =	vadd.s32 $0x5, v7  }
.Ltmp1:
0x179: {  	v12 =	vmul.f32 v12, v5;
	v8 =	vnsel vm15, $0x0, v8;
	[tilespmem:v57+s1+$0x0] =	vst.idx.msk $0xffff, v62;
	(pc) =	sbr.rel @p0 .LBB2_4-.Ltmp1, $4  }
0x17a: {  	v63 =	vmul.f32 v13, v6;
	[tilespmem:v59+s1+$0x0] =	vst.idx.msk $0xffff, v8;
	v8 =	vnsel vm15, $0x0, v9  }
0x17b: {  	[tilespmem:v60+s1+$0x0] =	vst.idx.msk $0xffff, v8;
	v8 =	vnsel vm15, $0x0, v12  }
0x17c: {  	[tilespmem:v61+s1+$0x0] =	vst.idx.msk $0xffff, v8;
	v8 =	vnsel vm15, $0x0, v63  }
0x17d: {  	s4 =	sadd.s32 $0x10, s4;
	[tilespmem:v7+s1+$0x0] =	vst.idx.msk $0xffff, v8  }
0x17e: {  	s4 =	simm.s32 $0x0  }
0x17f: {  	[hbm4b:s12+s4] =	stream.linear.scatter [tilespmem:s1], [sflag:$0x6], $0x870, $0x38;
	[tilespmem:$0x11E00] =	vst v63  }
0x180: {  	_ =	swait.ge [sflag:s25], $0x7FF8  }
0x181: {  	[sflag:s25] =	ssyncset.done $0x0  }
0x182: {  	[sflag:s25] =	ssyncadd.s32 $0xFFFF8008  }
0x183: {  	_ =	swait.ge [sflag:s26], $0x5A0  }
0x184: {  	[sflag:s26] =	ssyncset.done $0x0  }
0x185: {  	[sflag:s26] =	ssyncadd.s32 $0xFFFFFA60  }
0x186: {  	[tilespmem:s28], [sflag:$0x2] =	stream.linear.gather [hbm4b:s13+s4], $0x7FF8, $0x38;
	[tilespmem:$0x11E00] =	vst v63  }
0x187: {  	_ = 	snop  }
0x188: {  	[tilespmem:s29], [sflag:$0x4] =	stream.linear.gather [hbm4b:s14+s4], $0x5A0, $0x38;
	[tilespmem:$0x11E00] =	vst v63  }
0x189: {  	_ =	swait.ge [sflag:s21], $0x870  }
0x18a: {  	[sflag:s21] =	ssyncset.done $0x0  }
0x18b: {  	[sflag:s21] =	ssyncadd.s32 $0xFFFFF790  }
.LBB2_6:
0x18c: {  	s5 =	smin.u32 s4, $0x158  }
0x18d: {  	v7 =	vadd.s32 s5, v0  }
0x18e: {  	v8 =	vmul.u32 $0x5B, v7;
	_ =	sdelay $0x1  }
0x18f: {  	v9 =	vadd.s32 $0x4, v8  }
0x190: {  	v10 =	vadd.s32 $0x8, v8  }
0x191: {  	v12 =	vadd.s32 $0xC, v8  }
0x192: {  	v13 =	vadd.s32 $0x10, v8  }
0x193: {  	v14 =	vadd.s32 $0x14, v8;
	v11 =	vld.idx.msk [tilespmem:v8+s2+$0x0], $0xffff  }
0x194: {  	v15 =	vadd.s32 $0x18, v8;
	v9 =	vld.idx.msk [tilespmem:v9+s2+$0x0], $0xffff  }
0x195: {  	v20 =	vadd.s32 $0x1C, v8;
	v10 =	vld.idx.msk [tilespmem:v10+s2+$0x0], $0xffff  }
0x196: {  	v22 =	vadd.s32 $0x20, v8;
	v12 =	vld.idx.msk [tilespmem:v12+s2+$0x0], $0xffff  }
0x197: {  	v24 =	vadd.s32 $0x24, v8;
	v19 =	vld.idx.msk [tilespmem:v13+s2+$0x0], $0xffff  }
0x198: {  	v26 =	vadd.s32 $0x28, v8;
	v21 =	vld.idx.msk [tilespmem:v14+s2+$0x0], $0xffff  }
0x199: {  	v28 =	vadd.s32 $0x2C, v8;
	v23 =	vld.idx.msk [tilespmem:v15+s2+$0x0], $0xffff  }
0x19a: {  	v30 =	vadd.s32 $0x30, v8;
	v25 =	vld.idx.msk [tilespmem:v20+s2+$0x0], $0xffff  }
0x19b: {  	v32 =	vadd.s32 $0x34, v8;
	v27 =	vld.idx.msk [tilespmem:v22+s2+$0x0], $0xffff  }
0x19c: {  	v35 =	vadd.s32 $0x38, v8;
	v37 =	vadd.s32 $0x1, v8;
	v29 =	vld.idx.msk [tilespmem:v24+s2+$0x0], $0xffff  }
0x19d: {  	v17 =	vadd.s32 $0x5, v8;
	v39 =	vadd.s32 $0x3C, v8;
	v18 =	vadd.s32 $0x9, v8;
	v31 =	vld.idx.msk [tilespmem:v26+s2+$0x0], $0xffff  }
0x19e: {  	v41 =	vadd.s32 $0x40, v8;
	v42 =	vadd.s32 $0x44, v8;
	v33 =	vld.idx.msk [tilespmem:v28+s2+$0x0], $0xffff;
	vm0 =	vgt.f32 v9, v11  }
0x19f: {  	v43 =	vadd.s32 $0x48, v8;
	v44 =	vadd.s32 $0x4C, v8;
	v36 =	vld.idx.msk [tilespmem:v30+s2+$0x0], $0xffff;
	v9 =	vsel vm0, v9, v11  }
0x1a0: {  	v46 =	vadd.s32 $0x1D, v8;
	v47 =	vadd.s32 $0x54, v8;
	v38 =	vld.idx.msk [tilespmem:v32+s2+$0x0], $0xffff;
	vm1 =	vgt.f32 v10, v9  }
0x1a1: {  	v49 =	vadd.s32 $0x21, v8;
	v52 =	vadd.s32 $0x25, v8;
	v40 =	vld.idx.msk [tilespmem:v35+s2+$0x0], $0xffff;
	v9 =	vsel vm1, v10, v9  }
0x1a2: {  	v53 =	vadd.s32 $0x58, v8;
	v55 =	vadd.s32 $0x29, v8;
	v15 =	vld.idx.msk [tilespmem:v37+s2+$0x0], $0xffff;
	vm2 =	vgt.f32 v12, v9  }
0x1a3: {  	v58 =	vadd.s32 $0x2D, v8;
	v61 =	vadd.s32 $0x31, v8;
	v17 =	vld.idx.msk [tilespmem:v17+s2+$0x0], $0xffff;
	v9 =	vsel vm2, v12, v9  }
0x1a4: {  	v63 =	vadd.s32 $0x35, v8;
	v13 =	vld.idx.msk [tilespmem:v39+s2+$0x0], $0xffff;
	v20 =	vadd.s32 $0x11, v8;
	vm3 =	vgt.f32 v19, v9  }
0x1a5: {  	v18 =	vld.idx.msk [tilespmem:v18+s2+$0x0], $0xffff;
	v22 =	vadd.s32 $0x19, v8;
	v26 =	vadd.s32 $0x3D, v8;
	v9 =	vsel vm3, v19, v9  }
0x1a6: {  	v54 =	vld.idx.msk [tilespmem:v47+s2+$0x0], $0xffff;
	v32 =	vadd.s32 $0x49, v8;
	v35 =	vadd.s32 $0x6, v8;
	vm4 =	vgt.f32 v21, v9  }
0x1a7: {  	v57 =	vld.idx.msk [tilespmem:v49+s2+$0x0], $0xffff;
	v37 =	vadd.s32 $0x4D, v8;
	v39 =	vadd.s32 $0x51, v8;
	v9 =	vsel vm4, v21, v9  }
0x1a8: {  	v24 =	vld.idx.msk [tilespmem:v61+s2+$0x0], $0xffff;
	v47 =	vadd.s32 $0x16, v8;
	v49 =	vadd.s32 $0x1E, v8;
	vm5 =	vgt.f32 v23, v9  }
0x1a9: {  	v28 =	vld.idx.msk [tilespmem:v63+s2+$0x0], $0xffff;
	v61 =	vadd.s32 $0xB, v8;
	v63 =	vadd.s32 $0x2E, v8;
	v9 =	vsel vm5, v23, v9  }
0x1aa: {  	v50 =	vld.idx.msk [tilespmem:v22+s2+$0x0], $0xffff;
	v22 =	vadd.s32 $0x39, v8;
	v16 =	vsel vm0, $0x4, v1;
	vm6 =	vgt.f32 v25, v9  }
0x1ab: {  	vm0 =	vgt.f32 v17, v15;
	v11 =	vld.idx.msk [tilespmem:v43+s2+$0x0], $0xffff;
	v19 =	vadd.s32 $0xD, v8;
	v9 =	vsel vm6, v25, v9  }
0x1ac: {  	v15 =	vsel vm0, v17, v15;
	v34 =	vsel vm1, $0x8, v16;
	v16 =	vld.idx.msk [tilespmem:v41+s2+$0x0], $0xffff;
	vm7 =	vgt.f32 v27, v9  }
0x1ad: {  	v10 =	vld.idx.msk [tilespmem:v44+s2+$0x0], $0xffff;
	v14 =	vsel vm2, $0xC, v34;
	v34 =	vadd.s32 $0x2, v8;
	v9 =	vsel vm7, v27, v9  }
0x1ae: {  	v43 =	vadd.s32 $0x12, v8;
	vm1 =	vgt.f32 v18, v15;
	v41 =	vld.idx.msk [tilespmem:v35+s2+$0x0], $0xffff;
	vm13 =	vgt.f32 v29, v9  }
0x1af: {  	v44 =	vadd.s32 $0x55, v8;
	v12 =	vld.idx.msk [tilespmem:v42+s2+$0x0], $0xffff;
	v23 =	vadd.s32 $0x50, v8;
	v9 =	vsel vm13, v29, v9  }
0x1b0: {  	v15 =	vsel vm1, v18, v15;
	v14 =	vsel vm3, $0x10, v14;
	v19 =	vld.idx.msk [tilespmem:v19+s2+$0x0], $0xffff;
	vm14 =	vgt.f32 v31, v9  }
0x1b1: {  	v42 =	vld.idx.msk [tilespmem:v37+s2+$0x0], $0xffff;
	v14 =	vsel vm4, $0x14, v14;
	v21 =	vadd.s32 $0x15, v8;
	v9 =	vsel vm14, v31, v9  }
0x1b2: {  	v37 =	vadd.s32 $0x3A, v8;
	v18 =	vld.idx.msk [tilespmem:v34+s2+$0x0], $0xffff;
	v14 =	vsel vm5, $0x18, v14;
	vm15 =	vgt.f32 v33, v9  }
0x1b3: {  	v45 =	vld.idx.msk [tilespmem:v20+s2+$0x0], $0xffff;
	v34 =	vadd.s32 $0x36, v8;
	v14 =	vsel vm6, $0x1C, v14;
	v9 =	vsel vm15, v33, v9  }
0x1b4: {  	v14 =	vsel vm7, $0x20, v14;
	v51 =	vld.idx.msk [tilespmem:v23+s2+$0x0], $0xffff;
	v23 =	vsel vm0, $0x5, v2;
	vm6 =	vgt.f32 v36, v9  }
0x1b5: {  	v14 =	vsel vm13, $0x24, v14;
	vm2 =	vgt.f32 v19, v15;
	v9 =	vsel vm6, v36, v9  }
0x1b6: {  	v48 =	vld.idx.msk [tilespmem:v21+s2+$0x0], $0xffff;
	v25 =	vsel vm1, $0x9, v23;
	v29 =	vadd.s32 $0x41, v8;
	vm7 =	vgt.f32 v38, v9  }
0x1b7: {  	vm1 =	vgt.f32 v41, v18;
	v15 =	vsel vm2, v19, v15;
	v9 =	vsel vm7, v38, v9  }
0x1b8: {  	v21 =	vld.idx.msk [tilespmem:v58+s2+$0x0], $0xffff;
	v27 =	vsel vm2, $0xD, v25;
	v58 =	vsel vm1, $0x6, v3;
	vm8 =	vgt.f32 v40, v9  }
0x1b9: {  	v25 =	vadd.s32 $0x13, v8;
	vm3 =	vgt.f32 v45, v15;
	v9 =	vsel vm8, v40, v9  }
0x1ba: {  	v14 =	vsel vm14, $0x28, v14;
	v15 =	vsel vm3, v45, v15;
	vm9 =	vgt.f32 v13, v9  }
0x1bb: {  	v31 =	vadd.s32 $0x45, v8;
	vm4 =	vgt.f32 v48, v15;
	v9 =	vsel vm9, v13, v9  }
0x1bc: {  	v14 =	vsel vm15, $0x2C, v14;
	v56 =	vsel vm4, v48, v15;
	vm10 =	vgt.f32 v16, v9  }
0x1bd: {  	v48 =	vadd.s32 $0x59, v8;
	v14 =	vsel vm6, $0x30, v14;
	v13 =	vld.idx.msk [tilespmem:v46+s2+$0x0], $0xffff;
	v9 =	vsel vm10, v16, v9  }
0x1be: {  	vm14 =	vgt.f32 v50, v56;
	v36 =	vld.idx.msk [tilespmem:v29+s2+$0x0], $0xffff;
	v29 =	vadd.s32 $0x32, v8;
	vm11 =	vgt.f32 v12, v9  }
0x1bf: {  	v59 =	vsel vm14, v50, v56;
	v14 =	vsel vm7, $0x34, v14;
	v9 =	vsel vm11, v12, v9  }
0x1c0: {  	v60 =	vld.idx.msk [tilespmem:v52+s2+$0x0], $0xffff;
	v56 =	vadd.s32 $0x3, v8;
	v14 =	vsel vm8, $0x38, v14;
	vm12 =	vgt.f32 v11, v9  }
0x1c1: {  	v50 =	vld.idx.msk [tilespmem:v47+s2+$0x0], $0xffff;
	v47 =	vadd.s32 $0x2B, v8;
	v14 =	vsel vm9, $0x3C, v14;
	v9 =	vsel vm12, v11, v9  }
0x1c2: {  	v14 =	vsel vm10, $0x40, v14;
	vm7 =	vgt.f32 v13, v59;
	vm13 =	vgt.f32 v10, v9  }
0x1c3: {  	v62 =	vld.idx.msk [tilespmem:v55+s2+$0x0], $0xffff;
	v14 =	vsel vm11, $0x44, v14;
	v9 =	vsel vm13, v10, v9;
	v10 =	vsel vm7, v13, v59  }
0x1c4: {  	v40 =	vadd.s32 $0xE, v8;
	v12 =	vld.idx.msk [tilespmem:v53+s2+$0x0], $0xffff;
	v14 =	vsel vm12, $0x48, v14;
	vm8 =	vgt.f32 v57, v10  }
0x1c5: {  	v14 =	vsel vm13, $0x4C, v14;
	vm9 =	vgt.f32 v51, v9;
	v10 =	vsel vm8, v57, v10  }
0x1c6: {  	v55 =	vld.idx.msk [tilespmem:v49+s2+$0x0], $0xffff;
	v9 =	vsel vm9, v51, v9;
	v14 =	vsel vm9, $0x50, v14;
	vm9 =	vgt.f32 v60, v10  }
0x1c7: {  	v16 =	vld.idx.msk [tilespmem:v43+s2+$0x0], $0xffff;
	v43 =	vadd.s32 $0x42, v8;
	vm15 =	vgt.f32 v54, v9;
	v10 =	vsel vm9, v60, v10  }
0x1c8: {  	v30 =	vld.idx.msk [tilespmem:v22+s2+$0x0], $0xffff;
	v38 =	vadd.s32 $0xA, v8;
	v9 =	vsel vm15, v54, v9;
	vm12 =	vgt.f32 v62, v10  }
0x1c9: {  	v46 =	vld.idx.msk [tilespmem:v39+s2+$0x0], $0xffff;
	v39 =	vadd.s32 $0x1F, v8;
	vm11 =	vgt.f32 v12, v9;
	v10 =	vsel vm12, v62, v10  }
0x1ca: {  	v33 =	vld.idx.msk [tilespmem:v26+s2+$0x0], $0xffff;
	v9 =	vsel vm11, v12, v9;
	v12 =	vsel vm3, $0x11, v27;
	vm13 =	vgt.f32 v21, v10  }
0x1cb: {  	v23 =	vld.idx.msk [tilespmem:v40+s2+$0x0], $0xffff;
	v40 =	vadd.s32 $0x3E, v8;
	v12 =	vsel vm4, $0x15, v12;
	v10 =	vsel vm13, v21, v10  }
0x1cc: {  	v49 =	vld.idx.msk [tilespmem:v43+s2+$0x0], $0xffff;
	v51 =	vadd.s32 $0x22, v8;
	v12 =	vsel vm14, $0x19, v12;
	vm14 =	vgt.f32 v24, v10  }
0x1cd: {  	v53 =	vadd.s32 $0x26, v8;
	v43 =	vadd.s32 $0x5A, v8;
	v13 =	vld.idx.msk [tilespmem:v44+s2+$0x0], $0xffff;
	v10 =	vsel vm14, v24, v10  }
0x1ce: {  	v44 =	vld.idx.msk [tilespmem:v37+s2+$0x0], $0xffff;
	v37 =	vadd.s32 $0x4F, v8;
	v14 =	vsel vm15, $0x54, v14;
	vm15 =	vgt.f32 v28, v10  }
0x1cf: {  	v57 =	vadd.s32 $0x7, v8;
	v12 =	vsel vm7, $0x1D, v12;
	v10 =	vsel vm15, v28, v10  }
0x1d0: {  	v17 =	vld.idx.msk [tilespmem:v31+s2+$0x0], $0xffff;
	v54 =	vadd.s32 $0x2A, v8;
	v12 =	vsel vm8, $0x21, v12;
	vm4 =	vgt.f32 v30, v10  }
0x1d1: {  	v59 =	vld.idx.msk [tilespmem:v51+s2+$0x0], $0xffff;
	v51 =	vadd.s32 $0x33, v8;
	v12 =	vsel vm9, $0x25, v12;
	v15 =	vsel vm4, v30, v10  }
0x1d2: {  	v45 =	vld.idx.msk [tilespmem:v38+s2+$0x0], $0xffff;
	v24 =	vadd.s32 $0x1A, v8;
	v12 =	vsel vm12, $0x29, v12;
	vm6 =	vgt.f32 v33, v15  }
0x1d3: {  	v19 =	vld.idx.msk [tilespmem:v32+s2+$0x0], $0xffff;
	v28 =	vadd.s32 $0xF, v8;
	v12 =	vsel vm13, $0x2D, v12;
	v11 =	vsel vm6, v33, v15  }
0x1d4: {  	v12 =	vsel vm14, $0x31, v12;
	v10 =	vsel vm11, $0x58, v14;
	vm7 =	vgt.f32 v36, v11  }
0x1d5: {  	v14 =	vsel vm1, v41, v18;
	v18 =	vld.idx.msk [tilespmem:v56+s2+$0x0], $0xffff;
	v56 =	vadd.s32 $0x4A, v8;
	v11 =	vsel vm7, v36, v11  }
0x1d6: {  	v41 =	vld.idx.msk [tilespmem:v34+s2+$0x0], $0xffff;
	v34 =	vadd.s32 $0x4B, v8;
	v12 =	vsel vm15, $0x35, v12;
	vm8 =	vgt.f32 v17, v11  }
0x1d7: {  	vm11 =	vgt.f32 v45, v14;
	v12 =	vsel vm4, $0x39, v12;
	v11 =	vsel vm8, v17, v11  }
0x1d8: {  	v14 =	vsel vm11, v45, v14;
	v60 =	vsel vm11, $0xA, v58;
	vm9 =	vgt.f32 v19, v11  }
0x1d9: {  	v33 =	vadd.s32 $0x17, v8;
	v45 =	vadd.s32 $0x27, v8;
	v11 =	vsel vm9, v19, v11  }
0x1da: {  	v15 =	vld.idx.msk [tilespmem:v40+s2+$0x0], $0xffff;
	v58 =	vadd.s32 $0x3B, v8;
	v40 =	vadd.s32 $0x53, v8;
	vm10 =	vgt.f32 v42, v11  }
0x1db: {  	v12 =	vsel vm6, $0x3D, v12;
	vm13 =	vgt.f32 v23, v14;
	v11 =	vsel vm10, v42, v11  }
0x1dc: {  	v35 =	vld.idx.msk [tilespmem:v28+s2+$0x0], $0xffff;
	v28 =	vadd.s32 $0x43, v8;
	v12 =	vsel vm7, $0x41, v12;
	vm12 =	vgt.f32 v46, v11  }
0x1dd: {  	v52 =	vld.idx.msk [tilespmem:v24+s2+$0x0], $0xffff;
	v14 =	vsel vm13, v23, v14;
	v36 =	vadd.s32 $0x1B, v8;
	v11 =	vsel vm12, v46, v11  }
0x1de: {  	vm14 =	vgt.f32 v16, v14;
	v12 =	vsel vm8, $0x45, v12;
	v17 =	vld.idx.msk [tilespmem:v48+s2+$0x0], $0xffff;
	vm2 =	vgt.f32 v13, v11  }
0x1df: {  	v14 =	vsel vm14, v16, v14;
	v48 =	vadd.s32 $0x46, v8;
	v11 =	vsel vm2, v13, v11;
	v13 =	vld.idx.msk [tilespmem:v57+s2+$0x0], $0xffff  }
0x1e0: {  	v16 =	vld.idx.msk [tilespmem:v29+s2+$0x0], $0xffff;
	v29 =	vadd.s32 $0x4E, v8;
	vm15 =	vgt.f32 v50, v14;
	v12 =	vsel vm9, $0x49, v12  }
0x1e1: {  	v31 =	vld.idx.msk [tilespmem:v61+s2+$0x0], $0xffff;
	v14 =	vsel vm15, v50, v14;
	v19 =	vsel vm13, $0xE, v60;
	v50 =	vadd.s32 $0x2F, v8  }
0x1e2: {  	v60 =	vadd.s32 $0x3F, v8;
	v19 =	vsel vm14, $0x12, v19;
	v12 =	vsel vm10, $0x4D, v12  }
0x1e3: {  	vm10 =	vgt.f32 v52, v14;
	v19 =	vsel vm15, $0x16, v19;
	v42 =	vadd.s32 $0x23, v8  }
0x1e4: {  	v38 =	vld.idx.msk [tilespmem:v25+s2+$0x0], $0xffff;
	v14 =	vsel vm10, v52, v14;
	v19 =	vsel vm10, $0x1A, v19;
	vm15 =	vgt.f32 v13, v18  }
0x1e5: {  	v21 =	vld.idx.msk [tilespmem:v53+s2+$0x0], $0xffff;
	v12 =	vsel vm12, $0x51, v12;
	vm11 =	vgt.f32 v55, v14;
	v13 =	vsel vm15, v13, v18  }
0x1e6: {  	v62 =	vld.idx.msk [tilespmem:v54+s2+$0x0], $0xffff;
	v14 =	vsel vm11, v55, v14;
	v30 =	vsel vm11, $0x1E, v19;
	vm3 =	vgt.f32 v31, v13  }
0x1e7: {  	v22 =	vld.idx.msk [tilespmem:v33+s2+$0x0], $0xffff;
	v55 =	vadd.s32 $0x37, v8;
	vm12 =	vgt.f32 v59, v14;
	v13 =	vsel vm3, v31, v13  }
0x1e8: {  	v32 =	vld.idx.msk [tilespmem:v63+s2+$0x0], $0xffff;
	v12 =	vsel vm2, $0x55, v12;
	vm9 =	vgt.f32 v17, v11;
	vm4 =	vgt.f32 v35, v13  }
0x1e9: {  	v24 =	vld.idx.msk [tilespmem:v36+s2+$0x0], $0xffff;
	v14 =	vsel vm12, v59, v14;
	v11 =	vsel vm9, v17, v11;
	v13 =	vsel vm4, v35, v13  }
0x1ea: {  	v17 =	vsel vm12, $0x22, v30;
	vm13 =	vgt.f32 v21, v14;
	vm5 =	vgt.f32 v38, v13  }
0x1eb: {  	v46 =	vld.idx.msk [tilespmem:v39+s2+$0x0], $0xffff;
	v12 =	vsel vm9, $0x59, v12;
	v14 =	vsel vm13, v21, v14;
	v13 =	vsel vm5, v38, v13  }
0x1ec: {  	v17 =	vsel vm13, $0x26, v17;
	vm14 =	vgt.f32 v62, v14;
	vm2 =	vgt.f32 v22, v13  }
0x1ed: {  	v21 =	vld.idx.msk [tilespmem:v42+s2+$0x0], $0xffff;
	v14 =	vsel vm14, v62, v14;
	v17 =	vsel vm14, $0x2A, v17;
	v13 =	vsel vm2, v22, v13  }
0x1ee: {  	vm10 =	vgt.f32 v32, v14;
	v61 =	vsel vm15, $0x7, v4;
	vm6 =	vgt.f32 v24, v13  }
0x1ef: {  	v20 =	vld.idx.msk [tilespmem:v45+s2+$0x0], $0xffff;
	v14 =	vsel vm10, v32, v14;
	v17 =	vsel vm10, $0x2E, v17;
	v13 =	vsel vm6, v24, v13  }
0x1f0: {  	vm11 =	vgt.f32 v16, v14;
	v63 =	vsel vm3, $0xB, v61;
	vm0 =	vgt.f32 v46, v13  }
0x1f1: {  	v53 =	vld.idx.msk [tilespmem:v47+s2+$0x0], $0xffff;
	v31 =	vadd.s32 $0x47, v8;
	v14 =	vsel vm11, v16, v14;
	v13 =	vsel vm0, v46, v13  }
0x1f2: {  	v17 =	vsel vm11, $0x32, v17;
	vm12 =	vgt.f32 v41, v14;
	vm7 =	vgt.f32 v21, v13  }
0x1f3: {  	v57 =	vld.idx.msk [tilespmem:v50+s2+$0x0], $0xffff;
	v35 =	vadd.s32 $0x52, v8;
	v14 =	vsel vm12, v41, v14;
	v13 =	vsel vm7, v21, v13  }
0x1f4: {  	v54 =	vld.idx.msk [tilespmem:v48+s2+$0x0], $0xffff;
	v17 =	vsel vm12, $0x36, v17;
	vm13 =	vgt.f32 v44, v14;
	vm8 =	vgt.f32 v20, v13  }
0x1f5: {  	v59 =	vld.idx.msk [tilespmem:v51+s2+$0x0], $0xffff;
	v38 =	vadd.s32 $0x56, v8;
	v14 =	vsel vm13, v44, v14;
	v13 =	vsel vm8, v20, v13  }
0x1f6: {  	v62 =	vld.idx.msk [tilespmem:v55+s2+$0x0], $0xffff;
	v8 =	vadd.s32 $0x57, v8;
	vm14 =	vgt.f32 v15, v14;
	vm9 =	vgt.f32 v53, v13  }
0x1f7: {  	v52 =	vsel vm13, $0x3A, v17;
	v14 =	vsel vm14, v15, v14;
	v15 =	vld.idx.msk [tilespmem:v56+s2+$0x0], $0xffff;
	v13 =	vsel vm9, v53, v13  }
0x1f8: {  	v22 =	vsel vm4, $0xF, v63;
	vm10 =	vgt.f32 v49, v14;
	vm1 =	vgt.f32 v57, v13  }
0x1f9: {  	v30 =	vld.idx.msk [tilespmem:v58+s2+$0x0], $0xffff;
	v16 =	vsel vm14, $0x3E, v52;
	v14 =	vsel vm10, v49, v14;
	v13 =	vsel vm1, v57, v13  }
0x1fa: {  	v22 =	vsel vm5, $0x13, v22;
	vm15 =	vgt.f32 v54, v14;
	vm3 =	vgt.f32 v59, v13  }
0x1fb: {  	v32 =	vld.idx.msk [tilespmem:v60+s2+$0x0], $0xffff;
	v33 =	vsel vm2, $0x17, v22;
	v14 =	vsel vm15, v54, v14;
	v13 =	vsel vm3, v59, v13  }
0x1fc: {  	v36 =	vld.idx.msk [tilespmem:v28+s2+$0x0], $0xffff;
	v16 =	vsel vm10, $0x42, v16;
	vm12 =	vgt.f32 v15, v14;
	vm11 =	vgt.f32 v62, v13  }
0x1fd: {  	v18 =	vld.idx.msk [tilespmem:v29+s2+$0x0], $0xffff;
	v16 =	vsel vm15, $0x46, v16;
	v14 =	vsel vm12, v15, v14;
	v13 =	vsel vm11, v62, v13  }
0x1fe: {  	v16 =	vsel vm12, $0x4A, v16;
	v20 =	vsel vm6, $0x1B, v33;
	vm13 =	vgt.f32 v30, v13  }
0x1ff: {  	v39 =	vld.idx.msk [tilespmem:v31+s2+$0x0], $0xffff;
	vm6 =	vgt.f32 v11, v9;
	v20 =	vsel vm0, $0x1F, v20;
	v13 =	vsel vm13, v30, v13  }
0x200: {  	v42 =	vld.idx.msk [tilespmem:v35+s2+$0x0], $0xffff;
	v20 =	vsel vm7, $0x23, v20;
	vm7 =	veq.f32 v11, v9;
	vm14 =	vgt.f32 v32, v13  }
0x201: {  	v41 =	vld.idx.msk [tilespmem:v34+s2+$0x0], $0xffff;
	v20 =	vsel vm8, $0x27, v20;
	vm8 =	vlt.u32 v12, v10;
	v13 =	vsel vm14, v32, v13  }
0x202: {  	v45 =	vld.idx.msk [tilespmem:v37+s2+$0x0], $0xffff;
	v44 =	vsel vm9, $0x2B, v20;
	vm9 =	vgt.f32 v18, v14;
	vm15 =	vgt.f32 v36, v13  }
0x203: {  	v15 =	vld.idx.msk [tilespmem:v38+s2+$0x0], $0xffff;
	v17 =	vsel vm1, $0x2F, v44;
	v14 =	vsel vm9, v18, v14;
	v13 =	vsel vm15, v36, v13  }
0x204: {  	v16 =	vsel vm9, $0x4E, v16;
	v17 =	vsel vm3, $0x33, v17;
	vm10 =	vgt.f32 v39, v13  }
0x205: {  	v46 =	vld.idx.msk [tilespmem:v40+s2+$0x0], $0xffff;
	vm12 =	vgt.f32 v42, v14;
	v17 =	vsel vm11, $0x37, v17;
	v13 =	vsel vm10, v39, v13  }
0x206: {  	v47 =	vld.idx.msk [tilespmem:v43+s2+$0x0], $0xffff;
	v14 =	vsel vm12, v42, v14;
	v17 =	vsel vm13, $0x3B, v17;
	vm11 =	vgt.f32 v41, v13  }
0x207: {  	v8 =	vld.idx.msk [tilespmem:v8+s2+$0x0], $0xffff;
	v16 =	vsel vm12, $0x52, v16;
	v17 =	vsel vm14, $0x3F, v17;
	v13 =	vsel vm11, v41, v13  }
0x208: {  	vm14 =	vgt.f32 v15, v14;
	v17 =	vsel vm15, $0x43, v17;
	vm13 =	vgt.f32 v45, v13  }
0x209: {  	v14 =	vsel vm14, v15, v14;
	v17 =	vsel vm10, $0x47, v17;
	v13 =	vsel vm13, v45, v13  }
0x20a: {  	v16 =	vsel vm14, $0x56, v16;
	v48 =	vsel vm11, $0x4B, v17;
	vm15 =	vgt.f32 v46, v13  }
0x20b: {  	vm4 =	vgt.f32 v47, v14;
	v15 =	vsel vm13, $0x4F, v48;
	v13 =	vsel vm15, v46, v13  }
0x20c: {  	v14 =	vsel vm4, v47, v14;
	v15 =	vsel vm15, $0x53, v15;
	vm5 =	vgt.f32 v8, v13  }
0x20d: {  	v16 =	vsel vm4, $0x5A, v16;
	v8 =	vsel vm5, v8, v13;
	v49 =	vsel vm5, $0x57, v15  }
0x20e: {  	vm1 =	vmand vm7, vm8;
	vm9 =	veq.f32 v8, v14;
	vm10 =	vlt.u32 v49, v16  }
0x20f: {  	vm0 =	vmor vm6, vm1;
	vm12 =	vgt.f32 v8, v14;
	vm11 =	vmand vm9, vm10  }
0x210: {  	v9 =	vsel vm0, v11, v9;
	vm1 =	vmor vm12, vm11  }
0x211: {  	v10 =	vsel vm0, v12, v10;
	v8 =	vsel vm1, v8, v14;
	v50 =	vsel vm1, v49, v16  }
0x212: {  	vm13 =	veq.f32 v8, v9;
	vm1 =	vlt.u32 v50, v10  }
0x213: {  	vm14 =	vgt.f32 v8, v9;
	vm0 =	vmand vm13, vm1  }
0x214: {  	vm0 =	vmor vm14, vm0  }
0x215: {  	v8 =	vsel vm0, v8, v9  }
0x216: {  	v8 =	vsub.f32 $0.0e+00, v8;
	_ =	sdelay $0x1  }
0x217: {  	v8 =	vmul.f32 $1.442695020e+00, v8;
	_ =	sdelay $0x1  }
0x218: {  	(erf) = vpow2.f32 v8;
	_ =	sdelay $0x7  }
0x219: {  	v8 =	vshll.u32 v7, $0x2  }
0x21a: {  	v52 =	vor.u32 $0x2, v8;
	v51 =	vpop (erf)  }
0x21b: {  	v53 =	vor.u32 $0x3, v8;
	v9 =	vadd.f32 $1.000000000e+00, v51;
	_ =	sdelay $0x1  }
0x21c: {  	v54 =	vor.u32 $0x1, v8;
	(erf) = vrcp.f32 v9;
	_ =	sdelay $0x1  }
0x21d: {  	v12 =	vld.idx.msk [tilespmem:v52+s24+$0x0], $0xffff  }
0x21e: {  	v13 =	vld.idx.msk [tilespmem:v53+s24+$0x0], $0xffff  }
0x21f: {  	v8 =	vld.idx.msk [tilespmem:v8+s24+$0x0], $0xffff  }
0x220: {  	v9 =	vld.idx.msk [tilespmem:v54+s24+$0x0], $0xffff  }
0x221: {  	v7 =	vmul.u32 $0x6, v7  }
0x222: {  	v55 =	vmul.f32 $5.000000000e-01, v12  }
0x223: {  	v10 =	vsel vm0, v50, v10;
	v57 =	vor.u32 $0x1, v7;
	v56 =	vmul.f32 $5.000000000e-01, v13  }
0x224: {  	v10 =	vcvt.s32.f32 v10;
	v59 =	vadd.s32 $0x2, v7;
	v8 =	vsub.f32 v8, v55;
	v58 =	vpop (erf)  }
0x225: {  	v60 =	vadd.s32 $0x3, v7;
	v9 =	vsub.f32 v9, v56;
	vm15 =	vge.f32 v58, $3.000000120e-01  }
0x226: {  	v61 =	vadd.s32 $0x4, v7;
	v8 =	vmul.f32 v8, v5;
	v10 =	vnsel vm15, $0x0, v10  }
0x227: {  	p0 =	sne.s32 s4, $0x160;
	v9 =	vmul.f32 v9, v6;
	v62 =	vnsel vm15, $0x0, v58;
	[tilespmem:v7+s30+$0x0] =	vst.idx.msk $0xffff, v10;
	v7 =	vadd.s32 $0x5, v7  }
.Ltmp2:
0x228: {  	v12 =	vmul.f32 v12, v5;
	v8 =	vnsel vm15, $0x0, v8;
	[tilespmem:v57+s30+$0x0] =	vst.idx.msk $0xffff, v62;
	(pc) =	sbr.rel @p0 .LBB2_6-.Ltmp2, $4  }
0x229: {  	v63 =	vmul.f32 v13, v6;
	[tilespmem:v59+s30+$0x0] =	vst.idx.msk $0xffff, v8;
	v8 =	vnsel vm15, $0x0, v9  }
0x22a: {  	[tilespmem:v60+s30+$0x0] =	vst.idx.msk $0xffff, v8;
	v8 =	vnsel vm15, $0x0, v12  }
0x22b: {  	[tilespmem:v61+s30+$0x0] =	vst.idx.msk $0xffff, v8;
	v8 =	vnsel vm15, $0x0, v63  }
0x22c: {  	s4 =	sadd.s32 $0x10, s4;
	[tilespmem:v7+s30+$0x0] =	vst.idx.msk $0xffff, v8  }
0x22d: {  	s4 =	simm.s32 $0x0  }
0x22e: {  	[hbm4b:s15+s4] =	stream.linear.scatter [tilespmem:s30], [sflag:$0x5], $0x870, $0x38;
	[tilespmem:$0x11E00] =	vst v63  }
0x22f: {  	_ =	swait.ge [sflag:s31], $0x7FF8  }
0x230: {  	[sflag:s31] =	ssyncset.done $0x0  }
0x231: {  	[sflag:s31] =	ssyncadd.s32 $0xFFFF8008  }
0x232: {  	_ =	swait.ge [sflag:s0], $0x5A0  }
0x233: {  	[sflag:s0] =	ssyncset.done $0x0  }
0x234: {  	[sflag:s0] =	ssyncadd.s32 $0xFFFFFA60  }
0x235: {  	[tilespmem:s4], [sflag:$0x1] =	stream.linear.gather [hbm4b:s16+s4], $0x7FF8, $0x38;
	[tilespmem:$0x11E00] =	vst v63  }
0x236: {  	_ = 	snop  }
0x237: {  	[tilespmem:s24], [sflag:$0x3] =	stream.linear.gather [hbm4b:s17+s4], $0x5A0, $0x38;
	[tilespmem:$0x11E00] =	vst v63  }
0x238: {  	_ =	swait.ge [sflag:s23], $0x870  }
0x239: {  	[sflag:s23] =	ssyncset.done $0x0  }
0x23a: {  	[sflag:s23] =	ssyncadd.s32 $0xFFFFF790  }
.LBB2_8:
0x23b: {  	s5 =	smin.u32 s4, $0x158  }
0x23c: {  	v7 =	vadd.s32 s5, v0  }
0x23d: {  	v8 =	vmul.u32 $0x5B, v7;
	_ =	sdelay $0x1  }
0x23e: {  	v9 =	vadd.s32 $0x4, v8  }
0x23f: {  	v10 =	vadd.s32 $0x8, v8  }
0x240: {  	v12 =	vadd.s32 $0xC, v8  }
0x241: {  	v13 =	vadd.s32 $0x10, v8  }
0x242: {  	v14 =	vadd.s32 $0x14, v8;
	v11 =	vld.idx.msk [tilespmem:v8+s28+$0x0], $0xffff  }
0x243: {  	v15 =	vadd.s32 $0x18, v8;
	v9 =	vld.idx.msk [tilespmem:v9+s28+$0x0], $0xffff  }
0x244: {  	v20 =	vadd.s32 $0x1C, v8;
	v10 =	vld.idx.msk [tilespmem:v10+s28+$0x0], $0xffff  }
0x245: {  	v22 =	vadd.s32 $0x20, v8;
	v12 =	vld.idx.msk [tilespmem:v12+s28+$0x0], $0xffff  }
0x246: {  	v24 =	vadd.s32 $0x24, v8;
	v19 =	vld.idx.msk [tilespmem:v13+s28+$0x0], $0xffff  }
0x247: {  	v26 =	vadd.s32 $0x28, v8;
	v21 =	vld.idx.msk [tilespmem:v14+s28+$0x0], $0xffff  }
0x248: {  	v28 =	vadd.s32 $0x2C, v8;
	v23 =	vld.idx.msk [tilespmem:v15+s28+$0x0], $0xffff  }
0x249: {  	v30 =	vadd.s32 $0x30, v8;
	v25 =	vld.idx.msk [tilespmem:v20+s28+$0x0], $0xffff  }
0x24a: {  	v32 =	vadd.s32 $0x34, v8;
	v27 =	vld.idx.msk [tilespmem:v22+s28+$0x0], $0xffff  }
0x24b: {  	v35 =	vadd.s32 $0x38, v8;
	v37 =	vadd.s32 $0x1, v8;
	v29 =	vld.idx.msk [tilespmem:v24+s28+$0x0], $0xffff  }
0x24c: {  	v17 =	vadd.s32 $0x5, v8;
	v39 =	vadd.s32 $0x3C, v8;
	v18 =	vadd.s32 $0x9, v8;
	v31 =	vld.idx.msk [tilespmem:v26+s28+$0x0], $0xffff  }
0x24d: {  	v41 =	vadd.s32 $0x40, v8;
	v42 =	vadd.s32 $0x44, v8;
	v33 =	vld.idx.msk [tilespmem:v28+s28+$0x0], $0xffff;
	vm0 =	vgt.f32 v9, v11  }
0x24e: {  	v43 =	vadd.s32 $0x48, v8;
	v44 =	vadd.s32 $0x4C, v8;
	v36 =	vld.idx.msk [tilespmem:v30+s28+$0x0], $0xffff;
	v9 =	vsel vm0, v9, v11  }
0x24f: {  	v46 =	vadd.s32 $0x1D, v8;
	v47 =	vadd.s32 $0x54, v8;
	v38 =	vld.idx.msk [tilespmem:v32+s28+$0x0], $0xffff;
	vm1 =	vgt.f32 v10, v9  }
0x250: {  	v49 =	vadd.s32 $0x21, v8;
	v52 =	vadd.s32 $0x25, v8;
	v40 =	vld.idx.msk [tilespmem:v35+s28+$0x0], $0xffff;
	v9 =	vsel vm1, v10, v9  }
0x251: {  	v53 =	vadd.s32 $0x58, v8;
	v55 =	vadd.s32 $0x29, v8;
	v15 =	vld.idx.msk [tilespmem:v37+s28+$0x0], $0xffff;
	vm2 =	vgt.f32 v12, v9  }
0x252: {  	v58 =	vadd.s32 $0x2D, v8;
	v61 =	vadd.s32 $0x31, v8;
	v17 =	vld.idx.msk [tilespmem:v17+s28+$0x0], $0xffff;
	v9 =	vsel vm2, v12, v9  }
0x253: {  	v63 =	vadd.s32 $0x35, v8;
	v13 =	vld.idx.msk [tilespmem:v39+s28+$0x0], $0xffff;
	v20 =	vadd.s32 $0x11, v8;
	vm3 =	vgt.f32 v19, v9  }
0x254: {  	v18 =	vld.idx.msk [tilespmem:v18+s28+$0x0], $0xffff;
	v22 =	vadd.s32 $0x19, v8;
	v26 =	vadd.s32 $0x3D, v8;
	v9 =	vsel vm3, v19, v9  }
0x255: {  	v54 =	vld.idx.msk [tilespmem:v47+s28+$0x0], $0xffff;
	v32 =	vadd.s32 $0x49, v8;
	v35 =	vadd.s32 $0x6, v8;
	vm4 =	vgt.f32 v21, v9  }
0x256: {  	v57 =	vld.idx.msk [tilespmem:v49+s28+$0x0], $0xffff;
	v37 =	vadd.s32 $0x4D, v8;
	v39 =	vadd.s32 $0x51, v8;
	v9 =	vsel vm4, v21, v9  }
0x257: {  	v24 =	vld.idx.msk [tilespmem:v61+s28+$0x0], $0xffff;
	v47 =	vadd.s32 $0x16, v8;
	v49 =	vadd.s32 $0x1E, v8;
	vm5 =	vgt.f32 v23, v9  }
0x258: {  	v28 =	vld.idx.msk [tilespmem:v63+s28+$0x0], $0xffff;
	v61 =	vadd.s32 $0xB, v8;
	v63 =	vadd.s32 $0x2E, v8;
	v9 =	vsel vm5, v23, v9  }
0x259: {  	v50 =	vld.idx.msk [tilespmem:v22+s28+$0x0], $0xffff;
	v22 =	vadd.s32 $0x39, v8;
	v16 =	vsel vm0, $0x4, v1;
	vm6 =	vgt.f32 v25, v9  }
0x25a: {  	vm0 =	vgt.f32 v17, v15;
	v11 =	vld.idx.msk [tilespmem:v43+s28+$0x0], $0xffff;
	v19 =	vadd.s32 $0xD, v8;
	v9 =	vsel vm6, v25, v9  }
0x25b: {  	v15 =	vsel vm0, v17, v15;
	v34 =	vsel vm1, $0x8, v16;
	v16 =	vld.idx.msk [tilespmem:v41+s28+$0x0], $0xffff;
	vm7 =	vgt.f32 v27, v9  }
0x25c: {  	v10 =	vld.idx.msk [tilespmem:v44+s28+$0x0], $0xffff;
	v14 =	vsel vm2, $0xC, v34;
	v34 =	vadd.s32 $0x2, v8;
	v9 =	vsel vm7, v27, v9  }
0x25d: {  	v43 =	vadd.s32 $0x12, v8;
	vm1 =	vgt.f32 v18, v15;
	v41 =	vld.idx.msk [tilespmem:v35+s28+$0x0], $0xffff;
	vm13 =	vgt.f32 v29, v9  }
0x25e: {  	v44 =	vadd.s32 $0x55, v8;
	v12 =	vld.idx.msk [tilespmem:v42+s28+$0x0], $0xffff;
	v23 =	vadd.s32 $0x50, v8;
	v9 =	vsel vm13, v29, v9  }
0x25f: {  	v15 =	vsel vm1, v18, v15;
	v14 =	vsel vm3, $0x10, v14;
	v19 =	vld.idx.msk [tilespmem:v19+s28+$0x0], $0xffff;
	vm14 =	vgt.f32 v31, v9  }
0x260: {  	v42 =	vld.idx.msk [tilespmem:v37+s28+$0x0], $0xffff;
	v14 =	vsel vm4, $0x14, v14;
	v21 =	vadd.s32 $0x15, v8;
	v9 =	vsel vm14, v31, v9  }
0x261: {  	v37 =	vadd.s32 $0x3A, v8;
	v18 =	vld.idx.msk [tilespmem:v34+s28+$0x0], $0xffff;
	v14 =	vsel vm5, $0x18, v14;
	vm15 =	vgt.f32 v33, v9  }
0x262: {  	v45 =	vld.idx.msk [tilespmem:v20+s28+$0x0], $0xffff;
	v34 =	vadd.s32 $0x36, v8;
	v14 =	vsel vm6, $0x1C, v14;
	v9 =	vsel vm15, v33, v9  }
0x263: {  	v14 =	vsel vm7, $0x20, v14;
	v51 =	vld.idx.msk [tilespmem:v23+s28+$0x0], $0xffff;
	v23 =	vsel vm0, $0x5, v2;
	vm6 =	vgt.f32 v36, v9  }
0x264: {  	v14 =	vsel vm13, $0x24, v14;
	vm2 =	vgt.f32 v19, v15;
	v9 =	vsel vm6, v36, v9  }
0x265: {  	v48 =	vld.idx.msk [tilespmem:v21+s28+$0x0], $0xffff;
	v25 =	vsel vm1, $0x9, v23;
	v29 =	vadd.s32 $0x41, v8;
	vm7 =	vgt.f32 v38, v9  }
0x266: {  	vm1 =	vgt.f32 v41, v18;
	v15 =	vsel vm2, v19, v15;
	v9 =	vsel vm7, v38, v9  }
0x267: {  	v21 =	vld.idx.msk [tilespmem:v58+s28+$0x0], $0xffff;
	v27 =	vsel vm2, $0xD, v25;
	v58 =	vsel vm1, $0x6, v3;
	vm8 =	vgt.f32 v40, v9  }
0x268: {  	v25 =	vadd.s32 $0x13, v8;
	vm3 =	vgt.f32 v45, v15;
	v9 =	vsel vm8, v40, v9  }
0x269: {  	v14 =	vsel vm14, $0x28, v14;
	v15 =	vsel vm3, v45, v15;
	vm9 =	vgt.f32 v13, v9  }
0x26a: {  	v31 =	vadd.s32 $0x45, v8;
	vm4 =	vgt.f32 v48, v15;
	v9 =	vsel vm9, v13, v9  }
0x26b: {  	v14 =	vsel vm15, $0x2C, v14;
	v56 =	vsel vm4, v48, v15;
	vm10 =	vgt.f32 v16, v9  }
0x26c: {  	v48 =	vadd.s32 $0x59, v8;
	v14 =	vsel vm6, $0x30, v14;
	v13 =	vld.idx.msk [tilespmem:v46+s28+$0x0], $0xffff;
	v9 =	vsel vm10, v16, v9  }
0x26d: {  	vm14 =	vgt.f32 v50, v56;
	v36 =	vld.idx.msk [tilespmem:v29+s28+$0x0], $0xffff;
	v29 =	vadd.s32 $0x32, v8;
	vm11 =	vgt.f32 v12, v9  }
0x26e: {  	v59 =	vsel vm14, v50, v56;
	v14 =	vsel vm7, $0x34, v14;
	v9 =	vsel vm11, v12, v9  }
0x26f: {  	v60 =	vld.idx.msk [tilespmem:v52+s28+$0x0], $0xffff;
	v56 =	vadd.s32 $0x3, v8;
	v14 =	vsel vm8, $0x38, v14;
	vm12 =	vgt.f32 v11, v9  }
0x270: {  	v50 =	vld.idx.msk [tilespmem:v47+s28+$0x0], $0xffff;
	v47 =	vadd.s32 $0x2B, v8;
	v14 =	vsel vm9, $0x3C, v14;
	v9 =	vsel vm12, v11, v9  }
0x271: {  	v14 =	vsel vm10, $0x40, v14;
	vm7 =	vgt.f32 v13, v59;
	vm13 =	vgt.f32 v10, v9  }
0x272: {  	v62 =	vld.idx.msk [tilespmem:v55+s28+$0x0], $0xffff;
	v14 =	vsel vm11, $0x44, v14;
	v9 =	vsel vm13, v10, v9;
	v10 =	vsel vm7, v13, v59  }
0x273: {  	v40 =	vadd.s32 $0xE, v8;
	v12 =	vld.idx.msk [tilespmem:v53+s28+$0x0], $0xffff;
	v14 =	vsel vm12, $0x48, v14;
	vm8 =	vgt.f32 v57, v10  }
0x274: {  	v14 =	vsel vm13, $0x4C, v14;
	vm9 =	vgt.f32 v51, v9;
	v10 =	vsel vm8, v57, v10  }
0x275: {  	v55 =	vld.idx.msk [tilespmem:v49+s28+$0x0], $0xffff;
	v9 =	vsel vm9, v51, v9;
	v14 =	vsel vm9, $0x50, v14;
	vm9 =	vgt.f32 v60, v10  }
0x276: {  	v16 =	vld.idx.msk [tilespmem:v43+s28+$0x0], $0xffff;
	v43 =	vadd.s32 $0x42, v8;
	vm15 =	vgt.f32 v54, v9;
	v10 =	vsel vm9, v60, v10  }
0x277: {  	v30 =	vld.idx.msk [tilespmem:v22+s28+$0x0], $0xffff;
	v38 =	vadd.s32 $0xA, v8;
	v9 =	vsel vm15, v54, v9;
	vm12 =	vgt.f32 v62, v10  }
0x278: {  	v46 =	vld.idx.msk [tilespmem:v39+s28+$0x0], $0xffff;
	v39 =	vadd.s32 $0x1F, v8;
	vm11 =	vgt.f32 v12, v9;
	v10 =	vsel vm12, v62, v10  }
0x279: {  	v33 =	vld.idx.msk [tilespmem:v26+s28+$0x0], $0xffff;
	v9 =	vsel vm11, v12, v9;
	v12 =	vsel vm3, $0x11, v27;
	vm13 =	vgt.f32 v21, v10  }
0x27a: {  	v23 =	vld.idx.msk [tilespmem:v40+s28+$0x0], $0xffff;
	v40 =	vadd.s32 $0x3E, v8;
	v12 =	vsel vm4, $0x15, v12;
	v10 =	vsel vm13, v21, v10  }
0x27b: {  	v49 =	vld.idx.msk [tilespmem:v43+s28+$0x0], $0xffff;
	v51 =	vadd.s32 $0x22, v8;
	v12 =	vsel vm14, $0x19, v12;
	vm14 =	vgt.f32 v24, v10  }
0x27c: {  	v53 =	vadd.s32 $0x26, v8;
	v43 =	vadd.s32 $0x5A, v8;
	v13 =	vld.idx.msk [tilespmem:v44+s28+$0x0], $0xffff;
	v10 =	vsel vm14, v24, v10  }
0x27d: {  	v44 =	vld.idx.msk [tilespmem:v37+s28+$0x0], $0xffff;
	v37 =	vadd.s32 $0x4F, v8;
	v14 =	vsel vm15, $0x54, v14;
	vm15 =	vgt.f32 v28, v10  }
0x27e: {  	v57 =	vadd.s32 $0x7, v8;
	v12 =	vsel vm7, $0x1D, v12;
	v10 =	vsel vm15, v28, v10  }
0x27f: {  	v17 =	vld.idx.msk [tilespmem:v31+s28+$0x0], $0xffff;
	v54 =	vadd.s32 $0x2A, v8;
	v12 =	vsel vm8, $0x21, v12;
	vm4 =	vgt.f32 v30, v10  }
0x280: {  	v59 =	vld.idx.msk [tilespmem:v51+s28+$0x0], $0xffff;
	v51 =	vadd.s32 $0x33, v8;
	v12 =	vsel vm9, $0x25, v12;
	v15 =	vsel vm4, v30, v10  }
0x281: {  	v45 =	vld.idx.msk [tilespmem:v38+s28+$0x0], $0xffff;
	v24 =	vadd.s32 $0x1A, v8;
	v12 =	vsel vm12, $0x29, v12;
	vm6 =	vgt.f32 v33, v15  }
0x282: {  	v19 =	vld.idx.msk [tilespmem:v32+s28+$0x0], $0xffff;
	v28 =	vadd.s32 $0xF, v8;
	v12 =	vsel vm13, $0x2D, v12;
	v11 =	vsel vm6, v33, v15  }
0x283: {  	v12 =	vsel vm14, $0x31, v12;
	v10 =	vsel vm11, $0x58, v14;
	vm7 =	vgt.f32 v36, v11  }
0x284: {  	v14 =	vsel vm1, v41, v18;
	v18 =	vld.idx.msk [tilespmem:v56+s28+$0x0], $0xffff;
	v56 =	vadd.s32 $0x4A, v8;
	v11 =	vsel vm7, v36, v11  }
0x285: {  	v41 =	vld.idx.msk [tilespmem:v34+s28+$0x0], $0xffff;
	v34 =	vadd.s32 $0x4B, v8;
	v12 =	vsel vm15, $0x35, v12;
	vm8 =	vgt.f32 v17, v11  }
0x286: {  	vm11 =	vgt.f32 v45, v14;
	v12 =	vsel vm4, $0x39, v12;
	v11 =	vsel vm8, v17, v11  }
0x287: {  	v14 =	vsel vm11, v45, v14;
	v60 =	vsel vm11, $0xA, v58;
	vm9 =	vgt.f32 v19, v11  }
0x288: {  	v33 =	vadd.s32 $0x17, v8;
	v45 =	vadd.s32 $0x27, v8;
	v11 =	vsel vm9, v19, v11  }
0x289: {  	v15 =	vld.idx.msk [tilespmem:v40+s28+$0x0], $0xffff;
	v58 =	vadd.s32 $0x3B, v8;
	v40 =	vadd.s32 $0x53, v8;
	vm10 =	vgt.f32 v42, v11  }
0x28a: {  	v12 =	vsel vm6, $0x3D, v12;
	vm13 =	vgt.f32 v23, v14;
	v11 =	vsel vm10, v42, v11  }
0x28b: {  	v35 =	vld.idx.msk [tilespmem:v28+s28+$0x0], $0xffff;
	v28 =	vadd.s32 $0x43, v8;
	v12 =	vsel vm7, $0x41, v12;
	vm12 =	vgt.f32 v46, v11  }
0x28c: {  	v52 =	vld.idx.msk [tilespmem:v24+s28+$0x0], $0xffff;
	v14 =	vsel vm13, v23, v14;
	v36 =	vadd.s32 $0x1B, v8;
	v11 =	vsel vm12, v46, v11  }
0x28d: {  	vm14 =	vgt.f32 v16, v14;
	v12 =	vsel vm8, $0x45, v12;
	v17 =	vld.idx.msk [tilespmem:v48+s28+$0x0], $0xffff;
	vm2 =	vgt.f32 v13, v11  }
0x28e: {  	v14 =	vsel vm14, v16, v14;
	v48 =	vadd.s32 $0x46, v8;
	v11 =	vsel vm2, v13, v11;
	v13 =	vld.idx.msk [tilespmem:v57+s28+$0x0], $0xffff  }
0x28f: {  	v16 =	vld.idx.msk [tilespmem:v29+s28+$0x0], $0xffff;
	v29 =	vadd.s32 $0x4E, v8;
	vm15 =	vgt.f32 v50, v14;
	v12 =	vsel vm9, $0x49, v12  }
0x290: {  	v31 =	vld.idx.msk [tilespmem:v61+s28+$0x0], $0xffff;
	v14 =	vsel vm15, v50, v14;
	v19 =	vsel vm13, $0xE, v60;
	v50 =	vadd.s32 $0x2F, v8  }
0x291: {  	v60 =	vadd.s32 $0x3F, v8;
	v19 =	vsel vm14, $0x12, v19;
	v12 =	vsel vm10, $0x4D, v12  }
0x292: {  	vm10 =	vgt.f32 v52, v14;
	v19 =	vsel vm15, $0x16, v19;
	v42 =	vadd.s32 $0x23, v8  }
0x293: {  	v38 =	vld.idx.msk [tilespmem:v25+s28+$0x0], $0xffff;
	v14 =	vsel vm10, v52, v14;
	v19 =	vsel vm10, $0x1A, v19;
	vm15 =	vgt.f32 v13, v18  }
0x294: {  	v21 =	vld.idx.msk [tilespmem:v53+s28+$0x0], $0xffff;
	v12 =	vsel vm12, $0x51, v12;
	vm11 =	vgt.f32 v55, v14;
	v13 =	vsel vm15, v13, v18  }
0x295: {  	v62 =	vld.idx.msk [tilespmem:v54+s28+$0x0], $0xffff;
	v14 =	vsel vm11, v55, v14;
	v30 =	vsel vm11, $0x1E, v19;
	vm3 =	vgt.f32 v31, v13  }
0x296: {  	v22 =	vld.idx.msk [tilespmem:v33+s28+$0x0], $0xffff;
	v55 =	vadd.s32 $0x37, v8;
	vm12 =	vgt.f32 v59, v14;
	v13 =	vsel vm3, v31, v13  }
0x297: {  	v32 =	vld.idx.msk [tilespmem:v63+s28+$0x0], $0xffff;
	v12 =	vsel vm2, $0x55, v12;
	vm9 =	vgt.f32 v17, v11;
	vm4 =	vgt.f32 v35, v13  }
0x298: {  	v24 =	vld.idx.msk [tilespmem:v36+s28+$0x0], $0xffff;
	v14 =	vsel vm12, v59, v14;
	v11 =	vsel vm9, v17, v11;
	v13 =	vsel vm4, v35, v13  }
0x299: {  	v17 =	vsel vm12, $0x22, v30;
	vm13 =	vgt.f32 v21, v14;
	vm5 =	vgt.f32 v38, v13  }
0x29a: {  	v46 =	vld.idx.msk [tilespmem:v39+s28+$0x0], $0xffff;
	v12 =	vsel vm9, $0x59, v12;
	v14 =	vsel vm13, v21, v14;
	v13 =	vsel vm5, v38, v13  }
0x29b: {  	v17 =	vsel vm13, $0x26, v17;
	vm14 =	vgt.f32 v62, v14;
	vm2 =	vgt.f32 v22, v13  }
0x29c: {  	v21 =	vld.idx.msk [tilespmem:v42+s28+$0x0], $0xffff;
	v14 =	vsel vm14, v62, v14;
	v17 =	vsel vm14, $0x2A, v17;
	v13 =	vsel vm2, v22, v13  }
0x29d: {  	vm10 =	vgt.f32 v32, v14;
	v61 =	vsel vm15, $0x7, v4;
	vm6 =	vgt.f32 v24, v13  }
0x29e: {  	v20 =	vld.idx.msk [tilespmem:v45+s28+$0x0], $0xffff;
	v14 =	vsel vm10, v32, v14;
	v17 =	vsel vm10, $0x2E, v17;
	v13 =	vsel vm6, v24, v13  }
0x29f: {  	vm11 =	vgt.f32 v16, v14;
	v63 =	vsel vm3, $0xB, v61;
	vm0 =	vgt.f32 v46, v13  }
0x2a0: {  	v53 =	vld.idx.msk [tilespmem:v47+s28+$0x0], $0xffff;
	v31 =	vadd.s32 $0x47, v8;
	v14 =	vsel vm11, v16, v14;
	v13 =	vsel vm0, v46, v13  }
0x2a1: {  	v17 =	vsel vm11, $0x32, v17;
	vm12 =	vgt.f32 v41, v14;
	vm7 =	vgt.f32 v21, v13  }
0x2a2: {  	v57 =	vld.idx.msk [tilespmem:v50+s28+$0x0], $0xffff;
	v35 =	vadd.s32 $0x52, v8;
	v14 =	vsel vm12, v41, v14;
	v13 =	vsel vm7, v21, v13  }
0x2a3: {  	v54 =	vld.idx.msk [tilespmem:v48+s28+$0x0], $0xffff;
	v17 =	vsel vm12, $0x36, v17;
	vm13 =	vgt.f32 v44, v14;
	vm8 =	vgt.f32 v20, v13  }
0x2a4: {  	v59 =	vld.idx.msk [tilespmem:v51+s28+$0x0], $0xffff;
	v38 =	vadd.s32 $0x56, v8;
	v14 =	vsel vm13, v44, v14;
	v13 =	vsel vm8, v20, v13  }
0x2a5: {  	v62 =	vld.idx.msk [tilespmem:v55+s28+$0x0], $0xffff;
	v8 =	vadd.s32 $0x57, v8;
	vm14 =	vgt.f32 v15, v14;
	vm9 =	vgt.f32 v53, v13  }
0x2a6: {  	v52 =	vsel vm13, $0x3A, v17;
	v14 =	vsel vm14, v15, v14;
	v15 =	vld.idx.msk [tilespmem:v56+s28+$0x0], $0xffff;
	v13 =	vsel vm9, v53, v13  }
0x2a7: {  	v22 =	vsel vm4, $0xF, v63;
	vm10 =	vgt.f32 v49, v14;
	vm1 =	vgt.f32 v57, v13  }
0x2a8: {  	v30 =	vld.idx.msk [tilespmem:v58+s28+$0x0], $0xffff;
	v16 =	vsel vm14, $0x3E, v52;
	v14 =	vsel vm10, v49, v14;
	v13 =	vsel vm1, v57, v13  }
0x2a9: {  	v22 =	vsel vm5, $0x13, v22;
	vm15 =	vgt.f32 v54, v14;
	vm3 =	vgt.f32 v59, v13  }
0x2aa: {  	v32 =	vld.idx.msk [tilespmem:v60+s28+$0x0], $0xffff;
	v33 =	vsel vm2, $0x17, v22;
	v14 =	vsel vm15, v54, v14;
	v13 =	vsel vm3, v59, v13  }
0x2ab: {  	v36 =	vld.idx.msk [tilespmem:v28+s28+$0x0], $0xffff;
	v16 =	vsel vm10, $0x42, v16;
	vm12 =	vgt.f32 v15, v14;
	vm11 =	vgt.f32 v62, v13  }
0x2ac: {  	v18 =	vld.idx.msk [tilespmem:v29+s28+$0x0], $0xffff;
	v16 =	vsel vm15, $0x46, v16;
	v14 =	vsel vm12, v15, v14;
	v13 =	vsel vm11, v62, v13  }
0x2ad: {  	v16 =	vsel vm12, $0x4A, v16;
	v20 =	vsel vm6, $0x1B, v33;
	vm13 =	vgt.f32 v30, v13  }
0x2ae: {  	v39 =	vld.idx.msk [tilespmem:v31+s28+$0x0], $0xffff;
	vm6 =	vgt.f32 v11, v9;
	v20 =	vsel vm0, $0x1F, v20;
	v13 =	vsel vm13, v30, v13  }
0x2af: {  	v42 =	vld.idx.msk [tilespmem:v35+s28+$0x0], $0xffff;
	v20 =	vsel vm7, $0x23, v20;
	vm7 =	veq.f32 v11, v9;
	vm14 =	vgt.f32 v32, v13  }
0x2b0: {  	v41 =	vld.idx.msk [tilespmem:v34+s28+$0x0], $0xffff;
	v20 =	vsel vm8, $0x27, v20;
	vm8 =	vlt.u32 v12, v10;
	v13 =	vsel vm14, v32, v13  }
0x2b1: {  	v45 =	vld.idx.msk [tilespmem:v37+s28+$0x0], $0xffff;
	v44 =	vsel vm9, $0x2B, v20;
	vm9 =	vgt.f32 v18, v14;
	vm15 =	vgt.f32 v36, v13  }
0x2b2: {  	v15 =	vld.idx.msk [tilespmem:v38+s28+$0x0], $0xffff;
	v17 =	vsel vm1, $0x2F, v44;
	v14 =	vsel vm9, v18, v14;
	v13 =	vsel vm15, v36, v13  }
0x2b3: {  	v16 =	vsel vm9, $0x4E, v16;
	v17 =	vsel vm3, $0x33, v17;
	vm10 =	vgt.f32 v39, v13  }
0x2b4: {  	v46 =	vld.idx.msk [tilespmem:v40+s28+$0x0], $0xffff;
	vm12 =	vgt.f32 v42, v14;
	v17 =	vsel vm11, $0x37, v17;
	v13 =	vsel vm10, v39, v13  }
0x2b5: {  	v47 =	vld.idx.msk [tilespmem:v43+s28+$0x0], $0xffff;
	v14 =	vsel vm12, v42, v14;
	v17 =	vsel vm13, $0x3B, v17;
	vm11 =	vgt.f32 v41, v13  }
0x2b6: {  	v8 =	vld.idx.msk [tilespmem:v8+s28+$0x0], $0xffff;
	v16 =	vsel vm12, $0x52, v16;
	v17 =	vsel vm14, $0x3F, v17;
	v13 =	vsel vm11, v41, v13  }
0x2b7: {  	vm14 =	vgt.f32 v15, v14;
	v17 =	vsel vm15, $0x43, v17;
	vm13 =	vgt.f32 v45, v13  }
0x2b8: {  	v14 =	vsel vm14, v15, v14;
	v17 =	vsel vm10, $0x47, v17;
	v13 =	vsel vm13, v45, v13  }
0x2b9: {  	v16 =	vsel vm14, $0x56, v16;
	v48 =	vsel vm11, $0x4B, v17;
	vm15 =	vgt.f32 v46, v13  }
0x2ba: {  	vm4 =	vgt.f32 v47, v14;
	v15 =	vsel vm13, $0x4F, v48;
	v13 =	vsel vm15, v46, v13  }
0x2bb: {  	v14 =	vsel vm4, v47, v14;
	v15 =	vsel vm15, $0x53, v15;
	vm5 =	vgt.f32 v8, v13  }
0x2bc: {  	v16 =	vsel vm4, $0x5A, v16;
	v8 =	vsel vm5, v8, v13;
	v49 =	vsel vm5, $0x57, v15  }
0x2bd: {  	vm1 =	vmand vm7, vm8;
	vm9 =	veq.f32 v8, v14;
	vm10 =	vlt.u32 v49, v16  }
0x2be: {  	vm0 =	vmor vm6, vm1;
	vm12 =	vgt.f32 v8, v14;
	vm11 =	vmand vm9, vm10  }
0x2bf: {  	v9 =	vsel vm0, v11, v9;
	vm1 =	vmor vm12, vm11  }
0x2c0: {  	v10 =	vsel vm0, v12, v10;
	v8 =	vsel vm1, v8, v14;
	v50 =	vsel vm1, v49, v16  }
0x2c1: {  	vm13 =	veq.f32 v8, v9;
	vm1 =	vlt.u32 v50, v10  }
0x2c2: {  	vm14 =	vgt.f32 v8, v9;
	vm0 =	vmand vm13, vm1  }
0x2c3: {  	vm0 =	vmor vm14, vm0  }
0x2c4: {  	v8 =	vsel vm0, v8, v9  }
0x2c5: {  	v8 =	vsub.f32 $0.0e+00, v8;
	_ =	sdelay $0x1  }
0x2c6: {  	v8 =	vmul.f32 $1.442695020e+00, v8;
	_ =	sdelay $0x1  }
0x2c7: {  	(erf) = vpow2.f32 v8;
	_ =	sdelay $0x7  }
0x2c8: {  	v8 =	vshll.u32 v7, $0x2  }
0x2c9: {  	v52 =	vor.u32 $0x2, v8;
	v51 =	vpop (erf)  }
0x2ca: {  	v53 =	vor.u32 $0x3, v8;
	v9 =	vadd.f32 $1.000000000e+00, v51;
	_ =	sdelay $0x1  }
0x2cb: {  	v54 =	vor.u32 $0x1, v8;
	(erf) = vrcp.f32 v9;
	_ =	sdelay $0x1  }
0x2cc: {  	v12 =	vld.idx.msk [tilespmem:v52+s29+$0x0], $0xffff  }
0x2cd: {  	v13 =	vld.idx.msk [tilespmem:v53+s29+$0x0], $0xffff  }
0x2ce: {  	v8 =	vld.idx.msk [tilespmem:v8+s29+$0x0], $0xffff  }
0x2cf: {  	v9 =	vld.idx.msk [tilespmem:v54+s29+$0x0], $0xffff  }
0x2d0: {  	v7 =	vmul.u32 $0x6, v7  }
0x2d1: {  	v55 =	vmul.f32 $5.000000000e-01, v12  }
0x2d2: {  	v10 =	vsel vm0, v50, v10;
	v57 =	vor.u32 $0x1, v7;
	v56 =	vmul.f32 $5.000000000e-01, v13  }
0x2d3: {  	v10 =	vcvt.s32.f32 v10;
	v59 =	vadd.s32 $0x2, v7;
	v8 =	vsub.f32 v8, v55;
	v58 =	vpop (erf)  }
0x2d4: {  	v60 =	vadd.s32 $0x3, v7;
	v9 =	vsub.f32 v9, v56;
	vm15 =	vge.f32 v58, $3.000000120e-01  }
0x2d5: {  	v61 =	vadd.s32 $0x4, v7;
	v8 =	vmul.f32 v8, v5;
	v10 =	vnsel vm15, $0x0, v10  }
0x2d6: {  	p0 =	sne.s32 s4, $0x160;
	v9 =	vmul.f32 v9, v6;
	v62 =	vnsel vm15, $0x0, v58;
	[tilespmem:v7+s1+$0x0] =	vst.idx.msk $0xffff, v10;
	v7 =	vadd.s32 $0x5, v7  }
.Ltmp3:
0x2d7: {  	v12 =	vmul.f32 v12, v5;
	v8 =	vnsel vm15, $0x0, v8;
	[tilespmem:v57+s1+$0x0] =	vst.idx.msk $0xffff, v62;
	(pc) =	sbr.rel @p0 .LBB2_8-.Ltmp3, $4  }
0x2d8: {  	v63 =	vmul.f32 v13, v6;
	[tilespmem:v59+s1+$0x0] =	vst.idx.msk $0xffff, v8;
	v8 =	vnsel vm15, $0x0, v9  }
0x2d9: {  	[tilespmem:v60+s1+$0x0] =	vst.idx.msk $0xffff, v8;
	v8 =	vnsel vm15, $0x0, v12  }
0x2da: {  	[tilespmem:v61+s1+$0x0] =	vst.idx.msk $0xffff, v8;
	v8 =	vnsel vm15, $0x0, v63  }
0x2db: {  	s4 =	sadd.s32 $0x10, s4;
	[tilespmem:v7+s1+$0x0] =	vst.idx.msk $0xffff, v8  }
0x2dc: {  	s4 =	simm.s32 $0x0  }
0x2dd: {  	[hbm4b:s18+s4] =	stream.linear.scatter [tilespmem:s1], [sflag:$0x6], $0x870, $0x38;
	[tilespmem:$0x11E00] =	vst v63  }
0x2de: {  	_ =	swait.ge [sflag:s25], $0x7FF8  }
0x2df: {  	[sflag:s25] =	ssyncset.done $0x0  }
0x2e0: {  	[sflag:s25] =	ssyncadd.s32 $0xFFFF8008  }
0x2e1: {  	_ =	swait.ge [sflag:s26], $0x5A0  }
0x2e2: {  	[sflag:s26] =	ssyncset.done $0x0  }
0x2e3: {  	[sflag:s26] =	ssyncadd.s32 $0xFFFFFA60  }
0x2e4: {  	_ =	swait.ge [sflag:s21], $0x870  }
0x2e5: {  	[sflag:s21] =	ssyncset.done $0x0  }
0x2e6: {  	[sflag:s21] =	ssyncadd.s32 $0xFFFFF790  }
.LBB2_10:
0x2e7: {  	s5 =	smin.u32 s4, $0x158  }
0x2e8: {  	v7 =	vadd.s32 s5, v0  }
0x2e9: {  	v8 =	vmul.u32 $0x5B, v7;
	_ =	sdelay $0x1  }
0x2ea: {  	v9 =	vadd.s32 $0x4, v8  }
0x2eb: {  	v10 =	vadd.s32 $0x8, v8  }
0x2ec: {  	v12 =	vadd.s32 $0xC, v8  }
0x2ed: {  	v13 =	vadd.s32 $0x10, v8  }
0x2ee: {  	v14 =	vadd.s32 $0x14, v8;
	v11 =	vld.idx.msk [tilespmem:v8+s2+$0x0], $0xffff  }
0x2ef: {  	v15 =	vadd.s32 $0x18, v8;
	v9 =	vld.idx.msk [tilespmem:v9+s2+$0x0], $0xffff  }
0x2f0: {  	v20 =	vadd.s32 $0x1C, v8;
	v10 =	vld.idx.msk [tilespmem:v10+s2+$0x0], $0xffff  }
0x2f1: {  	v22 =	vadd.s32 $0x20, v8;
	v12 =	vld.idx.msk [tilespmem:v12+s2+$0x0], $0xffff  }
0x2f2: {  	v24 =	vadd.s32 $0x24, v8;
	v19 =	vld.idx.msk [tilespmem:v13+s2+$0x0], $0xffff  }
0x2f3: {  	v26 =	vadd.s32 $0x28, v8;
	v21 =	vld.idx.msk [tilespmem:v14+s2+$0x0], $0xffff  }
0x2f4: {  	v28 =	vadd.s32 $0x2C, v8;
	v23 =	vld.idx.msk [tilespmem:v15+s2+$0x0], $0xffff  }
0x2f5: {  	v30 =	vadd.s32 $0x30, v8;
	v25 =	vld.idx.msk [tilespmem:v20+s2+$0x0], $0xffff  }
0x2f6: {  	v32 =	vadd.s32 $0x34, v8;
	v27 =	vld.idx.msk [tilespmem:v22+s2+$0x0], $0xffff  }
0x2f7: {  	v35 =	vadd.s32 $0x38, v8;
	v37 =	vadd.s32 $0x1, v8;
	v29 =	vld.idx.msk [tilespmem:v24+s2+$0x0], $0xffff  }
0x2f8: {  	v17 =	vadd.s32 $0x5, v8;
	v39 =	vadd.s32 $0x3C, v8;
	v18 =	vadd.s32 $0x9, v8;
	v31 =	vld.idx.msk [tilespmem:v26+s2+$0x0], $0xffff  }
0x2f9: {  	v41 =	vadd.s32 $0x40, v8;
	v42 =	vadd.s32 $0x44, v8;
	v33 =	vld.idx.msk [tilespmem:v28+s2+$0x0], $0xffff;
	vm0 =	vgt.f32 v9, v11  }
0x2fa: {  	v43 =	vadd.s32 $0x48, v8;
	v44 =	vadd.s32 $0x4C, v8;
	v36 =	vld.idx.msk [tilespmem:v30+s2+$0x0], $0xffff;
	v9 =	vsel vm0, v9, v11  }
0x2fb: {  	v46 =	vadd.s32 $0x1D, v8;
	v47 =	vadd.s32 $0x54, v8;
	v38 =	vld.idx.msk [tilespmem:v32+s2+$0x0], $0xffff;
	vm1 =	vgt.f32 v10, v9  }
0x2fc: {  	v49 =	vadd.s32 $0x21, v8;
	v52 =	vadd.s32 $0x25, v8;
	v40 =	vld.idx.msk [tilespmem:v35+s2+$0x0], $0xffff;
	v9 =	vsel vm1, v10, v9  }
0x2fd: {  	v53 =	vadd.s32 $0x58, v8;
	v55 =	vadd.s32 $0x29, v8;
	v15 =	vld.idx.msk [tilespmem:v37+s2+$0x0], $0xffff;
	vm2 =	vgt.f32 v12, v9  }
0x2fe: {  	v58 =	vadd.s32 $0x2D, v8;
	v61 =	vadd.s32 $0x31, v8;
	v17 =	vld.idx.msk [tilespmem:v17+s2+$0x0], $0xffff;
	v9 =	vsel vm2, v12, v9  }
0x2ff: {  	v63 =	vadd.s32 $0x35, v8;
	v13 =	vld.idx.msk [tilespmem:v39+s2+$0x0], $0xffff;
	v20 =	vadd.s32 $0x11, v8;
	vm3 =	vgt.f32 v19, v9  }
0x300: {  	v18 =	vld.idx.msk [tilespmem:v18+s2+$0x0], $0xffff;
	v22 =	vadd.s32 $0x19, v8;
	v26 =	vadd.s32 $0x3D, v8;
	v9 =	vsel vm3, v19, v9  }
0x301: {  	v54 =	vld.idx.msk [tilespmem:v47+s2+$0x0], $0xffff;
	v32 =	vadd.s32 $0x49, v8;
	v35 =	vadd.s32 $0x6, v8;
	vm4 =	vgt.f32 v21, v9  }
0x302: {  	v57 =	vld.idx.msk [tilespmem:v49+s2+$0x0], $0xffff;
	v37 =	vadd.s32 $0x4D, v8;
	v39 =	vadd.s32 $0x51, v8;
	v9 =	vsel vm4, v21, v9  }
0x303: {  	v24 =	vld.idx.msk [tilespmem:v61+s2+$0x0], $0xffff;
	v47 =	vadd.s32 $0x16, v8;
	v49 =	vadd.s32 $0x1E, v8;
	vm5 =	vgt.f32 v23, v9  }
0x304: {  	v28 =	vld.idx.msk [tilespmem:v63+s2+$0x0], $0xffff;
	v61 =	vadd.s32 $0xB, v8;
	v63 =	vadd.s32 $0x2E, v8;
	v9 =	vsel vm5, v23, v9  }
0x305: {  	v50 =	vld.idx.msk [tilespmem:v22+s2+$0x0], $0xffff;
	v22 =	vadd.s32 $0x39, v8;
	v16 =	vsel vm0, $0x4, v1;
	vm6 =	vgt.f32 v25, v9  }
0x306: {  	vm0 =	vgt.f32 v17, v15;
	v11 =	vld.idx.msk [tilespmem:v43+s2+$0x0], $0xffff;
	v19 =	vadd.s32 $0xD, v8;
	v9 =	vsel vm6, v25, v9  }
0x307: {  	v15 =	vsel vm0, v17, v15;
	v34 =	vsel vm1, $0x8, v16;
	v16 =	vld.idx.msk [tilespmem:v41+s2+$0x0], $0xffff;
	vm7 =	vgt.f32 v27, v9  }
0x308: {  	v10 =	vld.idx.msk [tilespmem:v44+s2+$0x0], $0xffff;
	v14 =	vsel vm2, $0xC, v34;
	v34 =	vadd.s32 $0x2, v8;
	v9 =	vsel vm7, v27, v9  }
0x309: {  	v43 =	vadd.s32 $0x12, v8;
	vm1 =	vgt.f32 v18, v15;
	v41 =	vld.idx.msk [tilespmem:v35+s2+$0x0], $0xffff;
	vm13 =	vgt.f32 v29, v9  }
0x30a: {  	v44 =	vadd.s32 $0x55, v8;
	v12 =	vld.idx.msk [tilespmem:v42+s2+$0x0], $0xffff;
	v23 =	vadd.s32 $0x50, v8;
	v9 =	vsel vm13, v29, v9  }
0x30b: {  	v15 =	vsel vm1, v18, v15;
	v14 =	vsel vm3, $0x10, v14;
	v19 =	vld.idx.msk [tilespmem:v19+s2+$0x0], $0xffff;
	vm14 =	vgt.f32 v31, v9  }
0x30c: {  	v42 =	vld.idx.msk [tilespmem:v37+s2+$0x0], $0xffff;
	v14 =	vsel vm4, $0x14, v14;
	v21 =	vadd.s32 $0x15, v8;
	v9 =	vsel vm14, v31, v9  }
0x30d: {  	v37 =	vadd.s32 $0x3A, v8;
	v18 =	vld.idx.msk [tilespmem:v34+s2+$0x0], $0xffff;
	v14 =	vsel vm5, $0x18, v14;
	vm15 =	vgt.f32 v33, v9  }
0x30e: {  	v45 =	vld.idx.msk [tilespmem:v20+s2+$0x0], $0xffff;
	v34 =	vadd.s32 $0x36, v8;
	v14 =	vsel vm6, $0x1C, v14;
	v9 =	vsel vm15, v33, v9  }
0x30f: {  	v14 =	vsel vm7, $0x20, v14;
	v51 =	vld.idx.msk [tilespmem:v23+s2+$0x0], $0xffff;
	v23 =	vsel vm0, $0x5, v2;
	vm6 =	vgt.f32 v36, v9  }
0x310: {  	v14 =	vsel vm13, $0x24, v14;
	vm2 =	vgt.f32 v19, v15;
	v9 =	vsel vm6, v36, v9  }
0x311: {  	v48 =	vld.idx.msk [tilespmem:v21+s2+$0x0], $0xffff;
	v25 =	vsel vm1, $0x9, v23;
	v29 =	vadd.s32 $0x41, v8;
	vm7 =	vgt.f32 v38, v9  }
0x312: {  	vm1 =	vgt.f32 v41, v18;
	v15 =	vsel vm2, v19, v15;
	v9 =	vsel vm7, v38, v9  }
0x313: {  	v21 =	vld.idx.msk [tilespmem:v58+s2+$0x0], $0xffff;
	v27 =	vsel vm2, $0xD, v25;
	v58 =	vsel vm1, $0x6, v3;
	vm8 =	vgt.f32 v40, v9  }
0x314: {  	v25 =	vadd.s32 $0x13, v8;
	vm3 =	vgt.f32 v45, v15;
	v9 =	vsel vm8, v40, v9  }
0x315: {  	v14 =	vsel vm14, $0x28, v14;
	v15 =	vsel vm3, v45, v15;
	vm9 =	vgt.f32 v13, v9  }
0x316: {  	v31 =	vadd.s32 $0x45, v8;
	vm4 =	vgt.f32 v48, v15;
	v9 =	vsel vm9, v13, v9  }
0x317: {  	v14 =	vsel vm15, $0x2C, v14;
	v56 =	vsel vm4, v48, v15;
	vm10 =	vgt.f32 v16, v9  }
0x318: {  	v48 =	vadd.s32 $0x59, v8;
	v14 =	vsel vm6, $0x30, v14;
	v13 =	vld.idx.msk [tilespmem:v46+s2+$0x0], $0xffff;
	v9 =	vsel vm10, v16, v9  }
0x319: {  	vm14 =	vgt.f32 v50, v56;
	v36 =	vld.idx.msk [tilespmem:v29+s2+$0x0], $0xffff;
	v29 =	vadd.s32 $0x32, v8;
	vm11 =	vgt.f32 v12, v9  }
0x31a: {  	v59 =	vsel vm14, v50, v56;
	v14 =	vsel vm7, $0x34, v14;
	v9 =	vsel vm11, v12, v9  }
0x31b: {  	v60 =	vld.idx.msk [tilespmem:v52+s2+$0x0], $0xffff;
	v56 =	vadd.s32 $0x3, v8;
	v14 =	vsel vm8, $0x38, v14;
	vm12 =	vgt.f32 v11, v9  }
0x31c: {  	v50 =	vld.idx.msk [tilespmem:v47+s2+$0x0], $0xffff;
	v47 =	vadd.s32 $0x2B, v8;
	v14 =	vsel vm9, $0x3C, v14;
	v9 =	vsel vm12, v11, v9  }
0x31d: {  	v14 =	vsel vm10, $0x40, v14;
	vm7 =	vgt.f32 v13, v59;
	vm13 =	vgt.f32 v10, v9  }
0x31e: {  	v62 =	vld.idx.msk [tilespmem:v55+s2+$0x0], $0xffff;
	v14 =	vsel vm11, $0x44, v14;
	v9 =	vsel vm13, v10, v9;
	v10 =	vsel vm7, v13, v59  }
0x31f: {  	v40 =	vadd.s32 $0xE, v8;
	v12 =	vld.idx.msk [tilespmem:v53+s2+$0x0], $0xffff;
	v14 =	vsel vm12, $0x48, v14;
	vm8 =	vgt.f32 v57, v10  }
0x320: {  	v14 =	vsel vm13, $0x4C, v14;
	vm9 =	vgt.f32 v51, v9;
	v10 =	vsel vm8, v57, v10  }
0x321: {  	v55 =	vld.idx.msk [tilespmem:v49+s2+$0x0], $0xffff;
	v9 =	vsel vm9, v51, v9;
	v14 =	vsel vm9, $0x50, v14;
	vm9 =	vgt.f32 v60, v10  }
0x322: {  	v16 =	vld.idx.msk [tilespmem:v43+s2+$0x0], $0xffff;
	v43 =	vadd.s32 $0x42, v8;
	vm15 =	vgt.f32 v54, v9;
	v10 =	vsel vm9, v60, v10  }
0x323: {  	v30 =	vld.idx.msk [tilespmem:v22+s2+$0x0], $0xffff;
	v38 =	vadd.s32 $0xA, v8;
	v9 =	vsel vm15, v54, v9;
	vm12 =	vgt.f32 v62, v10  }
0x324: {  	v46 =	vld.idx.msk [tilespmem:v39+s2+$0x0], $0xffff;
	v39 =	vadd.s32 $0x1F, v8;
	vm11 =	vgt.f32 v12, v9;
	v10 =	vsel vm12, v62, v10  }
0x325: {  	v33 =	vld.idx.msk [tilespmem:v26+s2+$0x0], $0xffff;
	v9 =	vsel vm11, v12, v9;
	v12 =	vsel vm3, $0x11, v27;
	vm13 =	vgt.f32 v21, v10  }
0x326: {  	v23 =	vld.idx.msk [tilespmem:v40+s2+$0x0], $0xffff;
	v40 =	vadd.s32 $0x3E, v8;
	v12 =	vsel vm4, $0x15, v12;
	v10 =	vsel vm13, v21, v10  }
0x327: {  	v49 =	vld.idx.msk [tilespmem:v43+s2+$0x0], $0xffff;
	v51 =	vadd.s32 $0x22, v8;
	v12 =	vsel vm14, $0x19, v12;
	vm14 =	vgt.f32 v24, v10  }
0x328: {  	v53 =	vadd.s32 $0x26, v8;
	v43 =	vadd.s32 $0x5A, v8;
	v13 =	vld.idx.msk [tilespmem:v44+s2+$0x0], $0xffff;
	v10 =	vsel vm14, v24, v10  }
0x329: {  	v44 =	vld.idx.msk [tilespmem:v37+s2+$0x0], $0xffff;
	v37 =	vadd.s32 $0x4F, v8;
	v14 =	vsel vm15, $0x54, v14;
	vm15 =	vgt.f32 v28, v10  }
0x32a: {  	v57 =	vadd.s32 $0x7, v8;
	v12 =	vsel vm7, $0x1D, v12;
	v10 =	vsel vm15, v28, v10  }
0x32b: {  	v17 =	vld.idx.msk [tilespmem:v31+s2+$0x0], $0xffff;
	v54 =	vadd.s32 $0x2A, v8;
	v12 =	vsel vm8, $0x21, v12;
	vm4 =	vgt.f32 v30, v10  }
0x32c: {  	v59 =	vld.idx.msk [tilespmem:v51+s2+$0x0], $0xffff;
	v51 =	vadd.s32 $0x33, v8;
	v12 =	vsel vm9, $0x25, v12;
	v15 =	vsel vm4, v30, v10  }
0x32d: {  	v45 =	vld.idx.msk [tilespmem:v38+s2+$0x0], $0xffff;
	v24 =	vadd.s32 $0x1A, v8;
	v12 =	vsel vm12, $0x29, v12;
	vm6 =	vgt.f32 v33, v15  }
0x32e: {  	v19 =	vld.idx.msk [tilespmem:v32+s2+$0x0], $0xffff;
	v28 =	vadd.s32 $0xF, v8;
	v12 =	vsel vm13, $0x2D, v12;
	v11 =	vsel vm6, v33, v15  }
0x32f: {  	v12 =	vsel vm14, $0x31, v12;
	v10 =	vsel vm11, $0x58, v14;
	vm7 =	vgt.f32 v36, v11  }
0x330: {  	v14 =	vsel vm1, v41, v18;
	v18 =	vld.idx.msk [tilespmem:v56+s2+$0x0], $0xffff;
	v56 =	vadd.s32 $0x4A, v8;
	v11 =	vsel vm7, v36, v11  }
0x331: {  	v41 =	vld.idx.msk [tilespmem:v34+s2+$0x0], $0xffff;
	v34 =	vadd.s32 $0x4B, v8;
	v12 =	vsel vm15, $0x35, v12;
	vm8 =	vgt.f32 v17, v11  }
0x332: {  	vm11 =	vgt.f32 v45, v14;
	v12 =	vsel vm4, $0x39, v12;
	v11 =	vsel vm8, v17, v11  }
0x333: {  	v14 =	vsel vm11, v45, v14;
	v60 =	vsel vm11, $0xA, v58;
	vm9 =	vgt.f32 v19, v11  }
0x334: {  	v33 =	vadd.s32 $0x17, v8;
	v45 =	vadd.s32 $0x27, v8;
	v11 =	vsel vm9, v19, v11  }
0x335: {  	v15 =	vld.idx.msk [tilespmem:v40+s2+$0x0], $0xffff;
	v58 =	vadd.s32 $0x3B, v8;
	v40 =	vadd.s32 $0x53, v8;
	vm10 =	vgt.f32 v42, v11  }
0x336: {  	v12 =	vsel vm6, $0x3D, v12;
	vm13 =	vgt.f32 v23, v14;
	v11 =	vsel vm10, v42, v11  }
0x337: {  	v35 =	vld.idx.msk [tilespmem:v28+s2+$0x0], $0xffff;
	v28 =	vadd.s32 $0x43, v8;
	v12 =	vsel vm7, $0x41, v12;
	vm12 =	vgt.f32 v46, v11  }
0x338: {  	v52 =	vld.idx.msk [tilespmem:v24+s2+$0x0], $0xffff;
	v14 =	vsel vm13, v23, v14;
	v36 =	vadd.s32 $0x1B, v8;
	v11 =	vsel vm12, v46, v11  }
0x339: {  	vm14 =	vgt.f32 v16, v14;
	v12 =	vsel vm8, $0x45, v12;
	v17 =	vld.idx.msk [tilespmem:v48+s2+$0x0], $0xffff;
	vm2 =	vgt.f32 v13, v11  }
0x33a: {  	v14 =	vsel vm14, v16, v14;
	v48 =	vadd.s32 $0x46, v8;
	v11 =	vsel vm2, v13, v11;
	v13 =	vld.idx.msk [tilespmem:v57+s2+$0x0], $0xffff  }
0x33b: {  	v16 =	vld.idx.msk [tilespmem:v29+s2+$0x0], $0xffff;
	v29 =	vadd.s32 $0x4E, v8;
	vm15 =	vgt.f32 v50, v14;
	v12 =	vsel vm9, $0x49, v12  }
0x33c: {  	v31 =	vld.idx.msk [tilespmem:v61+s2+$0x0], $0xffff;
	v14 =	vsel vm15, v50, v14;
	v19 =	vsel vm13, $0xE, v60;
	v50 =	vadd.s32 $0x2F, v8  }
0x33d: {  	v60 =	vadd.s32 $0x3F, v8;
	v19 =	vsel vm14, $0x12, v19;
	v12 =	vsel vm10, $0x4D, v12  }
0x33e: {  	vm10 =	vgt.f32 v52, v14;
	v19 =	vsel vm15, $0x16, v19;
	v42 =	vadd.s32 $0x23, v8  }
0x33f: {  	v38 =	vld.idx.msk [tilespmem:v25+s2+$0x0], $0xffff;
	v14 =	vsel vm10, v52, v14;
	v19 =	vsel vm10, $0x1A, v19;
	vm15 =	vgt.f32 v13, v18  }
0x340: {  	v21 =	vld.idx.msk [tilespmem:v53+s2+$0x0], $0xffff;
	v12 =	vsel vm12, $0x51, v12;
	vm11 =	vgt.f32 v55, v14;
	v13 =	vsel vm15, v13, v18  }
0x341: {  	v62 =	vld.idx.msk [tilespmem:v54+s2+$0x0], $0xffff;
	v14 =	vsel vm11, v55, v14;
	v30 =	vsel vm11, $0x1E, v19;
	vm3 =	vgt.f32 v31, v13  }
0x342: {  	v22 =	vld.idx.msk [tilespmem:v33+s2+$0x0], $0xffff;
	v55 =	vadd.s32 $0x37, v8;
	vm12 =	vgt.f32 v59, v14;
	v13 =	vsel vm3, v31, v13  }
0x343: {  	v32 =	vld.idx.msk [tilespmem:v63+s2+$0x0], $0xffff;
	v12 =	vsel vm2, $0x55, v12;
	vm9 =	vgt.f32 v17, v11;
	vm4 =	vgt.f32 v35, v13  }
0x344: {  	v24 =	vld.idx.msk [tilespmem:v36+s2+$0x0], $0xffff;
	v14 =	vsel vm12, v59, v14;
	v11 =	vsel vm9, v17, v11;
	v13 =	vsel vm4, v35, v13  }
0x345: {  	v17 =	vsel vm12, $0x22, v30;
	vm13 =	vgt.f32 v21, v14;
	vm5 =	vgt.f32 v38, v13  }
0x346: {  	v46 =	vld.idx.msk [tilespmem:v39+s2+$0x0], $0xffff;
	v12 =	vsel vm9, $0x59, v12;
	v14 =	vsel vm13, v21, v14;
	v13 =	vsel vm5, v38, v13  }
0x347: {  	v17 =	vsel vm13, $0x26, v17;
	vm14 =	vgt.f32 v62, v14;
	vm2 =	vgt.f32 v22, v13  }
0x348: {  	v21 =	vld.idx.msk [tilespmem:v42+s2+$0x0], $0xffff;
	v14 =	vsel vm14, v62, v14;
	v17 =	vsel vm14, $0x2A, v17;
	v13 =	vsel vm2, v22, v13  }
0x349: {  	vm10 =	vgt.f32 v32, v14;
	v61 =	vsel vm15, $0x7, v4;
	vm6 =	vgt.f32 v24, v13  }
0x34a: {  	v20 =	vld.idx.msk [tilespmem:v45+s2+$0x0], $0xffff;
	v14 =	vsel vm10, v32, v14;
	v17 =	vsel vm10, $0x2E, v17;
	v13 =	vsel vm6, v24, v13  }
0x34b: {  	vm11 =	vgt.f32 v16, v14;
	v63 =	vsel vm3, $0xB, v61;
	vm0 =	vgt.f32 v46, v13  }
0x34c: {  	v53 =	vld.idx.msk [tilespmem:v47+s2+$0x0], $0xffff;
	v31 =	vadd.s32 $0x47, v8;
	v14 =	vsel vm11, v16, v14;
	v13 =	vsel vm0, v46, v13  }
0x34d: {  	v17 =	vsel vm11, $0x32, v17;
	vm12 =	vgt.f32 v41, v14;
	vm7 =	vgt.f32 v21, v13  }
0x34e: {  	v57 =	vld.idx.msk [tilespmem:v50+s2+$0x0], $0xffff;
	v35 =	vadd.s32 $0x52, v8;
	v14 =	vsel vm12, v41, v14;
	v13 =	vsel vm7, v21, v13  }
0x34f: {  	v54 =	vld.idx.msk [tilespmem:v48+s2+$0x0], $0xffff;
	v17 =	vsel vm12, $0x36, v17;
	vm13 =	vgt.f32 v44, v14;
	vm8 =	vgt.f32 v20, v13  }
0x350: {  	v59 =	vld.idx.msk [tilespmem:v51+s2+$0x0], $0xffff;
	v38 =	vadd.s32 $0x56, v8;
	v14 =	vsel vm13, v44, v14;
	v13 =	vsel vm8, v20, v13  }
0x351: {  	v62 =	vld.idx.msk [tilespmem:v55+s2+$0x0], $0xffff;
	v8 =	vadd.s32 $0x57, v8;
	vm14 =	vgt.f32 v15, v14;
	vm9 =	vgt.f32 v53, v13  }
0x352: {  	v52 =	vsel vm13, $0x3A, v17;
	v14 =	vsel vm14, v15, v14;
	v15 =	vld.idx.msk [tilespmem:v56+s2+$0x0], $0xffff;
	v13 =	vsel vm9, v53, v13  }
0x353: {  	v22 =	vsel vm4, $0xF, v63;
	vm10 =	vgt.f32 v49, v14;
	vm1 =	vgt.f32 v57, v13  }
0x354: {  	v30 =	vld.idx.msk [tilespmem:v58+s2+$0x0], $0xffff;
	v16 =	vsel vm14, $0x3E, v52;
	v14 =	vsel vm10, v49, v14;
	v13 =	vsel vm1, v57, v13  }
0x355: {  	v22 =	vsel vm5, $0x13, v22;
	vm15 =	vgt.f32 v54, v14;
	vm3 =	vgt.f32 v59, v13  }
0x356: {  	v32 =	vld.idx.msk [tilespmem:v60+s2+$0x0], $0xffff;
	v33 =	vsel vm2, $0x17, v22;
	v14 =	vsel vm15, v54, v14;
	v13 =	vsel vm3, v59, v13  }
0x357: {  	v36 =	vld.idx.msk [tilespmem:v28+s2+$0x0], $0xffff;
	v16 =	vsel vm10, $0x42, v16;
	vm12 =	vgt.f32 v15, v14;
	vm11 =	vgt.f32 v62, v13  }
0x358: {  	v18 =	vld.idx.msk [tilespmem:v29+s2+$0x0], $0xffff;
	v16 =	vsel vm15, $0x46, v16;
	v14 =	vsel vm12, v15, v14;
	v13 =	vsel vm11, v62, v13  }
0x359: {  	v16 =	vsel vm12, $0x4A, v16;
	v20 =	vsel vm6, $0x1B, v33;
	vm13 =	vgt.f32 v30, v13  }
0x35a: {  	v39 =	vld.idx.msk [tilespmem:v31+s2+$0x0], $0xffff;
	vm6 =	vgt.f32 v11, v9;
	v20 =	vsel vm0, $0x1F, v20;
	v13 =	vsel vm13, v30, v13  }
0x35b: {  	v42 =	vld.idx.msk [tilespmem:v35+s2+$0x0], $0xffff;
	v20 =	vsel vm7, $0x23, v20;
	vm7 =	veq.f32 v11, v9;
	vm14 =	vgt.f32 v32, v13  }
0x35c: {  	v41 =	vld.idx.msk [tilespmem:v34+s2+$0x0], $0xffff;
	v20 =	vsel vm8, $0x27, v20;
	vm8 =	vlt.u32 v12, v10;
	v13 =	vsel vm14, v32, v13  }
0x35d: {  	v45 =	vld.idx.msk [tilespmem:v37+s2+$0x0], $0xffff;
	v44 =	vsel vm9, $0x2B, v20;
	vm9 =	vgt.f32 v18, v14;
	vm15 =	vgt.f32 v36, v13  }
0x35e: {  	v15 =	vld.idx.msk [tilespmem:v38+s2+$0x0], $0xffff;
	v17 =	vsel vm1, $0x2F, v44;
	v14 =	vsel vm9, v18, v14;
	v13 =	vsel vm15, v36, v13  }
0x35f: {  	v16 =	vsel vm9, $0x4E, v16;
	v17 =	vsel vm3, $0x33, v17;
	vm10 =	vgt.f32 v39, v13  }
0x360: {  	v46 =	vld.idx.msk [tilespmem:v40+s2+$0x0], $0xffff;
	vm12 =	vgt.f32 v42, v14;
	v17 =	vsel vm11, $0x37, v17;
	v13 =	vsel vm10, v39, v13  }
0x361: {  	v47 =	vld.idx.msk [tilespmem:v43+s2+$0x0], $0xffff;
	v14 =	vsel vm12, v42, v14;
	v17 =	vsel vm13, $0x3B, v17;
	vm11 =	vgt.f32 v41, v13  }
0x362: {  	v8 =	vld.idx.msk [tilespmem:v8+s2+$0x0], $0xffff;
	v16 =	vsel vm12, $0x52, v16;
	v17 =	vsel vm14, $0x3F, v17;
	v13 =	vsel vm11, v41, v13  }
0x363: {  	vm14 =	vgt.f32 v15, v14;
	v17 =	vsel vm15, $0x43, v17;
	vm13 =	vgt.f32 v45, v13  }
0x364: {  	v14 =	vsel vm14, v15, v14;
	v17 =	vsel vm10, $0x47, v17;
	v13 =	vsel vm13, v45, v13  }
0x365: {  	v16 =	vsel vm14, $0x56, v16;
	v48 =	vsel vm11, $0x4B, v17;
	vm15 =	vgt.f32 v46, v13  }
0x366: {  	vm4 =	vgt.f32 v47, v14;
	v15 =	vsel vm13, $0x4F, v48;
	v13 =	vsel vm15, v46, v13  }
0x367: {  	v14 =	vsel vm4, v47, v14;
	v15 =	vsel vm15, $0x53, v15;
	vm5 =	vgt.f32 v8, v13  }
0x368: {  	v16 =	vsel vm4, $0x5A, v16;
	v8 =	vsel vm5, v8, v13;
	v49 =	vsel vm5, $0x57, v15  }
0x369: {  	vm1 =	vmand vm7, vm8;
	vm9 =	veq.f32 v8, v14;
	vm10 =	vlt.u32 v49, v16  }
0x36a: {  	vm0 =	vmor vm6, vm1;
	vm12 =	vgt.f32 v8, v14;
	vm11 =	vmand vm9, vm10  }
0x36b: {  	v9 =	vsel vm0, v11, v9;
	vm1 =	vmor vm12, vm11  }
0x36c: {  	v10 =	vsel vm0, v12, v10;
	v8 =	vsel vm1, v8, v14;
	v50 =	vsel vm1, v49, v16  }
0x36d: {  	vm13 =	veq.f32 v8, v9;
	vm1 =	vlt.u32 v50, v10  }
0x36e: {  	vm14 =	vgt.f32 v8, v9;
	vm0 =	vmand vm13, vm1  }
0x36f: {  	vm0 =	vmor vm14, vm0  }
0x370: {  	v8 =	vsel vm0, v8, v9  }
0x371: {  	v8 =	vsub.f32 $0.0e+00, v8;
	_ =	sdelay $0x1  }
0x372: {  	v8 =	vmul.f32 $1.442695020e+00, v8;
	_ =	sdelay $0x1  }
0x373: {  	(erf) = vpow2.f32 v8;
	_ =	sdelay $0x7  }
0x374: {  	v8 =	vshll.u32 v7, $0x2  }
0x375: {  	v52 =	vor.u32 $0x2, v8;
	v51 =	vpop (erf)  }
0x376: {  	v53 =	vor.u32 $0x3, v8;
	v9 =	vadd.f32 $1.000000000e+00, v51;
	_ =	sdelay $0x1  }
0x377: {  	v54 =	vor.u32 $0x1, v8;
	(erf) = vrcp.f32 v9;
	_ =	sdelay $0x1  }
0x378: {  	v12 =	vld.idx.msk [tilespmem:v52+s24+$0x0], $0xffff  }
0x379: {  	v13 =	vld.idx.msk [tilespmem:v53+s24+$0x0], $0xffff  }
0x37a: {  	v8 =	vld.idx.msk [tilespmem:v8+s24+$0x0], $0xffff  }
0x37b: {  	v9 =	vld.idx.msk [tilespmem:v54+s24+$0x0], $0xffff  }
0x37c: {  	v7 =	vmul.u32 $0x6, v7  }
0x37d: {  	v55 =	vmul.f32 $5.000000000e-01, v12  }
0x37e: {  	v10 =	vsel vm0, v50, v10;
	v57 =	vor.u32 $0x1, v7;
	v56 =	vmul.f32 $5.000000000e-01, v13  }
0x37f: {  	v10 =	vcvt.s32.f32 v10;
	v59 =	vadd.s32 $0x2, v7;
	v8 =	vsub.f32 v8, v55;
	v58 =	vpop (erf)  }
0x380: {  	v60 =	vadd.s32 $0x3, v7;
	v9 =	vsub.f32 v9, v56;
	vm15 =	vge.f32 v58, $3.000000120e-01  }
0x381: {  	v61 =	vadd.s32 $0x4, v7;
	v8 =	vmul.f32 v8, v5;
	v10 =	vnsel vm15, $0x0, v10  }
0x382: {  	p0 =	sne.s32 s4, $0x160;
	v9 =	vmul.f32 v9, v6;
	v62 =	vnsel vm15, $0x0, v58;
	[tilespmem:v7+s30+$0x0] =	vst.idx.msk $0xffff, v10;
	v7 =	vadd.s32 $0x5, v7  }
.Ltmp4:
0x383: {  	v12 =	vmul.f32 v12, v5;
	v8 =	vnsel vm15, $0x0, v8;
	[tilespmem:v57+s30+$0x0] =	vst.idx.msk $0xffff, v62;
	(pc) =	sbr.rel @p0 .LBB2_10-.Ltmp4, $4  }
0x384: {  	v63 =	vmul.f32 v13, v6;
	[tilespmem:v59+s30+$0x0] =	vst.idx.msk $0xffff, v8;
	v8 =	vnsel vm15, $0x0, v9  }
0x385: {  	[tilespmem:v60+s30+$0x0] =	vst.idx.msk $0xffff, v8;
	v8 =	vnsel vm15, $0x0, v12  }
0x386: {  	[tilespmem:v61+s30+$0x0] =	vst.idx.msk $0xffff, v8;
	v8 =	vnsel vm15, $0x0, v63  }
0x387: {  	s4 =	sadd.s32 $0x10, s4;
	[tilespmem:v7+s30+$0x0] =	vst.idx.msk $0xffff, v8  }
0x388: {  	[hbm4b:s19+s2] =	stream.linear.scatter [tilespmem:s30], [sflag:$0x5], $0x870, $0x38;
	[tilespmem:$0x11E00] =	vst v63  }
0x389: {  	s3 =	sadd.s32 $0x1, s3  }
0x38a: {  	_ =	swait.ge [sflag:s21], $0x870;
	p0 =	sne.s32 s3, s20  }
.Ltmp5:
0x38b: {  	[sflag:s21] =	ssyncset.done $0x0;
	(pc) =	sbr.rel @p0 .LBB2_1-.Ltmp5, $4  }
0x38c: {  	[sflag:s21] =	ssyncadd.s32 $0xFFFFF790  }
0x38d: {  	_ =	swait.ge [sflag:s23], $0x870  }
0x38e: {  	[sflag:s23] =	ssyncset.done $0x0  }
0x38f: {  	[sflag:s23] =	ssyncadd.s32 $0xFFFFF790  }
0x390: {  	_ =	sfence.sel $0x180000  }
0x391: {  	[bflag:$0x0] =	sbarrier.arrive $0xFFFF  }
0x392: {  	_ =	strace $0x90000047  }
0x393: {  	s0 =	stileid.u32;
	[bflag:$0x2] =	sbarrier.arrive $0xFFFF  }
0x394: {  	p0 =	sne.s32 s0, $0x0;
	s0 =	rddreg [dreg:$0x2]  }
0x395: {  	s0 =	sadd.s32 @!p0 $0x100000, s0  }
0x396: {  	[sflag:s0] =	ssyncadd.tile.s32 @!p0 $0x1;
	_ =	shalt  }
.Lfunc_end2:
_tile_overlayer_lowered:
.L_overlay_start_2:
0x397: {  	(tag) =	ssettag $0x2  }
0x398: {  	s0 =	rddreg [dreg:$0x0];
	s2 =	stileid.u32  }
0x399: {  	s1 =	rddreg [dreg:$0x1];
	p0 =	sne.s32 s2, $0x0  }
0x39a: {  	s3 =	rddreg [dreg:$0x2];
	[bflag:$0x3] =	sbarrier.arrive $0xFFFF;
	s2 =	simm.s32 @!p0 $0x1C07  }
0x39b: {  	[timem:s3], [sflag:s2] =	dma.local @!p0 [hbm:s0], s1  }
0x39c: {  	s0 =	simm.s32 @!p0 $0x7  }
0x39d: {  	_ =	swait.ge @!p0 [sflag:s0], s1  }
0x39e: {  	s1 =	ssub.s32 @!p0 $0x0, s1;
	[sflag:s0] =	ssyncset.done @!p0 $0x0  }
0x39f: {  	[sflag:s0] =	ssyncadd.s32 @!p0 s1  }
0x3a0: {  	[bflag:$0x3] =	sbarrier.arrive $0xFFFF  }
0x3a1: {  	_ =	shalt  }

</sc_bundles>
